<compile_context>
chip_gen: v7x
topology: tpu7x:2x2x1
jax: 0.10.2.dev20260603
libtpu: 0.0.44.dev20260713+nightly
codegen_flags: <defaults>
</compile_context>

<pallas_src>
import functools

import jax
import jax.numpy as jnp
from jax import lax
from jax.experimental import pallas as pl
from jax.experimental.pallas import tpu as pltpu
from jax.experimental.pallas import tpu_sc as plsc

_NC = 2
_NS = 16
_L = 16
_NW = _NC * _NS

_CH = 400
_BK = 80
_NB = _CH // _BK
_NG = _BK // _L


def _proj_body(x_ref, w_ref, a_ref, h_ref, t_ref):
    h = jnp.dot(x_ref[...], w_ref[0], preferred_element_type=jnp.float32)
    h_ref[...] = h
    t_ref[...] = jnp.dot(h, a_ref[...], preferred_element_type=jnp.float32)


def _make_sc_kernel(N, E, OUT, R, H):
    HD = OUT // H
    EPW = E // _NW
    NCH = EPW // _CH
    ROWS_PT = N // _NS

    mesh = plsc.VectorSubcoreMesh(core_axis_name="c", subcore_axis_name="s")

    @functools.partial(
        pl.kernel,
        out_type=(
            jax.ShapeDtypeStruct((_NW, ROWS_PT, OUT), jnp.float32),
            jax.ShapeDtypeStruct((_NW, H, _L), jnp.float32),
        ),
        mesh=mesh,
        compiler_params=pltpu.CompilerParams(
            needs_layout_passes=False, use_tc_tiling_on_sc=False),
        scratch_types=[
            pltpu.VMEM_SHARED((N, OUT), jnp.float32),
            pltpu.VMEM((_CH,), jnp.int32),
            pltpu.VMEM((_CH,), jnp.int32),
            pltpu.VMEM((_CH,), jnp.int32),
            pltpu.VMEM((_NB, _BK), jnp.int32),
            pltpu.VMEM((_BK, OUT), jnp.float32),
            pltpu.VMEM((_BK, OUT), jnp.float32),
            pltpu.VMEM((_CH, 2 * H), jnp.float32),
            pltpu.VMEM((_CH, 2 * H), jnp.float32),
            pltpu.VMEM((H, _CH), jnp.float32),
            pltpu.VMEM((H, _L), jnp.float32),
            pltpu.SemaphoreType.DMA,
            pltpu.SemaphoreType.DMA,
            pltpu.SemaphoreType.DMA,
            pltpu.SemaphoreType.DMA,
            pltpu.SemaphoreType.DMA,
        ],
    )
    def sc_edge(hs, tt, srcs, dsts, types, zrows, pacc, dp,
                acc_sh, tbuf, sbuf, dbuf, dbuf2,
                hrows0, hrows1, tsb, tdb, wbuf,
                dacc, sem_s, sem_b0, sem_b1, sem_c0, sem_c1):
        cid = lax.axis_index("c")
        sid = lax.axis_index("s")
        wid = cid * _NS + sid
        pltpu.sync_copy(zrows, acc_sh.at[pl.ds(sid * ROWS_PT, ROWS_PT)])
        plsc.subcore_barrier()

        base_e = wid * EPW
        lanes = lax.broadcasted_iota(jnp.int32, (_L,), 0)
        zero16 = jnp.zeros((_L,), jnp.float32)

        def fire_hrow(b, buf, sem):
            pltpu.async_copy(hs.at[sbuf.at[pl.ds(b * _BK, _BK)]], buf, sem)

        def wait_hrow(buf, sem):
            pltpu.make_async_copy(hs.at[pl.ds(0, _BK)], buf, sem).wait()

        def wait_scat(buf, sem):
            pltpu.make_async_copy(buf, acc_sh.at[pl.ds(0, _BK)], sem).wait()

        def mul_scat(b, buf, sem):
            off = b * _BK

            def grp_body(g, carry):
                wv = [wbuf[h, pl.ds(off + g * _L, _L)] for h in range(H)]
                for j in range(_L):
                    r = g * _L + j
                    for h in range(H):
                        w = wv[h][j]
                        for c0 in range(h * HD, (h + 1) * HD, _L):
                            buf[r, pl.ds(c0, _L)] = (
                                buf[r, pl.ds(c0, _L)] * w)
                return carry

            lax.fori_loop(0, _NG, grp_body, 0)
            pltpu.async_copy(buf, acc_sh.at[dbuf2.at[b]], sem, add=True)

        def chunk_body(c_i, dcarry):
            cb = base_e + c_i * _CH
            pltpu.sync_copy(types.at[pl.ds(cb, _CH)], tbuf)
            pltpu.sync_copy(srcs.at[pl.ds(cb, _CH)], sbuf)
            pltpu.sync_copy(dsts.at[pl.ds(cb, _CH)], dbuf)

            def idx_body(b, carry):
                for g in range(_NG):
                    o = b * _BK + g * _L
                    t16 = tbuf[pl.ds(o, _L)]
                    s16 = sbuf[pl.ds(o, _L)]
                    d16 = dbuf[pl.ds(o, _L)]
                    tN = t16 * N
                    dbuf2[b, pl.ds(g * _L, _L)] = d16
                    sbuf[pl.ds(o, _L)] = tN + s16
                    dbuf[pl.ds(o, _L)] = tN + d16
                off = b * _BK
                pltpu.async_copy(tt.at[sbuf.at[pl.ds(off, _BK)]],
                                 tsb.at[pl.ds(off, _BK)], sem_s)
                pltpu.async_copy(tt.at[dbuf.at[pl.ds(off, _BK)]],
                                 tdb.at[pl.ds(off, _BK)], sem_s)
                return carry

            lax.fori_loop(0, _NB, idx_body, 0)
            fire_hrow(0, hrows0, sem_b0)
            pltpu.make_async_copy(tt.at[pl.ds(0, _CH)], tsb, sem_s).wait()
            pltpu.make_async_copy(tt.at[pl.ds(0, _CH)], tdb, sem_s).wait()

            def w_body(g, dc):
                rows = g * _L + lanes
                ws = []
                for h in range(H):
                    ps = plsc.load_gather(
                        tsb, [rows, jnp.full((_L,), h, jnp.int32)])
                    pd = plsc.load_gather(
                        tdb, [rows, jnp.full((_L,), H + h, jnp.int32)])
                    z = ps + pd
                    w = jnp.exp(jnp.maximum(z, 0.2 * z))
                    wbuf[h, pl.ds(g * _L, _L)] = w
                    ws.append(w)
                return tuple(dc[h] + ws[h] for h in range(H))

            dcarry = lax.fori_loop(0, _CH // _L, w_body, dcarry)

            def pipe_body(i, dc):
                b = 2 * i

                @pl.when(i > 0)
                def _():
                    wait_scat(hrows1, sem_c1)

                @pl.when(b + 1 < _NB)
                def _():
                    fire_hrow(b + 1, hrows1, sem_b1)

                wait_hrow(hrows0, sem_b0)
                mul_scat(b, hrows0, sem_c0)

                @pl.when(b + 1 < _NB)
                def _():
                    wait_scat(hrows0, sem_c0)
                    fire_hrow(b + 2, hrows0, sem_b0)
                    wait_hrow(hrows1, sem_b1)
                    mul_scat(b + 1, hrows1, sem_c1)

                return dc

            dcarry = lax.fori_loop(0, (_NB + 1) // 2, pipe_body, dcarry)
            wait_scat(hrows0, sem_c0)
            return dcarry

        dfin = lax.fori_loop(0, NCH, chunk_body, (zero16,) * H)
        for h in range(H):
            dacc[h, :] = dfin[h]
        pltpu.sync_copy(dacc, dp.at[wid])
        plsc.subcore_barrier()
        pltpu.sync_copy(acc_sh.at[pl.ds(sid * ROWS_PT, ROWS_PT)],
                        pacc.at[wid])

    return sc_edge


def _combine_body(p0_ref, p1_ref, dp_ref, out_ref, *, OUT, H):
    HD = OUT // H
    dsum = jnp.sum(dp_ref[...], axis=(0, 2))
    col = lax.broadcasted_iota(jnp.int32, (1, OUT), 1) // HD
    dvec = jnp.full((1, OUT), 1.0, jnp.float32)
    for h in range(H):
        dvec = jnp.where(col == h, dsum[h], dvec)
    out_ref[0] = (p0_ref[0] + p1_ref[0]) * (1.0 / dvec)


def kernel(x, edge_index, edge_type, W, a_src, a_dst):
    N, IN = x.shape
    R, _, OUT = W.shape
    H, HD = a_src.shape
    E = edge_type.shape[0]

    col = jnp.arange(OUT)
    hsel = (col[:, None] // HD == jnp.arange(H)[None, :]).astype(jnp.float32)
    A = jnp.concatenate(
        [a_src.reshape(-1)[:, None] * hsel,
         a_dst.reshape(-1)[:, None] * hsel], axis=1)

    BN = 2000
    n_blk = N // BN
    hs, tt = pl.pallas_call(
        _proj_body,
        grid=(n_blk, R),
        in_specs=[
            pl.BlockSpec((BN, IN), lambda i, r: (i, 0)),
            pl.BlockSpec((1, IN, OUT), lambda i, r: (r, 0, 0)),
            pl.BlockSpec((IN, 2 * H), lambda i, r: (0, 0)),
        ],
        out_specs=[
            pl.BlockSpec((BN, OUT), lambda i, r: (r * n_blk + i, 0)),
            pl.BlockSpec((BN, 2 * H), lambda i, r: (r * n_blk + i, 0)),
        ],
        out_shape=[
            jax.ShapeDtypeStruct((R * N, OUT), jnp.float32),
            jax.ShapeDtypeStruct((R * N, 2 * H), jnp.float32),
        ],
    )(x, W, A)

    srcs = edge_index[0]
    dsts = edge_index[1]
    zrows = jnp.zeros((N // _NS, OUT), jnp.float32)

    sc_edge = _make_sc_kernel(N, E, OUT, R, H)
    pacc, dp = sc_edge(hs, tt, srcs, dsts, edge_type, zrows)

    RPT = N // _NS
    out = pl.pallas_call(
        functools.partial(_combine_body, OUT=OUT, H=H),
        grid=(_NS,),
        in_specs=[
            pl.BlockSpec((1, RPT, OUT), lambda i: (i, 0, 0)),
            pl.BlockSpec((1, RPT, OUT), lambda i: (i + _NS, 0, 0)),
            pl.BlockSpec((_NW, H, _L), lambda i: (0, 0, 0)),
        ],
        out_specs=pl.BlockSpec((1, RPT, OUT), lambda i: (i, 0, 0)),
        out_shape=jax.ShapeDtypeStruct((_NS, RPT, OUT), jnp.float32),
    )(pacc, pacc, dp)
    return out.reshape(N, OUT)

# --- scband reference (transcript-rebuilt; emitter-appended) ---
"""Pipeline reference for scband-rgatlayer-1047972020273 (READ-ONLY COPY).

The authoritative reference and input builder live on the scoring server;
editing this copy changes nothing except your own understanding.
"""

import jax, jax.numpy as jnp
import numpy as np

N = 10000
E = 320000
IN_DIM = 128
OUT_DIM = 128
R = 8
H = 4
HEAD_DIM = OUT_DIM // H


def setup_inputs(seed: int = 0) -> dict:
    key = jax.random.key(seed)
    k1, k2, k3, k4, k5, k6 = jax.random.split(key, 6)
    x = jax.random.normal(k1, (N, IN_DIM), dtype=jnp.float32)
    edge_index = jax.random.randint(k2, (2, E), 0, N, dtype=jnp.int32)
    edge_type = jax.random.randint(k3, (E,), 0, R, dtype=jnp.int32)
    # per-relation linear weights, stored as [R, in_dim, out_dim] so h = x @ W[r]
    W = jax.random.normal(k4, (R, IN_DIM, OUT_DIM), dtype=jnp.float32) * (1.0 / np.sqrt(IN_DIM))
    # xavier-uniform attention vectors
    limit = np.sqrt(6.0 / (H + HEAD_DIM))
    a_src = jax.random.uniform(k5, (H, HEAD_DIM), minval=-limit, maxval=limit, dtype=jnp.float32)
    a_dst = jax.random.uniform(k6, (H, HEAD_DIM), minval=-limit, maxval=limit, dtype=jnp.float32)
    return {"x": x, "edge_index": edge_index, "edge_type": edge_type,
            "W": W, "a_src": a_src, "a_dst": a_dst}


def reference(x, edge_index, edge_type, W, a_src, a_dst):
    num_nodes = x.shape[0]
    # per-relation projections: h_stack[r] = x @ W[r]  -> [R, N, OUT_DIM]
    h_stack = jnp.einsum('ni,rio->rno', x, W)
    src = edge_index[0]
    dst = edge_index[1]
    # gather per-edge projected features for the edge's relation type
    h_src = h_stack[edge_type, src]  # [E, OUT_DIM]
    h_dst = h_stack[edge_type, dst]  # [E, OUT_DIM]
    h_src = h_src.reshape(-1, H, HEAD_DIM)
    h_dst = h_dst.reshape(-1, H, HEAD_DIM)
    attn_src = (h_src * a_src).sum(axis=-1)  # [E, H]
    attn_dst = (h_dst * a_dst).sum(axis=-1)  # [E, H]
    attn = jax.nn.leaky_relu(attn_src + attn_dst, negative_slope=0.2)
    # softmax over dim=0 (all edges), per head, as in the torch module
    attn = jax.nn.softmax(attn, axis=0)
    # dropout is identity in eval mode
    h_src_flat = h_src.reshape(-1, OUT_DIM)
    attn_flat = jnp.broadcast_to(attn[:, :, None], (attn.shape[0], H, HEAD_DIM)).reshape(-1, OUT_DIM)
    msg = h_src_flat * attn_flat
    out = jnp.zeros((num_nodes, OUT_DIM), dtype=x.dtype).at[dst].add(msg)
    return out

if __name__ == "__main__":
    import jax
    _d = setup_inputs()
    print(jax.jit(kernel)(*tuple(_d.values())))

</pallas_src>

<mosaic_0001>
#map = affine_map<(d0, d1) -> (0, 0)>
#map1 = affine_map<(d0, d1) -> (0)>
#map2 = affine_map<(d0, d1) -> (0, 0, 0)>
module attributes {stable_mosaic.version = 14 : i64} {
  func.func @sc_edge(%arg0: i32, %arg1: i32, %arg2: memref<80000x128xf32, #tpu.memory_space<hbm>>, %arg3: memref<80000x8xf32, #tpu.memory_space<hbm>>, %arg4: memref<320000xi32, #tpu.memory_space<hbm>>, %arg5: memref<320000xi32, #tpu.memory_space<hbm>>, %arg6: memref<320000xi32, #tpu.memory_space<hbm>>, %arg7: memref<625x128xf32, #tpu.memory_space<hbm>>, %arg8: memref<32x625x128xf32, #tpu.memory_space<hbm>>, %arg9: memref<32x4x16xf32, #tpu.memory_space<hbm>>, %arg10: memref<10000x128xf32, #tpu.memory_space<vmem_shared>>, %arg11: memref<400xi32, #tpu.memory_space<vmem>>, %arg12: memref<400xi32, #tpu.memory_space<vmem>>, %arg13: memref<400xi32, #tpu.memory_space<vmem>>, %arg14: memref<5x80xi32, #tpu.memory_space<vmem>>, %arg15: memref<80x128xf32, #tpu.memory_space<vmem>>, %arg16: memref<80x128xf32, #tpu.memory_space<vmem>>, %arg17: memref<400x8xf32, #tpu.memory_space<vmem>>, %arg18: memref<400x8xf32, #tpu.memory_space<vmem>>, %arg19: memref<4x400xf32, #tpu.memory_space<vmem>>, %arg20: memref<4x16xf32, #tpu.memory_space<vmem>>, %arg21: memref<!tpu.dma_semaphore, #tpu.memory_space<semaphore_mem>>, %arg22: memref<!tpu.dma_semaphore, #tpu.memory_space<semaphore_mem>>, %arg23: memref<!tpu.dma_semaphore, #tpu.memory_space<semaphore_mem>>, %arg24: memref<!tpu.dma_semaphore, #tpu.memory_space<semaphore_mem>>, %arg25: memref<!tpu.dma_semaphore, #tpu.memory_space<semaphore_mem>>) attributes {dimension_semantics = [#tpu.dimension_semantics<core_parallel>, #tpu.dimension_semantics<subcore_parallel>], iteration_bounds = array<i64: 2, 16>, scalar_prefetch = 0 : i64, scratch_operands = 16 : i64, tpu.core_type = #tpu.core_type<sc_vector_subcore>, window_params = [{transform_indices = #map}, {transform_indices = #map}, {transform_indices = #map1}, {transform_indices = #map1}, {transform_indices = #map1}, {transform_indices = #map}, {transform_indices = #map2}, {transform_indices = #map2}]} {
    %mul3A = arith.constant 16 : i32
    %mul3A_0 = arith.muli %arg0, %mul3A : i32
    %add3A = arith.addi %mul3A_0, %arg1 : i32
    %mul3A_1 = arith.constant 625 : i32
    %mul3A_2 = arith.muli %arg1, %mul3A_1 : i32
    "tpu.region"() ({
      %run_scoped3A = tpu.sem_alloc : memref<!tpu.dma_semaphore, #tpu.memory_space<semaphore_mem>>
      %dma_start3A = arith.constant 0 : i32
      %dma_start3A_29 = tpu.memref_slice %arg10[%mul3A_2, %dma_start3A] : memref<10000x128xf32, #tpu.memory_space<vmem_shared>> -> memref<625x128xf32, #tpu.memory_space<vmem_shared>>
      tpu.enqueue_dma source(%arg7 : memref<625x128xf32, #tpu.memory_space<hbm>>) target(%dma_start3A_29 : memref<625x128xf32, #tpu.memory_space<vmem_shared>>) target_semaphore(%run_scoped3A : memref<!tpu.dma_semaphore, #tpu.memory_space<semaphore_mem>>)
      %dma_wait3A = arith.constant 0 : i32
      %dma_wait3A_30 = tpu.memref_slice %arg10[%mul3A_2, %dma_wait3A] : memref<10000x128xf32, #tpu.memory_space<vmem_shared>> -> memref<625x128xf32, #tpu.memory_space<vmem_shared>>
      tpu.wait_dma2 semaphore(%run_scoped3A : memref<!tpu.dma_semaphore, #tpu.memory_space<semaphore_mem>>) src(%arg7 : memref<625x128xf32, #tpu.memory_space<hbm>>) dst(%dma_wait3A_30 : memref<625x128xf32, #tpu.memory_space<vmem_shared>>)
      tpu.yield
    }) : () -> ()
    %barrier3A = arith.constant 0 : index
    tpu.barrier barrier_id(%barrier3A)
    %mul3A_3 = arith.constant 10000 : i32
    %mul3A_4 = arith.muli %add3A, %mul3A_3 : i32
    %iota3A = tpu.iota {dimensions = array<i32: 0>} : vector<16xi32>
    %broadcast_in_dim3A = arith.constant 0.000000e+00 : f32
    %broadcast_in_dim3A_5 = vector.broadcast %broadcast_in_dim3A : f32 to vector<16xf32>
    %scan3A = arith.constant 0 : i32
    %scan3A_6 = arith.constant 25 : i32
    %scan3A_7 = arith.addi %scan3A, %scan3A_6 : i32
    %scan3A_8 = arith.constant 1 : i32
    %scan3A_9:4 = scf.for %scan3A_29 = %scan3A to %scan3A_7 step %scan3A_8 iter_args(%scan3A_30 = %broadcast_in_dim3A_5, %scan3A_31 = %broadcast_in_dim3A_5, %scan3A_32 = %broadcast_in_dim3A_5, %scan3A_33 = %broadcast_in_dim3A_5) -> (vector<16xf32>, vector<16xf32>, vector<16xf32>, vector<16xf32>)  : i32 {
      %mul3A_34 = arith.constant 400 : i32
      %mul3A_35 = arith.muli %scan3A_29, %mul3A_34 : i32
      %add3A_36 = arith.addi %mul3A_4, %mul3A_35 : i32
      "tpu.region"() ({
        %run_scoped3A = tpu.sem_alloc : memref<!tpu.dma_semaphore, #tpu.memory_space<semaphore_mem>>
        %dma_start3A_75 = tpu.memref_slice %arg6[%add3A_36] : memref<320000xi32, #tpu.memory_space<hbm>> -> memref<400xi32, #tpu.memory_space<hbm>>
        %dma_start3A_76 = tpu.memref_slice %arg6[%add3A_36] : memref<320000xi32, #tpu.memory_space<hbm>> -> memref<400xi32, #tpu.memory_space<hbm>>
        tpu.enqueue_dma source(%dma_start3A_76 : memref<400xi32, #tpu.memory_space<hbm>>) target(%arg11 : memref<400xi32, #tpu.memory_space<vmem>>) target_semaphore(%run_scoped3A : memref<!tpu.dma_semaphore, #tpu.memory_space<semaphore_mem>>)
        %dma_wait3A_77 = tpu.memref_slice %arg6[%add3A_36] : memref<320000xi32, #tpu.memory_space<hbm>> -> memref<400xi32, #tpu.memory_space<hbm>>
        %dma_wait3A_78 = tpu.memref_slice %arg6[%add3A_36] : memref<320000xi32, #tpu.memory_space<hbm>> -> memref<400xi32, #tpu.memory_space<hbm>>
        tpu.wait_dma2 semaphore(%run_scoped3A : memref<!tpu.dma_semaphore, #tpu.memory_space<semaphore_mem>>) src(%dma_wait3A_78 : memref<400xi32, #tpu.memory_space<hbm>>) dst(%arg11 : memref<400xi32, #tpu.memory_space<vmem>>)
        tpu.yield
      }) : () -> ()
      "tpu.region"() ({
        %run_scoped3A = tpu.sem_alloc : memref<!tpu.dma_semaphore, #tpu.memory_space<semaphore_mem>>
        %dma_start3A_75 = tpu.memref_slice %arg4[%add3A_36] : memref<320000xi32, #tpu.memory_space<hbm>> -> memref<400xi32, #tpu.memory_space<hbm>>
        %dma_start3A_76 = tpu.memref_slice %arg4[%add3A_36] : memref<320000xi32, #tpu.memory_space<hbm>> -> memref<400xi32, #tpu.memory_space<hbm>>
        tpu.enqueue_dma source(%dma_start3A_76 : memref<400xi32, #tpu.memory_space<hbm>>) target(%arg12 : memref<400xi32, #tpu.memory_space<vmem>>) target_semaphore(%run_scoped3A : memref<!tpu.dma_semaphore, #tpu.memory_space<semaphore_mem>>)
        %dma_wait3A_77 = tpu.memref_slice %arg4[%add3A_36] : memref<320000xi32, #tpu.memory_space<hbm>> -> memref<400xi32, #tpu.memory_space<hbm>>
        %dma_wait3A_78 = tpu.memref_slice %arg4[%add3A_36] : memref<320000xi32, #tpu.memory_space<hbm>> -> memref<400xi32, #tpu.memory_space<hbm>>
        tpu.wait_dma2 semaphore(%run_scoped3A : memref<!tpu.dma_semaphore, #tpu.memory_space<semaphore_mem>>) src(%dma_wait3A_78 : memref<400xi32, #tpu.memory_space<hbm>>) dst(%arg12 : memref<400xi32, #tpu.memory_space<vmem>>)
        tpu.yield
      }) : () -> ()
      "tpu.region"() ({
        %run_scoped3A = tpu.sem_alloc : memref<!tpu.dma_semaphore, #tpu.memory_space<semaphore_mem>>
        %dma_start3A_75 = tpu.memref_slice %arg5[%add3A_36] : memref<320000xi32, #tpu.memory_space<hbm>> -> memref<400xi32, #tpu.memory_space<hbm>>
        %dma_start3A_76 = tpu.memref_slice %arg5[%add3A_36] : memref<320000xi32, #tpu.memory_space<hbm>> -> memref<400xi32, #tpu.memory_space<hbm>>
        tpu.enqueue_dma source(%dma_start3A_76 : memref<400xi32, #tpu.memory_space<hbm>>) target(%arg13 : memref<400xi32, #tpu.memory_space<vmem>>) target_semaphore(%run_scoped3A : memref<!tpu.dma_semaphore, #tpu.memory_space<semaphore_mem>>)
        %dma_wait3A_77 = tpu.memref_slice %arg5[%add3A_36] : memref<320000xi32, #tpu.memory_space<hbm>> -> memref<400xi32, #tpu.memory_space<hbm>>
        %dma_wait3A_78 = tpu.memref_slice %arg5[%add3A_36] : memref<320000xi32, #tpu.memory_space<hbm>> -> memref<400xi32, #tpu.memory_space<hbm>>
        tpu.wait_dma2 semaphore(%run_scoped3A : memref<!tpu.dma_semaphore, #tpu.memory_space<semaphore_mem>>) src(%dma_wait3A_78 : memref<400xi32, #tpu.memory_space<hbm>>) dst(%arg13 : memref<400xi32, #tpu.memory_space<vmem>>)
        tpu.yield
      }) : () -> ()
      %scan3A_37 = arith.constant 0 : i32
      %scan3A_38 = arith.constant 0 : i32
      %scan3A_39 = arith.constant 5 : i32
      %scan3A_40 = arith.addi %scan3A_38, %scan3A_39 : i32
      %scan3A_41 = arith.constant 1 : i32
      scf.for %scan3A_75 = %scan3A_38 to %scan3A_40 step %scan3A_41  : i32 {
        %mul3A_76 = arith.constant 80 : i32
        %mul3A_77 = arith.muli %scan3A_75, %mul3A_76 : i32
        %add3A_78 = arith.constant 0 : i32
        %add3A_79 = arith.addi %mul3A_77, %add3A_78 : i32
        %get3A = arith.index_cast %add3A_79 : i32 to index
        %get3A_80 = tpu.vector_load %arg11[%get3A] {strides = array<i32>} : memref<400xi32, #tpu.memory_space<vmem>>, vector<16xi32>,
        %get3A_81 = arith.index_cast %add3A_79 : i32 to index
        %get3A_82 = tpu.vector_load %arg12[%get3A_81] {strides = array<i32>} : memref<400xi32, #tpu.memory_space<vmem>>, vector<16xi32>,
        %get3A_83 = arith.index_cast %add3A_79 : i32 to index
        %get3A_84 = tpu.vector_load %arg13[%get3A_83] {strides = array<i32>} : memref<400xi32, #tpu.memory_space<vmem>>, vector<16xi32>,
        %mul3A_85 = arith.constant 10000 : i32
        %mul3A_86 = vector.broadcast %mul3A_85 : i32 to vector<16xi32>
        %mul3A_87 = arith.muli %get3A_80, %mul3A_86 : vector<16xi32>
        %swap3A_88 = arith.index_cast %scan3A_75 : i32 to index
        %swap3A_89 = arith.constant 0 : index
        %swap3A_90 = tpu.vector_load %arg14[%swap3A_88, %swap3A_89] {strides = array<i32>} : memref<5x80xi32, #tpu.memory_space<vmem>>, vector<16xi32>,
        tpu.vector_store %arg14[%swap3A_88, %swap3A_89], %get3A_84 {strides = array<i32>} : memref<5x80xi32, #tpu.memory_space<vmem>>, vector<16xi32>,
        %add3A_91 = arith.addi %mul3A_87, %get3A_82 : vector<16xi32>
        %swap3A_92 = arith.index_cast %add3A_79 : i32 to index
        %swap3A_93 = tpu.vector_load %arg12[%swap3A_92] {strides = array<i32>} : memref<400xi32, #tpu.memory_space<vmem>>, vector<16xi32>,
        tpu.vector_store %arg12[%swap3A_92], %add3A_91 {strides = array<i32>} : memref<400xi32, #tpu.memory_space<vmem>>, vector<16xi32>,
        %add3A_94 = arith.addi %mul3A_87, %get3A_84 : vector<16xi32>
        %swap3A_95 = arith.index_cast %add3A_79 : i32 to index
        %swap3A_96 = tpu.vector_load %arg13[%swap3A_95] {strides = array<i32>} : memref<400xi32, #tpu.memory_space<vmem>>, vector<16xi32>,
        tpu.vector_store %arg13[%swap3A_95], %add3A_94 {strides = array<i32>} : memref<400xi32, #tpu.memory_space<vmem>>, vector<16xi32>,
        %mul3A_97 = arith.constant 80 : i32
        %mul3A_98 = arith.muli %scan3A_75, %mul3A_97 : i32
        %add3A_99 = arith.constant 16 : i32
        %add3A_100 = arith.addi %mul3A_98, %add3A_99 : i32
        %get3A_101 = arith.index_cast %add3A_100 : i32 to index
        %get3A_102 = tpu.vector_load %arg11[%get3A_101] {strides = array<i32>} : memref<400xi32, #tpu.memory_space<vmem>>, vector<16xi32>,
        %get3A_103 = arith.index_cast %add3A_100 : i32 to index
        %get3A_104 = tpu.vector_load %arg12[%get3A_103] {strides = array<i32>} : memref<400xi32, #tpu.memory_space<vmem>>, vector<16xi32>,
        %get3A_105 = arith.index_cast %add3A_100 : i32 to index
        %get3A_106 = tpu.vector_load %arg13[%get3A_105] {strides = array<i32>} : memref<400xi32, #tpu.memory_space<vmem>>, vector<16xi32>,
        %mul3A_107 = arith.constant 10000 : i32
        %mul3A_108 = vector.broadcast %mul3A_107 : i32 to vector<16xi32>
        %mul3A_109 = arith.muli %get3A_102, %mul3A_108 : vector<16xi32>
        %swap3A_110 = arith.index_cast %scan3A_75 : i32 to index
        %swap3A_111 = arith.constant 16 : index
        %swap3A_112 = tpu.vector_load %arg14[%swap3A_110, %swap3A_111] {strides = array<i32>} : memref<5x80xi32, #tpu.memory_space<vmem>>, vector<16xi32>,
        tpu.vector_store %arg14[%swap3A_110, %swap3A_111], %get3A_106 {strides = array<i32>} : memref<5x80xi32, #tpu.memory_space<vmem>>, vector<16xi32>,
        %add3A_113 = arith.addi %mul3A_109, %get3A_104 : vector<16xi32>
        %swap3A_114 = arith.index_cast %add3A_100 : i32 to index
        %swap3A_115 = tpu.vector_load %arg12[%swap3A_114] {strides = array<i32>} : memref<400xi32, #tpu.memory_space<vmem>>, vector<16xi32>,
        tpu.vector_store %arg12[%swap3A_114], %add3A_113 {strides = array<i32>} : memref<400xi32, #tpu.memory_space<vmem>>, vector<16xi32>,
        %add3A_116 = arith.addi %mul3A_109, %get3A_106 : vector<16xi32>
        %swap3A_117 = arith.index_cast %add3A_100 : i32 to index
        %swap3A_118 = tpu.vector_load %arg13[%swap3A_117] {strides = array<i32>} : memref<400xi32, #tpu.memory_space<vmem>>, vector<16xi32>,
        tpu.vector_store %arg13[%swap3A_117], %add3A_116 {strides = array<i32>} : memref<400xi32, #tpu.memory_space<vmem>>, vector<16xi32>,
        %mul3A_119 = arith.constant 80 : i32
        %mul3A_120 = arith.muli %scan3A_75, %mul3A_119 : i32
        %add3A_121 = arith.constant 32 : i32
        %add3A_122 = arith.addi %mul3A_120, %add3A_121 : i32
        %get3A_123 = arith.index_cast %add3A_122 : i32 to index
        %get3A_124 = tpu.vector_load %arg11[%get3A_123] {strides = array<i32>} : memref<400xi32, #tpu.memory_space<vmem>>, vector<16xi32>,
        %get3A_125 = arith.index_cast %add3A_122 : i32 to index
        %get3A_126 = tpu.vector_load %arg12[%get3A_125] {strides = array<i32>} : memref<400xi32, #tpu.memory_space<vmem>>, vector<16xi32>,
        %get3A_127 = arith.index_cast %add3A_122 : i32 to index
        %get3A_128 = tpu.vector_load %arg13[%get3A_127] {strides = array<i32>} : memref<400xi32, #tpu.memory_space<vmem>>, vector<16xi32>,
        %mul3A_129 = arith.constant 10000 : i32
        %mul3A_130 = vector.broadcast %mul3A_129 : i32 to vector<16xi32>
        %mul3A_131 = arith.muli %get3A_124, %mul3A_130 : vector<16xi32>
        %swap3A_132 = arith.index_cast %scan3A_75 : i32 to index
        %swap3A_133 = arith.constant 32 : index
        %swap3A_134 = tpu.vector_load %arg14[%swap3A_132, %swap3A_133] {strides = array<i32>} : memref<5x80xi32, #tpu.memory_space<vmem>>, vector<16xi32>,
        tpu.vector_store %arg14[%swap3A_132, %swap3A_133], %get3A_128 {strides = array<i32>} : memref<5x80xi32, #tpu.memory_space<vmem>>, vector<16xi32>,
        %add3A_135 = arith.addi %mul3A_131, %get3A_126 : vector<16xi32>
        %swap3A_136 = arith.index_cast %add3A_122 : i32 to index
        %swap3A_137 = tpu.vector_load %arg12[%swap3A_136] {strides = array<i32>} : memref<400xi32, #tpu.memory_space<vmem>>, vector<16xi32>,
        tpu.vector_store %arg12[%swap3A_136], %add3A_135 {strides = array<i32>} : memref<400xi32, #tpu.memory_space<vmem>>, vector<16xi32>,
        %add3A_138 = arith.addi %mul3A_131, %get3A_128 : vector<16xi32>
        %swap3A_139 = arith.index_cast %add3A_122 : i32 to index
        %swap3A_140 = tpu.vector_load %arg13[%swap3A_139] {strides = array<i32>} : memref<400xi32, #tpu.memory_space<vmem>>, vector<16xi32>,
        tpu.vector_store %arg13[%swap3A_139], %add3A_138 {strides = array<i32>} : memref<400xi32, #tpu.memory_space<vmem>>, vector<16xi32>,
        %mul3A_141 = arith.constant 80 : i32
        %mul3A_142 = arith.muli %scan3A_75, %mul3A_141 : i32
        %add3A_143 = arith.constant 48 : i32
        %add3A_144 = arith.addi %mul3A_142, %add3A_143 : i32
        %get3A_145 = arith.index_cast %add3A_144 : i32 to index
        %get3A_146 = tpu.vector_load %arg11[%get3A_145] {strides = array<i32>} : memref<400xi32, #tpu.memory_space<vmem>>, vector<16xi32>,
        %get3A_147 = arith.index_cast %add3A_144 : i32 to index
        %get3A_148 = tpu.vector_load %arg12[%get3A_147] {strides = array<i32>} : memref<400xi32, #tpu.memory_space<vmem>>, vector<16xi32>,
        %get3A_149 = arith.index_cast %add3A_144 : i32 to index
        %get3A_150 = tpu.vector_load %arg13[%get3A_149] {strides = array<i32>} : memref<400xi32, #tpu.memory_space<vmem>>, vector<16xi32>,
        %mul3A_151 = arith.constant 10000 : i32
        %mul3A_152 = vector.broadcast %mul3A_151 : i32 to vector<16xi32>
        %mul3A_153 = arith.muli %get3A_146, %mul3A_152 : vector<16xi32>
        %swap3A_154 = arith.index_cast %scan3A_75 : i32 to index
        %swap3A_155 = arith.constant 48 : index
        %swap3A_156 = tpu.vector_load %arg14[%swap3A_154, %swap3A_155] {strides = array<i32>} : memref<5x80xi32, #tpu.memory_space<vmem>>, vector<16xi32>,
        tpu.vector_store %arg14[%swap3A_154, %swap3A_155], %get3A_150 {strides = array<i32>} : memref<5x80xi32, #tpu.memory_space<vmem>>, vector<16xi32>,
        %add3A_157 = arith.addi %mul3A_153, %get3A_148 : vector<16xi32>
        %swap3A_158 = arith.index_cast %add3A_144 : i32 to index
        %swap3A_159 = tpu.vector_load %arg12[%swap3A_158] {strides = array<i32>} : memref<400xi32, #tpu.memory_space<vmem>>, vector<16xi32>,
        tpu.vector_store %arg12[%swap3A_158], %add3A_157 {strides = array<i32>} : memref<400xi32, #tpu.memory_space<vmem>>, vector<16xi32>,
        %add3A_160 = arith.addi %mul3A_153, %get3A_150 : vector<16xi32>
        %swap3A_161 = arith.index_cast %add3A_144 : i32 to index
        %swap3A_162 = tpu.vector_load %arg13[%swap3A_161] {strides = array<i32>} : memref<400xi32, #tpu.memory_space<vmem>>, vector<16xi32>,
        tpu.vector_store %arg13[%swap3A_161], %add3A_160 {strides = array<i32>} : memref<400xi32, #tpu.memory_space<vmem>>, vector<16xi32>,
        %mul3A_163 = arith.constant 80 : i32
        %mul3A_164 = arith.muli %scan3A_75, %mul3A_163 : i32
        %add3A_165 = arith.constant 64 : i32
        %add3A_166 = arith.addi %mul3A_164, %add3A_165 : i32
        %get3A_167 = arith.index_cast %add3A_166 : i32 to index
        %get3A_168 = tpu.vector_load %arg11[%get3A_167] {strides = array<i32>} : memref<400xi32, #tpu.memory_space<vmem>>, vector<16xi32>,
        %get3A_169 = arith.index_cast %add3A_166 : i32 to index
        %get3A_170 = tpu.vector_load %arg12[%get3A_169] {strides = array<i32>} : memref<400xi32, #tpu.memory_space<vmem>>, vector<16xi32>,
        %get3A_171 = arith.index_cast %add3A_166 : i32 to index
        %get3A_172 = tpu.vector_load %arg13[%get3A_171] {strides = array<i32>} : memref<400xi32, #tpu.memory_space<vmem>>, vector<16xi32>,
        %mul3A_173 = arith.constant 10000 : i32
        %mul3A_174 = vector.broadcast %mul3A_173 : i32 to vector<16xi32>
        %mul3A_175 = arith.muli %get3A_168, %mul3A_174 : vector<16xi32>
        %swap3A_176 = arith.index_cast %scan3A_75 : i32 to index
        %swap3A_177 = arith.constant 64 : index
        %swap3A_178 = tpu.vector_load %arg14[%swap3A_176, %swap3A_177] {strides = array<i32>} : memref<5x80xi32, #tpu.memory_space<vmem>>, vector<16xi32>,
        tpu.vector_store %arg14[%swap3A_176, %swap3A_177], %get3A_172 {strides = array<i32>} : memref<5x80xi32, #tpu.memory_space<vmem>>, vector<16xi32>,
        %add3A_179 = arith.addi %mul3A_175, %get3A_170 : vector<16xi32>
        %swap3A_180 = arith.index_cast %add3A_166 : i32 to index
        %swap3A_181 = tpu.vector_load %arg12[%swap3A_180] {strides = array<i32>} : memref<400xi32, #tpu.memory_space<vmem>>, vector<16xi32>,
        tpu.vector_store %arg12[%swap3A_180], %add3A_179 {strides = array<i32>} : memref<400xi32, #tpu.memory_space<vmem>>, vector<16xi32>,
        %add3A_182 = arith.addi %mul3A_175, %get3A_172 : vector<16xi32>
        %swap3A_183 = arith.index_cast %add3A_166 : i32 to index
        %swap3A_184 = tpu.vector_load %arg13[%swap3A_183] {strides = array<i32>} : memref<400xi32, #tpu.memory_space<vmem>>, vector<16xi32>,
        tpu.vector_store %arg13[%swap3A_183], %add3A_182 {strides = array<i32>} : memref<400xi32, #tpu.memory_space<vmem>>, vector<16xi32>,
        %mul3A_185 = arith.constant 80 : i32
        %mul3A_186 = arith.muli %scan3A_75, %mul3A_185 : i32
        %dma_start3A_187 = arith.constant 0 : i32
        %dma_start3A_188 = tpu.memref_slice %arg17[%mul3A_186, %dma_start3A_187] : memref<400x8xf32, #tpu.memory_space<vmem>> -> memref<80x8xf32, #tpu.memory_space<vmem>>
        %dma_start3A_189 = tpu.memref_slice %arg12[%mul3A_186] : memref<400xi32, #tpu.memory_space<vmem>> -> memref<80xi32, #tpu.memory_space<vmem>>
        %dma_start3A_190 = arith.constant 0 : i32
        %dma_start3A_191 = arith.constant 0 : i32
        %dma_start3A_192 = tpu.memref_slice %arg3[%dma_start3A_190, %dma_start3A_191] : memref<80000x8xf32, #tpu.memory_space<hbm>> -> memref<80000x8xf32, #tpu.memory_space<hbm>>
        tpu.enqueue_indirect_dma source(%dma_start3A_192 : memref<80000x8xf32, #tpu.memory_space<hbm>>) target(%dma_start3A_188 : memref<80x8xf32, #tpu.memory_space<vmem>>) offsets(%dma_start3A_189 : memref<80xi32, #tpu.memory_space<vmem>>) semaphore(%arg21 : memref<!tpu.dma_semaphore, #tpu.memory_space<semaphore_mem>>)
        %dma_start3A_193 = arith.constant 0 : i32
        %dma_start3A_194 = tpu.memref_slice %arg18[%mul3A_186, %dma_start3A_193] : memref<400x8xf32, #tpu.memory_space<vmem>> -> memref<80x8xf32, #tpu.memory_space<vmem>>
        %dma_start3A_195 = tpu.memref_slice %arg13[%mul3A_186] : memref<400xi32, #tpu.memory_space<vmem>> -> memref<80xi32, #tpu.memory_space<vmem>>
        %dma_start3A_196 = arith.constant 0 : i32
        %dma_start3A_197 = arith.constant 0 : i32
        %dma_start3A_198 = tpu.memref_slice %arg3[%dma_start3A_196, %dma_start3A_197] : memref<80000x8xf32, #tpu.memory_space<hbm>> -> memref<80000x8xf32, #tpu.memory_space<hbm>>
        tpu.enqueue_indirect_dma source(%dma_start3A_198 : memref<80000x8xf32, #tpu.memory_space<hbm>>) target(%dma_start3A_194 : memref<80x8xf32, #tpu.memory_space<vmem>>) offsets(%dma_start3A_195 : memref<80xi32, #tpu.memory_space<vmem>>) semaphore(%arg21 : memref<!tpu.dma_semaphore, #tpu.memory_space<semaphore_mem>>)
      }
      %scan3A_42 = arith.constant 5 : i32
      %dma_start3A = arith.constant 0 : i32
      %dma_start3A_43 = tpu.memref_slice %arg12[%dma_start3A] : memref<400xi32, #tpu.memory_space<vmem>> -> memref<80xi32, #tpu.memory_space<vmem>>
      %dma_start3A_44 = arith.constant 0 : i32
      %dma_start3A_45 = arith.constant 0 : i32
      %dma_start3A_46 = tpu.memref_slice %arg2[%dma_start3A_44, %dma_start3A_45] : memref<80000x128xf32, #tpu.memory_space<hbm>> -> memref<80000x128xf32, #tpu.memory_space<hbm>>
      tpu.enqueue_indirect_dma source(%dma_start3A_46 : memref<80000x128xf32, #tpu.memory_space<hbm>>) target(%arg15 : memref<80x128xf32, #tpu.memory_space<vmem>>) offsets(%dma_start3A_43 : memref<80xi32, #tpu.memory_space<vmem>>) semaphore(%arg22 : memref<!tpu.dma_semaphore, #tpu.memory_space<semaphore_mem>>)
      %dma_wait3A = arith.constant 0 : i32
      %dma_wait3A_47 = arith.constant 0 : i32
      %dma_wait3A_48 = tpu.memref_slice %arg3[%dma_wait3A, %dma_wait3A_47] : memref<80000x8xf32, #tpu.memory_space<hbm>> -> memref<400x8xf32, #tpu.memory_space<hbm>>
      %dma_wait3A_49 = arith.constant 0 : i32
      %dma_wait3A_50 = arith.constant 0 : i32
      %dma_wait3A_51 = tpu.memref_slice %arg3[%dma_wait3A_49, %dma_wait3A_50] : memref<80000x8xf32, #tpu.memory_space<hbm>> -> memref<400x8xf32, #tpu.memory_space<hbm>>
      tpu.wait_dma2 semaphore(%arg21 : memref<!tpu.dma_semaphore, #tpu.memory_space<semaphore_mem>>) src(%dma_wait3A_51 : memref<400x8xf32, #tpu.memory_space<hbm>>) dst(%arg17 : memref<400x8xf32, #tpu.memory_space<vmem>>)
      %dma_wait3A_52 = arith.constant 0 : i32
      %dma_wait3A_53 = arith.constant 0 : i32
      %dma_wait3A_54 = tpu.memref_slice %arg3[%dma_wait3A_52, %dma_wait3A_53] : memref<80000x8xf32, #tpu.memory_space<hbm>> -> memref<400x8xf32, #tpu.memory_space<hbm>>
      %dma_wait3A_55 = arith.constant 0 : i32
      %dma_wait3A_56 = arith.constant 0 : i32
      %dma_wait3A_57 = tpu.memref_slice %arg3[%dma_wait3A_55, %dma_wait3A_56] : memref<80000x8xf32, #tpu.memory_space<hbm>> -> memref<400x8xf32, #tpu.memory_space<hbm>>
      tpu.wait_dma2 semaphore(%arg21 : memref<!tpu.dma_semaphore, #tpu.memory_space<semaphore_mem>>) src(%dma_wait3A_57 : memref<400x8xf32, #tpu.memory_space<hbm>>) dst(%arg18 : memref<400x8xf32, #tpu.memory_space<vmem>>)
      %scan3A_58 = arith.constant 0 : i32
      %scan3A_59 = arith.constant 25 : i32
      %scan3A_60 = arith.addi %scan3A_58, %scan3A_59 : i32
      %scan3A_61 = arith.constant 1 : i32
      %scan3A_62:4 = scf.for %scan3A_75 = %scan3A_58 to %scan3A_60 step %scan3A_61 iter_args(%scan3A_76 = %scan3A_30, %scan3A_77 = %scan3A_31, %scan3A_78 = %scan3A_32, %scan3A_79 = %scan3A_33) -> (vector<16xf32>, vector<16xf32>, vector<16xf32>, vector<16xf32>)  : i32 {
        %mul3A_80 = arith.constant 16 : i32
        %mul3A_81 = arith.muli %scan3A_75, %mul3A_80 : i32
        %add3A_82 = vector.broadcast %mul3A_81 : i32 to vector<16xi32>
        %add3A_83 = arith.addi %add3A_82, %iota3A : vector<16xi32>
        %broadcast_in_dim3A_84 = arith.constant 0 : i32
        %broadcast_in_dim3A_85 = vector.broadcast %broadcast_in_dim3A_84 : i32 to vector<16xi32>
        %gather3A = tpu.vector_load_idx %arg17[%add3A_83, %broadcast_in_dim3A_85] : memref<400x8xf32, #tpu.memory_space<vmem>>[vector<16xi32>, vector<16xi32>], vector<16xf32>,
        %broadcast_in_dim3A_86 = arith.constant 4 : i32
        %broadcast_in_dim3A_87 = vector.broadcast %broadcast_in_dim3A_86 : i32 to vector<16xi32>
        %gather3A_88 = tpu.vector_load_idx %arg18[%add3A_83, %broadcast_in_dim3A_87] : memref<400x8xf32, #tpu.memory_space<vmem>>[vector<16xi32>, vector<16xi32>], vector<16xf32>,
        %add3A_89 = arith.addf %gather3A, %gather3A_88 : vector<16xf32>
        %mul3A_90 = arith.constant 2.000000e-01 : f32
        %mul3A_91 = vector.broadcast %mul3A_90 : f32 to vector<16xf32>
        %mul3A_92 = arith.mulf %mul3A_91, %add3A_89 : vector<16xf32>
        %max3A = arith.maximumf %add3A_89, %mul3A_92 : vector<16xf32>
        %exp3A = math.exp %max3A : vector<16xf32>
        %mul3A_93 = arith.constant 16 : i32
        %mul3A_94 = arith.muli %scan3A_75, %mul3A_93 : i32
        %swap3A_95 = arith.constant 0 : i32
        %swap3A_96 = arith.index_cast %swap3A_95 : i32 to index
        %swap3A_97 = arith.index_cast %mul3A_94 : i32 to index
        %swap3A_98 = tpu.vector_load %arg19[%swap3A_96, %swap3A_97] {strides = array<i32>} : memref<4x400xf32, #tpu.memory_space<vmem>>, vector<16xf32>,
        tpu.vector_store %arg19[%swap3A_96, %swap3A_97], %exp3A {strides = array<i32>} : memref<4x400xf32, #tpu.memory_space<vmem>>, vector<16xf32>,
        %broadcast_in_dim3A_99 = arith.constant 1 : i32
        %broadcast_in_dim3A_100 = vector.broadcast %broadcast_in_dim3A_99 : i32 to vector<16xi32>
        %gather3A_101 = tpu.vector_load_idx %arg17[%add3A_83, %broadcast_in_dim3A_100] : memref<400x8xf32, #tpu.memory_space<vmem>>[vector<16xi32>, vector<16xi32>], vector<16xf32>,
        %broadcast_in_dim3A_102 = arith.constant 5 : i32
        %broadcast_in_dim3A_103 = vector.broadcast %broadcast_in_dim3A_102 : i32 to vector<16xi32>
        %gather3A_104 = tpu.vector_load_idx %arg18[%add3A_83, %broadcast_in_dim3A_103] : memref<400x8xf32, #tpu.memory_space<vmem>>[vector<16xi32>, vector<16xi32>], vector<16xf32>,
        %add3A_105 = arith.addf %gather3A_101, %gather3A_104 : vector<16xf32>
        %mul3A_106 = arith.constant 2.000000e-01 : f32
        %mul3A_107 = vector.broadcast %mul3A_106 : f32 to vector<16xf32>
        %mul3A_108 = arith.mulf %mul3A_107, %add3A_105 : vector<16xf32>
        %max3A_109 = arith.maximumf %add3A_105, %mul3A_108 : vector<16xf32>
        %exp3A_110 = math.exp %max3A_109 : vector<16xf32>
        %mul3A_111 = arith.constant 16 : i32
        %mul3A_112 = arith.muli %scan3A_75, %mul3A_111 : i32
        %swap3A_113 = arith.constant 1 : i32
        %swap3A_114 = arith.index_cast %swap3A_113 : i32 to index
        %swap3A_115 = arith.index_cast %mul3A_112 : i32 to index
        %swap3A_116 = tpu.vector_load %arg19[%swap3A_114, %swap3A_115] {strides = array<i32>} : memref<4x400xf32, #tpu.memory_space<vmem>>, vector<16xf32>,
        tpu.vector_store %arg19[%swap3A_114, %swap3A_115], %exp3A_110 {strides = array<i32>} : memref<4x400xf32, #tpu.memory_space<vmem>>, vector<16xf32>,
        %broadcast_in_dim3A_117 = arith.constant 2 : i32
        %broadcast_in_dim3A_118 = vector.broadcast %broadcast_in_dim3A_117 : i32 to vector<16xi32>
        %gather3A_119 = tpu.vector_load_idx %arg17[%add3A_83, %broadcast_in_dim3A_118] : memref<400x8xf32, #tpu.memory_space<vmem>>[vector<16xi32>, vector<16xi32>], vector<16xf32>,
        %broadcast_in_dim3A_120 = arith.constant 6 : i32
        %broadcast_in_dim3A_121 = vector.broadcast %broadcast_in_dim3A_120 : i32 to vector<16xi32>
        %gather3A_122 = tpu.vector_load_idx %arg18[%add3A_83, %broadcast_in_dim3A_121] : memref<400x8xf32, #tpu.memory_space<vmem>>[vector<16xi32>, vector<16xi32>], vector<16xf32>,
        %add3A_123 = arith.addf %gather3A_119, %gather3A_122 : vector<16xf32>
        %mul3A_124 = arith.constant 2.000000e-01 : f32
        %mul3A_125 = vector.broadcast %mul3A_124 : f32 to vector<16xf32>
        %mul3A_126 = arith.mulf %mul3A_125, %add3A_123 : vector<16xf32>
        %max3A_127 = arith.maximumf %add3A_123, %mul3A_126 : vector<16xf32>
        %exp3A_128 = math.exp %max3A_127 : vector<16xf32>
        %mul3A_129 = arith.constant 16 : i32
        %mul3A_130 = arith.muli %scan3A_75, %mul3A_129 : i32
        %swap3A_131 = arith.constant 2 : i32
        %swap3A_132 = arith.index_cast %swap3A_131 : i32 to index
        %swap3A_133 = arith.index_cast %mul3A_130 : i32 to index
        %swap3A_134 = tpu.vector_load %arg19[%swap3A_132, %swap3A_133] {strides = array<i32>} : memref<4x400xf32, #tpu.memory_space<vmem>>, vector<16xf32>,
        tpu.vector_store %arg19[%swap3A_132, %swap3A_133], %exp3A_128 {strides = array<i32>} : memref<4x400xf32, #tpu.memory_space<vmem>>, vector<16xf32>,
        %broadcast_in_dim3A_135 = arith.constant 3 : i32
        %broadcast_in_dim3A_136 = vector.broadcast %broadcast_in_dim3A_135 : i32 to vector<16xi32>
        %gather3A_137 = tpu.vector_load_idx %arg17[%add3A_83, %broadcast_in_dim3A_136] : memref<400x8xf32, #tpu.memory_space<vmem>>[vector<16xi32>, vector<16xi32>], vector<16xf32>,
        %broadcast_in_dim3A_138 = arith.constant 7 : i32
        %broadcast_in_dim3A_139 = vector.broadcast %broadcast_in_dim3A_138 : i32 to vector<16xi32>
        %gather3A_140 = tpu.vector_load_idx %arg18[%add3A_83, %broadcast_in_dim3A_139] : memref<400x8xf32, #tpu.memory_space<vmem>>[vector<16xi32>, vector<16xi32>], vector<16xf32>,
        %add3A_141 = arith.addf %gather3A_137, %gather3A_140 : vector<16xf32>
        %mul3A_142 = arith.constant 2.000000e-01 : f32
        %mul3A_143 = vector.broadcast %mul3A_142 : f32 to vector<16xf32>
        %mul3A_144 = arith.mulf %mul3A_143, %add3A_141 : vector<16xf32>
        %max3A_145 = arith.maximumf %add3A_141, %mul3A_144 : vector<16xf32>
        %exp3A_146 = math.exp %max3A_145 : vector<16xf32>
        %mul3A_147 = arith.constant 16 : i32
        %mul3A_148 = arith.muli %scan3A_75, %mul3A_147 : i32
        %swap3A_149 = arith.constant 3 : i32
        %swap3A_150 = arith.index_cast %swap3A_149 : i32 to index
        %swap3A_151 = arith.index_cast %mul3A_148 : i32 to index
        %swap3A_152 = tpu.vector_load %arg19[%swap3A_150, %swap3A_151] {strides = array<i32>} : memref<4x400xf32, #tpu.memory_space<vmem>>, vector<16xf32>,
        tpu.vector_store %arg19[%swap3A_150, %swap3A_151], %exp3A_146 {strides = array<i32>} : memref<4x400xf32, #tpu.memory_space<vmem>>, vector<16xf32>,
        %add3A_153 = arith.addf %scan3A_76, %exp3A : vector<16xf32>
        %add3A_154 = arith.addf %scan3A_77, %exp3A_110 : vector<16xf32>
        %add3A_155 = arith.addf %scan3A_78, %exp3A_128 : vector<16xf32>
        %add3A_156 = arith.addf %scan3A_79, %exp3A_146 : vector<16xf32>
        scf.yield %add3A_153, %add3A_154, %add3A_155, %add3A_156 : vector<16xf32>, vector<16xf32>, vector<16xf32>, vector<16xf32>
      }
      %scan3A_63 = arith.constant 25 : i32
      %scan3A_64 = arith.constant 0 : i32
      %scan3A_65 = arith.constant 3 : i32
      %scan3A_66 = arith.addi %scan3A_64, %scan3A_65 : i32
      %scan3A_67 = arith.constant 1 : i32
      scf.for %scan3A_75 = %scan3A_64 to %scan3A_66 step %scan3A_67  : i32 {
        %mul3A_76 = arith.constant 2 : i32
        %mul3A_77 = arith.muli %mul3A_76, %scan3A_75 : i32
        %gt3A = arith.constant 0 : i32
        %gt3A_78 = arith.cmpi sgt, %scan3A_75, %gt3A : i32
        %convert_element_type3A = arith.extui %gt3A_78 : i1 to i32
        %cond3A = arith.constant 0 : i32
        %cond3A_79 = arith.cmpi ne, %convert_element_type3A, %cond3A : i32
        scf.if %cond3A_79 {
          %dma_wait3A_113 = arith.constant 0 : i32
          %dma_wait3A_114 = arith.constant 0 : i32
          %dma_wait3A_115 = tpu.memref_slice %arg10[%dma_wait3A_113, %dma_wait3A_114] : memref<10000x128xf32, #tpu.memory_space<vmem_shared>> -> memref<80x128xf32, #tpu.memory_space<vmem_shared>>
          %dma_wait3A_116 = arith.constant 0 : i32
          %dma_wait3A_117 = arith.constant 0 : i32
          %dma_wait3A_118 = tpu.memref_slice %arg10[%dma_wait3A_116, %dma_wait3A_117] : memref<10000x128xf32, #tpu.memory_space<vmem_shared>> -> memref<80x128xf32, #tpu.memory_space<vmem_shared>>
          tpu.wait_dma2 semaphore(%arg25 : memref<!tpu.dma_semaphore, #tpu.memory_space<semaphore_mem>>) src(%arg16 : memref<80x128xf32, #tpu.memory_space<vmem>>) dst(%dma_wait3A_118 : memref<80x128xf32, #tpu.memory_space<vmem_shared>>)
        } else {
        }
        %add3A_80 = arith.constant 1 : i32
        %add3A_81 = arith.addi %mul3A_77, %add3A_80 : i32
        %lt3A = arith.constant 5 : i32
        %lt3A_82 = arith.cmpi slt, %add3A_81, %lt3A : i32
        %convert_element_type3A_83 = arith.extui %lt3A_82 : i1 to i32
        %cond3A_84 = arith.constant 0 : i32
        %cond3A_85 = arith.cmpi ne, %convert_element_type3A_83, %cond3A_84 : i32
        scf.if %cond3A_85 {
          %add3A_113 = arith.constant 1 : i32
          %add3A_114 = arith.addi %mul3A_77, %add3A_113 : i32
          %mul3A_115 = arith.constant 80 : i32
          %mul3A_116 = arith.muli %add3A_114, %mul3A_115 : i32
          %dma_start3A_117 = tpu.memref_slice %arg12[%mul3A_116] : memref<400xi32, #tpu.memory_space<vmem>> -> memref<80xi32, #tpu.memory_space<vmem>>
          %dma_start3A_118 = arith.constant 0 : i32
          %dma_start3A_119 = arith.constant 0 : i32
          %dma_start3A_120 = tpu.memref_slice %arg2[%dma_start3A_118, %dma_start3A_119] : memref<80000x128xf32, #tpu.memory_space<hbm>> -> memref<80000x128xf32, #tpu.memory_space<hbm>>
          tpu.enqueue_indirect_dma source(%dma_start3A_120 : memref<80000x128xf32, #tpu.memory_space<hbm>>) target(%arg16 : memref<80x128xf32, #tpu.memory_space<vmem>>) offsets(%dma_start3A_117 : memref<80xi32, #tpu.memory_space<vmem>>) semaphore(%arg23 : memref<!tpu.dma_semaphore, #tpu.memory_space<semaphore_mem>>)
        } else {
        }
        %dma_wait3A_86 = arith.constant 0 : i32
        %dma_wait3A_87 = arith.constant 0 : i32
        %dma_wait3A_88 = tpu.memref_slice %arg2[%dma_wait3A_86, %dma_wait3A_87] : memref<80000x128xf32, #tpu.memory_space<hbm>> -> memref<80x128xf32, #tpu.memory_space<hbm>>
        %dma_wait3A_89 = arith.constant 0 : i32
        %dma_wait3A_90 = arith.constant 0 : i32
        %dma_wait3A_91 = tpu.memref_slice %arg2[%dma_wait3A_89, %dma_wait3A_90] : memref<80000x128xf32, #tpu.memory_space<hbm>> -> memref<80x128xf32, #tpu.memory_space<hbm>>
        tpu.wait_dma2 semaphore(%arg22 : memref<!tpu.dma_semaphore, #tpu.memory_space<semaphore_mem>>) src(%dma_wait3A_91 : memref<80x128xf32, #tpu.memory_space<hbm>>) dst(%arg15 : memref<80x128xf32, #tpu.memory_space<vmem>>)
        %mul3A_92 = arith.constant 80 : i32
        %mul3A_93 = arith.muli %mul3A_77, %mul3A_92 : i32
        %scan3A_94 = arith.constant 0 : i32
        %scan3A_95 = arith.constant 0 : i32
        %scan3A_96 = arith.constant 5 : i32
        %scan3A_97 = arith.addi %scan3A_95, %scan3A_96 : i32
        %scan3A_98 = arith.constant 1 : i32
        scf.for %scan3A_113 = %scan3A_95 to %scan3A_97 step %scan3A_98  : i32 {
          %mul3A_114 = arith.constant 16 : i32
          %mul3A_115 = arith.muli %scan3A_113, %mul3A_114 : i32
          %add3A_116 = arith.addi %mul3A_93, %mul3A_115 : i32
          %get3A = arith.constant 0 : i32
          %get3A_117 = arith.index_cast %get3A : i32 to index
          %get3A_118 = arith.index_cast %add3A_116 : i32 to index
          %get3A_119 = tpu.vector_load %arg19[%get3A_117, %get3A_118] {strides = array<i32>} : memref<4x400xf32, #tpu.memory_space<vmem>>, vector<16xf32>,
          %mul3A_120 = arith.constant 16 : i32
          %mul3A_121 = arith.muli %scan3A_113, %mul3A_120 : i32
          %add3A_122 = arith.addi %mul3A_93, %mul3A_121 : i32
          %get3A_123 = arith.constant 1 : i32
          %get3A_124 = arith.index_cast %get3A_123 : i32 to index
          %get3A_125 = arith.index_cast %add3A_122 : i32 to index
          %get3A_126 = tpu.vector_load %arg19[%get3A_124, %get3A_125] {strides = array<i32>} : memref<4x400xf32, #tpu.memory_space<vmem>>, vector<16xf32>,
          %mul3A_127 = arith.constant 16 : i32
          %mul3A_128 = arith.muli %scan3A_113, %mul3A_127 : i32
          %add3A_129 = arith.addi %mul3A_93, %mul3A_128 : i32
          %get3A_130 = arith.constant 2 : i32
          %get3A_131 = arith.index_cast %get3A_130 : i32 to index
          %get3A_132 = arith.index_cast %add3A_129 : i32 to index
          %get3A_133 = tpu.vector_load %arg19[%get3A_131, %get3A_132] {strides = array<i32>} : memref<4x400xf32, #tpu.memory_space<vmem>>, vector<16xf32>,
          %mul3A_134 = arith.constant 16 : i32
          %mul3A_135 = arith.muli %scan3A_113, %mul3A_134 : i32
          %add3A_136 = arith.addi %mul3A_93, %mul3A_135 : i32
          %get3A_137 = arith.constant 3 : i32
          %get3A_138 = arith.index_cast %get3A_137 : i32 to index
          %get3A_139 = arith.index_cast %add3A_136 : i32 to index
          %get3A_140 = tpu.vector_load %arg19[%get3A_138, %get3A_139] {strides = array<i32>} : memref<4x400xf32, #tpu.memory_space<vmem>>, vector<16xf32>,
          %mul3A_141 = arith.constant 16 : i32
          %mul3A_142 = arith.muli %scan3A_113, %mul3A_141 : i32
          %add3A_143 = arith.constant 0 : i32
          %add3A_144 = arith.addi %mul3A_142, %add3A_143 : i32
          %slice3A = vector.extract_strided_slice %get3A_119 {offsets = [0], sizes = [1], strides = [1]} : vector<16xf32> to vector<1xf32>
          %squeeze3A = vector.extract %slice3A[0] : f32 from vector<1xf32>
          %get3A_145 = arith.index_cast %add3A_144 : i32 to index
          %get3A_146 = arith.constant 0 : index
          %get3A_147 = tpu.vector_load %arg15[%get3A_145, %get3A_146] {strides = array<i32>} : memref<80x128xf32, #tpu.memory_space<vmem>>, vector<16xf32>,
          %mul3A_148 = vector.broadcast %squeeze3A : f32 to vector<16xf32>
          %mul3A_149 = arith.mulf %get3A_147, %mul3A_148 : vector<16xf32>
          %swap3A_150 = arith.index_cast %add3A_144 : i32 to index
          %swap3A_151 = arith.constant 0 : index
          %swap3A_152 = tpu.vector_load %arg15[%swap3A_150, %swap3A_151] {strides = array<i32>} : memref<80x128xf32, #tpu.memory_space<vmem>>, vector<16xf32>,
          tpu.vector_store %arg15[%swap3A_150, %swap3A_151], %mul3A_149 {strides = array<i32>} : memref<80x128xf32, #tpu.memory_space<vmem>>, vector<16xf32>,
          %get3A_153 = arith.index_cast %add3A_144 : i32 to index
          %get3A_154 = arith.constant 16 : index
          %get3A_155 = tpu.vector_load %arg15[%get3A_153, %get3A_154] {strides = array<i32>} : memref<80x128xf32, #tpu.memory_space<vmem>>, vector<16xf32>,
          %mul3A_156 = vector.broadcast %squeeze3A : f32 to vector<16xf32>
          %mul3A_157 = arith.mulf %get3A_155, %mul3A_156 : vector<16xf32>
          %swap3A_158 = arith.index_cast %add3A_144 : i32 to index
          %swap3A_159 = arith.constant 16 : index
          %swap3A_160 = tpu.vector_load %arg15[%swap3A_158, %swap3A_159] {strides = array<i32>} : memref<80x128xf32, #tpu.memory_space<vmem>>, vector<16xf32>,
          tpu.vector_store %arg15[%swap3A_158, %swap3A_159], %mul3A_157 {strides = array<i32>} : memref<80x128xf32, #tpu.memory_space<vmem>>, vector<16xf32>,
          %slice3A_161 = vector.extract_strided_slice %get3A_126 {offsets = [0], sizes = [1], strides = [1]} : vector<16xf32> to vector<1xf32>
          %squeeze3A_162 = vector.extract %slice3A_161[0] : f32 from vector<1xf32>
          %get3A_163 = arith.index_cast %add3A_144 : i32 to index
          %get3A_164 = arith.constant 32 : index
          %get3A_165 = tpu.vector_load %arg15[%get3A_163, %get3A_164] {strides = array<i32>} : memref<80x128xf32, #tpu.memory_space<vmem>>, vector<16xf32>,
          %mul3A_166 = vector.broadcast %squeeze3A_162 : f32 to vector<16xf32>
          %mul3A_167 = arith.mulf %get3A_165, %mul3A_166 : vector<16xf32>
          %swap3A_168 = arith.index_cast %add3A_144 : i32 to index
          %swap3A_169 = arith.constant 32 : index
          %swap3A_170 = tpu.vector_load %arg15[%swap3A_168, %swap3A_169] {strides = array<i32>} : memref<80x128xf32, #tpu.memory_space<vmem>>, vector<16xf32>,
          tpu.vector_store %arg15[%swap3A_168, %swap3A_169], %mul3A_167 {strides = array<i32>} : memref<80x128xf32, #tpu.memory_space<vmem>>, vector<16xf32>,
          %get3A_171 = arith.index_cast %add3A_144 : i32 to index
          %get3A_172 = arith.constant 48 : index
          %get3A_173 = tpu.vector_load %arg15[%get3A_171, %get3A_172] {strides = array<i32>} : memref<80x128xf32, #tpu.memory_space<vmem>>, vector<16xf32>,
          %mul3A_174 = vector.broadcast %squeeze3A_162 : f32 to vector<16xf32>
          %mul3A_175 = arith.mulf %get3A_173, %mul3A_174 : vector<16xf32>
          %swap3A_176 = arith.index_cast %add3A_144 : i32 to index
          %swap3A_177 = arith.constant 48 : index
          %swap3A_178 = tpu.vector_load %arg15[%swap3A_176, %swap3A_177] {strides = array<i32>} : memref<80x128xf32, #tpu.memory_space<vmem>>, vector<16xf32>,
          tpu.vector_store %arg15[%swap3A_176, %swap3A_177], %mul3A_175 {strides = array<i32>} : memref<80x128xf32, #tpu.memory_space<vmem>>, vector<16xf32>,
          %slice3A_179 = vector.extract_strided_slice %get3A_133 {offsets = [0], sizes = [1], strides = [1]} : vector<16xf32> to vector<1xf32>
          %squeeze3A_180 = vector.extract %slice3A_179[0] : f32 from vector<1xf32>
          %get3A_181 = arith.index_cast %add3A_144 : i32 to index
          %get3A_182 = arith.constant 64 : index
          %get3A_183 = tpu.vector_load %arg15[%get3A_181, %get3A_182] {strides = array<i32>} : memref<80x128xf32, #tpu.memory_space<vmem>>, vector<16xf32>,
          %mul3A_184 = vector.broadcast %squeeze3A_180 : f32 to vector<16xf32>
          %mul3A_185 = arith.mulf %get3A_183, %mul3A_184 : vector<16xf32>
          %swap3A_186 = arith.index_cast %add3A_144 : i32 to index
          %swap3A_187 = arith.constant 64 : index
          %swap3A_188 = tpu.vector_load %arg15[%swap3A_186, %swap3A_187] {strides = array<i32>} : memref<80x128xf32, #tpu.memory_space<vmem>>, vector<16xf32>,
          tpu.vector_store %arg15[%swap3A_186, %swap3A_187], %mul3A_185 {strides = array<i32>} : memref<80x128xf32, #tpu.memory_space<vmem>>, vector<16xf32>,
          %get3A_189 = arith.index_cast %add3A_144 : i32 to index
          %get3A_190 = arith.constant 80 : index
          %get3A_191 = tpu.vector_load %arg15[%get3A_189, %get3A_190] {strides = array<i32>} : memref<80x128xf32, #tpu.memory_space<vmem>>, vector<16xf32>,
          %mul3A_192 = vector.broadcast %squeeze3A_180 : f32 to vector<16xf32>
          %mul3A_193 = arith.mulf %get3A_191, %mul3A_192 : vector<16xf32>
          %swap3A_194 = arith.index_cast %add3A_144 : i32 to index
          %swap3A_195 = arith.constant 80 : index
          %swap3A_196 = tpu.vector_load %arg15[%swap3A_194, %swap3A_195] {strides = array<i32>} : memref<80x128xf32, #tpu.memory_space<vmem>>, vector<16xf32>,
          tpu.vector_store %arg15[%swap3A_194, %swap3A_195], %mul3A_193 {strides = array<i32>} : memref<80x128xf32, #tpu.memory_space<vmem>>, vector<16xf32>,
          %slice3A_197 = vector.extract_strided_slice %get3A_140 {offsets = [0], sizes = [1], strides = [1]} : vector<16xf32> to vector<1xf32>
          %squeeze3A_198 = vector.extract %slice3A_197[0] : f32 from vector<1xf32>
          %get3A_199 = arith.index_cast %add3A_144 : i32 to index
          %get3A_200 = arith.constant 96 : index
          %get3A_201 = tpu.vector_load %arg15[%get3A_199, %get3A_200] {strides = array<i32>} : memref<80x128xf32, #tpu.memory_space<vmem>>, vector<16xf32>,
          %mul3A_202 = vector.broadcast %squeeze3A_198 : f32 to vector<16xf32>
          %mul3A_203 = arith.mulf %get3A_201, %mul3A_202 : vector<16xf32>
          %swap3A_204 = arith.index_cast %add3A_144 : i32 to index
          %swap3A_205 = arith.constant 96 : index
          %swap3A_206 = tpu.vector_load %arg15[%swap3A_204, %swap3A_205] {strides = array<i32>} : memref<80x128xf32, #tpu.memory_space<vmem>>, vector<16xf32>,
          tpu.vector_store %arg15[%swap3A_204, %swap3A_205], %mul3A_203 {strides = array<i32>} : memref<80x128xf32, #tpu.memory_space<vmem>>, vector<16xf32>,
          %get3A_207 = arith.index_cast %add3A_144 : i32 to index
          %get3A_208 = arith.constant 112 : index
          %get3A_209 = tpu.vector_load %arg15[%get3A_207, %get3A_208] {strides = array<i32>} : memref<80x128xf32, #tpu.memory_space<vmem>>, vector<16xf32>,
          %mul3A_210 = vector.broadcast %squeeze3A_198 : f32 to vector<16xf32>
          %mul3A_211 = arith.mulf %get3A_209, %mul3A_210 : vector<16xf32>
          %swap3A_212 = arith.index_cast %add3A_144 : i32 to index
          %swap3A_213 = arith.constant 112 : index
          %swap3A_214 = tpu.vector_load %arg15[%swap3A_212, %swap3A_213] {strides = array<i32>} : memref<80x128xf32, #tpu.memory_space<vmem>>, vector<16xf32>,
          tpu.vector_store %arg15[%swap3A_212, %swap3A_213], %mul3A_211 {strides = array<i32>} : memref<80x128xf32, #tpu.memory_space<vmem>>, vector<16xf32>,
          %mul3A_215 = arith.constant 16 : i32
          %mul3A_216 = arith.muli %scan3A_113, %mul3A_215 : i32
          %add3A_217 = arith.constant 1 : i32
          %add3A_218 = arith.addi %mul3A_216, %add3A_217 : i32
          %slice3A_219 = vector.extract_strided_slice %get3A_119 {offsets = [1], sizes = [1], strides = [1]} : vector<16xf32> to vector<1xf32>
          %squeeze3A_220 = vector.extract %slice3A_219[0] : f32 from vector<1xf32>
          %get3A_221 = arith.index_cast %add3A_218 : i32 to index
          %get3A_222 = arith.constant 0 : index
          %get3A_223 = tpu.vector_load %arg15[%get3A_221, %get3A_222] {strides = array<i32>} : memref<80x128xf32, #tpu.memory_space<vmem>>, vector<16xf32>,
          %mul3A_224 = vector.broadcast %squeeze3A_220 : f32 to vector<16xf32>
          %mul3A_225 = arith.mulf %get3A_223, %mul3A_224 : vector<16xf32>
          %swap3A_226 = arith.index_cast %add3A_218 : i32 to index
          %swap3A_227 = arith.constant 0 : index
          %swap3A_228 = tpu.vector_load %arg15[%swap3A_226, %swap3A_227] {strides = array<i32>} : memref<80x128xf32, #tpu.memory_space<vmem>>, vector<16xf32>,
          tpu.vector_store %arg15[%swap3A_226, %swap3A_227], %mul3A_225 {strides = array<i32>} : memref<80x128xf32, #tpu.memory_space<vmem>>, vector<16xf32>,
          %get3A_229 = arith.index_cast %add3A_218 : i32 to index
          %get3A_230 = arith.constant 16 : index
          %get3A_231 = tpu.vector_load %arg15[%get3A_229, %get3A_230] {strides = array<i32>} : memref<80x128xf32, #tpu.memory_space<vmem>>, vector<16xf32>,
          %mul3A_232 = vector.broadcast %squeeze3A_220 : f32 to vector<16xf32>
          %mul3A_233 = arith.mulf %get3A_231, %mul3A_232 : vector<16xf32>
          %swap3A_234 = arith.index_cast %add3A_218 : i32 to index
          %swap3A_235 = arith.constant 16 : index
          %swap3A_236 = tpu.vector_load %arg15[%swap3A_234, %swap3A_235] {strides = array<i32>} : memref<80x128xf32, #tpu.memory_space<vmem>>, vector<16xf32>,
          tpu.vector_store %arg15[%swap3A_234, %swap3A_235], %mul3A_233 {strides = array<i32>} : memref<80x128xf32, #tpu.memory_space<vmem>>, vector<16xf32>,
          %slice3A_237 = vector.extract_strided_slice %get3A_126 {offsets = [1], sizes = [1], strides = [1]} : vector<16xf32> to vector<1xf32>
          %squeeze3A_238 = vector.extract %slice3A_237[0] : f32 from vector<1xf32>
          %get3A_239 = arith.index_cast %add3A_218 : i32 to index
          %get3A_240 = arith.constant 32 : index
          %get3A_241 = tpu.vector_load %arg15[%get3A_239, %get3A_240] {strides = array<i32>} : memref<80x128xf32, #tpu.memory_space<vmem>>, vector<16xf32>,
          %mul3A_242 = vector.broadcast %squeeze3A_238 : f32 to vector<16xf32>
          %mul3A_243 = arith.mulf %get3A_241, %mul3A_242 : vector<16xf32>
          %swap3A_244 = arith.index_cast %add3A_218 : i32 to index
          %swap3A_245 = arith.constant 32 : index
          %swap3A_246 = tpu.vector_load %arg15[%swap3A_244, %swap3A_245] {strides = array<i32>} : memref<80x128xf32, #tpu.memory_space<vmem>>, vector<16xf32>,
          tpu.vector_store %arg15[%swap3A_244, %swap3A_245], %mul3A_243 {strides = array<i32>} : memref<80x128xf32, #tpu.memory_space<vmem>>, vector<16xf32>,
          %get3A_247 = arith.index_cast %add3A_218 : i32 to index
          %get3A_248 = arith.constant 48 : index
          %get3A_249 = tpu.vector_load %arg15[%get3A_247, %get3A_248] {strides = array<i32>} : memref<80x128xf32, #tpu.memory_space<vmem>>, vector<16xf32>,
          %mul3A_250 = vector.broadcast %squeeze3A_238 : f32 to vector<16xf32>
          %mul3A_251 = arith.mulf %get3A_249, %mul3A_250 : vector<16xf32>
          %swap3A_252 = arith.index_cast %add3A_218 : i32 to index
          %swap3A_253 = arith.constant 48 : index
          %swap3A_254 = tpu.vector_load %arg15[%swap3A_252, %swap3A_253] {strides = array<i32>} : memref<80x128xf32, #tpu.memory_space<vmem>>, vector<16xf32>,
          tpu.vector_store %arg15[%swap3A_252, %swap3A_253], %mul3A_251 {strides = array<i32>} : memref<80x128xf32, #tpu.memory_space<vmem>>, vector<16xf32>,
          %slice3A_255 = vector.extract_strided_slice %get3A_133 {offsets = [1], sizes = [1], strides = [1]} : vector<16xf32> to vector<1xf32>
          %squeeze3A_256 = vector.extract %slice3A_255[0] : f32 from vector<1xf32>
          %get3A_257 = arith.index_cast %add3A_218 : i32 to index
          %get3A_258 = arith.constant 64 : index
          %get3A_259 = tpu.vector_load %arg15[%get3A_257, %get3A_258] {strides = array<i32>} : memref<80x128xf32, #tpu.memory_space<vmem>>, vector<16xf32>,
          %mul3A_260 = vector.broadcast %squeeze3A_256 : f32 to vector<16xf32>
          %mul3A_261 = arith.mulf %get3A_259, %mul3A_260 : vector<16xf32>
          %swap3A_262 = arith.index_cast %add3A_218 : i32 to index
          %swap3A_263 = arith.constant 64 : index
          %swap3A_264 = tpu.vector_load %arg15[%swap3A_262, %swap3A_263] {strides = array<i32>} : memref<80x128xf32, #tpu.memory_space<vmem>>, vector<16xf32>,
          tpu.vector_store %arg15[%swap3A_262, %swap3A_263], %mul3A_261 {strides = array<i32>} : memref<80x128xf32, #tpu.memory_space<vmem>>, vector<16xf32>,
          %get3A_265 = arith.index_cast %add3A_218 : i32 to index
          %get3A_266 = arith.constant 80 : index
          %get3A_267 = tpu.vector_load %arg15[%get3A_265, %get3A_266] {strides = array<i32>} : memref<80x128xf32, #tpu.memory_space<vmem>>, vector<16xf32>,
          %mul3A_268 = vector.broadcast %squeeze3A_256 : f32 to vector<16xf32>
          %mul3A_269 = arith.mulf %get3A_267, %mul3A_268 : vector<16xf32>
          %swap3A_270 = arith.index_cast %add3A_218 : i32 to index
          %swap3A_271 = arith.constant 80 : index
          %swap3A_272 = tpu.vector_load %arg15[%swap3A_270, %swap3A_271] {strides = array<i32>} : memref<80x128xf32, #tpu.memory_space<vmem>>, vector<16xf32>,
          tpu.vector_store %arg15[%swap3A_270, %swap3A_271], %mul3A_269 {strides = array<i32>} : memref<80x128xf32, #tpu.memory_space<vmem>>, vector<16xf32>,
          %slice3A_273 = vector.extract_strided_slice %get3A_140 {offsets = [1], sizes = [1], strides = [1]} : vector<16xf32> to vector<1xf32>
          %squeeze3A_274 = vector.extract %slice3A_273[0] : f32 from vector<1xf32>
          %get3A_275 = arith.index_cast %add3A_218 : i32 to index
          %get3A_276 = arith.constant 96 : index
          %get3A_277 = tpu.vector_load %arg15[%get3A_275, %get3A_276] {strides = array<i32>} : memref<80x128xf32, #tpu.memory_space<vmem>>, vector<16xf32>,
          %mul3A_278 = vector.broadcast %squeeze3A_274 : f32 to vector<16xf32>
          %mul3A_279 = arith.mulf %get3A_277, %mul3A_278 : vector<16xf32>
          %swap3A_280 = arith.index_cast %add3A_218 : i32 to index
          %swap3A_281 = arith.constant 96 : index
          %swap3A_282 = tpu.vector_load %arg15[%swap3A_280, %swap3A_281] {strides = array<i32>} : memref<80x128xf32, #tpu.memory_space<vmem>>, vector<16xf32>,
          tpu.vector_store %arg15[%swap3A_280, %swap3A_281], %mul3A_279 {strides = array<i32>} : memref<80x128xf32, #tpu.memory_space<vmem>>, vector<16xf32>,
          %get3A_283 = arith.index_cast %add3A_218 : i32 to index
          %get3A_284 = arith.constant 112 : index
          %get3A_285 = tpu.vector_load %arg15[%get3A_283, %get3A_284] {strides = array<i32>} : memref<80x128xf32, #tpu.memory_space<vmem>>, vector<16xf32>,
          %mul3A_286 = vector.broadcast %squeeze3A_274 : f32 to vector<16xf32>
          %mul3A_287 = arith.mulf %get3A_285, %mul3A_286 : vector<16xf32>
          %swap3A_288 = arith.index_cast %add3A_218 : i32 to index
          %swap3A_289 = arith.constant 112 : index
          %swap3A_290 = tpu.vector_load %arg15[%swap3A_288, %swap3A_289] {strides = array<i32>} : memref<80x128xf32, #tpu.memory_space<vmem>>, vector<16xf32>,
          tpu.vector_store %arg15[%swap3A_288, %swap3A_289], %mul3A_287 {strides = array<i32>} : memref<80x128xf32, #tpu.memory_space<vmem>>, vector<16xf32>,
          %mul3A_291 = arith.constant 16 : i32
          %mul3A_292 = arith.muli %scan3A_113, %mul3A_291 : i32
          %add3A_293 = arith.constant 2 : i32
          %add3A_294 = arith.addi %mul3A_292, %add3A_293 : i32
          %slice3A_295 = vector.extract_strided_slice %get3A_119 {offsets = [2], sizes = [1], strides = [1]} : vector<16xf32> to vector<1xf32>
          %squeeze3A_296 = vector.extract %slice3A_295[0] : f32 from vector<1xf32>
          %get3A_297 = arith.index_cast %add3A_294 : i32 to index
          %get3A_298 = arith.constant 0 : index
          %get3A_299 = tpu.vector_load %arg15[%get3A_297, %get3A_298] {strides = array<i32>} : memref<80x128xf32, #tpu.memory_space<vmem>>, vector<16xf32>,
          %mul3A_300 = vector.broadcast %squeeze3A_296 : f32 to vector<16xf32>
          %mul3A_301 = arith.mulf %get3A_299, %mul3A_300 : vector<16xf32>
          %swap3A_302 = arith.index_cast %add3A_294 : i32 to index
          %swap3A_303 = arith.constant 0 : index
          %swap3A_304 = tpu.vector_load %arg15[%swap3A_302, %swap3A_303] {strides = array<i32>} : memref<80x128xf32, #tpu.memory_space<vmem>>, vector<16xf32>,
          tpu.vector_store %arg15[%swap3A_302, %swap3A_303], %mul3A_301 {strides = array<i32>} : memref<80x128xf32, #tpu.memory_space<vmem>>, vector<16xf32>,
          %get3A_305 = arith.index_cast %add3A_294 : i32 to index
          %get3A_306 = arith.constant 16 : index
          %get3A_307 = tpu.vector_load %arg15[%get3A_305, %get3A_306] {strides = array<i32>} : memref<80x128xf32, #tpu.memory_space<vmem>>, vector<16xf32>,
          %mul3A_308 = vector.broadcast %squeeze3A_296 : f32 to vector<16xf32>
          %mul3A_309 = arith.mulf %get3A_307, %mul3A_308 : vector<16xf32>
          %swap3A_310 = arith.index_cast %add3A_294 : i32 to index
          %swap3A_311 = arith.constant 16 : index
          %swap3A_312 = tpu.vector_load %arg15[%swap3A_310, %swap3A_311] {strides = array<i32>} : memref<80x128xf32, #tpu.memory_space<vmem>>, vector<16xf32>,
          tpu.vector_store %arg15[%swap3A_310, %swap3A_311], %mul3A_309 {strides = array<i32>} : memref<80x128xf32, #tpu.memory_space<vmem>>, vector<16xf32>,
          %slice3A_313 = vector.extract_strided_slice %get3A_126 {offsets = [2], sizes = [1], strides = [1]} : vector<16xf32> to vector<1xf32>
          %squeeze3A_314 = vector.extract %slice3A_313[0] : f32 from vector<1xf32>
          %get3A_315 = arith.index_cast %add3A_294 : i32 to index
          %get3A_316 = arith.constant 32 : index
          %get3A_317 = tpu.vector_load %arg15[%get3A_315, %get3A_316] {strides = array<i32>} : memref<80x128xf32, #tpu.memory_space<vmem>>, vector<16xf32>,
          %mul3A_318 = vector.broadcast %squeeze3A_314 : f32 to vector<16xf32>
          %mul3A_319 = arith.mulf %get3A_317, %mul3A_318 : vector<16xf32>
          %swap3A_320 = arith.index_cast %add3A_294 : i32 to index
          %swap3A_321 = arith.constant 32 : index
          %swap3A_322 = tpu.vector_load %arg15[%swap3A_320, %swap3A_321] {strides = array<i32>} : memref<80x128xf32, #tpu.memory_space<vmem>>, vector<16xf32>,
          tpu.vector_store %arg15[%swap3A_320, %swap3A_321], %mul3A_319 {strides = array<i32>} : memref<80x128xf32, #tpu.memory_space<vmem>>, vector<16xf32>,
          %get3A_323 = arith.index_cast %add3A_294 : i32 to index
          %get3A_324 = arith.constant 48 : index
          %get3A_325 = tpu.vector_load %arg15[%get3A_323, %get3A_324] {strides = array<i32>} : memref<80x128xf32, #tpu.memory_space<vmem>>, vector<16xf32>,
          %mul3A_326 = vector.broadcast %squeeze3A_314 : f32 to vector<16xf32>
          %mul3A_327 = arith.mulf %get3A_325, %mul3A_326 : vector<16xf32>
          %swap3A_328 = arith.index_cast %add3A_294 : i32 to index
          %swap3A_329 = arith.constant 48 : index
          %swap3A_330 = tpu.vector_load %arg15[%swap3A_328, %swap3A_329] {strides = array<i32>} : memref<80x128xf32, #tpu.memory_space<vmem>>, vector<16xf32>,
          tpu.vector_store %arg15[%swap3A_328, %swap3A_329], %mul3A_327 {strides = array<i32>} : memref<80x128xf32, #tpu.memory_space<vmem>>, vector<16xf32>,
          %slice3A_331 = vector.extract_strided_slice %get3A_133 {offsets = [2], sizes = [1], strides = [1]} : vector<16xf32> to vector<1xf32>
          %squeeze3A_332 = vector.extract %slice3A_331[0] : f32 from vector<1xf32>
          %get3A_333 = arith.index_cast %add3A_294 : i32 to index
          %get3A_334 = arith.constant 64 : index
          %get3A_335 = tpu.vector_load %arg15[%get3A_333, %get3A_334] {strides = array<i32>} : memref<80x128xf32, #tpu.memory_space<vmem>>, vector<16xf32>,
          %mul3A_336 = vector.broadcast %squeeze3A_332 : f32 to vector<16xf32>
          %mul3A_337 = arith.mulf %get3A_335, %mul3A_336 : vector<16xf32>
          %swap3A_338 = arith.index_cast %add3A_294 : i32 to index
          %swap3A_339 = arith.constant 64 : index
          %swap3A_340 = tpu.vector_load %arg15[%swap3A_338, %swap3A_339] {strides = array<i32>} : memref<80x128xf32, #tpu.memory_space<vmem>>, vector<16xf32>,
          tpu.vector_store %arg15[%swap3A_338, %swap3A_339], %mul3A_337 {strides = array<i32>} : memref<80x128xf32, #tpu.memory_space<vmem>>, vector<16xf32>,
          %get3A_341 = arith.index_cast %add3A_294 : i32 to index
          %get3A_342 = arith.constant 80 : index
          %get3A_343 = tpu.vector_load %arg15[%get3A_341, %get3A_342] {strides = array<i32>} : memref<80x128xf32, #tpu.memory_space<vmem>>, vector<16xf32>,
          %mul3A_344 = vector.broadcast %squeeze3A_332 : f32 to vector<16xf32>
          %mul3A_345 = arith.mulf %get3A_343, %mul3A_344 : vector<16xf32>
          %swap3A_346 = arith.index_cast %add3A_294 : i32 to index
          %swap3A_347 = arith.constant 80 : index
          %swap3A_348 = tpu.vector_load %arg15[%swap3A_346, %swap3A_347] {strides = array<i32>} : memref<80x128xf32, #tpu.memory_space<vmem>>, vector<16xf32>,
          tpu.vector_store %arg15[%swap3A_346, %swap3A_347], %mul3A_345 {strides = array<i32>} : memref<80x128xf32, #tpu.memory_space<vmem>>, vector<16xf32>,
          %slice3A_349 = vector.extract_strided_slice %get3A_140 {offsets = [2], sizes = [1], strides = [1]} : vector<16xf32> to vector<1xf32>
          %squeeze3A_350 = vector.extract %slice3A_349[0] : f32 from vector<1xf32>
          %get3A_351 = arith.index_cast %add3A_294 : i32 to index
          %get3A_352 = arith.constant 96 : index
          %get3A_353 = tpu.vector_load %arg15[%get3A_351, %get3A_352] {strides = array<i32>} : memref<80x128xf32, #tpu.memory_space<vmem>>, vector<16xf32>,
          %mul3A_354 = vector.broadcast %squeeze3A_350 : f32 to vector<16xf32>
          %mul3A_355 = arith.mulf %get3A_353, %mul3A_354 : vector<16xf32>
          %swap3A_356 = arith.index_cast %add3A_294 : i32 to index
          %swap3A_357 = arith.constant 96 : index
          %swap3A_358 = tpu.vector_load %arg15[%swap3A_356, %swap3A_357] {strides = array<i32>} : memref<80x128xf32, #tpu.memory_space<vmem>>, vector<16xf32>,
          tpu.vector_store %arg15[%swap3A_356, %swap3A_357], %mul3A_355 {strides = array<i32>} : memref<80x128xf32, #tpu.memory_space<vmem>>, vector<16xf32>,
          %get3A_359 = arith.index_cast %add3A_294 : i32 to index
          %get3A_360 = arith.constant 112 : index
          %get3A_361 = tpu.vector_load %arg15[%get3A_359, %get3A_360] {strides = array<i32>} : memref<80x128xf32, #tpu.memory_space<vmem>>, vector<16xf32>,
          %mul3A_362 = vector.broadcast %squeeze3A_350 : f32 to vector<16xf32>
          %mul3A_363 = arith.mulf %get3A_361, %mul3A_362 : vector<16xf32>
          %swap3A_364 = arith.index_cast %add3A_294 : i32 to index
          %swap3A_365 = arith.constant 112 : index
          %swap3A_366 = tpu.vector_load %arg15[%swap3A_364, %swap3A_365] {strides = array<i32>} : memref<80x128xf32, #tpu.memory_space<vmem>>, vector<16xf32>,
          tpu.vector_store %arg15[%swap3A_364, %swap3A_365], %mul3A_363 {strides = array<i32>} : memref<80x128xf32, #tpu.memory_space<vmem>>, vector<16xf32>,
          %mul3A_367 = arith.constant 16 : i32
          %mul3A_368 = arith.muli %scan3A_113, %mul3A_367 : i32
          %add3A_369 = arith.constant 3 : i32
          %add3A_370 = arith.addi %mul3A_368, %add3A_369 : i32
          %slice3A_371 = vector.extract_strided_slice %get3A_119 {offsets = [3], sizes = [1], strides = [1]} : vector<16xf32> to vector<1xf32>
          %squeeze3A_372 = vector.extract %slice3A_371[0] : f32 from vector<1xf32>
          %get3A_373 = arith.index_cast %add3A_370 : i32 to index
          %get3A_374 = arith.constant 0 : index
          %get3A_375 = tpu.vector_load %arg15[%get3A_373, %get3A_374] {strides = array<i32>} : memref<80x128xf32, #tpu.memory_space<vmem>>, vector<16xf32>,
          %mul3A_376 = vector.broadcast %squeeze3A_372 : f32 to vector<16xf32>
          %mul3A_377 = arith.mulf %get3A_375, %mul3A_376 : vector<16xf32>
          %swap3A_378 = arith.index_cast %add3A_370 : i32 to index
          %swap3A_379 = arith.constant 0 : index
          %swap3A_380 = tpu.vector_load %arg15[%swap3A_378, %swap3A_379] {strides = array<i32>} : memref<80x128xf32, #tpu.memory_space<vmem>>, vector<16xf32>,
          tpu.vector_store %arg15[%swap3A_378, %swap3A_379], %mul3A_377 {strides = array<i32>} : memref<80x128xf32, #tpu.memory_space<vmem>>, vector<16xf32>,
          %get3A_381 = arith.index_cast %add3A_370 : i32 to index
          %get3A_382 = arith.constant 16 : index
          %get3A_383 = tpu.vector_load %arg15[%get3A_381, %get3A_382] {strides = array<i32>} : memref<80x128xf32, #tpu.memory_space<vmem>>, vector<16xf32>,
          %mul3A_384 = vector.broadcast %squeeze3A_372 : f32 to vector<16xf32>
          %mul3A_385 = arith.mulf %get3A_383, %mul3A_384 : vector<16xf32>
          %swap3A_386 = arith.index_cast %add3A_370 : i32 to index
          %swap3A_387 = arith.constant 16 : index
          %swap3A_388 = tpu.vector_load %arg15[%swap3A_386, %swap3A_387] {strides = array<i32>} : memref<80x128xf32, #tpu.memory_space<vmem>>, vector<16xf32>,
          tpu.vector_store %arg15[%swap3A_386, %swap3A_387], %mul3A_385 {strides = array<i32>} : memref<80x128xf32, #tpu.memory_space<vmem>>, vector<16xf32>,
          %slice3A_389 = vector.extract_strided_slice %get3A_126 {offsets = [3], sizes = [1], strides = [1]} : vector<16xf32> to vector<1xf32>
          %squeeze3A_390 = vector.extract %slice3A_389[0] : f32 from vector<1xf32>
          %get3A_391 = arith.index_cast %add3A_370 : i32 to index
          %get3A_392 = arith.constant 32 : index
          %get3A_393 = tpu.vector_load %arg15[%get3A_391, %get3A_392] {strides = array<i32>} : memref<80x128xf32, #tpu.memory_space<vmem>>, vector<16xf32>,
          %mul3A_394 = vector.broadcast %squeeze3A_390 : f32 to vector<16xf32>
          %mul3A_395 = arith.mulf %get3A_393, %mul3A_394 : vector<16xf32>
          %swap3A_396 = arith.index_cast %add3A_370 : i32 to index
          %swap3A_397 = arith.constant 32 : index
          %swap3A_398 = tpu.vector_load %arg15[%swap3A_396, %swap3A_397] {strides = array<i32>} : memref<80x128xf32, #tpu.memory_space<vmem>>, vector<16xf32>,
          tpu.vector_store %arg15[%swap3A_396, %swap3A_397], %mul3A_395 {strides = array<i32>} : memref<80x128xf32, #tpu.memory_space<vmem>>, vector<16xf32>,
          %get3A_399 = arith.index_cast %add3A_370 : i32 to index
          %get3A_400 = arith.constant 48 : index
          %get3A_401 = tpu.vector_load %arg15[%get3A_399, %get3A_400] {strides = array<i32>} : memref<80x128xf32, #tpu.memory_space<vmem>>, vector<16xf32>,
          %mul3A_402 = vector.broadcast %squeeze3A_390 : f32 to vector<16xf32>
          %mul3A_403 = arith.mulf %get3A_401, %mul3A_402 : vector<16xf32>
          %swap3A_404 = arith.index_cast %add3A_370 : i32 to index
          %swap3A_405 = arith.constant 48 : index
          %swap3A_406 = tpu.vector_load %arg15[%swap3A_404, %swap3A_405] {strides = array<i32>} : memref<80x128xf32, #tpu.memory_space<vmem>>, vector<16xf32>,
          tpu.vector_store %arg15[%swap3A_404, %swap3A_405], %mul3A_403 {strides = array<i32>} : memref<80x128xf32, #tpu.memory_space<vmem>>, vector<16xf32>,
          %slice3A_407 = vector.extract_strided_slice %get3A_133 {offsets = [3], sizes = [1], strides = [1]} : vector<16xf32> to vector<1xf32>
          %squeeze3A_408 = vector.extract %slice3A_407[0] : f32 from vector<1xf32>
          %get3A_409 = arith.index_cast %add3A_370 : i32 to index
          %get3A_410 = arith.constant 64 : index
          %get3A_411 = tpu.vector_load %arg15[%get3A_409, %get3A_410] {strides = array<i32>} : memref<80x128xf32, #tpu.memory_space<vmem>>, vector<16xf32>,
          %mul3A_412 = vector.broadcast %squeeze3A_408 : f32 to vector<16xf32>
          %mul3A_413 = arith.mulf %get3A_411, %mul3A_412 : vector<16xf32>
          %swap3A_414 = arith.index_cast %add3A_370 : i32 to index
          %swap3A_415 = arith.constant 64 : index
          %swap3A_416 = tpu.vector_load %arg15[%swap3A_414, %swap3A_415] {strides = array<i32>} : memref<80x128xf32, #tpu.memory_space<vmem>>, vector<16xf32>,
          tpu.vector_store %arg15[%swap3A_414, %swap3A_415], %mul3A_413 {strides = array<i32>} : memref<80x128xf32, #tpu.memory_space<vmem>>, vector<16xf32>,
          %get3A_417 = arith.index_cast %add3A_370 : i32 to index
          %get3A_418 = arith.constant 80 : index
          %get3A_419 = tpu.vector_load %arg15[%get3A_417, %get3A_418] {strides = array<i32>} : memref<80x128xf32, #tpu.memory_space<vmem>>, vector<16xf32>,
          %mul3A_420 = vector.broadcast %squeeze3A_408 : f32 to vector<16xf32>
          %mul3A_421 = arith.mulf %get3A_419, %mul3A_420 : vector<16xf32>
          %swap3A_422 = arith.index_cast %add3A_370 : i32 to index
          %swap3A_423 = arith.constant 80 : index
          %swap3A_424 = tpu.vector_load %arg15[%swap3A_422, %swap3A_423] {strides = array<i32>} : memref<80x128xf32, #tpu.memory_space<vmem>>, vector<16xf32>,
          tpu.vector_store %arg15[%swap3A_422, %swap3A_423], %mul3A_421 {strides = array<i32>} : memref<80x128xf32, #tpu.memory_space<vmem>>, vector<16xf32>,
          %slice3A_425 = vector.extract_strided_slice %get3A_140 {offsets = [3], sizes = [1], strides = [1]} : vector<16xf32> to vector<1xf32>
          %squeeze3A_426 = vector.extract %slice3A_425[0] : f32 from vector<1xf32>
          %get3A_427 = arith.index_cast %add3A_370 : i32 to index
          %get3A_428 = arith.constant 96 : index
          %get3A_429 = tpu.vector_load %arg15[%get3A_427, %get3A_428] {strides = array<i32>} : memref<80x128xf32, #tpu.memory_space<vmem>>, vector<16xf32>,
          %mul3A_430 = vector.broadcast %squeeze3A_426 : f32 to vector<16xf32>
          %mul3A_431 = arith.mulf %get3A_429, %mul3A_430 : vector<16xf32>
          %swap3A_432 = arith.index_cast %add3A_370 : i32 to index
          %swap3A_433 = arith.constant 96 : index
          %swap3A_434 = tpu.vector_load %arg15[%swap3A_432, %swap3A_433] {strides = array<i32>} : memref<80x128xf32, #tpu.memory_space<vmem>>, vector<16xf32>,
          tpu.vector_store %arg15[%swap3A_432, %swap3A_433], %mul3A_431 {strides = array<i32>} : memref<80x128xf32, #tpu.memory_space<vmem>>, vector<16xf32>,
          %get3A_435 = arith.index_cast %add3A_370 : i32 to index
          %get3A_436 = arith.constant 112 : index
          %get3A_437 = tpu.vector_load %arg15[%get3A_435, %get3A_436] {strides = array<i32>} : memref<80x128xf32, #tpu.memory_space<vmem>>, vector<16xf32>,
          %mul3A_438 = vector.broadcast %squeeze3A_426 : f32 to vector<16xf32>
          %mul3A_439 = arith.mulf %get3A_437, %mul3A_438 : vector<16xf32>
          %swap3A_440 = arith.index_cast %add3A_370 : i32 to index
          %swap3A_441 = arith.constant 112 : index
          %swap3A_442 = tpu.vector_load %arg15[%swap3A_440, %swap3A_441] {strides = array<i32>} : memref<80x128xf32, #tpu.memory_space<vmem>>, vector<16xf32>,
          tpu.vector_store %arg15[%swap3A_440, %swap3A_441], %mul3A_439 {strides = array<i32>} : memref<80x128xf32, #tpu.memory_space<vmem>>, vector<16xf32>,
          %mul3A_443 = arith.constant 16 : i32
          %mul3A_444 = arith.muli %scan3A_113, %mul3A_443 : i32
          %add3A_445 = arith.constant 4 : i32
          %add3A_446 = arith.addi %mul3A_444, %add3A_445 : i32
          %slice3A_447 = vector.extract_strided_slice %get3A_119 {offsets = [4], sizes = [1], strides = [1]} : vector<16xf32> to vector<1xf32>
          %squeeze3A_448 = vector.extract %slice3A_447[0] : f32 from vector<1xf32>
          %get3A_449 = arith.index_cast %add3A_446 : i32 to index
          %get3A_450 = arith.constant 0 : index
          %get3A_451 = tpu.vector_load %arg15[%get3A_449, %get3A_450] {strides = array<i32>} : memref<80x128xf32, #tpu.memory_space<vmem>>, vector<16xf32>,
          %mul3A_452 = vector.broadcast %squeeze3A_448 : f32 to vector<16xf32>
          %mul3A_453 = arith.mulf %get3A_451, %mul3A_452 : vector<16xf32>
          %swap3A_454 = arith.index_cast %add3A_446 : i32 to index
          %swap3A_455 = arith.constant 0 : index
          %swap3A_456 = tpu.vector_load %arg15[%swap3A_454, %swap3A_455] {strides = array<i32>} : memref<80x128xf32, #tpu.memory_space<vmem>>, vector<16xf32>,
          tpu.vector_store %arg15[%swap3A_454, %swap3A_455], %mul3A_453 {strides = array<i32>} : memref<80x128xf32, #tpu.memory_space<vmem>>, vector<16xf32>,
          %get3A_457 = arith.index_cast %add3A_446 : i32 to index
          %get3A_458 = arith.constant 16 : index
          %get3A_459 = tpu.vector_load %arg15[%get3A_457, %get3A_458] {strides = array<i32>} : memref<80x128xf32, #tpu.memory_space<vmem>>, vector<16xf32>,
          %mul3A_460 = vector.broadcast %squeeze3A_448 : f32 to vector<16xf32>
          %mul3A_461 = arith.mulf %get3A_459, %mul3A_460 : vector<16xf32>
          %swap3A_462 = arith.index_cast %add3A_446 : i32 to index
          %swap3A_463 = arith.constant 16 : index
          %swap3A_464 = tpu.vector_load %arg15[%swap3A_462, %swap3A_463] {strides = array<i32>} : memref<80x128xf32, #tpu.memory_space<vmem>>, vector<16xf32>,
          tpu.vector_store %arg15[%swap3A_462, %swap3A_463], %mul3A_461 {strides = array<i32>} : memref<80x128xf32, #tpu.memory_space<vmem>>, vector<16xf32>,
          %slice3A_465 = vector.extract_strided_slice %get3A_126 {offsets = [4], sizes = [1], strides = [1]} : vector<16xf32> to vector<1xf32>
          %squeeze3A_466 = vector.extract %slice3A_465[0] : f32 from vector<1xf32>
          %get3A_467 = arith.index_cast %add3A_446 : i32 to index
          %get3A_468 = arith.constant 32 : index
          %get3A_469 = tpu.vector_load %arg15[%get3A_467, %get3A_468] {strides = array<i32>} : memref<80x128xf32, #tpu.memory_space<vmem>>, vector<16xf32>,
          %mul3A_470 = vector.broadcast %squeeze3A_466 : f32 to vector<16xf32>
          %mul3A_471 = arith.mulf %get3A_469, %mul3A_470 : vector<16xf32>
          %swap3A_472 = arith.index_cast %add3A_446 : i32 to index
          %swap3A_473 = arith.constant 32 : index
          %swap3A_474 = tpu.vector_load %arg15[%swap3A_472, %swap3A_473] {strides = array<i32>} : memref<80x128xf32, #tpu.memory_space<vmem>>, vector<16xf32>,
          tpu.vector_store %arg15[%swap3A_472, %swap3A_473], %mul3A_471 {strides = array<i32>} : memref<80x128xf32, #tpu.memory_space<vmem>>, vector<16xf32>,
          %get3A_475 = arith.index_cast %add3A_446 : i32 to index
          %get3A_476 = arith.constant 48 : index
          %get3A_477 = tpu.vector_load %arg15[%get3A_475, %get3A_476] {strides = array<i32>} : memref<80x128xf32, #tpu.memory_space<vmem>>, vector<16xf32>,
          %mul3A_478 = vector.broadcast %squeeze3A_466 : f32 to vector<16xf32>
          %mul3A_479 = arith.mulf %get3A_477, %mul3A_478 : vector<16xf32>
          %swap3A_480 = arith.index_cast %add3A_446 : i32 to index
          %swap3A_481 = arith.constant 48 : index
          %swap3A_482 = tpu.vector_load %arg15[%swap3A_480, %swap3A_481] {strides = array<i32>} : memref<80x128xf32, #tpu.memory_space<vmem>>, vector<16xf32>,
          tpu.vector_store %arg15[%swap3A_480, %swap3A_481], %mul3A_479 {strides = array<i32>} : memref<80x128xf32, #tpu.memory_space<vmem>>, vector<16xf32>,
          %slice3A_483 = vector.extract_strided_slice %get3A_133 {offsets = [4], sizes = [1], strides = [1]} : vector<16xf32> to vector<1xf32>
          %squeeze3A_484 = vector.extract %slice3A_483[0] : f32 from vector<1xf32>
          %get3A_485 = arith.index_cast %add3A_446 : i32 to index
          %get3A_486 = arith.constant 64 : index
          %get3A_487 = tpu.vector_load %arg15[%get3A_485, %get3A_486] {strides = array<i32>} : memref<80x128xf32, #tpu.memory_space<vmem>>, vector<16xf32>,
          %mul3A_488 = vector.broadcast %squeeze3A_484 : f32 to vector<16xf32>
          %mul3A_489 = arith.mulf %get3A_487, %mul3A_488 : vector<16xf32>
          %swap3A_490 = arith.index_cast %add3A_446 : i32 to index
          %swap3A_491 = arith.constant 64 : index
          %swap3A_492 = tpu.vector_load %arg15[%swap3A_490, %swap3A_491] {strides = array<i32>} : memref<80x128xf32, #tpu.memory_space<vmem>>, vector<16xf32>,
          tpu.vector_store %arg15[%swap3A_490, %swap3A_491], %mul3A_489 {strides = array<i32>} : memref<80x128xf32, #tpu.memory_space<vmem>>, vector<16xf32>,
          %get3A_493 = arith.index_cast %add3A_446 : i32 to index
          %get3A_494 = arith.constant 80 : index
          %get3A_495 = tpu.vector_load %arg15[%get3A_493, %get3A_494] {strides = array<i32>} : memref<80x128xf32, #tpu.memory_space<vmem>>, vector<16xf32>,
          %mul3A_496 = vector.broadcast %squeeze3A_484 : f32 to vector<16xf32>
          %mul3A_497 = arith.mulf %get3A_495, %mul3A_496 : vector<16xf32>
          %swap3A_498 = arith.index_cast %add3A_446 : i32 to index
          %swap3A_499 = arith.constant 80 : index
          %swap3A_500 = tpu.vector_load %arg15[%swap3A_498, %swap3A_499] {strides = array<i32>} : memref<80x128xf32, #tpu.memory_space<vmem>>, vector<16xf32>,
          tpu.vector_store %arg15[%swap3A_498, %swap3A_499], %mul3A_497 {strides = array<i32>} : memref<80x128xf32, #tpu.memory_space<vmem>>, vector<16xf32>,
          %slice3A_501 = vector.extract_strided_slice %get3A_140 {offsets = [4], sizes = [1], strides = [1]} : vector<16xf32> to vector<1xf32>
          %squeeze3A_502 = vector.extract %slice3A_501[0] : f32 from vector<1xf32>
          %get3A_503 = arith.index_cast %add3A_446 : i32 to index
          %get3A_504 = arith.constant 96 : index
          %get3A_505 = tpu.vector_load %arg15[%get3A_503, %get3A_504] {strides = array<i32>} : memref<80x128xf32, #tpu.memory_space<vmem>>, vector<16xf32>,
          %mul3A_506 = vector.broadcast %squeeze3A_502 : f32 to vector<16xf32>
          %mul3A_507 = arith.mulf %get3A_505, %mul3A_506 : vector<16xf32>
          %swap3A_508 = arith.index_cast %add3A_446 : i32 to index
          %swap3A_509 = arith.constant 96 : index
          %swap3A_510 = tpu.vector_load %arg15[%swap3A_508, %swap3A_509] {strides = array<i32>} : memref<80x128xf32, #tpu.memory_space<vmem>>, vector<16xf32>,
          tpu.vector_store %arg15[%swap3A_508, %swap3A_509], %mul3A_507 {strides = array<i32>} : memref<80x128xf32, #tpu.memory_space<vmem>>, vector<16xf32>,
          %get3A_511 = arith.index_cast %add3A_446 : i32 to index
          %get3A_512 = arith.constant 112 : index
          %get3A_513 = tpu.vector_load %arg15[%get3A_511, %get3A_512] {strides = array<i32>} : memref<80x128xf32, #tpu.memory_space<vmem>>, vector<16xf32>,
          %mul3A_514 = vector.broadcast %squeeze3A_502 : f32 to vector<16xf32>
          %mul3A_515 = arith.mulf %get3A_513, %mul3A_514 : vector<16xf32>
          %swap3A_516 = arith.index_cast %add3A_446 : i32 to index
          %swap3A_517 = arith.constant 112 : index
          %swap3A_518 = tpu.vector_load %arg15[%swap3A_516, %swap3A_517] {strides = array<i32>} : memref<80x128xf32, #tpu.memory_space<vmem>>, vector<16xf32>,
          tpu.vector_store %arg15[%swap3A_516, %swap3A_517], %mul3A_515 {strides = array<i32>} : memref<80x128xf32, #tpu.memory_space<vmem>>, vector<16xf32>,
          %mul3A_519 = arith.constant 16 : i32
          %mul3A_520 = arith.muli %scan3A_113, %mul3A_519 : i32
          %add3A_521 = arith.constant 5 : i32
          %add3A_522 = arith.addi %mul3A_520, %add3A_521 : i32
          %slice3A_523 = vector.extract_strided_slice %get3A_119 {offsets = [5], sizes = [1], strides = [1]} : vector<16xf32> to vector<1xf32>
          %squeeze3A_524 = vector.extract %slice3A_523[0] : f32 from vector<1xf32>
          %get3A_525 = arith.index_cast %add3A_522 : i32 to index
          %get3A_526 = arith.constant 0 : index
          %get3A_527 = tpu.vector_load %arg15[%get3A_525, %get3A_526] {strides = array<i32>} : memref<80x128xf32, #tpu.memory_space<vmem>>, vector<16xf32>,
          %mul3A_528 = vector.broadcast %squeeze3A_524 : f32 to vector<16xf32>
          %mul3A_529 = arith.mulf %get3A_527, %mul3A_528 : vector<16xf32>
          %swap3A_530 = arith.index_cast %add3A_522 : i32 to index
          %swap3A_531 = arith.constant 0 : index
          %swap3A_532 = tpu.vector_load %arg15[%swap3A_530, %swap3A_531] {strides = array<i32>} : memref<80x128xf32, #tpu.memory_space<vmem>>, vector<16xf32>,
          tpu.vector_store %arg15[%swap3A_530, %swap3A_531], %mul3A_529 {strides = array<i32>} : memref<80x128xf32, #tpu.memory_space<vmem>>, vector<16xf32>,
          %get3A_533 = arith.index_cast %add3A_522 : i32 to index
          %get3A_534 = arith.constant 16 : index
          %get3A_535 = tpu.vector_load %arg15[%get3A_533, %get3A_534] {strides = array<i32>} : memref<80x128xf32, #tpu.memory_space<vmem>>, vector<16xf32>,
          %mul3A_536 = vector.broadcast %squeeze3A_524 : f32 to vector<16xf32>
          %mul3A_537 = arith.mulf %get3A_535, %mul3A_536 : vector<16xf32>
          %swap3A_538 = arith.index_cast %add3A_522 : i32 to index
          %swap3A_539 = arith.constant 16 : index
          %swap3A_540 = tpu.vector_load %arg15[%swap3A_538, %swap3A_539] {strides = array<i32>} : memref<80x128xf32, #tpu.memory_space<vmem>>, vector<16xf32>,
          tpu.vector_store %arg15[%swap3A_538, %swap3A_539], %mul3A_537 {strides = array<i32>} : memref<80x128xf32, #tpu.memory_space<vmem>>, vector<16xf32>,
          %slice3A_541 = vector.extract_strided_slice %get3A_126 {offsets = [5], sizes = [1], strides = [1]} : vector<16xf32> to vector<1xf32>
          %squeeze3A_542 = vector.extract %slice3A_541[0] : f32 from vector<1xf32>
          %get3A_543 = arith.index_cast %add3A_522 : i32 to index
          %get3A_544 = arith.constant 32 : index
          %get3A_545 = tpu.vector_load %arg15[%get3A_543, %get3A_544] {strides = array<i32>} : memref<80x128xf32, #tpu.memory_space<vmem>>, vector<16xf32>,
          %mul3A_546 = vector.broadcast %squeeze3A_542 : f32 to vector<16xf32>
          %mul3A_547 = arith.mulf %get3A_545, %mul3A_546 : vector<16xf32>
          %swap3A_548 = arith.index_cast %add3A_522 : i32 to index
          %swap3A_549 = arith.constant 32 : index
          %swap3A_550 = tpu.vector_load %arg15[%swap3A_548, %swap3A_549] {strides = array<i32>} : memref<80x128xf32, #tpu.memory_space<vmem>>, vector<16xf32>,
          tpu.vector_store %arg15[%swap3A_548, %swap3A_549], %mul3A_547 {strides = array<i32>} : memref<80x128xf32, #tpu.memory_space<vmem>>, vector<16xf32>,
          %get3A_551 = arith.index_cast %add3A_522 : i32 to index
          %get3A_552 = arith.constant 48 : index
          %get3A_553 = tpu.vector_load %arg15[%get3A_551, %get3A_552] {strides = array<i32>} : memref<80x128xf32, #tpu.memory_space<vmem>>, vector<16xf32>,
          %mul3A_554 = vector.broadcast %squeeze3A_542 : f32 to vector<16xf32>
          %mul3A_555 = arith.mulf %get3A_553, %mul3A_554 : vector<16xf32>
          %swap3A_556 = arith.index_cast %add3A_522 : i32 to index
          %swap3A_557 = arith.constant 48 : index
          %swap3A_558 = tpu.vector_load %arg15[%swap3A_556, %swap3A_557] {strides = array<i32>} : memref<80x128xf32, #tpu.memory_space<vmem>>, vector<16xf32>,
          tpu.vector_store %arg15[%swap3A_556, %swap3A_557], %mul3A_555 {strides = array<i32>} : memref<80x128xf32, #tpu.memory_space<vmem>>, vector<16xf32>,
          %slice3A_559 = vector.extract_strided_slice %get3A_133 {offsets = [5], sizes = [1], strides = [1]} : vector<16xf32> to vector<1xf32>
          %squeeze3A_560 = vector.extract %slice3A_559[0] : f32 from vector<1xf32>
          %get3A_561 = arith.index_cast %add3A_522 : i32 to index
          %get3A_562 = arith.constant 64 : index
          %get3A_563 = tpu.vector_load %arg15[%get3A_561, %get3A_562] {strides = array<i32>} : memref<80x128xf32, #tpu.memory_space<vmem>>, vector<16xf32>,
          %mul3A_564 = vector.broadcast %squeeze3A_560 : f32 to vector<16xf32>
          %mul3A_565 = arith.mulf %get3A_563, %mul3A_564 : vector<16xf32>
          %swap3A_566 = arith.index_cast %add3A_522 : i32 to index
          %swap3A_567 = arith.constant 64 : index
          %swap3A_568 = tpu.vector_load %arg15[%swap3A_566, %swap3A_567] {strides = array<i32>} : memref<80x128xf32, #tpu.memory_space<vmem>>, vector<16xf32>,
          tpu.vector_store %arg15[%swap3A_566, %swap3A_567], %mul3A_565 {strides = array<i32>} : memref<80x128xf32, #tpu.memory_space<vmem>>, vector<16xf32>,
          %get3A_569 = arith.index_cast %add3A_522 : i32 to index
          %get3A_570 = arith.constant 80 : index
          %get3A_571 = tpu.vector_load %arg15[%get3A_569, %get3A_570] {strides = array<i32>} : memref<80x128xf32, #tpu.memory_space<vmem>>, vector<16xf32>,
          %mul3A_572 = vector.broadcast %squeeze3A_560 : f32 to vector<16xf32>
          %mul3A_573 = arith.mulf %get3A_571, %mul3A_572 : vector<16xf32>
          %swap3A_574 = arith.index_cast %add3A_522 : i32 to index
          %swap3A_575 = arith.constant 80 : index
          %swap3A_576 = tpu.vector_load %arg15[%swap3A_574, %swap3A_575] {strides = array<i32>} : memref<80x128xf32, #tpu.memory_space<vmem>>, vector<16xf32>,
          tpu.vector_store %arg15[%swap3A_574, %swap3A_575], %mul3A_573 {strides = array<i32>} : memref<80x128xf32, #tpu.memory_space<vmem>>, vector<16xf32>,
          %slice3A_577 = vector.extract_strided_slice %get3A_140 {offsets = [5], sizes = [1], strides = [1]} : vector<16xf32> to vector<1xf32>
          %squeeze3A_578 = vector.extract %slice3A_577[0] : f32 from vector<1xf32>
          %get3A_579 = arith.index_cast %add3A_522 : i32 to index
          %get3A_580 = arith.constant 96 : index
          %get3A_581 = tpu.vector_load %arg15[%get3A_579, %get3A_580] {strides = array<i32>} : memref<80x128xf32, #tpu.memory_space<vmem>>, vector<16xf32>,
          %mul3A_582 = vector.broadcast %squeeze3A_578 : f32 to vector<16xf32>
          %mul3A_583 = arith.mulf %get3A_581, %mul3A_582 : vector<16xf32>
          %swap3A_584 = arith.index_cast %add3A_522 : i32 to index
          %swap3A_585 = arith.constant 96 : index
          %swap3A_586 = tpu.vector_load %arg15[%swap3A_584, %swap3A_585] {strides = array<i32>} : memref<80x128xf32, #tpu.memory_space<vmem>>, vector<16xf32>,
          tpu.vector_store %arg15[%swap3A_584, %swap3A_585], %mul3A_583 {strides = array<i32>} : memref<80x128xf32, #tpu.memory_space<vmem>>, vector<16xf32>,
          %get3A_587 = arith.index_cast %add3A_522 : i32 to index
          %get3A_588 = arith.constant 112 : index
          %get3A_589 = tpu.vector_load %arg15[%get3A_587, %get3A_588] {strides = array<i32>} : memref<80x128xf32, #tpu.memory_space<vmem>>, vector<16xf32>,
          %mul3A_590 = vector.broadcast %squeeze3A_578 : f32 to vector<16xf32>
          %mul3A_591 = arith.mulf %get3A_589, %mul3A_590 : vector<16xf32>
          %swap3A_592 = arith.index_cast %add3A_522 : i32 to index
          %swap3A_593 = arith.constant 112 : index
          %swap3A_594 = tpu.vector_load %arg15[%swap3A_592, %swap3A_593] {strides = array<i32>} : memref<80x128xf32, #tpu.memory_space<vmem>>, vector<16xf32>,
          tpu.vector_store %arg15[%swap3A_592, %swap3A_593], %mul3A_591 {strides = array<i32>} : memref<80x128xf32, #tpu.memory_space<vmem>>, vector<16xf32>,
          %mul3A_595 = arith.constant 16 : i32
          %mul3A_596 = arith.muli %scan3A_113, %mul3A_595 : i32
          %add3A_597 = arith.constant 6 : i32
          %add3A_598 = arith.addi %mul3A_596, %add3A_597 : i32
          %slice3A_599 = vector.extract_strided_slice %get3A_119 {offsets = [6], sizes = [1], strides = [1]} : vector<16xf32> to vector<1xf32>
          %squeeze3A_600 = vector.extract %slice3A_599[0] : f32 from vector<1xf32>
          %get3A_601 = arith.index_cast %add3A_598 : i32 to index
          %get3A_602 = arith.constant 0 : index
          %get3A_603 = tpu.vector_load %arg15[%get3A_601, %get3A_602] {strides = array<i32>} : memref<80x128xf32, #tpu.memory_space<vmem>>, vector<16xf32>,
          %mul3A_604 = vector.broadcast %squeeze3A_600 : f32 to vector<16xf32>
          %mul3A_605 = arith.mulf %get3A_603, %mul3A_604 : vector<16xf32>
          %swap3A_606 = arith.index_cast %add3A_598 : i32 to index
          %swap3A_607 = arith.constant 0 : index
          %swap3A_608 = tpu.vector_load %arg15[%swap3A_606, %swap3A_607] {strides = array<i32>} : memref<80x128xf32, #tpu.memory_space<vmem>>, vector<16xf32>,
          tpu.vector_store %arg15[%swap3A_606, %swap3A_607], %mul3A_605 {strides = array<i32>} : memref<80x128xf32, #tpu.memory_space<vmem>>, vector<16xf32>,
          %get3A_609 = arith.index_cast %add3A_598 : i32 to index
          %get3A_610 = arith.constant 16 : index
          %get3A_611 = tpu.vector_load %arg15[%get3A_609, %get3A_610] {strides = array<i32>} : memref<80x128xf32, #tpu.memory_space<vmem>>, vector<16xf32>,
          %mul3A_612 = vector.broadcast %squeeze3A_600 : f32 to vector<16xf32>
          %mul3A_613 = arith.mulf %get3A_611, %mul3A_612 : vector<16xf32>
          %swap3A_614 = arith.index_cast %add3A_598 : i32 to index
          %swap3A_615 = arith.constant 16 : index
          %swap3A_616 = tpu.vector_load %arg15[%swap3A_614, %swap3A_615] {strides = array<i32>} : memref<80x128xf32, #tpu.memory_space<vmem>>, vector<16xf32>,
          tpu.vector_store %arg15[%swap3A_614, %swap3A_615], %mul3A_613 {strides = array<i32>} : memref<80x128xf32, #tpu.memory_space<vmem>>, vector<16xf32>,
          %slice3A_617 = vector.extract_strided_slice %get3A_126 {offsets = [6], sizes = [1], strides = [1]} : vector<16xf32> to vector<1xf32>
          %squeeze3A_618 = vector.extract %slice3A_617[0] : f32 from vector<1xf32>
          %get3A_619 = arith.index_cast %add3A_598 : i32 to index
          %get3A_620 = arith.constant 32 : index
          %get3A_621 = tpu.vector_load %arg15[%get3A_619, %get3A_620] {strides = array<i32>} : memref<80x128xf32, #tpu.memory_space<vmem>>, vector<16xf32>,
          %mul3A_622 = vector.broadcast %squeeze3A_618 : f32 to vector<16xf32>
          %mul3A_623 = arith.mulf %get3A_621, %mul3A_622 : vector<16xf32>
          %swap3A_624 = arith.index_cast %add3A_598 : i32 to index
          %swap3A_625 = arith.constant 32 : index
          %swap3A_626 = tpu.vector_load %arg15[%swap3A_624, %swap3A_625] {strides = array<i32>} : memref<80x128xf32, #tpu.memory_space<vmem>>, vector<16xf32>,
          tpu.vector_store %arg15[%swap3A_624, %swap3A_625], %mul3A_623 {strides = array<i32>} : memref<80x128xf32, #tpu.memory_space<vmem>>, vector<16xf32>,
          %get3A_627 = arith.index_cast %add3A_598 : i32 to index
          %get3A_628 = arith.constant 48 : index
          %get3A_629 = tpu.vector_load %arg15[%get3A_627, %get3A_628] {strides = array<i32>} : memref<80x128xf32, #tpu.memory_space<vmem>>, vector<16xf32>,
          %mul3A_630 = vector.broadcast %squeeze3A_618 : f32 to vector<16xf32>
          %mul3A_631 = arith.mulf %get3A_629, %mul3A_630 : vector<16xf32>
          %swap3A_632 = arith.index_cast %add3A_598 : i32 to index
          %swap3A_633 = arith.constant 48 : index
          %swap3A_634 = tpu.vector_load %arg15[%swap3A_632, %swap3A_633] {strides = array<i32>} : memref<80x128xf32, #tpu.memory_space<vmem>>, vector<16xf32>,
          tpu.vector_store %arg15[%swap3A_632, %swap3A_633], %mul3A_631 {strides = array<i32>} : memref<80x128xf32, #tpu.memory_space<vmem>>, vector<16xf32>,
          %slice3A_635 = vector.extract_strided_slice %get3A_133 {offsets = [6], sizes = [1], strides = [1]} : vector<16xf32> to vector<1xf32>
          %squeeze3A_636 = vector.extract %slice3A_635[0] : f32 from vector<1xf32>
          %get3A_637 = arith.index_cast %add3A_598 : i32 to index
          %get3A_638 = arith.constant 64 : index
          %get3A_639 = tpu.vector_load %arg15[%get3A_637, %get3A_638] {strides = array<i32>} : memref<80x128xf32, #tpu.memory_space<vmem>>, vector<16xf32>,
          %mul3A_640 = vector.broadcast %squeeze3A_636 : f32 to vector<16xf32>
          %mul3A_641 = arith.mulf %get3A_639, %mul3A_640 : vector<16xf32>
          %swap3A_642 = arith.index_cast %add3A_598 : i32 to index
          %swap3A_643 = arith.constant 64 : index
          %swap3A_644 = tpu.vector_load %arg15[%swap3A_642, %swap3A_643] {strides = array<i32>} : memref<80x128xf32, #tpu.memory_space<vmem>>, vector<16xf32>,
          tpu.vector_store %arg15[%swap3A_642, %swap3A_643], %mul3A_641 {strides = array<i32>} : memref<80x128xf32, #tpu.memory_space<vmem>>, vector<16xf32>,
          %get3A_645 = arith.index_cast %add3A_598 : i32 to index
          %get3A_646 = arith.constant 80 : index
          %get3A_647 = tpu.vector_load %arg15[%get3A_645, %get3A_646] {strides = array<i32>} : memref<80x128xf32, #tpu.memory_space<vmem>>, vector<16xf32>,
          %mul3A_648 = vector.broadcast %squeeze3A_636 : f32 to vector<16xf32>
          %mul3A_649 = arith.mulf %get3A_647, %mul3A_648 : vector<16xf32>
          %swap3A_650 = arith.index_cast %add3A_598 : i32 to index
          %swap3A_651 = arith.constant 80 : index
          %swap3A_652 = tpu.vector_load %arg15[%swap3A_650, %swap3A_651] {strides = array<i32>} : memref<80x128xf32, #tpu.memory_space<vmem>>, vector<16xf32>,
          tpu.vector_store %arg15[%swap3A_650, %swap3A_651], %mul3A_649 {strides = array<i32>} : memref<80x128xf32, #tpu.memory_space<vmem>>, vector<16xf32>,
          %slice3A_653 = vector.extract_strided_slice %get3A_140 {offsets = [6], sizes = [1], strides = [1]} : vector<16xf32> to vector<1xf32>
          %squeeze3A_654 = vector.extract %slice3A_653[0] : f32 from vector<1xf32>
          %get3A_655 = arith.index_cast %add3A_598 : i32 to index
          %get3A_656 = arith.constant 96 : index
          %get3A_657 = tpu.vector_load %arg15[%get3A_655, %get3A_656] {strides = array<i32>} : memref<80x128xf32, #tpu.memory_space<vmem>>, vector<16xf32>,
          %mul3A_658 = vector.broadcast %squeeze3A_654 : f32 to vector<16xf32>
          %mul3A_659 = arith.mulf %get3A_657, %mul3A_658 : vector<16xf32>
          %swap3A_660 = arith.index_cast %add3A_598 : i32 to index
          %swap3A_661 = arith.constant 96 : index
          %swap3A_662 = tpu.vector_load %arg15[%swap3A_660, %swap3A_661] {strides = array<i32>} : memref<80x128xf32, #tpu.memory_space<vmem>>, vector<16xf32>,
          tpu.vector_store %arg15[%swap3A_660, %swap3A_661], %mul3A_659 {strides = array<i32>} : memref<80x128xf32, #tpu.memory_space<vmem>>, vector<16xf32>,
          %get3A_663 = arith.index_cast %add3A_598 : i32 to index
          %get3A_664 = arith.constant 112 : index
          %get3A_665 = tpu.vector_load %arg15[%get3A_663, %get3A_664] {strides = array<i32>} : memref<80x128xf32, #tpu.memory_space<vmem>>, vector<16xf32>,
          %mul3A_666 = vector.broadcast %squeeze3A_654 : f32 to vector<16xf32>
          %mul3A_667 = arith.mulf %get3A_665, %mul3A_666 : vector<16xf32>
          %swap3A_668 = arith.index_cast %add3A_598 : i32 to index
          %swap3A_669 = arith.constant 112 : index
          %swap3A_670 = tpu.vector_load %arg15[%swap3A_668, %swap3A_669] {strides = array<i32>} : memref<80x128xf32, #tpu.memory_space<vmem>>, vector<16xf32>,
          tpu.vector_store %arg15[%swap3A_668, %swap3A_669], %mul3A_667 {strides = array<i32>} : memref<80x128xf32, #tpu.memory_space<vmem>>, vector<16xf32>,
          %mul3A_671 = arith.constant 16 : i32
          %mul3A_672 = arith.muli %scan3A_113, %mul3A_671 : i32
          %add3A_673 = arith.constant 7 : i32
          %add3A_674 = arith.addi %mul3A_672, %add3A_673 : i32
          %slice3A_675 = vector.extract_strided_slice %get3A_119 {offsets = [7], sizes = [1], strides = [1]} : vector<16xf32> to vector<1xf32>
          %squeeze3A_676 = vector.extract %slice3A_675[0] : f32 from vector<1xf32>
          %get3A_677 = arith.index_cast %add3A_674 : i32 to index
          %get3A_678 = arith.constant 0 : index
          %get3A_679 = tpu.vector_load %arg15[%get3A_677, %get3A_678] {strides = array<i32>} : memref<80x128xf32, #tpu.memory_space<vmem>>, vector<16xf32>,
          %mul3A_680 = vector.broadcast %squeeze3A_676 : f32 to vector<16xf32>
          %mul3A_681 = arith.mulf %get3A_679, %mul3A_680 : vector<16xf32>
          %swap3A_682 = arith.index_cast %add3A_674 : i32 to index
          %swap3A_683 = arith.constant 0 : index
          %swap3A_684 = tpu.vector_load %arg15[%swap3A_682, %swap3A_683] {strides = array<i32>} : memref<80x128xf32, #tpu.memory_space<vmem>>, vector<16xf32>,
          tpu.vector_store %arg15[%swap3A_682, %swap3A_683], %mul3A_681 {strides = array<i32>} : memref<80x128xf32, #tpu.memory_space<vmem>>, vector<16xf32>,
          %get3A_685 = arith.index_cast %add3A_674 : i32 to index
          %get3A_686 = arith.constant 16 : index
          %get3A_687 = tpu.vector_load %arg15[%get3A_685, %get3A_686] {strides = array<i32>} : memref<80x128xf32, #tpu.memory_space<vmem>>, vector<16xf32>,
          %mul3A_688 = vector.broadcast %squeeze3A_676 : f32 to vector<16xf32>
          %mul3A_689 = arith.mulf %get3A_687, %mul3A_688 : vector<16xf32>
          %swap3A_690 = arith.index_cast %add3A_674 : i32 to index
          %swap3A_691 = arith.constant 16 : index
          %swap3A_692 = tpu.vector_load %arg15[%swap3A_690, %swap3A_691] {strides = array<i32>} : memref<80x128xf32, #tpu.memory_space<vmem>>, vector<16xf32>,
          tpu.vector_store %arg15[%swap3A_690, %swap3A_691], %mul3A_689 {strides = array<i32>} : memref<80x128xf32, #tpu.memory_space<vmem>>, vector<16xf32>,
          %slice3A_693 = vector.extract_strided_slice %get3A_126 {offsets = [7], sizes = [1], strides = [1]} : vector<16xf32> to vector<1xf32>
          %squeeze3A_694 = vector.extract %slice3A_693[0] : f32 from vector<1xf32>
          %get3A_695 = arith.index_cast %add3A_674 : i32 to index
          %get3A_696 = arith.constant 32 : index
          %get3A_697 = tpu.vector_load %arg15[%get3A_695, %get3A_696] {strides = array<i32>} : memref<80x128xf32, #tpu.memory_space<vmem>>, vector<16xf32>,
          %mul3A_698 = vector.broadcast %squeeze3A_694 : f32 to vector<16xf32>
          %mul3A_699 = arith.mulf %get3A_697, %mul3A_698 : vector<16xf32>
          %swap3A_700 = arith.index_cast %add3A_674 : i32 to index
          %swap3A_701 = arith.constant 32 : index
          %swap3A_702 = tpu.vector_load %arg15[%swap3A_700, %swap3A_701] {strides = array<i32>} : memref<80x128xf32, #tpu.memory_space<vmem>>, vector<16xf32>,
          tpu.vector_store %arg15[%swap3A_700, %swap3A_701], %mul3A_699 {strides = array<i32>} : memref<80x128xf32, #tpu.memory_space<vmem>>, vector<16xf32>,
          %get3A_703 = arith.index_cast %add3A_674 : i32 to index
          %get3A_704 = arith.constant 48 : index
          %get3A_705 = tpu.vector_load %arg15[%get3A_703, %get3A_704] {strides = array<i32>} : memref<80x128xf32, #tpu.memory_space<vmem>>, vector<16xf32>,
          %mul3A_706 = vector.broadcast %squeeze3A_694 : f32 to vector<16xf32>
          %mul3A_707 = arith.mulf %get3A_705, %mul3A_706 : vector<16xf32>
          %swap3A_708 = arith.index_cast %add3A_674 : i32 to index
          %swap3A_709 = arith.constant 48 : index
          %swap3A_710 = tpu.vector_load %arg15[%swap3A_708, %swap3A_709] {strides = array<i32>} : memref<80x128xf32, #tpu.memory_space<vmem>>, vector<16xf32>,
          tpu.vector_store %arg15[%swap3A_708, %swap3A_709], %mul3A_707 {strides = array<i32>} : memref<80x128xf32, #tpu.memory_space<vmem>>, vector<16xf32>,
          %slice3A_711 = vector.extract_strided_slice %get3A_133 {offsets = [7], sizes = [1], strides = [1]} : vector<16xf32> to vector<1xf32>
          %squeeze3A_712 = vector.extract %slice3A_711[0] : f32 from vector<1xf32>
          %get3A_713 = arith.index_cast %add3A_674 : i32 to index
          %get3A_714 = arith.constant 64 : index
          %get3A_715 = tpu.vector_load %arg15[%get3A_713, %get3A_714] {strides = array<i32>} : memref<80x128xf32, #tpu.memory_space<vmem>>, vector<16xf32>,
          %mul3A_716 = vector.broadcast %squeeze3A_712 : f32 to vector<16xf32>
          %mul3A_717 = arith.mulf %get3A_715, %mul3A_716 : vector<16xf32>
          %swap3A_718 = arith.index_cast %add3A_674 : i32 to index
          %swap3A_719 = arith.constant 64 : index
          %swap3A_720 = tpu.vector_load %arg15[%swap3A_718, %swap3A_719] {strides = array<i32>} : memref<80x128xf32, #tpu.memory_space<vmem>>, vector<16xf32>,
          tpu.vector_store %arg15[%swap3A_718, %swap3A_719], %mul3A_717 {strides = array<i32>} : memref<80x128xf32, #tpu.memory_space<vmem>>, vector<16xf32>,
          %get3A_721 = arith.index_cast %add3A_674 : i32 to index
          %get3A_722 = arith.constant 80 : index
          %get3A_723 = tpu.vector_load %arg15[%get3A_721, %get3A_722] {strides = array<i32>} : memref<80x128xf32, #tpu.memory_space<vmem>>, vector<16xf32>,
          %mul3A_724 = vector.broadcast %squeeze3A_712 : f32 to vector<16xf32>
          %mul3A_725 = arith.mulf %get3A_723, %mul3A_724 : vector<16xf32>
          %swap3A_726 = arith.index_cast %add3A_674 : i32 to index
          %swap3A_727 = arith.constant 80 : index
          %swap3A_728 = tpu.vector_load %arg15[%swap3A_726, %swap3A_727] {strides = array<i32>} : memref<80x128xf32, #tpu.memory_space<vmem>>, vector<16xf32>,
          tpu.vector_store %arg15[%swap3A_726, %swap3A_727], %mul3A_725 {strides = array<i32>} : memref<80x128xf32, #tpu.memory_space<vmem>>, vector<16xf32>,
          %slice3A_729 = vector.extract_strided_slice %get3A_140 {offsets = [7], sizes = [1], strides = [1]} : vector<16xf32> to vector<1xf32>
          %squeeze3A_730 = vector.extract %slice3A_729[0] : f32 from vector<1xf32>
          %get3A_731 = arith.index_cast %add3A_674 : i32 to index
          %get3A_732 = arith.constant 96 : index
          %get3A_733 = tpu.vector_load %arg15[%get3A_731, %get3A_732] {strides = array<i32>} : memref<80x128xf32, #tpu.memory_space<vmem>>, vector<16xf32>,
          %mul3A_734 = vector.broadcast %squeeze3A_730 : f32 to vector<16xf32>
          %mul3A_735 = arith.mulf %get3A_733, %mul3A_734 : vector<16xf32>
          %swap3A_736 = arith.index_cast %add3A_674 : i32 to index
          %swap3A_737 = arith.constant 96 : index
          %swap3A_738 = tpu.vector_load %arg15[%swap3A_736, %swap3A_737] {strides = array<i32>} : memref<80x128xf32, #tpu.memory_space<vmem>>, vector<16xf32>,
          tpu.vector_store %arg15[%swap3A_736, %swap3A_737], %mul3A_735 {strides = array<i32>} : memref<80x128xf32, #tpu.memory_space<vmem>>, vector<16xf32>,
          %get3A_739 = arith.index_cast %add3A_674 : i32 to index
          %get3A_740 = arith.constant 112 : index
          %get3A_741 = tpu.vector_load %arg15[%get3A_739, %get3A_740] {strides = array<i32>} : memref<80x128xf32, #tpu.memory_space<vmem>>, vector<16xf32>,
          %mul3A_742 = vector.broadcast %squeeze3A_730 : f32 to vector<16xf32>
          %mul3A_743 = arith.mulf %get3A_741, %mul3A_742 : vector<16xf32>
          %swap3A_744 = arith.index_cast %add3A_674 : i32 to index
          %swap3A_745 = arith.constant 112 : index
          %swap3A_746 = tpu.vector_load %arg15[%swap3A_744, %swap3A_745] {strides = array<i32>} : memref<80x128xf32, #tpu.memory_space<vmem>>, vector<16xf32>,
          tpu.vector_store %arg15[%swap3A_744, %swap3A_745], %mul3A_743 {strides = array<i32>} : memref<80x128xf32, #tpu.memory_space<vmem>>, vector<16xf32>,
          %mul3A_747 = arith.constant 16 : i32
          %mul3A_748 = arith.muli %scan3A_113, %mul3A_747 : i32
          %add3A_749 = arith.constant 8 : i32
          %add3A_750 = arith.addi %mul3A_748, %add3A_749 : i32
          %slice3A_751 = vector.extract_strided_slice %get3A_119 {offsets = [8], sizes = [1], strides = [1]} : vector<16xf32> to vector<1xf32>
          %squeeze3A_752 = vector.extract %slice3A_751[0] : f32 from vector<1xf32>
          %get3A_753 = arith.index_cast %add3A_750 : i32 to index
          %get3A_754 = arith.constant 0 : index
          %get3A_755 = tpu.vector_load %arg15[%get3A_753, %get3A_754] {strides = array<i32>} : memref<80x128xf32, #tpu.memory_space<vmem>>, vector<16xf32>,
          %mul3A_756 = vector.broadcast %squeeze3A_752 : f32 to vector<16xf32>
          %mul3A_757 = arith.mulf %get3A_755, %mul3A_756 : vector<16xf32>
          %swap3A_758 = arith.index_cast %add3A_750 : i32 to index
          %swap3A_759 = arith.constant 0 : index
          %swap3A_760 = tpu.vector_load %arg15[%swap3A_758, %swap3A_759] {strides = array<i32>} : memref<80x128xf32, #tpu.memory_space<vmem>>, vector<16xf32>,
          tpu.vector_store %arg15[%swap3A_758, %swap3A_759], %mul3A_757 {strides = array<i32>} : memref<80x128xf32, #tpu.memory_space<vmem>>, vector<16xf32>,
          %get3A_761 = arith.index_cast %add3A_750 : i32 to index
          %get3A_762 = arith.constant 16 : index
          %get3A_763 = tpu.vector_load %arg15[%get3A_761, %get3A_762] {strides = array<i32>} : memref<80x128xf32, #tpu.memory_space<vmem>>, vector<16xf32>,
          %mul3A_764 = vector.broadcast %squeeze3A_752 : f32 to vector<16xf32>
          %mul3A_765 = arith.mulf %get3A_763, %mul3A_764 : vector<16xf32>
          %swap3A_766 = arith.index_cast %add3A_750 : i32 to index
          %swap3A_767 = arith.constant 16 : index
          %swap3A_768 = tpu.vector_load %arg15[%swap3A_766, %swap3A_767] {strides = array<i32>} : memref<80x128xf32, #tpu.memory_space<vmem>>, vector<16xf32>,
          tpu.vector_store %arg15[%swap3A_766, %swap3A_767], %mul3A_765 {strides = array<i32>} : memref<80x128xf32, #tpu.memory_space<vmem>>, vector<16xf32>,
          %slice3A_769 = vector.extract_strided_slice %get3A_126 {offsets = [8], sizes = [1], strides = [1]} : vector<16xf32> to vector<1xf32>
          %squeeze3A_770 = vector.extract %slice3A_769[0] : f32 from vector<1xf32>
          %get3A_771 = arith.index_cast %add3A_750 : i32 to index
          %get3A_772 = arith.constant 32 : index
          %get3A_773 = tpu.vector_load %arg15[%get3A_771, %get3A_772] {strides = array<i32>} : memref<80x128xf32, #tpu.memory_space<vmem>>, vector<16xf32>,
          %mul3A_774 = vector.broadcast %squeeze3A_770 : f32 to vector<16xf32>
          %mul3A_775 = arith.mulf %get3A_773, %mul3A_774 : vector<16xf32>
          %swap3A_776 = arith.index_cast %add3A_750 : i32 to index
          %swap3A_777 = arith.constant 32 : index
          %swap3A_778 = tpu.vector_load %arg15[%swap3A_776, %swap3A_777] {strides = array<i32>} : memref<80x128xf32, #tpu.memory_space<vmem>>, vector<16xf32>,
          tpu.vector_store %arg15[%swap3A_776, %swap3A_777], %mul3A_775 {strides = array<i32>} : memref<80x128xf32, #tpu.memory_space<vmem>>, vector<16xf32>,
          %get3A_779 = arith.index_cast %add3A_750 : i32 to index
          %get3A_780 = arith.constant 48 : index
          %get3A_781 = tpu.vector_load %arg15[%get3A_779, %get3A_780] {strides = array<i32>} : memref<80x128xf32, #tpu.memory_space<vmem>>, vector<16xf32>,
          %mul3A_782 = vector.broadcast %squeeze3A_770 : f32 to vector<16xf32>
          %mul3A_783 = arith.mulf %get3A_781, %mul3A_782 : vector<16xf32>
          %swap3A_784 = arith.index_cast %add3A_750 : i32 to index
          %swap3A_785 = arith.constant 48 : index
          %swap3A_786 = tpu.vector_load %arg15[%swap3A_784, %swap3A_785] {strides = array<i32>} : memref<80x128xf32, #tpu.memory_space<vmem>>, vector<16xf32>,
          tpu.vector_store %arg15[%swap3A_784, %swap3A_785], %mul3A_783 {strides = array<i32>} : memref<80x128xf32, #tpu.memory_space<vmem>>, vector<16xf32>,
          %slice3A_787 = vector.extract_strided_slice %get3A_133 {offsets = [8], sizes = [1], strides = [1]} : vector<16xf32> to vector<1xf32>
          %squeeze3A_788 = vector.extract %slice3A_787[0] : f32 from vector<1xf32>
          %get3A_789 = arith.index_cast %add3A_750 : i32 to index
          %get3A_790 = arith.constant 64 : index
          %get3A_791 = tpu.vector_load %arg15[%get3A_789, %get3A_790] {strides = array<i32>} : memref<80x128xf32, #tpu.memory_space<vmem>>, vector<16xf32>,
          %mul3A_792 = vector.broadcast %squeeze3A_788 : f32 to vector<16xf32>
          %mul3A_793 = arith.mulf %get3A_791, %mul3A_792 : vector<16xf32>
          %swap3A_794 = arith.index_cast %add3A_750 : i32 to index
          %swap3A_795 = arith.constant 64 : index
          %swap3A_796 = tpu.vector_load %arg15[%swap3A_794, %swap3A_795] {strides = array<i32>} : memref<80x128xf32, #tpu.memory_space<vmem>>, vector<16xf32>,
          tpu.vector_store %arg15[%swap3A_794, %swap3A_795], %mul3A_793 {strides = array<i32>} : memref<80x128xf32, #tpu.memory_space<vmem>>, vector<16xf32>,
          %get3A_797 = arith.index_cast %add3A_750 : i32 to index
          %get3A_798 = arith.constant 80 : index
          %get3A_799 = tpu.vector_load %arg15[%get3A_797, %get3A_798] {strides = array<i32>} : memref<80x128xf32, #tpu.memory_space<vmem>>, vector<16xf32>,
          %mul3A_800 = vector.broadcast %squeeze3A_788 : f32 to vector<16xf32>
          %mul3A_801 = arith.mulf %get3A_799, %mul3A_800 : vector<16xf32>
          %swap3A_802 = arith.index_cast %add3A_750 : i32 to index
          %swap3A_803 = arith.constant 80 : index
          %swap3A_804 = tpu.vector_load %arg15[%swap3A_802, %swap3A_803] {strides = array<i32>} : memref<80x128xf32, #tpu.memory_space<vmem>>, vector<16xf32>,
          tpu.vector_store %arg15[%swap3A_802, %swap3A_803], %mul3A_801 {strides = array<i32>} : memref<80x128xf32, #tpu.memory_space<vmem>>, vector<16xf32>,
          %slice3A_805 = vector.extract_strided_slice %get3A_140 {offsets = [8], sizes = [1], strides = [1]} : vector<16xf32> to vector<1xf32>
          %squeeze3A_806 = vector.extract %slice3A_805[0] : f32 from vector<1xf32>
          %get3A_807 = arith.index_cast %add3A_750 : i32 to index
          %get3A_808 = arith.constant 96 : index
          %get3A_809 = tpu.vector_load %arg15[%get3A_807, %get3A_808] {strides = array<i32>} : memref<80x128xf32, #tpu.memory_space<vmem>>, vector<16xf32>,
          %mul3A_810 = vector.broadcast %squeeze3A_806 : f32 to vector<16xf32>
          %mul3A_811 = arith.mulf %get3A_809, %mul3A_810 : vector<16xf32>
          %swap3A_812 = arith.index_cast %add3A_750 : i32 to index
          %swap3A_813 = arith.constant 96 : index
          %swap3A_814 = tpu.vector_load %arg15[%swap3A_812, %swap3A_813] {strides = array<i32>} : memref<80x128xf32, #tpu.memory_space<vmem>>, vector<16xf32>,
          tpu.vector_store %arg15[%swap3A_812, %swap3A_813], %mul3A_811 {strides = array<i32>} : memref<80x128xf32, #tpu.memory_space<vmem>>, vector<16xf32>,
          %get3A_815 = arith.index_cast %add3A_750 : i32 to index
          %get3A_816 = arith.constant 112 : index
          %get3A_817 = tpu.vector_load %arg15[%get3A_815, %get3A_816] {strides = array<i32>} : memref<80x128xf32, #tpu.memory_space<vmem>>, vector<16xf32>,
          %mul3A_818 = vector.broadcast %squeeze3A_806 : f32 to vector<16xf32>
          %mul3A_819 = arith.mulf %get3A_817, %mul3A_818 : vector<16xf32>
          %swap3A_820 = arith.index_cast %add3A_750 : i32 to index
          %swap3A_821 = arith.constant 112 : index
          %swap3A_822 = tpu.vector_load %arg15[%swap3A_820, %swap3A_821] {strides = array<i32>} : memref<80x128xf32, #tpu.memory_space<vmem>>, vector<16xf32>,
          tpu.vector_store %arg15[%swap3A_820, %swap3A_821], %mul3A_819 {strides = array<i32>} : memref<80x128xf32, #tpu.memory_space<vmem>>, vector<16xf32>,
          %mul3A_823 = arith.constant 16 : i32
          %mul3A_824 = arith.muli %scan3A_113, %mul3A_823 : i32
          %add3A_825 = arith.constant 9 : i32
          %add3A_826 = arith.addi %mul3A_824, %add3A_825 : i32
          %slice3A_827 = vector.extract_strided_slice %get3A_119 {offsets = [9], sizes = [1], strides = [1]} : vector<16xf32> to vector<1xf32>
          %squeeze3A_828 = vector.extract %slice3A_827[0] : f32 from vector<1xf32>
          %get3A_829 = arith.index_cast %add3A_826 : i32 to index
          %get3A_830 = arith.constant 0 : index
          %get3A_831 = tpu.vector_load %arg15[%get3A_829, %get3A_830] {strides = array<i32>} : memref<80x128xf32, #tpu.memory_space<vmem>>, vector<16xf32>,
          %mul3A_832 = vector.broadcast %squeeze3A_828 : f32 to vector<16xf32>
          %mul3A_833 = arith.mulf %get3A_831, %mul3A_832 : vector<16xf32>
          %swap3A_834 = arith.index_cast %add3A_826 : i32 to index
          %swap3A_835 = arith.constant 0 : index
          %swap3A_836 = tpu.vector_load %arg15[%swap3A_834, %swap3A_835] {strides = array<i32>} : memref<80x128xf32, #tpu.memory_space<vmem>>, vector<16xf32>,
          tpu.vector_store %arg15[%swap3A_834, %swap3A_835], %mul3A_833 {strides = array<i32>} : memref<80x128xf32, #tpu.memory_space<vmem>>, vector<16xf32>,
          %get3A_837 = arith.index_cast %add3A_826 : i32 to index
          %get3A_838 = arith.constant 16 : index
          %get3A_839 = tpu.vector_load %arg15[%get3A_837, %get3A_838] {strides = array<i32>} : memref<80x128xf32, #tpu.memory_space<vmem>>, vector<16xf32>,
          %mul3A_840 = vector.broadcast %squeeze3A_828 : f32 to vector<16xf32>
          %mul3A_841 = arith.mulf %get3A_839, %mul3A_840 : vector<16xf32>
          %swap3A_842 = arith.index_cast %add3A_826 : i32 to index
          %swap3A_843 = arith.constant 16 : index
          %swap3A_844 = tpu.vector_load %arg15[%swap3A_842, %swap3A_843] {strides = array<i32>} : memref<80x128xf32, #tpu.memory_space<vmem>>, vector<16xf32>,
          tpu.vector_store %arg15[%swap3A_842, %swap3A_843], %mul3A_841 {strides = array<i32>} : memref<80x128xf32, #tpu.memory_space<vmem>>, vector<16xf32>,
          %slice3A_845 = vector.extract_strided_slice %get3A_126 {offsets = [9], sizes = [1], strides = [1]} : vector<16xf32> to vector<1xf32>
          %squeeze3A_846 = vector.extract %slice3A_845[0] : f32 from vector<1xf32>
          %get3A_847 = arith.index_cast %add3A_826 : i32 to index
          %get3A_848 = arith.constant 32 : index
          %get3A_849 = tpu.vector_load %arg15[%get3A_847, %get3A_848] {strides = array<i32>} : memref<80x128xf32, #tpu.memory_space<vmem>>, vector<16xf32>,
          %mul3A_850 = vector.broadcast %squeeze3A_846 : f32 to vector<16xf32>
          %mul3A_851 = arith.mulf %get3A_849, %mul3A_850 : vector<16xf32>
          %swap3A_852 = arith.index_cast %add3A_826 : i32 to index
          %swap3A_853 = arith.constant 32 : index
          %swap3A_854 = tpu.vector_load %arg15[%swap3A_852, %swap3A_853] {strides = array<i32>} : memref<80x128xf32, #tpu.memory_space<vmem>>, vector<16xf32>,
          tpu.vector_store %arg15[%swap3A_852, %swap3A_853], %mul3A_851 {strides = array<i32>} : memref<80x128xf32, #tpu.memory_space<vmem>>, vector<16xf32>,
          %get3A_855 = arith.index_cast %add3A_826 : i32 to index
          %get3A_856 = arith.constant 48 : index
          %get3A_857 = tpu.vector_load %arg15[%get3A_855, %get3A_856] {strides = array<i32>} : memref<80x128xf32, #tpu.memory_space<vmem>>, vector<16xf32>,
          %mul3A_858 = vector.broadcast %squeeze3A_846 : f32 to vector<16xf32>
          %mul3A_859 = arith.mulf %get3A_857, %mul3A_858 : vector<16xf32>
          %swap3A_860 = arith.index_cast %add3A_826 : i32 to index
          %swap3A_861 = arith.constant 48 : index
          %swap3A_862 = tpu.vector_load %arg15[%swap3A_860, %swap3A_861] {strides = array<i32>} : memref<80x128xf32, #tpu.memory_space<vmem>>, vector<16xf32>,
          tpu.vector_store %arg15[%swap3A_860, %swap3A_861], %mul3A_859 {strides = array<i32>} : memref<80x128xf32, #tpu.memory_space<vmem>>, vector<16xf32>,
          %slice3A_863 = vector.extract_strided_slice %get3A_133 {offsets = [9], sizes = [1], strides = [1]} : vector<16xf32> to vector<1xf32>
          %squeeze3A_864 = vector.extract %slice3A_863[0] : f32 from vector<1xf32>
          %get3A_865 = arith.index_cast %add3A_826 : i32 to index
          %get3A_866 = arith.constant 64 : index
          %get3A_867 = tpu.vector_load %arg15[%get3A_865, %get3A_866] {strides = array<i32>} : memref<80x128xf32, #tpu.memory_space<vmem>>, vector<16xf32>,
          %mul3A_868 = vector.broadcast %squeeze3A_864 : f32 to vector<16xf32>
          %mul3A_869 = arith.mulf %get3A_867, %mul3A_868 : vector<16xf32>
          %swap3A_870 = arith.index_cast %add3A_826 : i32 to index
          %swap3A_871 = arith.constant 64 : index
          %swap3A_872 = tpu.vector_load %arg15[%swap3A_870, %swap3A_871] {strides = array<i32>} : memref<80x128xf32, #tpu.memory_space<vmem>>, vector<16xf32>,
          tpu.vector_store %arg15[%swap3A_870, %swap3A_871], %mul3A_869 {strides = array<i32>} : memref<80x128xf32, #tpu.memory_space<vmem>>, vector<16xf32>,
          %get3A_873 = arith.index_cast %add3A_826 : i32 to index
          %get3A_874 = arith.constant 80 : index
          %get3A_875 = tpu.vector_load %arg15[%get3A_873, %get3A_874] {strides = array<i32>} : memref<80x128xf32, #tpu.memory_space<vmem>>, vector<16xf32>,
          %mul3A_876 = vector.broadcast %squeeze3A_864 : f32 to vector<16xf32>
          %mul3A_877 = arith.mulf %get3A_875, %mul3A_876 : vector<16xf32>
          %swap3A_878 = arith.index_cast %add3A_826 : i32 to index
          %swap3A_879 = arith.constant 80 : index
          %swap3A_880 = tpu.vector_load %arg15[%swap3A_878, %swap3A_879] {strides = array<i32>} : memref<80x128xf32, #tpu.memory_space<vmem>>, vector<16xf32>,
          tpu.vector_store %arg15[%swap3A_878, %swap3A_879], %mul3A_877 {strides = array<i32>} : memref<80x128xf32, #tpu.memory_space<vmem>>, vector<16xf32>,
          %slice3A_881 = vector.extract_strided_slice %get3A_140 {offsets = [9], sizes = [1], strides = [1]} : vector<16xf32> to vector<1xf32>
          %squeeze3A_882 = vector.extract %slice3A_881[0] : f32 from vector<1xf32>
          %get3A_883 = arith.index_cast %add3A_826 : i32 to index
          %get3A_884 = arith.constant 96 : index
          %get3A_885 = tpu.vector_load %arg15[%get3A_883, %get3A_884] {strides = array<i32>} : memref<80x128xf32, #tpu.memory_space<vmem>>, vector<16xf32>,
          %mul3A_886 = vector.broadcast %squeeze3A_882 : f32 to vector<16xf32>
          %mul3A_887 = arith.mulf %get3A_885, %mul3A_886 : vector<16xf32>
          %swap3A_888 = arith.index_cast %add3A_826 : i32 to index
          %swap3A_889 = arith.constant 96 : index
          %swap3A_890 = tpu.vector_load %arg15[%swap3A_888, %swap3A_889] {strides = array<i32>} : memref<80x128xf32, #tpu.memory_space<vmem>>, vector<16xf32>,
          tpu.vector_store %arg15[%swap3A_888, %swap3A_889], %mul3A_887 {strides = array<i32>} : memref<80x128xf32, #tpu.memory_space<vmem>>, vector<16xf32>,
          %get3A_891 = arith.index_cast %add3A_826 : i32 to index
          %get3A_892 = arith.constant 112 : index
          %get3A_893 = tpu.vector_load %arg15[%get3A_891, %get3A_892] {strides = array<i32>} : memref<80x128xf32, #tpu.memory_space<vmem>>, vector<16xf32>,
          %mul3A_894 = vector.broadcast %squeeze3A_882 : f32 to vector<16xf32>
          %mul3A_895 = arith.mulf %get3A_893, %mul3A_894 : vector<16xf32>
          %swap3A_896 = arith.index_cast %add3A_826 : i32 to index
          %swap3A_897 = arith.constant 112 : index
          %swap3A_898 = tpu.vector_load %arg15[%swap3A_896, %swap3A_897] {strides = array<i32>} : memref<80x128xf32, #tpu.memory_space<vmem>>, vector<16xf32>,
          tpu.vector_store %arg15[%swap3A_896, %swap3A_897], %mul3A_895 {strides = array<i32>} : memref<80x128xf32, #tpu.memory_space<vmem>>, vector<16xf32>,
          %mul3A_899 = arith.constant 16 : i32
          %mul3A_900 = arith.muli %scan3A_113, %mul3A_899 : i32
          %add3A_901 = arith.constant 10 : i32
          %add3A_902 = arith.addi %mul3A_900, %add3A_901 : i32
          %slice3A_903 = vector.extract_strided_slice %get3A_119 {offsets = [10], sizes = [1], strides = [1]} : vector<16xf32> to vector<1xf32>
          %squeeze3A_904 = vector.extract %slice3A_903[0] : f32 from vector<1xf32>
          %get3A_905 = arith.index_cast %add3A_902 : i32 to index
          %get3A_906 = arith.constant 0 : index
          %get3A_907 = tpu.vector_load %arg15[%get3A_905, %get3A_906] {strides = array<i32>} : memref<80x128xf32, #tpu.memory_space<vmem>>, vector<16xf32>,
          %mul3A_908 = vector.broadcast %squeeze3A_904 : f32 to vector<16xf32>
          %mul3A_909 = arith.mulf %get3A_907, %mul3A_908 : vector<16xf32>
          %swap3A_910 = arith.index_cast %add3A_902 : i32 to index
          %swap3A_911 = arith.constant 0 : index
          %swap3A_912 = tpu.vector_load %arg15[%swap3A_910, %swap3A_911] {strides = array<i32>} : memref<80x128xf32, #tpu.memory_space<vmem>>, vector<16xf32>,
          tpu.vector_store %arg15[%swap3A_910, %swap3A_911], %mul3A_909 {strides = array<i32>} : memref<80x128xf32, #tpu.memory_space<vmem>>, vector<16xf32>,
          %get3A_913 = arith.index_cast %add3A_902 : i32 to index
          %get3A_914 = arith.constant 16 : index
          %get3A_915 = tpu.vector_load %arg15[%get3A_913, %get3A_914] {strides = array<i32>} : memref<80x128xf32, #tpu.memory_space<vmem>>, vector<16xf32>,
          %mul3A_916 = vector.broadcast %squeeze3A_904 : f32 to vector<16xf32>
          %mul3A_917 = arith.mulf %get3A_915, %mul3A_916 : vector<16xf32>
          %swap3A_918 = arith.index_cast %add3A_902 : i32 to index
          %swap3A_919 = arith.constant 16 : index
          %swap3A_920 = tpu.vector_load %arg15[%swap3A_918, %swap3A_919] {strides = array<i32>} : memref<80x128xf32, #tpu.memory_space<vmem>>, vector<16xf32>,
          tpu.vector_store %arg15[%swap3A_918, %swap3A_919], %mul3A_917 {strides = array<i32>} : memref<80x128xf32, #tpu.memory_space<vmem>>, vector<16xf32>,
          %slice3A_921 = vector.extract_strided_slice %get3A_126 {offsets = [10], sizes = [1], strides = [1]} : vector<16xf32> to vector<1xf32>
          %squeeze3A_922 = vector.extract %slice3A_921[0] : f32 from vector<1xf32>
          %get3A_923 = arith.index_cast %add3A_902 : i32 to index
          %get3A_924 = arith.constant 32 : index
          %get3A_925 = tpu.vector_load %arg15[%get3A_923, %get3A_924] {strides = array<i32>} : memref<80x128xf32, #tpu.memory_space<vmem>>, vector<16xf32>,
          %mul3A_926 = vector.broadcast %squeeze3A_922 : f32 to vector<16xf32>
          %mul3A_927 = arith.mulf %get3A_925, %mul3A_926 : vector<16xf32>
          %swap3A_928 = arith.index_cast %add3A_902 : i32 to index
          %swap3A_929 = arith.constant 32 : index
          %swap3A_930 = tpu.vector_load %arg15[%swap3A_928, %swap3A_929] {strides = array<i32>} : memref<80x128xf32, #tpu.memory_space<vmem>>, vector<16xf32>,
          tpu.vector_store %arg15[%swap3A_928, %swap3A_929], %mul3A_927 {strides = array<i32>} : memref<80x128xf32, #tpu.memory_space<vmem>>, vector<16xf32>,
          %get3A_931 = arith.index_cast %add3A_902 : i32 to index
          %get3A_932 = arith.constant 48 : index
          %get3A_933 = tpu.vector_load %arg15[%get3A_931, %get3A_932] {strides = array<i32>} : memref<80x128xf32, #tpu.memory_space<vmem>>, vector<16xf32>,
          %mul3A_934 = vector.broadcast %squeeze3A_922 : f32 to vector<16xf32>
          %mul3A_935 = arith.mulf %get3A_933, %mul3A_934 : vector<16xf32>
          %swap3A_936 = arith.index_cast %add3A_902 : i32 to index
          %swap3A_937 = arith.constant 48 : index
          %swap3A_938 = tpu.vector_load %arg15[%swap3A_936, %swap3A_937] {strides = array<i32>} : memref<80x128xf32, #tpu.memory_space<vmem>>, vector<16xf32>,
          tpu.vector_store %arg15[%swap3A_936, %swap3A_937], %mul3A_935 {strides = array<i32>} : memref<80x128xf32, #tpu.memory_space<vmem>>, vector<16xf32>,
          %slice3A_939 = vector.extract_strided_slice %get3A_133 {offsets = [10], sizes = [1], strides = [1]} : vector<16xf32> to vector<1xf32>
          %squeeze3A_940 = vector.extract %slice3A_939[0] : f32 from vector<1xf32>
          %get3A_941 = arith.index_cast %add3A_902 : i32 to index
          %get3A_942 = arith.constant 64 : index
          %get3A_943 = tpu.vector_load %arg15[%get3A_941, %get3A_942] {strides = array<i32>} : memref<80x128xf32, #tpu.memory_space<vmem>>, vector<16xf32>,
          %mul3A_944 = vector.broadcast %squeeze3A_940 : f32 to vector<16xf32>
          %mul3A_945 = arith.mulf %get3A_943, %mul3A_944 : vector<16xf32>
          %swap3A_946 = arith.index_cast %add3A_902 : i32 to index
          %swap3A_947 = arith.constant 64 : index
          %swap3A_948 = tpu.vector_load %arg15[%swap3A_946, %swap3A_947] {strides = array<i32>} : memref<80x128xf32, #tpu.memory_space<vmem>>, vector<16xf32>,
          tpu.vector_store %arg15[%swap3A_946, %swap3A_947], %mul3A_945 {strides = array<i32>} : memref<80x128xf32, #tpu.memory_space<vmem>>, vector<16xf32>,
          %get3A_949 = arith.index_cast %add3A_902 : i32 to index
          %get3A_950 = arith.constant 80 : index
          %get3A_951 = tpu.vector_load %arg15[%get3A_949, %get3A_950] {strides = array<i32>} : memref<80x128xf32, #tpu.memory_space<vmem>>, vector<16xf32>,
          %mul3A_952 = vector.broadcast %squeeze3A_940 : f32 to vector<16xf32>
          %mul3A_953 = arith.mulf %get3A_951, %mul3A_952 : vector<16xf32>
          %swap3A_954 = arith.index_cast %add3A_902 : i32 to index
          %swap3A_955 = arith.constant 80 : index
          %swap3A_956 = tpu.vector_load %arg15[%swap3A_954, %swap3A_955] {strides = array<i32>} : memref<80x128xf32, #tpu.memory_space<vmem>>, vector<16xf32>,
          tpu.vector_store %arg15[%swap3A_954, %swap3A_955], %mul3A_953 {strides = array<i32>} : memref<80x128xf32, #tpu.memory_space<vmem>>, vector<16xf32>,
          %slice3A_957 = vector.extract_strided_slice %get3A_140 {offsets = [10], sizes = [1], strides = [1]} : vector<16xf32> to vector<1xf32>
          %squeeze3A_958 = vector.extract %slice3A_957[0] : f32 from vector<1xf32>
          %get3A_959 = arith.index_cast %add3A_902 : i32 to index
          %get3A_960 = arith.constant 96 : index
          %get3A_961 = tpu.vector_load %arg15[%get3A_959, %get3A_960] {strides = array<i32>} : memref<80x128xf32, #tpu.memory_space<vmem>>, vector<16xf32>,
          %mul3A_962 = vector.broadcast %squeeze3A_958 : f32 to vector<16xf32>
          %mul3A_963 = arith.mulf %get3A_961, %mul3A_962 : vector<16xf32>
          %swap3A_964 = arith.index_cast %add3A_902 : i32 to index
          %swap3A_965 = arith.constant 96 : index
          %swap3A_966 = tpu.vector_load %arg15[%swap3A_964, %swap3A_965] {strides = array<i32>} : memref<80x128xf32, #tpu.memory_space<vmem>>, vector<16xf32>,
          tpu.vector_store %arg15[%swap3A_964, %swap3A_965], %mul3A_963 {strides = array<i32>} : memref<80x128xf32, #tpu.memory_space<vmem>>, vector<16xf32>,
          %get3A_967 = arith.index_cast %add3A_902 : i32 to index
          %get3A_968 = arith.constant 112 : index
          %get3A_969 = tpu.vector_load %arg15[%get3A_967, %get3A_968] {strides = array<i32>} : memref<80x128xf32, #tpu.memory_space<vmem>>, vector<16xf32>,
          %mul3A_970 = vector.broadcast %squeeze3A_958 : f32 to vector<16xf32>
          %mul3A_971 = arith.mulf %get3A_969, %mul3A_970 : vector<16xf32>
          %swap3A_972 = arith.index_cast %add3A_902 : i32 to index
          %swap3A_973 = arith.constant 112 : index
          %swap3A_974 = tpu.vector_load %arg15[%swap3A_972, %swap3A_973] {strides = array<i32>} : memref<80x128xf32, #tpu.memory_space<vmem>>, vector<16xf32>,
          tpu.vector_store %arg15[%swap3A_972, %swap3A_973], %mul3A_971 {strides = array<i32>} : memref<80x128xf32, #tpu.memory_space<vmem>>, vector<16xf32>,
          %mul3A_975 = arith.constant 16 : i32
          %mul3A_976 = arith.muli %scan3A_113, %mul3A_975 : i32
          %add3A_977 = arith.constant 11 : i32
          %add3A_978 = arith.addi %mul3A_976, %add3A_977 : i32
          %slice3A_979 = vector.extract_strided_slice %get3A_119 {offsets = [11], sizes = [1], strides = [1]} : vector<16xf32> to vector<1xf32>
          %squeeze3A_980 = vector.extract %slice3A_979[0] : f32 from vector<1xf32>
          %get3A_981 = arith.index_cast %add3A_978 : i32 to index
          %get3A_982 = arith.constant 0 : index
          %get3A_983 = tpu.vector_load %arg15[%get3A_981, %get3A_982] {strides = array<i32>} : memref<80x128xf32, #tpu.memory_space<vmem>>, vector<16xf32>,
          %mul3A_984 = vector.broadcast %squeeze3A_980 : f32 to vector<16xf32>
          %mul3A_985 = arith.mulf %get3A_983, %mul3A_984 : vector<16xf32>
          %swap3A_986 = arith.index_cast %add3A_978 : i32 to index
          %swap3A_987 = arith.constant 0 : index
          %swap3A_988 = tpu.vector_load %arg15[%swap3A_986, %swap3A_987] {strides = array<i32>} : memref<80x128xf32, #tpu.memory_space<vmem>>, vector<16xf32>,
          tpu.vector_store %arg15[%swap3A_986, %swap3A_987], %mul3A_985 {strides = array<i32>} : memref<80x128xf32, #tpu.memory_space<vmem>>, vector<16xf32>,
          %get3A_989 = arith.index_cast %add3A_978 : i32 to index
          %get3A_990 = arith.constant 16 : index
          %get3A_991 = tpu.vector_load %arg15[%get3A_989, %get3A_990] {strides = array<i32>} : memref<80x128xf32, #tpu.memory_space<vmem>>, vector<16xf32>,
          %mul3A_992 = vector.broadcast %squeeze3A_980 : f32 to vector<16xf32>
          %mul3A_993 = arith.mulf %get3A_991, %mul3A_992 : vector<16xf32>
          %swap3A_994 = arith.index_cast %add3A_978 : i32 to index
          %swap3A_995 = arith.constant 16 : index
          %swap3A_996 = tpu.vector_load %arg15[%swap3A_994, %swap3A_995] {strides = array<i32>} : memref<80x128xf32, #tpu.memory_space<vmem>>, vector<16xf32>,
          tpu.vector_store %arg15[%swap3A_994, %swap3A_995], %mul3A_993 {strides = array<i32>} : memref<80x128xf32, #tpu.memory_space<vmem>>, vector<16xf32>,
          %slice3A_997 = vector.extract_strided_slice %get3A_126 {offsets = [11], sizes = [1], strides = [1]} : vector<16xf32> to vector<1xf32>
          %squeeze3A_998 = vector.extract %slice3A_997[0] : f32 from vector<1xf32>
          %get3A_999 = arith.index_cast %add3A_978 : i32 to index
          %get3A_1000 = arith.constant 32 : index
          %get3A_1001 = tpu.vector_load %arg15[%get3A_999, %get3A_1000] {strides = array<i32>} : memref<80x128xf32, #tpu.memory_space<vmem>>, vector<16xf32>,
          %mul3A_1002 = vector.broadcast %squeeze3A_998 : f32 to vector<16xf32>
          %mul3A_1003 = arith.mulf %get3A_1001, %mul3A_1002 : vector<16xf32>
          %swap3A_1004 = arith.index_cast %add3A_978 : i32 to index
          %swap3A_1005 = arith.constant 32 : index
          %swap3A_1006 = tpu.vector_load %arg15[%swap3A_1004, %swap3A_1005] {strides = array<i32>} : memref<80x128xf32, #tpu.memory_space<vmem>>, vector<16xf32>,
          tpu.vector_store %arg15[%swap3A_1004, %swap3A_1005], %mul3A_1003 {strides = array<i32>} : memref<80x128xf32, #tpu.memory_space<vmem>>, vector<16xf32>,
          %get3A_1007 = arith.index_cast %add3A_978 : i32 to index
          %get3A_1008 = arith.constant 48 : index
          %get3A_1009 = tpu.vector_load %arg15[%get3A_1007, %get3A_1008] {strides = array<i32>} : memref<80x128xf32, #tpu.memory_space<vmem>>, vector<16xf32>,
          %mul3A_1010 = vector.broadcast %squeeze3A_998 : f32 to vector<16xf32>
          %mul3A_1011 = arith.mulf %get3A_1009, %mul3A_1010 : vector<16xf32>
          %swap3A_1012 = arith.index_cast %add3A_978 : i32 to index
          %swap3A_1013 = arith.constant 48 : index
          %swap3A_1014 = tpu.vector_load %arg15[%swap3A_1012, %swap3A_1013] {strides = array<i32>} : memref<80x128xf32, #tpu.memory_space<vmem>>, vector<16xf32>,
          tpu.vector_store %arg15[%swap3A_1012, %swap3A_1013], %mul3A_1011 {strides = array<i32>} : memref<80x128xf32, #tpu.memory_space<vmem>>, vector<16xf32>,
          %slice3A_1015 = vector.extract_strided_slice %get3A_133 {offsets = [11], sizes = [1], strides = [1]} : vector<16xf32> to vector<1xf32>
          %squeeze3A_1016 = vector.extract %slice3A_1015[0] : f32 from vector<1xf32>
          %get3A_1017 = arith.index_cast %add3A_978 : i32 to index
          %get3A_1018 = arith.constant 64 : index
          %get3A_1019 = tpu.vector_load %arg15[%get3A_1017, %get3A_1018] {strides = array<i32>} : memref<80x128xf32, #tpu.memory_space<vmem>>, vector<16xf32>,
          %mul3A_1020 = vector.broadcast %squeeze3A_1016 : f32 to vector<16xf32>
          %mul3A_1021 = arith.mulf %get3A_1019, %mul3A_1020 : vector<16xf32>
          %swap3A_1022 = arith.index_cast %add3A_978 : i32 to index
          %swap3A_1023 = arith.constant 64 : index
          %swap3A_1024 = tpu.vector_load %arg15[%swap3A_1022, %swap3A_1023] {strides = array<i32>} : memref<80x128xf32, #tpu.memory_space<vmem>>, vector<16xf32>,
          tpu.vector_store %arg15[%swap3A_1022, %swap3A_1023], %mul3A_1021 {strides = array<i32>} : memref<80x128xf32, #tpu.memory_space<vmem>>, vector<16xf32>,
          %get3A_1025 = arith.index_cast %add3A_978 : i32 to index
          %get3A_1026 = arith.constant 80 : index
          %get3A_1027 = tpu.vector_load %arg15[%get3A_1025, %get3A_1026] {strides = array<i32>} : memref<80x128xf32, #tpu.memory_space<vmem>>, vector<16xf32>,
          %mul3A_1028 = vector.broadcast %squeeze3A_1016 : f32 to vector<16xf32>
          %mul3A_1029 = arith.mulf %get3A_1027, %mul3A_1028 : vector<16xf32>
          %swap3A_1030 = arith.index_cast %add3A_978 : i32 to index
          %swap3A_1031 = arith.constant 80 : index
          %swap3A_1032 = tpu.vector_load %arg15[%swap3A_1030, %swap3A_1031] {strides = array<i32>} : memref<80x128xf32, #tpu.memory_space<vmem>>, vector<16xf32>,
          tpu.vector_store %arg15[%swap3A_1030, %swap3A_1031], %mul3A_1029 {strides = array<i32>} : memref<80x128xf32, #tpu.memory_space<vmem>>, vector<16xf32>,
          %slice3A_1033 = vector.extract_strided_slice %get3A_140 {offsets = [11], sizes = [1], strides = [1]} : vector<16xf32> to vector<1xf32>
          %squeeze3A_1034 = vector.extract %slice3A_1033[0] : f32 from vector<1xf32>
          %get3A_1035 = arith.index_cast %add3A_978 : i32 to index
          %get3A_1036 = arith.constant 96 : index
          %get3A_1037 = tpu.vector_load %arg15[%get3A_1035, %get3A_1036] {strides = array<i32>} : memref<80x128xf32, #tpu.memory_space<vmem>>, vector<16xf32>,
          %mul3A_1038 = vector.broadcast %squeeze3A_1034 : f32 to vector<16xf32>
          %mul3A_1039 = arith.mulf %get3A_1037, %mul3A_1038 : vector<16xf32>
          %swap3A_1040 = arith.index_cast %add3A_978 : i32 to index
          %swap3A_1041 = arith.constant 96 : index
          %swap3A_1042 = tpu.vector_load %arg15[%swap3A_1040, %swap3A_1041] {strides = array<i32>} : memref<80x128xf32, #tpu.memory_space<vmem>>, vector<16xf32>,
          tpu.vector_store %arg15[%swap3A_1040, %swap3A_1041], %mul3A_1039 {strides = array<i32>} : memref<80x128xf32, #tpu.memory_space<vmem>>, vector<16xf32>,
          %get3A_1043 = arith.index_cast %add3A_978 : i32 to index
          %get3A_1044 = arith.constant 112 : index
          %get3A_1045 = tpu.vector_load %arg15[%get3A_1043, %get3A_1044] {strides = array<i32>} : memref<80x128xf32, #tpu.memory_space<vmem>>, vector<16xf32>,
          %mul3A_1046 = vector.broadcast %squeeze3A_1034 : f32 to vector<16xf32>
          %mul3A_1047 = arith.mulf %get3A_1045, %mul3A_1046 : vector<16xf32>
          %swap3A_1048 = arith.index_cast %add3A_978 : i32 to index
          %swap3A_1049 = arith.constant 112 : index
          %swap3A_1050 = tpu.vector_load %arg15[%swap3A_1048, %swap3A_1049] {strides = array<i32>} : memref<80x128xf32, #tpu.memory_space<vmem>>, vector<16xf32>,
          tpu.vector_store %arg15[%swap3A_1048, %swap3A_1049], %mul3A_1047 {strides = array<i32>} : memref<80x128xf32, #tpu.memory_space<vmem>>, vector<16xf32>,
          %mul3A_1051 = arith.constant 16 : i32
          %mul3A_1052 = arith.muli %scan3A_113, %mul3A_1051 : i32
          %add3A_1053 = arith.constant 12 : i32
          %add3A_1054 = arith.addi %mul3A_1052, %add3A_1053 : i32
          %slice3A_1055 = vector.extract_strided_slice %get3A_119 {offsets = [12], sizes = [1], strides = [1]} : vector<16xf32> to vector<1xf32>
          %squeeze3A_1056 = vector.extract %slice3A_1055[0] : f32 from vector<1xf32>
          %get3A_1057 = arith.index_cast %add3A_1054 : i32 to index
          %get3A_1058 = arith.constant 0 : index
          %get3A_1059 = tpu.vector_load %arg15[%get3A_1057, %get3A_1058] {strides = array<i32>} : memref<80x128xf32, #tpu.memory_space<vmem>>, vector<16xf32>,
          %mul3A_1060 = vector.broadcast %squeeze3A_1056 : f32 to vector<16xf32>
          %mul3A_1061 = arith.mulf %get3A_1059, %mul3A_1060 : vector<16xf32>
          %swap3A_1062 = arith.index_cast %add3A_1054 : i32 to index
          %swap3A_1063 = arith.constant 0 : index
          %swap3A_1064 = tpu.vector_load %arg15[%swap3A_1062, %swap3A_1063] {strides = array<i32>} : memref<80x128xf32, #tpu.memory_space<vmem>>, vector<16xf32>,
          tpu.vector_store %arg15[%swap3A_1062, %swap3A_1063], %mul3A_1061 {strides = array<i32>} : memref<80x128xf32, #tpu.memory_space<vmem>>, vector<16xf32>,
          %get3A_1065 = arith.index_cast %add3A_1054 : i32 to index
          %get3A_1066 = arith.constant 16 : index
          %get3A_1067 = tpu.vector_load %arg15[%get3A_1065, %get3A_1066] {strides = array<i32>} : memref<80x128xf32, #tpu.memory_space<vmem>>, vector<16xf32>,
          %mul3A_1068 = vector.broadcast %squeeze3A_1056 : f32 to vector<16xf32>
          %mul3A_1069 = arith.mulf %get3A_1067, %mul3A_1068 : vector<16xf32>
          %swap3A_1070 = arith.index_cast %add3A_1054 : i32 to index
          %swap3A_1071 = arith.constant 16 : index
          %swap3A_1072 = tpu.vector_load %arg15[%swap3A_1070, %swap3A_1071] {strides = array<i32>} : memref<80x128xf32, #tpu.memory_space<vmem>>, vector<16xf32>,
          tpu.vector_store %arg15[%swap3A_1070, %swap3A_1071], %mul3A_1069 {strides = array<i32>} : memref<80x128xf32, #tpu.memory_space<vmem>>, vector<16xf32>,
          %slice3A_1073 = vector.extract_strided_slice %get3A_126 {offsets = [12], sizes = [1], strides = [1]} : vector<16xf32> to vector<1xf32>
          %squeeze3A_1074 = vector.extract %slice3A_1073[0] : f32 from vector<1xf32>
          %get3A_1075 = arith.index_cast %add3A_1054 : i32 to index
          %get3A_1076 = arith.constant 32 : index
          %get3A_1077 = tpu.vector_load %arg15[%get3A_1075, %get3A_1076] {strides = array<i32>} : memref<80x128xf32, #tpu.memory_space<vmem>>, vector<16xf32>,
          %mul3A_1078 = vector.broadcast %squeeze3A_1074 : f32 to vector<16xf32>
          %mul3A_1079 = arith.mulf %get3A_1077, %mul3A_1078 : vector<16xf32>
          %swap3A_1080 = arith.index_cast %add3A_1054 : i32 to index
          %swap3A_1081 = arith.constant 32 : index
          %swap3A_1082 = tpu.vector_load %arg15[%swap3A_1080, %swap3A_1081] {strides = array<i32>} : memref<80x128xf32, #tpu.memory_space<vmem>>, vector<16xf32>,
          tpu.vector_store %arg15[%swap3A_1080, %swap3A_1081], %mul3A_1079 {strides = array<i32>} : memref<80x128xf32, #tpu.memory_space<vmem>>, vector<16xf32>,
          %get3A_1083 = arith.index_cast %add3A_1054 : i32 to index
          %get3A_1084 = arith.constant 48 : index
          %get3A_1085 = tpu.vector_load %arg15[%get3A_1083, %get3A_1084] {strides = array<i32>} : memref<80x128xf32, #tpu.memory_space<vmem>>, vector<16xf32>,
          %mul3A_1086 = vector.broadcast %squeeze3A_1074 : f32 to vector<16xf32>
          %mul3A_1087 = arith.mulf %get3A_1085, %mul3A_1086 : vector<16xf32>
          %swap3A_1088 = arith.index_cast %add3A_1054 : i32 to index
          %swap3A_1089 = arith.constant 48 : index
          %swap3A_1090 = tpu.vector_load %arg15[%swap3A_1088, %swap3A_1089] {strides = array<i32>} : memref<80x128xf32, #tpu.memory_space<vmem>>, vector<16xf32>,
          tpu.vector_store %arg15[%swap3A_1088, %swap3A_1089], %mul3A_1087 {strides = array<i32>} : memref<80x128xf32, #tpu.memory_space<vmem>>, vector<16xf32>,
          %slice3A_1091 = vector.extract_strided_slice %get3A_133 {offsets = [12], sizes = [1], strides = [1]} : vector<16xf32> to vector<1xf32>
          %squeeze3A_1092 = vector.extract %slice3A_1091[0] : f32 from vector<1xf32>
          %get3A_1093 = arith.index_cast %add3A_1054 : i32 to index
          %get3A_1094 = arith.constant 64 : index
          %get3A_1095 = tpu.vector_load %arg15[%get3A_1093, %get3A_1094] {strides = array<i32>} : memref<80x128xf32, #tpu.memory_space<vmem>>, vector<16xf32>,
          %mul3A_1096 = vector.broadcast %squeeze3A_1092 : f32 to vector<16xf32>
          %mul3A_1097 = arith.mulf %get3A_1095, %mul3A_1096 : vector<16xf32>
          %swap3A_1098 = arith.index_cast %add3A_1054 : i32 to index
          %swap3A_1099 = arith.constant 64 : index
          %swap3A_1100 = tpu.vector_load %arg15[%swap3A_1098, %swap3A_1099] {strides = array<i32>} : memref<80x128xf32, #tpu.memory_space<vmem>>, vector<16xf32>,
          tpu.vector_store %arg15[%swap3A_1098, %swap3A_1099], %mul3A_1097 {strides = array<i32>} : memref<80x128xf32, #tpu.memory_space<vmem>>, vector<16xf32>,
          %get3A_1101 = arith.index_cast %add3A_1054 : i32 to index
          %get3A_1102 = arith.constant 80 : index
          %get3A_1103 = tpu.vector_load %arg15[%get3A_1101, %get3A_1102] {strides = array<i32>} : memref<80x128xf32, #tpu.memory_space<vmem>>, vector<16xf32>,
          %mul3A_1104 = vector.broadcast %squeeze3A_1092 : f32 to vector<16xf32>
          %mul3A_1105 = arith.mulf %get3A_1103, %mul3A_1104 : vector<16xf32>
          %swap3A_1106 = arith.index_cast %add3A_1054 : i32 to index
          %swap3A_1107 = arith.constant 80 : index
          %swap3A_1108 = tpu.vector_load %arg15[%swap3A_1106, %swap3A_1107] {strides = array<i32>} : memref<80x128xf32, #tpu.memory_space<vmem>>, vector<16xf32>,
          tpu.vector_store %arg15[%swap3A_1106, %swap3A_1107], %mul3A_1105 {strides = array<i32>} : memref<80x128xf32, #tpu.memory_space<vmem>>, vector<16xf32>,
          %slice3A_1109 = vector.extract_strided_slice %get3A_140 {offsets = [12], sizes = [1], strides = [1]} : vector<16xf32> to vector<1xf32>
          %squeeze3A_1110 = vector.extract %slice3A_1109[0] : f32 from vector<1xf32>
          %get3A_1111 = arith.index_cast %add3A_1054 : i32 to index
          %get3A_1112 = arith.constant 96 : index
          %get3A_1113 = tpu.vector_load %arg15[%get3A_1111, %get3A_1112] {strides = array<i32>} : memref<80x128xf32, #tpu.memory_space<vmem>>, vector<16xf32>,
          %mul3A_1114 = vector.broadcast %squeeze3A_1110 : f32 to vector<16xf32>
          %mul3A_1115 = arith.mulf %get3A_1113, %mul3A_1114 : vector<16xf32>
          %swap3A_1116 = arith.index_cast %add3A_1054 : i32 to index
          %swap3A_1117 = arith.constant 96 : index
          %swap3A_1118 = tpu.vector_load %arg15[%swap3A_1116, %swap3A_1117] {strides = array<i32>} : memref<80x128xf32, #tpu.memory_space<vmem>>, vector<16xf32>,
          tpu.vector_store %arg15[%swap3A_1116, %swap3A_1117], %mul3A_1115 {strides = array<i32>} : memref<80x128xf32, #tpu.memory_space<vmem>>, vector<16xf32>,
          %get3A_1119 = arith.index_cast %add3A_1054 : i32 to index
          %get3A_1120 = arith.constant 112 : index
          %get3A_1121 = tpu.vector_load %arg15[%get3A_1119, %get3A_1120] {strides = array<i32>} : memref<80x128xf32, #tpu.memory_space<vmem>>, vector<16xf32>,
          %mul3A_1122 = vector.broadcast %squeeze3A_1110 : f32 to vector<16xf32>
          %mul3A_1123 = arith.mulf %get3A_1121, %mul3A_1122 : vector<16xf32>
          %swap3A_1124 = arith.index_cast %add3A_1054 : i32 to index
          %swap3A_1125 = arith.constant 112 : index
          %swap3A_1126 = tpu.vector_load %arg15[%swap3A_1124, %swap3A_1125] {strides = array<i32>} : memref<80x128xf32, #tpu.memory_space<vmem>>, vector<16xf32>,
          tpu.vector_store %arg15[%swap3A_1124, %swap3A_1125], %mul3A_1123 {strides = array<i32>} : memref<80x128xf32, #tpu.memory_space<vmem>>, vector<16xf32>,
          %mul3A_1127 = arith.constant 16 : i32
          %mul3A_1128 = arith.muli %scan3A_113, %mul3A_1127 : i32
          %add3A_1129 = arith.constant 13 : i32
          %add3A_1130 = arith.addi %mul3A_1128, %add3A_1129 : i32
          %slice3A_1131 = vector.extract_strided_slice %get3A_119 {offsets = [13], sizes = [1], strides = [1]} : vector<16xf32> to vector<1xf32>
          %squeeze3A_1132 = vector.extract %slice3A_1131[0] : f32 from vector<1xf32>
          %get3A_1133 = arith.index_cast %add3A_1130 : i32 to index
          %get3A_1134 = arith.constant 0 : index
          %get3A_1135 = tpu.vector_load %arg15[%get3A_1133, %get3A_1134] {strides = array<i32>} : memref<80x128xf32, #tpu.memory_space<vmem>>, vector<16xf32>,
          %mul3A_1136 = vector.broadcast %squeeze3A_1132 : f32 to vector<16xf32>
          %mul3A_1137 = arith.mulf %get3A_1135, %mul3A_1136 : vector<16xf32>
          %swap3A_1138 = arith.index_cast %add3A_1130 : i32 to index
          %swap3A_1139 = arith.constant 0 : index
          %swap3A_1140 = tpu.vector_load %arg15[%swap3A_1138, %swap3A_1139] {strides = array<i32>} : memref<80x128xf32, #tpu.memory_space<vmem>>, vector<16xf32>,
          tpu.vector_store %arg15[%swap3A_1138, %swap3A_1139], %mul3A_1137 {strides = array<i32>} : memref<80x128xf32, #tpu.memory_space<vmem>>, vector<16xf32>,
          %get3A_1141 = arith.index_cast %add3A_1130 : i32 to index
          %get3A_1142 = arith.constant 16 : index
          %get3A_1143 = tpu.vector_load %arg15[%get3A_1141, %get3A_1142] {strides = array<i32>} : memref<80x128xf32, #tpu.memory_space<vmem>>, vector<16xf32>,
          %mul3A_1144 = vector.broadcast %squeeze3A_1132 : f32 to vector<16xf32>
          %mul3A_1145 = arith.mulf %get3A_1143, %mul3A_1144 : vector<16xf32>
          %swap3A_1146 = arith.index_cast %add3A_1130 : i32 to index
          %swap3A_1147 = arith.constant 16 : index
          %swap3A_1148 = tpu.vector_load %arg15[%swap3A_1146, %swap3A_1147] {strides = array<i32>} : memref<80x128xf32, #tpu.memory_space<vmem>>, vector<16xf32>,
          tpu.vector_store %arg15[%swap3A_1146, %swap3A_1147], %mul3A_1145 {strides = array<i32>} : memref<80x128xf32, #tpu.memory_space<vmem>>, vector<16xf32>,
          %slice3A_1149 = vector.extract_strided_slice %get3A_126 {offsets = [13], sizes = [1], strides = [1]} : vector<16xf32> to vector<1xf32>
          %squeeze3A_1150 = vector.extract %slice3A_1149[0] : f32 from vector<1xf32>
          %get3A_1151 = arith.index_cast %add3A_1130 : i32 to index
          %get3A_1152 = arith.constant 32 : index
          %get3A_1153 = tpu.vector_load %arg15[%get3A_1151, %get3A_1152] {strides = array<i32>} : memref<80x128xf32, #tpu.memory_space<vmem>>, vector<16xf32>,
          %mul3A_1154 = vector.broadcast %squeeze3A_1150 : f32 to vector<16xf32>
          %mul3A_1155 = arith.mulf %get3A_1153, %mul3A_1154 : vector<16xf32>
          %swap3A_1156 = arith.index_cast %add3A_1130 : i32 to index
          %swap3A_1157 = arith.constant 32 : index
          %swap3A_1158 = tpu.vector_load %arg15[%swap3A_1156, %swap3A_1157] {strides = array<i32>} : memref<80x128xf32, #tpu.memory_space<vmem>>, vector<16xf32>,
          tpu.vector_store %arg15[%swap3A_1156, %swap3A_1157], %mul3A_1155 {strides = array<i32>} : memref<80x128xf32, #tpu.memory_space<vmem>>, vector<16xf32>,
          %get3A_1159 = arith.index_cast %add3A_1130 : i32 to index
          %get3A_1160 = arith.constant 48 : index
          %get3A_1161 = tpu.vector_load %arg15[%get3A_1159, %get3A_1160] {strides = array<i32>} : memref<80x128xf32, #tpu.memory_space<vmem>>, vector<16xf32>,
          %mul3A_1162 = vector.broadcast %squeeze3A_1150 : f32 to vector<16xf32>
          %mul3A_1163 = arith.mulf %get3A_1161, %mul3A_1162 : vector<16xf32>
          %swap3A_1164 = arith.index_cast %add3A_1130 : i32 to index
          %swap3A_1165 = arith.constant 48 : index
          %swap3A_1166 = tpu.vector_load %arg15[%swap3A_1164, %swap3A_1165] {strides = array<i32>} : memref<80x128xf32, #tpu.memory_space<vmem>>, vector<16xf32>,
          tpu.vector_store %arg15[%swap3A_1164, %swap3A_1165], %mul3A_1163 {strides = array<i32>} : memref<80x128xf32, #tpu.memory_space<vmem>>, vector<16xf32>,
          %slice3A_1167 = vector.extract_strided_slice %get3A_133 {offsets = [13], sizes = [1], strides = [1]} : vector<16xf32> to vector<1xf32>
          %squeeze3A_1168 = vector.extract %slice3A_1167[0] : f32 from vector<1xf32>
          %get3A_1169 = arith.index_cast %add3A_1130 : i32 to index
          %get3A_1170 = arith.constant 64 : index
          %get3A_1171 = tpu.vector_load %arg15[%get3A_1169, %get3A_1170] {strides = array<i32>} : memref<80x128xf32, #tpu.memory_space<vmem>>, vector<16xf32>,
          %mul3A_1172 = vector.broadcast %squeeze3A_1168 : f32 to vector<16xf32>
          %mul3A_1173 = arith.mulf %get3A_1171, %mul3A_1172 : vector<16xf32>
          %swap3A_1174 = arith.index_cast %add3A_1130 : i32 to index
          %swap3A_1175 = arith.constant 64 : index
          %swap3A_1176 = tpu.vector_load %arg15[%swap3A_1174, %swap3A_1175] {strides = array<i32>} : memref<80x128xf32, #tpu.memory_space<vmem>>, vector<16xf32>,
          tpu.vector_store %arg15[%swap3A_1174, %swap3A_1175], %mul3A_1173 {strides = array<i32>} : memref<80x128xf32, #tpu.memory_space<vmem>>, vector<16xf32>,
          %get3A_1177 = arith.index_cast %add3A_1130 : i32 to index
          %get3A_1178 = arith.constant 80 : index
          %get3A_1179 = tpu.vector_load %arg15[%get3A_1177, %get3A_1178] {strides = array<i32>} : memref<80x128xf32, #tpu.memory_space<vmem>>, vector<16xf32>,
          %mul3A_1180 = vector.broadcast %squeeze3A_1168 : f32 to vector<16xf32>
          %mul3A_1181 = arith.mulf %get3A_1179, %mul3A_1180 : vector<16xf32>
          %swap3A_1182 = arith.index_cast %add3A_1130 : i32 to index
          %swap3A_1183 = arith.constant 80 : index
          %swap3A_1184 = tpu.vector_load %arg15[%swap3A_1182, %swap3A_1183] {strides = array<i32>} : memref<80x128xf32, #tpu.memory_space<vmem>>, vector<16xf32>,
          tpu.vector_store %arg15[%swap3A_1182, %swap3A_1183], %mul3A_1181 {strides = array<i32>} : memref<80x128xf32, #tpu.memory_space<vmem>>, vector<16xf32>,
          %slice3A_1185 = vector.extract_strided_slice %get3A_140 {offsets = [13], sizes = [1], strides = [1]} : vector<16xf32> to vector<1xf32>
          %squeeze3A_1186 = vector.extract %slice3A_1185[0] : f32 from vector<1xf32>
          %get3A_1187 = arith.index_cast %add3A_1130 : i32 to index
          %get3A_1188 = arith.constant 96 : index
          %get3A_1189 = tpu.vector_load %arg15[%get3A_1187, %get3A_1188] {strides = array<i32>} : memref<80x128xf32, #tpu.memory_space<vmem>>, vector<16xf32>,
          %mul3A_1190 = vector.broadcast %squeeze3A_1186 : f32 to vector<16xf32>
          %mul3A_1191 = arith.mulf %get3A_1189, %mul3A_1190 : vector<16xf32>
          %swap3A_1192 = arith.index_cast %add3A_1130 : i32 to index
          %swap3A_1193 = arith.constant 96 : index
          %swap3A_1194 = tpu.vector_load %arg15[%swap3A_1192, %swap3A_1193] {strides = array<i32>} : memref<80x128xf32, #tpu.memory_space<vmem>>, vector<16xf32>,
          tpu.vector_store %arg15[%swap3A_1192, %swap3A_1193], %mul3A_1191 {strides = array<i32>} : memref<80x128xf32, #tpu.memory_space<vmem>>, vector<16xf32>,
          %get3A_1195 = arith.index_cast %add3A_1130 : i32 to index
          %get3A_1196 = arith.constant 112 : index
          %get3A_1197 = tpu.vector_load %arg15[%get3A_1195, %get3A_1196] {strides = array<i32>} : memref<80x128xf32, #tpu.memory_space<vmem>>, vector<16xf32>,
          %mul3A_1198 = vector.broadcast %squeeze3A_1186 : f32 to vector<16xf32>
          %mul3A_1199 = arith.mulf %get3A_1197, %mul3A_1198 : vector<16xf32>
          %swap3A_1200 = arith.index_cast %add3A_1130 : i32 to index
          %swap3A_1201 = arith.constant 112 : index
          %swap3A_1202 = tpu.vector_load %arg15[%swap3A_1200, %swap3A_1201] {strides = array<i32>} : memref<80x128xf32, #tpu.memory_space<vmem>>, vector<16xf32>,
          tpu.vector_store %arg15[%swap3A_1200, %swap3A_1201], %mul3A_1199 {strides = array<i32>} : memref<80x128xf32, #tpu.memory_space<vmem>>, vector<16xf32>,
          %mul3A_1203 = arith.constant 16 : i32
          %mul3A_1204 = arith.muli %scan3A_113, %mul3A_1203 : i32
          %add3A_1205 = arith.constant 14 : i32
          %add3A_1206 = arith.addi %mul3A_1204, %add3A_1205 : i32
          %slice3A_1207 = vector.extract_strided_slice %get3A_119 {offsets = [14], sizes = [1], strides = [1]} : vector<16xf32> to vector<1xf32>
          %squeeze3A_1208 = vector.extract %slice3A_1207[0] : f32 from vector<1xf32>
          %get3A_1209 = arith.index_cast %add3A_1206 : i32 to index
          %get3A_1210 = arith.constant 0 : index
          %get3A_1211 = tpu.vector_load %arg15[%get3A_1209, %get3A_1210] {strides = array<i32>} : memref<80x128xf32, #tpu.memory_space<vmem>>, vector<16xf32>,
          %mul3A_1212 = vector.broadcast %squeeze3A_1208 : f32 to vector<16xf32>
          %mul3A_1213 = arith.mulf %get3A_1211, %mul3A_1212 : vector<16xf32>
          %swap3A_1214 = arith.index_cast %add3A_1206 : i32 to index
          %swap3A_1215 = arith.constant 0 : index
          %swap3A_1216 = tpu.vector_load %arg15[%swap3A_1214, %swap3A_1215] {strides = array<i32>} : memref<80x128xf32, #tpu.memory_space<vmem>>, vector<16xf32>,
          tpu.vector_store %arg15[%swap3A_1214, %swap3A_1215], %mul3A_1213 {strides = array<i32>} : memref<80x128xf32, #tpu.memory_space<vmem>>, vector<16xf32>,
          %get3A_1217 = arith.index_cast %add3A_1206 : i32 to index
          %get3A_1218 = arith.constant 16 : index
          %get3A_1219 = tpu.vector_load %arg15[%get3A_1217, %get3A_1218] {strides = array<i32>} : memref<80x128xf32, #tpu.memory_space<vmem>>, vector<16xf32>,
          %mul3A_1220 = vector.broadcast %squeeze3A_1208 : f32 to vector<16xf32>
          %mul3A_1221 = arith.mulf %get3A_1219, %mul3A_1220 : vector<16xf32>
          %swap3A_1222 = arith.index_cast %add3A_1206 : i32 to index
          %swap3A_1223 = arith.constant 16 : index
          %swap3A_1224 = tpu.vector_load %arg15[%swap3A_1222, %swap3A_1223] {strides = array<i32>} : memref<80x128xf32, #tpu.memory_space<vmem>>, vector<16xf32>,
          tpu.vector_store %arg15[%swap3A_1222, %swap3A_1223], %mul3A_1221 {strides = array<i32>} : memref<80x128xf32, #tpu.memory_space<vmem>>, vector<16xf32>,
          %slice3A_1225 = vector.extract_strided_slice %get3A_126 {offsets = [14], sizes = [1], strides = [1]} : vector<16xf32> to vector<1xf32>
          %squeeze3A_1226 = vector.extract %slice3A_1225[0] : f32 from vector<1xf32>
          %get3A_1227 = arith.index_cast %add3A_1206 : i32 to index
          %get3A_1228 = arith.constant 32 : index
          %get3A_1229 = tpu.vector_load %arg15[%get3A_1227, %get3A_1228] {strides = array<i32>} : memref<80x128xf32, #tpu.memory_space<vmem>>, vector<16xf32>,
          %mul3A_1230 = vector.broadcast %squeeze3A_1226 : f32 to vector<16xf32>
          %mul3A_1231 = arith.mulf %get3A_1229, %mul3A_1230 : vector<16xf32>
          %swap3A_1232 = arith.index_cast %add3A_1206 : i32 to index
          %swap3A_1233 = arith.constant 32 : index
          %swap3A_1234 = tpu.vector_load %arg15[%swap3A_1232, %swap3A_1233] {strides = array<i32>} : memref<80x128xf32, #tpu.memory_space<vmem>>, vector<16xf32>,
          tpu.vector_store %arg15[%swap3A_1232, %swap3A_1233], %mul3A_1231 {strides = array<i32>} : memref<80x128xf32, #tpu.memory_space<vmem>>, vector<16xf32>,
          %get3A_1235 = arith.index_cast %add3A_1206 : i32 to index
          %get3A_1236 = arith.constant 48 : index
          %get3A_1237 = tpu.vector_load %arg15[%get3A_1235, %get3A_1236] {strides = array<i32>} : memref<80x128xf32, #tpu.memory_space<vmem>>, vector<16xf32>,
          %mul3A_1238 = vector.broadcast %squeeze3A_1226 : f32 to vector<16xf32>
          %mul3A_1239 = arith.mulf %get3A_1237, %mul3A_1238 : vector<16xf32>
          %swap3A_1240 = arith.index_cast %add3A_1206 : i32 to index
          %swap3A_1241 = arith.constant 48 : index
          %swap3A_1242 = tpu.vector_load %arg15[%swap3A_1240, %swap3A_1241] {strides = array<i32>} : memref<80x128xf32, #tpu.memory_space<vmem>>, vector<16xf32>,
          tpu.vector_store %arg15[%swap3A_1240, %swap3A_1241], %mul3A_1239 {strides = array<i32>} : memref<80x128xf32, #tpu.memory_space<vmem>>, vector<16xf32>,
          %slice3A_1243 = vector.extract_strided_slice %get3A_133 {offsets = [14], sizes = [1], strides = [1]} : vector<16xf32> to vector<1xf32>
          %squeeze3A_1244 = vector.extract %slice3A_1243[0] : f32 from vector<1xf32>
          %get3A_1245 = arith.index_cast %add3A_1206 : i32 to index
          %get3A_1246 = arith.constant 64 : index
          %get3A_1247 = tpu.vector_load %arg15[%get3A_1245, %get3A_1246] {strides = array<i32>} : memref<80x128xf32, #tpu.memory_space<vmem>>, vector<16xf32>,
          %mul3A_1248 = vector.broadcast %squeeze3A_1244 : f32 to vector<16xf32>
          %mul3A_1249 = arith.mulf %get3A_1247, %mul3A_1248 : vector<16xf32>
          %swap3A_1250 = arith.index_cast %add3A_1206 : i32 to index
          %swap3A_1251 = arith.constant 64 : index
          %swap3A_1252 = tpu.vector_load %arg15[%swap3A_1250, %swap3A_1251] {strides = array<i32>} : memref<80x128xf32, #tpu.memory_space<vmem>>, vector<16xf32>,
          tpu.vector_store %arg15[%swap3A_1250, %swap3A_1251], %mul3A_1249 {strides = array<i32>} : memref<80x128xf32, #tpu.memory_space<vmem>>, vector<16xf32>,
          %get3A_1253 = arith.index_cast %add3A_1206 : i32 to index
          %get3A_1254 = arith.constant 80 : index
          %get3A_1255 = tpu.vector_load %arg15[%get3A_1253, %get3A_1254] {strides = array<i32>} : memref<80x128xf32, #tpu.memory_space<vmem>>, vector<16xf32>,
          %mul3A_1256 = vector.broadcast %squeeze3A_1244 : f32 to vector<16xf32>
          %mul3A_1257 = arith.mulf %get3A_1255, %mul3A_1256 : vector<16xf32>
          %swap3A_1258 = arith.index_cast %add3A_1206 : i32 to index
          %swap3A_1259 = arith.constant 80 : index
          %swap3A_1260 = tpu.vector_load %arg15[%swap3A_1258, %swap3A_1259] {strides = array<i32>} : memref<80x128xf32, #tpu.memory_space<vmem>>, vector<16xf32>,
          tpu.vector_store %arg15[%swap3A_1258, %swap3A_1259], %mul3A_1257 {strides = array<i32>} : memref<80x128xf32, #tpu.memory_space<vmem>>, vector<16xf32>,
          %slice3A_1261 = vector.extract_strided_slice %get3A_140 {offsets = [14], sizes = [1], strides = [1]} : vector<16xf32> to vector<1xf32>
          %squeeze3A_1262 = vector.extract %slice3A_1261[0] : f32 from vector<1xf32>
          %get3A_1263 = arith.index_cast %add3A_1206 : i32 to index
          %get3A_1264 = arith.constant 96 : index
          %get3A_1265 = tpu.vector_load %arg15[%get3A_1263, %get3A_1264] {strides = array<i32>} : memref<80x128xf32, #tpu.memory_space<vmem>>, vector<16xf32>,
          %mul3A_1266 = vector.broadcast %squeeze3A_1262 : f32 to vector<16xf32>
          %mul3A_1267 = arith.mulf %get3A_1265, %mul3A_1266 : vector<16xf32>
          %swap3A_1268 = arith.index_cast %add3A_1206 : i32 to index
          %swap3A_1269 = arith.constant 96 : index
          %swap3A_1270 = tpu.vector_load %arg15[%swap3A_1268, %swap3A_1269] {strides = array<i32>} : memref<80x128xf32, #tpu.memory_space<vmem>>, vector<16xf32>,
          tpu.vector_store %arg15[%swap3A_1268, %swap3A_1269], %mul3A_1267 {strides = array<i32>} : memref<80x128xf32, #tpu.memory_space<vmem>>, vector<16xf32>,
          %get3A_1271 = arith.index_cast %add3A_1206 : i32 to index
          %get3A_1272 = arith.constant 112 : index
          %get3A_1273 = tpu.vector_load %arg15[%get3A_1271, %get3A_1272] {strides = array<i32>} : memref<80x128xf32, #tpu.memory_space<vmem>>, vector<16xf32>,
          %mul3A_1274 = vector.broadcast %squeeze3A_1262 : f32 to vector<16xf32>
          %mul3A_1275 = arith.mulf %get3A_1273, %mul3A_1274 : vector<16xf32>
          %swap3A_1276 = arith.index_cast %add3A_1206 : i32 to index
          %swap3A_1277 = arith.constant 112 : index
          %swap3A_1278 = tpu.vector_load %arg15[%swap3A_1276, %swap3A_1277] {strides = array<i32>} : memref<80x128xf32, #tpu.memory_space<vmem>>, vector<16xf32>,
          tpu.vector_store %arg15[%swap3A_1276, %swap3A_1277], %mul3A_1275 {strides = array<i32>} : memref<80x128xf32, #tpu.memory_space<vmem>>, vector<16xf32>,
          %mul3A_1279 = arith.constant 16 : i32
          %mul3A_1280 = arith.muli %scan3A_113, %mul3A_1279 : i32
          %add3A_1281 = arith.constant 15 : i32
          %add3A_1282 = arith.addi %mul3A_1280, %add3A_1281 : i32
          %slice3A_1283 = vector.extract_strided_slice %get3A_119 {offsets = [15], sizes = [1], strides = [1]} : vector<16xf32> to vector<1xf32>
          %squeeze3A_1284 = vector.extract %slice3A_1283[0] : f32 from vector<1xf32>
          %get3A_1285 = arith.index_cast %add3A_1282 : i32 to index
          %get3A_1286 = arith.constant 0 : index
          %get3A_1287 = tpu.vector_load %arg15[%get3A_1285, %get3A_1286] {strides = array<i32>} : memref<80x128xf32, #tpu.memory_space<vmem>>, vector<16xf32>,
          %mul3A_1288 = vector.broadcast %squeeze3A_1284 : f32 to vector<16xf32>
          %mul3A_1289 = arith.mulf %get3A_1287, %mul3A_1288 : vector<16xf32>
          %swap3A_1290 = arith.index_cast %add3A_1282 : i32 to index
          %swap3A_1291 = arith.constant 0 : index
          %swap3A_1292 = tpu.vector_load %arg15[%swap3A_1290, %swap3A_1291] {strides = array<i32>} : memref<80x128xf32, #tpu.memory_space<vmem>>, vector<16xf32>,
          tpu.vector_store %arg15[%swap3A_1290, %swap3A_1291], %mul3A_1289 {strides = array<i32>} : memref<80x128xf32, #tpu.memory_space<vmem>>, vector<16xf32>,
          %get3A_1293 = arith.index_cast %add3A_1282 : i32 to index
          %get3A_1294 = arith.constant 16 : index
          %get3A_1295 = tpu.vector_load %arg15[%get3A_1293, %get3A_1294] {strides = array<i32>} : memref<80x128xf32, #tpu.memory_space<vmem>>, vector<16xf32>,
          %mul3A_1296 = vector.broadcast %squeeze3A_1284 : f32 to vector<16xf32>
          %mul3A_1297 = arith.mulf %get3A_1295, %mul3A_1296 : vector<16xf32>
          %swap3A_1298 = arith.index_cast %add3A_1282 : i32 to index
          %swap3A_1299 = arith.constant 16 : index
          %swap3A_1300 = tpu.vector_load %arg15[%swap3A_1298, %swap3A_1299] {strides = array<i32>} : memref<80x128xf32, #tpu.memory_space<vmem>>, vector<16xf32>,
          tpu.vector_store %arg15[%swap3A_1298, %swap3A_1299], %mul3A_1297 {strides = array<i32>} : memref<80x128xf32, #tpu.memory_space<vmem>>, vector<16xf32>,
          %slice3A_1301 = vector.extract_strided_slice %get3A_126 {offsets = [15], sizes = [1], strides = [1]} : vector<16xf32> to vector<1xf32>
          %squeeze3A_1302 = vector.extract %slice3A_1301[0] : f32 from vector<1xf32>
          %get3A_1303 = arith.index_cast %add3A_1282 : i32 to index
          %get3A_1304 = arith.constant 32 : index
          %get3A_1305 = tpu.vector_load %arg15[%get3A_1303, %get3A_1304] {strides = array<i32>} : memref<80x128xf32, #tpu.memory_space<vmem>>, vector<16xf32>,
          %mul3A_1306 = vector.broadcast %squeeze3A_1302 : f32 to vector<16xf32>
          %mul3A_1307 = arith.mulf %get3A_1305, %mul3A_1306 : vector<16xf32>
          %swap3A_1308 = arith.index_cast %add3A_1282 : i32 to index
          %swap3A_1309 = arith.constant 32 : index
          %swap3A_1310 = tpu.vector_load %arg15[%swap3A_1308, %swap3A_1309] {strides = array<i32>} : memref<80x128xf32, #tpu.memory_space<vmem>>, vector<16xf32>,
          tpu.vector_store %arg15[%swap3A_1308, %swap3A_1309], %mul3A_1307 {strides = array<i32>} : memref<80x128xf32, #tpu.memory_space<vmem>>, vector<16xf32>,
          %get3A_1311 = arith.index_cast %add3A_1282 : i32 to index
          %get3A_1312 = arith.constant 48 : index
          %get3A_1313 = tpu.vector_load %arg15[%get3A_1311, %get3A_1312] {strides = array<i32>} : memref<80x128xf32, #tpu.memory_space<vmem>>, vector<16xf32>,
          %mul3A_1314 = vector.broadcast %squeeze3A_1302 : f32 to vector<16xf32>
          %mul3A_1315 = arith.mulf %get3A_1313, %mul3A_1314 : vector<16xf32>
          %swap3A_1316 = arith.index_cast %add3A_1282 : i32 to index
          %swap3A_1317 = arith.constant 48 : index
          %swap3A_1318 = tpu.vector_load %arg15[%swap3A_1316, %swap3A_1317] {strides = array<i32>} : memref<80x128xf32, #tpu.memory_space<vmem>>, vector<16xf32>,
          tpu.vector_store %arg15[%swap3A_1316, %swap3A_1317], %mul3A_1315 {strides = array<i32>} : memref<80x128xf32, #tpu.memory_space<vmem>>, vector<16xf32>,
          %slice3A_1319 = vector.extract_strided_slice %get3A_133 {offsets = [15], sizes = [1], strides = [1]} : vector<16xf32> to vector<1xf32>
          %squeeze3A_1320 = vector.extract %slice3A_1319[0] : f32 from vector<1xf32>
          %get3A_1321 = arith.index_cast %add3A_1282 : i32 to index
          %get3A_1322 = arith.constant 64 : index
          %get3A_1323 = tpu.vector_load %arg15[%get3A_1321, %get3A_1322] {strides = array<i32>} : memref<80x128xf32, #tpu.memory_space<vmem>>, vector<16xf32>,
          %mul3A_1324 = vector.broadcast %squeeze3A_1320 : f32 to vector<16xf32>
          %mul3A_1325 = arith.mulf %get3A_1323, %mul3A_1324 : vector<16xf32>
          %swap3A_1326 = arith.index_cast %add3A_1282 : i32 to index
          %swap3A_1327 = arith.constant 64 : index
          %swap3A_1328 = tpu.vector_load %arg15[%swap3A_1326, %swap3A_1327] {strides = array<i32>} : memref<80x128xf32, #tpu.memory_space<vmem>>, vector<16xf32>,
          tpu.vector_store %arg15[%swap3A_1326, %swap3A_1327], %mul3A_1325 {strides = array<i32>} : memref<80x128xf32, #tpu.memory_space<vmem>>, vector<16xf32>,
          %get3A_1329 = arith.index_cast %add3A_1282 : i32 to index
          %get3A_1330 = arith.constant 80 : index
          %get3A_1331 = tpu.vector_load %arg15[%get3A_1329, %get3A_1330] {strides = array<i32>} : memref<80x128xf32, #tpu.memory_space<vmem>>, vector<16xf32>,
          %mul3A_1332 = vector.broadcast %squeeze3A_1320 : f32 to vector<16xf32>
          %mul3A_1333 = arith.mulf %get3A_1331, %mul3A_1332 : vector<16xf32>
          %swap3A_1334 = arith.index_cast %add3A_1282 : i32 to index
          %swap3A_1335 = arith.constant 80 : index
          %swap3A_1336 = tpu.vector_load %arg15[%swap3A_1334, %swap3A_1335] {strides = array<i32>} : memref<80x128xf32, #tpu.memory_space<vmem>>, vector<16xf32>,
          tpu.vector_store %arg15[%swap3A_1334, %swap3A_1335], %mul3A_1333 {strides = array<i32>} : memref<80x128xf32, #tpu.memory_space<vmem>>, vector<16xf32>,
          %slice3A_1337 = vector.extract_strided_slice %get3A_140 {offsets = [15], sizes = [1], strides = [1]} : vector<16xf32> to vector<1xf32>
          %squeeze3A_1338 = vector.extract %slice3A_1337[0] : f32 from vector<1xf32>
          %get3A_1339 = arith.index_cast %add3A_1282 : i32 to index
          %get3A_1340 = arith.constant 96 : index
          %get3A_1341 = tpu.vector_load %arg15[%get3A_1339, %get3A_1340] {strides = array<i32>} : memref<80x128xf32, #tpu.memory_space<vmem>>, vector<16xf32>,
          %mul3A_1342 = vector.broadcast %squeeze3A_1338 : f32 to vector<16xf32>
          %mul3A_1343 = arith.mulf %get3A_1341, %mul3A_1342 : vector<16xf32>
          %swap3A_1344 = arith.index_cast %add3A_1282 : i32 to index
          %swap3A_1345 = arith.constant 96 : index
          %swap3A_1346 = tpu.vector_load %arg15[%swap3A_1344, %swap3A_1345] {strides = array<i32>} : memref<80x128xf32, #tpu.memory_space<vmem>>, vector<16xf32>,
          tpu.vector_store %arg15[%swap3A_1344, %swap3A_1345], %mul3A_1343 {strides = array<i32>} : memref<80x128xf32, #tpu.memory_space<vmem>>, vector<16xf32>,
          %get3A_1347 = arith.index_cast %add3A_1282 : i32 to index
          %get3A_1348 = arith.constant 112 : index
          %get3A_1349 = tpu.vector_load %arg15[%get3A_1347, %get3A_1348] {strides = array<i32>} : memref<80x128xf32, #tpu.memory_space<vmem>>, vector<16xf32>,
          %mul3A_1350 = vector.broadcast %squeeze3A_1338 : f32 to vector<16xf32>
          %mul3A_1351 = arith.mulf %get3A_1349, %mul3A_1350 : vector<16xf32>
          %swap3A_1352 = arith.index_cast %add3A_1282 : i32 to index
          %swap3A_1353 = arith.constant 112 : index
          %swap3A_1354 = tpu.vector_load %arg15[%swap3A_1352, %swap3A_1353] {strides = array<i32>} : memref<80x128xf32, #tpu.memory_space<vmem>>, vector<16xf32>,
          tpu.vector_store %arg15[%swap3A_1352, %swap3A_1353], %mul3A_1351 {strides = array<i32>} : memref<80x128xf32, #tpu.memory_space<vmem>>, vector<16xf32>,
        }
        %scan3A_99 = arith.constant 5 : i32
        %dma_start3A_100 = arith.constant 0 : i32
        %dma_start3A_101 = tpu.memref_slice %arg14[%mul3A_77, %dma_start3A_100] : memref<5x80xi32, #tpu.memory_space<vmem>> -> memref<1x80xi32, #tpu.memory_space<vmem>>
        %dma_start3A_102 = tpu.memref_squeeze %dma_start3A_101 : memref<1x80xi32, #tpu.memory_space<vmem>> -> memref<80xi32, #tpu.memory_space<vmem>>
        %dma_start3A_103 = arith.constant 0 : i32
        %dma_start3A_104 = arith.constant 0 : i32
        %dma_start3A_105 = tpu.memref_slice %arg10[%dma_start3A_103, %dma_start3A_104] : memref<10000x128xf32, #tpu.memory_space<vmem_shared>> -> memref<10000x128xf32, #tpu.memory_space<vmem_shared>>
        tpu.enqueue_indirect_dma source(%arg15 : memref<80x128xf32, #tpu.memory_space<vmem>>) target(%dma_start3A_105 : memref<10000x128xf32, #tpu.memory_space<vmem_shared>>) offsets(%dma_start3A_102 : memref<80xi32, #tpu.memory_space<vmem>>) semaphore(%arg24 : memref<!tpu.dma_semaphore, #tpu.memory_space<semaphore_mem>>) {add = true}
        %add3A_106 = arith.constant 1 : i32
        %add3A_107 = arith.addi %mul3A_77, %add3A_106 : i32
        %lt3A_108 = arith.constant 5 : i32
        %lt3A_109 = arith.cmpi slt, %add3A_107, %lt3A_108 : i32
        %convert_element_type3A_110 = arith.extui %lt3A_109 : i1 to i32
        %cond3A_111 = arith.constant 0 : i32
        %cond3A_112 = arith.cmpi ne, %convert_element_type3A_110, %cond3A_111 : i32
        scf.if %cond3A_112 {
          %dma_wait3A_113 = arith.constant 0 : i32
          %dma_wait3A_114 = arith.constant 0 : i32
          %dma_wait3A_115 = tpu.memref_slice %arg10[%dma_wait3A_113, %dma_wait3A_114] : memref<10000x128xf32, #tpu.memory_space<vmem_shared>> -> memref<80x128xf32, #tpu.memory_space<vmem_shared>>
          %dma_wait3A_116 = arith.constant 0 : i32
          %dma_wait3A_117 = arith.constant 0 : i32
          %dma_wait3A_118 = tpu.memref_slice %arg10[%dma_wait3A_116, %dma_wait3A_117] : memref<10000x128xf32, #tpu.memory_space<vmem_shared>> -> memref<80x128xf32, #tpu.memory_space<vmem_shared>>
          tpu.wait_dma2 semaphore(%arg24 : memref<!tpu.dma_semaphore, #tpu.memory_space<semaphore_mem>>) src(%arg15 : memref<80x128xf32, #tpu.memory_space<vmem>>) dst(%dma_wait3A_118 : memref<80x128xf32, #tpu.memory_space<vmem_shared>>)
          %add3A_119 = arith.constant 2 : i32
          %add3A_120 = arith.addi %mul3A_77, %add3A_119 : i32
          %mul3A_121 = arith.constant 80 : i32
          %mul3A_122 = arith.muli %add3A_120, %mul3A_121 : i32
          %dma_start3A_123 = tpu.memref_slice %arg12[%mul3A_122] : memref<400xi32, #tpu.memory_space<vmem>> -> memref<80xi32, #tpu.memory_space<vmem>>
          %dma_start3A_124 = arith.constant 0 : i32
          %dma_start3A_125 = arith.constant 0 : i32
          %dma_start3A_126 = tpu.memref_slice %arg2[%dma_start3A_124, %dma_start3A_125] : memref<80000x128xf32, #tpu.memory_space<hbm>> -> memref<80000x128xf32, #tpu.memory_space<hbm>>
          tpu.enqueue_indirect_dma source(%dma_start3A_126 : memref<80000x128xf32, #tpu.memory_space<hbm>>) target(%arg15 : memref<80x128xf32, #tpu.memory_space<vmem>>) offsets(%dma_start3A_123 : memref<80xi32, #tpu.memory_space<vmem>>) semaphore(%arg22 : memref<!tpu.dma_semaphore, #tpu.memory_space<semaphore_mem>>)
          %dma_wait3A_127 = arith.constant 0 : i32
          %dma_wait3A_128 = arith.constant 0 : i32
          %dma_wait3A_129 = tpu.memref_slice %arg2[%dma_wait3A_127, %dma_wait3A_128] : memref<80000x128xf32, #tpu.memory_space<hbm>> -> memref<80x128xf32, #tpu.memory_space<hbm>>
          %dma_wait3A_130 = arith.constant 0 : i32
          %dma_wait3A_131 = arith.constant 0 : i32
          %dma_wait3A_132 = tpu.memref_slice %arg2[%dma_wait3A_130, %dma_wait3A_131] : memref<80000x128xf32, #tpu.memory_space<hbm>> -> memref<80x128xf32, #tpu.memory_space<hbm>>
          tpu.wait_dma2 semaphore(%arg23 : memref<!tpu.dma_semaphore, #tpu.memory_space<semaphore_mem>>) src(%dma_wait3A_132 : memref<80x128xf32, #tpu.memory_space<hbm>>) dst(%arg16 : memref<80x128xf32, #tpu.memory_space<vmem>>)
          %add3A_133 = arith.constant 1 : i32
          %add3A_134 = arith.addi %mul3A_77, %add3A_133 : i32
          %mul3A_135 = arith.constant 80 : i32
          %mul3A_136 = arith.muli %add3A_134, %mul3A_135 : i32
          %scan3A_137 = arith.constant 0 : i32
          %scan3A_138 = arith.constant 0 : i32
          %scan3A_139 = arith.constant 5 : i32
          %scan3A_140 = arith.addi %scan3A_138, %scan3A_139 : i32
          %scan3A_141 = arith.constant 1 : i32
          scf.for %scan3A_149 = %scan3A_138 to %scan3A_140 step %scan3A_141  : i32 {
            %mul3A_150 = arith.constant 16 : i32
            %mul3A_151 = arith.muli %scan3A_149, %mul3A_150 : i32
            %add3A_152 = arith.addi %mul3A_136, %mul3A_151 : i32
            %get3A = arith.constant 0 : i32
            %get3A_153 = arith.index_cast %get3A : i32 to index
            %get3A_154 = arith.index_cast %add3A_152 : i32 to index
            %get3A_155 = tpu.vector_load %arg19[%get3A_153, %get3A_154] {strides = array<i32>} : memref<4x400xf32, #tpu.memory_space<vmem>>, vector<16xf32>,
            %mul3A_156 = arith.constant 16 : i32
            %mul3A_157 = arith.muli %scan3A_149, %mul3A_156 : i32
            %add3A_158 = arith.addi %mul3A_136, %mul3A_157 : i32
            %get3A_159 = arith.constant 1 : i32
            %get3A_160 = arith.index_cast %get3A_159 : i32 to index
            %get3A_161 = arith.index_cast %add3A_158 : i32 to index
            %get3A_162 = tpu.vector_load %arg19[%get3A_160, %get3A_161] {strides = array<i32>} : memref<4x400xf32, #tpu.memory_space<vmem>>, vector<16xf32>,
            %mul3A_163 = arith.constant 16 : i32
            %mul3A_164 = arith.muli %scan3A_149, %mul3A_163 : i32
            %add3A_165 = arith.addi %mul3A_136, %mul3A_164 : i32
            %get3A_166 = arith.constant 2 : i32
            %get3A_167 = arith.index_cast %get3A_166 : i32 to index
            %get3A_168 = arith.index_cast %add3A_165 : i32 to index
            %get3A_169 = tpu.vector_load %arg19[%get3A_167, %get3A_168] {strides = array<i32>} : memref<4x400xf32, #tpu.memory_space<vmem>>, vector<16xf32>,
            %mul3A_170 = arith.constant 16 : i32
            %mul3A_171 = arith.muli %scan3A_149, %mul3A_170 : i32
            %add3A_172 = arith.addi %mul3A_136, %mul3A_171 : i32
            %get3A_173 = arith.constant 3 : i32
            %get3A_174 = arith.index_cast %get3A_173 : i32 to index
            %get3A_175 = arith.index_cast %add3A_172 : i32 to index
            %get3A_176 = tpu.vector_load %arg19[%get3A_174, %get3A_175] {strides = array<i32>} : memref<4x400xf32, #tpu.memory_space<vmem>>, vector<16xf32>,
            %mul3A_177 = arith.constant 16 : i32
            %mul3A_178 = arith.muli %scan3A_149, %mul3A_177 : i32
            %add3A_179 = arith.constant 0 : i32
            %add3A_180 = arith.addi %mul3A_178, %add3A_179 : i32
            %slice3A = vector.extract_strided_slice %get3A_155 {offsets = [0], sizes = [1], strides = [1]} : vector<16xf32> to vector<1xf32>
            %squeeze3A = vector.extract %slice3A[0] : f32 from vector<1xf32>
            %get3A_181 = arith.index_cast %add3A_180 : i32 to index
            %get3A_182 = arith.constant 0 : index
            %get3A_183 = tpu.vector_load %arg16[%get3A_181, %get3A_182] {strides = array<i32>} : memref<80x128xf32, #tpu.memory_space<vmem>>, vector<16xf32>,
            %mul3A_184 = vector.broadcast %squeeze3A : f32 to vector<16xf32>
            %mul3A_185 = arith.mulf %get3A_183, %mul3A_184 : vector<16xf32>
            %swap3A_186 = arith.index_cast %add3A_180 : i32 to index
            %swap3A_187 = arith.constant 0 : index
            %swap3A_188 = tpu.vector_load %arg16[%swap3A_186, %swap3A_187] {strides = array<i32>} : memref<80x128xf32, #tpu.memory_space<vmem>>, vector<16xf32>,
            tpu.vector_store %arg16[%swap3A_186, %swap3A_187], %mul3A_185 {strides = array<i32>} : memref<80x128xf32, #tpu.memory_space<vmem>>, vector<16xf32>,
            %get3A_189 = arith.index_cast %add3A_180 : i32 to index
            %get3A_190 = arith.constant 16 : index
            %get3A_191 = tpu.vector_load %arg16[%get3A_189, %get3A_190] {strides = array<i32>} : memref<80x128xf32, #tpu.memory_space<vmem>>, vector<16xf32>,
            %mul3A_192 = vector.broadcast %squeeze3A : f32 to vector<16xf32>
            %mul3A_193 = arith.mulf %get3A_191, %mul3A_192 : vector<16xf32>
            %swap3A_194 = arith.index_cast %add3A_180 : i32 to index
            %swap3A_195 = arith.constant 16 : index
            %swap3A_196 = tpu.vector_load %arg16[%swap3A_194, %swap3A_195] {strides = array<i32>} : memref<80x128xf32, #tpu.memory_space<vmem>>, vector<16xf32>,
            tpu.vector_store %arg16[%swap3A_194, %swap3A_195], %mul3A_193 {strides = array<i32>} : memref<80x128xf32, #tpu.memory_space<vmem>>, vector<16xf32>,
            %slice3A_197 = vector.extract_strided_slice %get3A_162 {offsets = [0], sizes = [1], strides = [1]} : vector<16xf32> to vector<1xf32>
            %squeeze3A_198 = vector.extract %slice3A_197[0] : f32 from vector<1xf32>
            %get3A_199 = arith.index_cast %add3A_180 : i32 to index
            %get3A_200 = arith.constant 32 : index
            %get3A_201 = tpu.vector_load %arg16[%get3A_199, %get3A_200] {strides = array<i32>} : memref<80x128xf32, #tpu.memory_space<vmem>>, vector<16xf32>,
            %mul3A_202 = vector.broadcast %squeeze3A_198 : f32 to vector<16xf32>
            %mul3A_203 = arith.mulf %get3A_201, %mul3A_202 : vector<16xf32>
            %swap3A_204 = arith.index_cast %add3A_180 : i32 to index
            %swap3A_205 = arith.constant 32 : index
            %swap3A_206 = tpu.vector_load %arg16[%swap3A_204, %swap3A_205] {strides = array<i32>} : memref<80x128xf32, #tpu.memory_space<vmem>>, vector<16xf32>,
            tpu.vector_store %arg16[%swap3A_204, %swap3A_205], %mul3A_203 {strides = array<i32>} : memref<80x128xf32, #tpu.memory_space<vmem>>, vector<16xf32>,
            %get3A_207 = arith.index_cast %add3A_180 : i32 to index
            %get3A_208 = arith.constant 48 : index
            %get3A_209 = tpu.vector_load %arg16[%get3A_207, %get3A_208] {strides = array<i32>} : memref<80x128xf32, #tpu.memory_space<vmem>>, vector<16xf32>,
            %mul3A_210 = vector.broadcast %squeeze3A_198 : f32 to vector<16xf32>
            %mul3A_211 = arith.mulf %get3A_209, %mul3A_210 : vector<16xf32>
            %swap3A_212 = arith.index_cast %add3A_180 : i32 to index
            %swap3A_213 = arith.constant 48 : index
            %swap3A_214 = tpu.vector_load %arg16[%swap3A_212, %swap3A_213] {strides = array<i32>} : memref<80x128xf32, #tpu.memory_space<vmem>>, vector<16xf32>,
            tpu.vector_store %arg16[%swap3A_212, %swap3A_213], %mul3A_211 {strides = array<i32>} : memref<80x128xf32, #tpu.memory_space<vmem>>, vector<16xf32>,
            %slice3A_215 = vector.extract_strided_slice %get3A_169 {offsets = [0], sizes = [1], strides = [1]} : vector<16xf32> to vector<1xf32>
            %squeeze3A_216 = vector.extract %slice3A_215[0] : f32 from vector<1xf32>
            %get3A_217 = arith.index_cast %add3A_180 : i32 to index
            %get3A_218 = arith.constant 64 : index
            %get3A_219 = tpu.vector_load %arg16[%get3A_217, %get3A_218] {strides = array<i32>} : memref<80x128xf32, #tpu.memory_space<vmem>>, vector<16xf32>,
            %mul3A_220 = vector.broadcast %squeeze3A_216 : f32 to vector<16xf32>
            %mul3A_221 = arith.mulf %get3A_219, %mul3A_220 : vector<16xf32>
            %swap3A_222 = arith.index_cast %add3A_180 : i32 to index
            %swap3A_223 = arith.constant 64 : index
            %swap3A_224 = tpu.vector_load %arg16[%swap3A_222, %swap3A_223] {strides = array<i32>} : memref<80x128xf32, #tpu.memory_space<vmem>>, vector<16xf32>,
            tpu.vector_store %arg16[%swap3A_222, %swap3A_223], %mul3A_221 {strides = array<i32>} : memref<80x128xf32, #tpu.memory_space<vmem>>, vector<16xf32>,
            %get3A_225 = arith.index_cast %add3A_180 : i32 to index
            %get3A_226 = arith.constant 80 : index
            %get3A_227 = tpu.vector_load %arg16[%get3A_225, %get3A_226] {strides = array<i32>} : memref<80x128xf32, #tpu.memory_space<vmem>>, vector<16xf32>,
            %mul3A_228 = vector.broadcast %squeeze3A_216 : f32 to vector<16xf32>
            %mul3A_229 = arith.mulf %get3A_227, %mul3A_228 : vector<16xf32>
            %swap3A_230 = arith.index_cast %add3A_180 : i32 to index
            %swap3A_231 = arith.constant 80 : index
            %swap3A_232 = tpu.vector_load %arg16[%swap3A_230, %swap3A_231] {strides = array<i32>} : memref<80x128xf32, #tpu.memory_space<vmem>>, vector<16xf32>,
            tpu.vector_store %arg16[%swap3A_230, %swap3A_231], %mul3A_229 {strides = array<i32>} : memref<80x128xf32, #tpu.memory_space<vmem>>, vector<16xf32>,
            %slice3A_233 = vector.extract_strided_slice %get3A_176 {offsets = [0], sizes = [1], strides = [1]} : vector<16xf32> to vector<1xf32>
            %squeeze3A_234 = vector.extract %slice3A_233[0] : f32 from vector<1xf32>
            %get3A_235 = arith.index_cast %add3A_180 : i32 to index
            %get3A_236 = arith.constant 96 : index
            %get3A_237 = tpu.vector_load %arg16[%get3A_235, %get3A_236] {strides = array<i32>} : memref<80x128xf32, #tpu.memory_space<vmem>>, vector<16xf32>,
            %mul3A_238 = vector.broadcast %squeeze3A_234 : f32 to vector<16xf32>
            %mul3A_239 = arith.mulf %get3A_237, %mul3A_238 : vector<16xf32>
            %swap3A_240 = arith.index_cast %add3A_180 : i32 to index
            %swap3A_241 = arith.constant 96 : index
            %swap3A_242 = tpu.vector_load %arg16[%swap3A_240, %swap3A_241] {strides = array<i32>} : memref<80x128xf32, #tpu.memory_space<vmem>>, vector<16xf32>,
            tpu.vector_store %arg16[%swap3A_240, %swap3A_241], %mul3A_239 {strides = array<i32>} : memref<80x128xf32, #tpu.memory_space<vmem>>, vector<16xf32>,
            %get3A_243 = arith.index_cast %add3A_180 : i32 to index
            %get3A_244 = arith.constant 112 : index
            %get3A_245 = tpu.vector_load %arg16[%get3A_243, %get3A_244] {strides = array<i32>} : memref<80x128xf32, #tpu.memory_space<vmem>>, vector<16xf32>,
            %mul3A_246 = vector.broadcast %squeeze3A_234 : f32 to vector<16xf32>
            %mul3A_247 = arith.mulf %get3A_245, %mul3A_246 : vector<16xf32>
            %swap3A_248 = arith.index_cast %add3A_180 : i32 to index
            %swap3A_249 = arith.constant 112 : index
            %swap3A_250 = tpu.vector_load %arg16[%swap3A_248, %swap3A_249] {strides = array<i32>} : memref<80x128xf32, #tpu.memory_space<vmem>>, vector<16xf32>,
            tpu.vector_store %arg16[%swap3A_248, %swap3A_249], %mul3A_247 {strides = array<i32>} : memref<80x128xf32, #tpu.memory_space<vmem>>, vector<16xf32>,
            %mul3A_251 = arith.constant 16 : i32
            %mul3A_252 = arith.muli %scan3A_149, %mul3A_251 : i32
            %add3A_253 = arith.constant 1 : i32
            %add3A_254 = arith.addi %mul3A_252, %add3A_253 : i32
            %slice3A_255 = vector.extract_strided_slice %get3A_155 {offsets = [1], sizes = [1], strides = [1]} : vector<16xf32> to vector<1xf32>
            %squeeze3A_256 = vector.extract %slice3A_255[0] : f32 from vector<1xf32>
            %get3A_257 = arith.index_cast %add3A_254 : i32 to index
            %get3A_258 = arith.constant 0 : index
            %get3A_259 = tpu.vector_load %arg16[%get3A_257, %get3A_258] {strides = array<i32>} : memref<80x128xf32, #tpu.memory_space<vmem>>, vector<16xf32>,
            %mul3A_260 = vector.broadcast %squeeze3A_256 : f32 to vector<16xf32>
            %mul3A_261 = arith.mulf %get3A_259, %mul3A_260 : vector<16xf32>
            %swap3A_262 = arith.index_cast %add3A_254 : i32 to index
            %swap3A_263 = arith.constant 0 : index
            %swap3A_264 = tpu.vector_load %arg16[%swap3A_262, %swap3A_263] {strides = array<i32>} : memref<80x128xf32, #tpu.memory_space<vmem>>, vector<16xf32>,
            tpu.vector_store %arg16[%swap3A_262, %swap3A_263], %mul3A_261 {strides = array<i32>} : memref<80x128xf32, #tpu.memory_space<vmem>>, vector<16xf32>,
            %get3A_265 = arith.index_cast %add3A_254 : i32 to index
            %get3A_266 = arith.constant 16 : index
            %get3A_267 = tpu.vector_load %arg16[%get3A_265, %get3A_266] {strides = array<i32>} : memref<80x128xf32, #tpu.memory_space<vmem>>, vector<16xf32>,
            %mul3A_268 = vector.broadcast %squeeze3A_256 : f32 to vector<16xf32>
            %mul3A_269 = arith.mulf %get3A_267, %mul3A_268 : vector<16xf32>
            %swap3A_270 = arith.index_cast %add3A_254 : i32 to index
            %swap3A_271 = arith.constant 16 : index
            %swap3A_272 = tpu.vector_load %arg16[%swap3A_270, %swap3A_271] {strides = array<i32>} : memref<80x128xf32, #tpu.memory_space<vmem>>, vector<16xf32>,
            tpu.vector_store %arg16[%swap3A_270, %swap3A_271], %mul3A_269 {strides = array<i32>} : memref<80x128xf32, #tpu.memory_space<vmem>>, vector<16xf32>,
            %slice3A_273 = vector.extract_strided_slice %get3A_162 {offsets = [1], sizes = [1], strides = [1]} : vector<16xf32> to vector<1xf32>
            %squeeze3A_274 = vector.extract %slice3A_273[0] : f32 from vector<1xf32>
            %get3A_275 = arith.index_cast %add3A_254 : i32 to index
            %get3A_276 = arith.constant 32 : index
            %get3A_277 = tpu.vector_load %arg16[%get3A_275, %get3A_276] {strides = array<i32>} : memref<80x128xf32, #tpu.memory_space<vmem>>, vector<16xf32>,
            %mul3A_278 = vector.broadcast %squeeze3A_274 : f32 to vector<16xf32>
            %mul3A_279 = arith.mulf %get3A_277, %mul3A_278 : vector<16xf32>
            %swap3A_280 = arith.index_cast %add3A_254 : i32 to index
            %swap3A_281 = arith.constant 32 : index
            %swap3A_282 = tpu.vector_load %arg16[%swap3A_280, %swap3A_281] {strides = array<i32>} : memref<80x128xf32, #tpu.memory_space<vmem>>, vector<16xf32>,
            tpu.vector_store %arg16[%swap3A_280, %swap3A_281], %mul3A_279 {strides = array<i32>} : memref<80x128xf32, #tpu.memory_space<vmem>>, vector<16xf32>,
            %get3A_283 = arith.index_cast %add3A_254 : i32 to index
            %get3A_284 = arith.constant 48 : index
            %get3A_285 = tpu.vector_load %arg16[%get3A_283, %get3A_284] {strides = array<i32>} : memref<80x128xf32, #tpu.memory_space<vmem>>, vector<16xf32>,
            %mul3A_286 = vector.broadcast %squeeze3A_274 : f32 to vector<16xf32>
            %mul3A_287 = arith.mulf %get3A_285, %mul3A_286 : vector<16xf32>
            %swap3A_288 = arith.index_cast %add3A_254 : i32 to index
            %swap3A_289 = arith.constant 48 : index
            %swap3A_290 = tpu.vector_load %arg16[%swap3A_288, %swap3A_289] {strides = array<i32>} : memref<80x128xf32, #tpu.memory_space<vmem>>, vector<16xf32>,
            tpu.vector_store %arg16[%swap3A_288, %swap3A_289], %mul3A_287 {strides = array<i32>} : memref<80x128xf32, #tpu.memory_space<vmem>>, vector<16xf32>,
            %slice3A_291 = vector.extract_strided_slice %get3A_169 {offsets = [1], sizes = [1], strides = [1]} : vector<16xf32> to vector<1xf32>
            %squeeze3A_292 = vector.extract %slice3A_291[0] : f32 from vector<1xf32>
            %get3A_293 = arith.index_cast %add3A_254 : i32 to index
            %get3A_294 = arith.constant 64 : index
            %get3A_295 = tpu.vector_load %arg16[%get3A_293, %get3A_294] {strides = array<i32>} : memref<80x128xf32, #tpu.memory_space<vmem>>, vector<16xf32>,
            %mul3A_296 = vector.broadcast %squeeze3A_292 : f32 to vector<16xf32>
            %mul3A_297 = arith.mulf %get3A_295, %mul3A_296 : vector<16xf32>
            %swap3A_298 = arith.index_cast %add3A_254 : i32 to index
            %swap3A_299 = arith.constant 64 : index
            %swap3A_300 = tpu.vector_load %arg16[%swap3A_298, %swap3A_299] {strides = array<i32>} : memref<80x128xf32, #tpu.memory_space<vmem>>, vector<16xf32>,
            tpu.vector_store %arg16[%swap3A_298, %swap3A_299], %mul3A_297 {strides = array<i32>} : memref<80x128xf32, #tpu.memory_space<vmem>>, vector<16xf32>,
            %get3A_301 = arith.index_cast %add3A_254 : i32 to index
            %get3A_302 = arith.constant 80 : index
            %get3A_303 = tpu.vector_load %arg16[%get3A_301, %get3A_302] {strides = array<i32>} : memref<80x128xf32, #tpu.memory_space<vmem>>, vector<16xf32>,
            %mul3A_304 = vector.broadcast %squeeze3A_292 : f32 to vector<16xf32>
            %mul3A_305 = arith.mulf %get3A_303, %mul3A_304 : vector<16xf32>
            %swap3A_306 = arith.index_cast %add3A_254 : i32 to index
            %swap3A_307 = arith.constant 80 : index
            %swap3A_308 = tpu.vector_load %arg16[%swap3A_306, %swap3A_307] {strides = array<i32>} : memref<80x128xf32, #tpu.memory_space<vmem>>, vector<16xf32>,
            tpu.vector_store %arg16[%swap3A_306, %swap3A_307], %mul3A_305 {strides = array<i32>} : memref<80x128xf32, #tpu.memory_space<vmem>>, vector<16xf32>,
            %slice3A_309 = vector.extract_strided_slice %get3A_176 {offsets = [1], sizes = [1], strides = [1]} : vector<16xf32> to vector<1xf32>
            %squeeze3A_310 = vector.extract %slice3A_309[0] : f32 from vector<1xf32>
            %get3A_311 = arith.index_cast %add3A_254 : i32 to index
            %get3A_312 = arith.constant 96 : index
            %get3A_313 = tpu.vector_load %arg16[%get3A_311, %get3A_312] {strides = array<i32>} : memref<80x128xf32, #tpu.memory_space<vmem>>, vector<16xf32>,
            %mul3A_314 = vector.broadcast %squeeze3A_310 : f32 to vector<16xf32>
            %mul3A_315 = arith.mulf %get3A_313, %mul3A_314 : vector<16xf32>
            %swap3A_316 = arith.index_cast %add3A_254 : i32 to index
            %swap3A_317 = arith.constant 96 : index
            %swap3A_318 = tpu.vector_load %arg16[%swap3A_316, %swap3A_317] {strides = array<i32>} : memref<80x128xf32, #tpu.memory_space<vmem>>, vector<16xf32>,
            tpu.vector_store %arg16[%swap3A_316, %swap3A_317], %mul3A_315 {strides = array<i32>} : memref<80x128xf32, #tpu.memory_space<vmem>>, vector<16xf32>,
            %get3A_319 = arith.index_cast %add3A_254 : i32 to index
            %get3A_320 = arith.constant 112 : index
            %get3A_321 = tpu.vector_load %arg16[%get3A_319, %get3A_320] {strides = array<i32>} : memref<80x128xf32, #tpu.memory_space<vmem>>, vector<16xf32>,
            %mul3A_322 = vector.broadcast %squeeze3A_310 : f32 to vector<16xf32>
            %mul3A_323 = arith.mulf %get3A_321, %mul3A_322 : vector<16xf32>
            %swap3A_324 = arith.index_cast %add3A_254 : i32 to index
            %swap3A_325 = arith.constant 112 : index
            %swap3A_326 = tpu.vector_load %arg16[%swap3A_324, %swap3A_325] {strides = array<i32>} : memref<80x128xf32, #tpu.memory_space<vmem>>, vector<16xf32>,
            tpu.vector_store %arg16[%swap3A_324, %swap3A_325], %mul3A_323 {strides = array<i32>} : memref<80x128xf32, #tpu.memory_space<vmem>>, vector<16xf32>,
            %mul3A_327 = arith.constant 16 : i32
            %mul3A_328 = arith.muli %scan3A_149, %mul3A_327 : i32
            %add3A_329 = arith.constant 2 : i32
            %add3A_330 = arith.addi %mul3A_328, %add3A_329 : i32
            %slice3A_331 = vector.extract_strided_slice %get3A_155 {offsets = [2], sizes = [1], strides = [1]} : vector<16xf32> to vector<1xf32>
            %squeeze3A_332 = vector.extract %slice3A_331[0] : f32 from vector<1xf32>
            %get3A_333 = arith.index_cast %add3A_330 : i32 to index
            %get3A_334 = arith.constant 0 : index
            %get3A_335 = tpu.vector_load %arg16[%get3A_333, %get3A_334] {strides = array<i32>} : memref<80x128xf32, #tpu.memory_space<vmem>>, vector<16xf32>,
            %mul3A_336 = vector.broadcast %squeeze3A_332 : f32 to vector<16xf32>
            %mul3A_337 = arith.mulf %get3A_335, %mul3A_336 : vector<16xf32>
            %swap3A_338 = arith.index_cast %add3A_330 : i32 to index
            %swap3A_339 = arith.constant 0 : index
            %swap3A_340 = tpu.vector_load %arg16[%swap3A_338, %swap3A_339] {strides = array<i32>} : memref<80x128xf32, #tpu.memory_space<vmem>>, vector<16xf32>,
            tpu.vector_store %arg16[%swap3A_338, %swap3A_339], %mul3A_337 {strides = array<i32>} : memref<80x128xf32, #tpu.memory_space<vmem>>, vector<16xf32>,
            %get3A_341 = arith.index_cast %add3A_330 : i32 to index
            %get3A_342 = arith.constant 16 : index
            %get3A_343 = tpu.vector_load %arg16[%get3A_341, %get3A_342] {strides = array<i32>} : memref<80x128xf32, #tpu.memory_space<vmem>>, vector<16xf32>,
            %mul3A_344 = vector.broadcast %squeeze3A_332 : f32 to vector<16xf32>
            %mul3A_345 = arith.mulf %get3A_343, %mul3A_344 : vector<16xf32>
            %swap3A_346 = arith.index_cast %add3A_330 : i32 to index
            %swap3A_347 = arith.constant 16 : index
            %swap3A_348 = tpu.vector_load %arg16[%swap3A_346, %swap3A_347] {strides = array<i32>} : memref<80x128xf32, #tpu.memory_space<vmem>>, vector<16xf32>,
            tpu.vector_store %arg16[%swap3A_346, %swap3A_347], %mul3A_345 {strides = array<i32>} : memref<80x128xf32, #tpu.memory_space<vmem>>, vector<16xf32>,
            %slice3A_349 = vector.extract_strided_slice %get3A_162 {offsets = [2], sizes = [1], strides = [1]} : vector<16xf32> to vector<1xf32>
            %squeeze3A_350 = vector.extract %slice3A_349[0] : f32 from vector<1xf32>
            %get3A_351 = arith.index_cast %add3A_330 : i32 to index
            %get3A_352 = arith.constant 32 : index
            %get3A_353 = tpu.vector_load %arg16[%get3A_351, %get3A_352] {strides = array<i32>} : memref<80x128xf32, #tpu.memory_space<vmem>>, vector<16xf32>,
            %mul3A_354 = vector.broadcast %squeeze3A_350 : f32 to vector<16xf32>
            %mul3A_355 = arith.mulf %get3A_353, %mul3A_354 : vector<16xf32>
            %swap3A_356 = arith.index_cast %add3A_330 : i32 to index
            %swap3A_357 = arith.constant 32 : index
            %swap3A_358 = tpu.vector_load %arg16[%swap3A_356, %swap3A_357] {strides = array<i32>} : memref<80x128xf32, #tpu.memory_space<vmem>>, vector<16xf32>,
            tpu.vector_store %arg16[%swap3A_356, %swap3A_357], %mul3A_355 {strides = array<i32>} : memref<80x128xf32, #tpu.memory_space<vmem>>, vector<16xf32>,
            %get3A_359 = arith.index_cast %add3A_330 : i32 to index
            %get3A_360 = arith.constant 48 : index
            %get3A_361 = tpu.vector_load %arg16[%get3A_359, %get3A_360] {strides = array<i32>} : memref<80x128xf32, #tpu.memory_space<vmem>>, vector<16xf32>,
            %mul3A_362 = vector.broadcast %squeeze3A_350 : f32 to vector<16xf32>
            %mul3A_363 = arith.mulf %get3A_361, %mul3A_362 : vector<16xf32>
            %swap3A_364 = arith.index_cast %add3A_330 : i32 to index
            %swap3A_365 = arith.constant 48 : index
            %swap3A_366 = tpu.vector_load %arg16[%swap3A_364, %swap3A_365] {strides = array<i32>} : memref<80x128xf32, #tpu.memory_space<vmem>>, vector<16xf32>,
            tpu.vector_store %arg16[%swap3A_364, %swap3A_365], %mul3A_363 {strides = array<i32>} : memref<80x128xf32, #tpu.memory_space<vmem>>, vector<16xf32>,
            %slice3A_367 = vector.extract_strided_slice %get3A_169 {offsets = [2], sizes = [1], strides = [1]} : vector<16xf32> to vector<1xf32>
            %squeeze3A_368 = vector.extract %slice3A_367[0] : f32 from vector<1xf32>
            %get3A_369 = arith.index_cast %add3A_330 : i32 to index
            %get3A_370 = arith.constant 64 : index
            %get3A_371 = tpu.vector_load %arg16[%get3A_369, %get3A_370] {strides = array<i32>} : memref<80x128xf32, #tpu.memory_space<vmem>>, vector<16xf32>,
            %mul3A_372 = vector.broadcast %squeeze3A_368 : f32 to vector<16xf32>
            %mul3A_373 = arith.mulf %get3A_371, %mul3A_372 : vector<16xf32>
            %swap3A_374 = arith.index_cast %add3A_330 : i32 to index
            %swap3A_375 = arith.constant 64 : index
            %swap3A_376 = tpu.vector_load %arg16[%swap3A_374, %swap3A_375] {strides = array<i32>} : memref<80x128xf32, #tpu.memory_space<vmem>>, vector<16xf32>,
            tpu.vector_store %arg16[%swap3A_374, %swap3A_375], %mul3A_373 {strides = array<i32>} : memref<80x128xf32, #tpu.memory_space<vmem>>, vector<16xf32>,
            %get3A_377 = arith.index_cast %add3A_330 : i32 to index
            %get3A_378 = arith.constant 80 : index
            %get3A_379 = tpu.vector_load %arg16[%get3A_377, %get3A_378] {strides = array<i32>} : memref<80x128xf32, #tpu.memory_space<vmem>>, vector<16xf32>,
            %mul3A_380 = vector.broadcast %squeeze3A_368 : f32 to vector<16xf32>
            %mul3A_381 = arith.mulf %get3A_379, %mul3A_380 : vector<16xf32>
            %swap3A_382 = arith.index_cast %add3A_330 : i32 to index
            %swap3A_383 = arith.constant 80 : index
            %swap3A_384 = tpu.vector_load %arg16[%swap3A_382, %swap3A_383] {strides = array<i32>} : memref<80x128xf32, #tpu.memory_space<vmem>>, vector<16xf32>,
            tpu.vector_store %arg16[%swap3A_382, %swap3A_383], %mul3A_381 {strides = array<i32>} : memref<80x128xf32, #tpu.memory_space<vmem>>, vector<16xf32>,
            %slice3A_385 = vector.extract_strided_slice %get3A_176 {offsets = [2], sizes = [1], strides = [1]} : vector<16xf32> to vector<1xf32>
            %squeeze3A_386 = vector.extract %slice3A_385[0] : f32 from vector<1xf32>
            %get3A_387 = arith.index_cast %add3A_330 : i32 to index
            %get3A_388 = arith.constant 96 : index
            %get3A_389 = tpu.vector_load %arg16[%get3A_387, %get3A_388] {strides = array<i32>} : memref<80x128xf32, #tpu.memory_space<vmem>>, vector<16xf32>,
            %mul3A_390 = vector.broadcast %squeeze3A_386 : f32 to vector<16xf32>
            %mul3A_391 = arith.mulf %get3A_389, %mul3A_390 : vector<16xf32>
            %swap3A_392 = arith.index_cast %add3A_330 : i32 to index
            %swap3A_393 = arith.constant 96 : index
            %swap3A_394 = tpu.vector_load %arg16[%swap3A_392, %swap3A_393] {strides = array<i32>} : memref<80x128xf32, #tpu.memory_space<vmem>>, vector<16xf32>,
            tpu.vector_store %arg16[%swap3A_392, %swap3A_393], %mul3A_391 {strides = array<i32>} : memref<80x128xf32, #tpu.memory_space<vmem>>, vector<16xf32>,
            %get3A_395 = arith.index_cast %add3A_330 : i32 to index
            %get3A_396 = arith.constant 112 : index
            %get3A_397 = tpu.vector_load %arg16[%get3A_395, %get3A_396] {strides = array<i32>} : memref<80x128xf32, #tpu.memory_space<vmem>>, vector<16xf32>,
            %mul3A_398 = vector.broadcast %squeeze3A_386 : f32 to vector<16xf32>
            %mul3A_399 = arith.mulf %get3A_397, %mul3A_398 : vector<16xf32>
            %swap3A_400 = arith.index_cast %add3A_330 : i32 to index
            %swap3A_401 = arith.constant 112 : index
            %swap3A_402 = tpu.vector_load %arg16[%swap3A_400, %swap3A_401] {strides = array<i32>} : memref<80x128xf32, #tpu.memory_space<vmem>>, vector<16xf32>,
            tpu.vector_store %arg16[%swap3A_400, %swap3A_401], %mul3A_399 {strides = array<i32>} : memref<80x128xf32, #tpu.memory_space<vmem>>, vector<16xf32>,
            %mul3A_403 = arith.constant 16 : i32
            %mul3A_404 = arith.muli %scan3A_149, %mul3A_403 : i32
            %add3A_405 = arith.constant 3 : i32
            %add3A_406 = arith.addi %mul3A_404, %add3A_405 : i32
            %slice3A_407 = vector.extract_strided_slice %get3A_155 {offsets = [3], sizes = [1], strides = [1]} : vector<16xf32> to vector<1xf32>
            %squeeze3A_408 = vector.extract %slice3A_407[0] : f32 from vector<1xf32>
            %get3A_409 = arith.index_cast %add3A_406 : i32 to index
            %get3A_410 = arith.constant 0 : index
            %get3A_411 = tpu.vector_load %arg16[%get3A_409, %get3A_410] {strides = array<i32>} : memref<80x128xf32, #tpu.memory_space<vmem>>, vector<16xf32>,
            %mul3A_412 = vector.broadcast %squeeze3A_408 : f32 to vector<16xf32>
            %mul3A_413 = arith.mulf %get3A_411, %mul3A_412 : vector<16xf32>
            %swap3A_414 = arith.index_cast %add3A_406 : i32 to index
            %swap3A_415 = arith.constant 0 : index
            %swap3A_416 = tpu.vector_load %arg16[%swap3A_414, %swap3A_415] {strides = array<i32>} : memref<80x128xf32, #tpu.memory_space<vmem>>, vector<16xf32>,
            tpu.vector_store %arg16[%swap3A_414, %swap3A_415], %mul3A_413 {strides = array<i32>} : memref<80x128xf32, #tpu.memory_space<vmem>>, vector<16xf32>,
            %get3A_417 = arith.index_cast %add3A_406 : i32 to index
            %get3A_418 = arith.constant 16 : index
            %get3A_419 = tpu.vector_load %arg16[%get3A_417, %get3A_418] {strides = array<i32>} : memref<80x128xf32, #tpu.memory_space<vmem>>, vector<16xf32>,
            %mul3A_420 = vector.broadcast %squeeze3A_408 : f32 to vector<16xf32>
            %mul3A_421 = arith.mulf %get3A_419, %mul3A_420 : vector<16xf32>
            %swap3A_422 = arith.index_cast %add3A_406 : i32 to index
            %swap3A_423 = arith.constant 16 : index
            %swap3A_424 = tpu.vector_load %arg16[%swap3A_422, %swap3A_423] {strides = array<i32>} : memref<80x128xf32, #tpu.memory_space<vmem>>, vector<16xf32>,
            tpu.vector_store %arg16[%swap3A_422, %swap3A_423], %mul3A_421 {strides = array<i32>} : memref<80x128xf32, #tpu.memory_space<vmem>>, vector<16xf32>,
            %slice3A_425 = vector.extract_strided_slice %get3A_162 {offsets = [3], sizes = [1], strides = [1]} : vector<16xf32> to vector<1xf32>
            %squeeze3A_426 = vector.extract %slice3A_425[0] : f32 from vector<1xf32>
            %get3A_427 = arith.index_cast %add3A_406 : i32 to index
            %get3A_428 = arith.constant 32 : index
            %get3A_429 = tpu.vector_load %arg16[%get3A_427, %get3A_428] {strides = array<i32>} : memref<80x128xf32, #tpu.memory_space<vmem>>, vector<16xf32>,
            %mul3A_430 = vector.broadcast %squeeze3A_426 : f32 to vector<16xf32>
            %mul3A_431 = arith.mulf %get3A_429, %mul3A_430 : vector<16xf32>
            %swap3A_432 = arith.index_cast %add3A_406 : i32 to index
            %swap3A_433 = arith.constant 32 : index
            %swap3A_434 = tpu.vector_load %arg16[%swap3A_432, %swap3A_433] {strides = array<i32>} : memref<80x128xf32, #tpu.memory_space<vmem>>, vector<16xf32>,
            tpu.vector_store %arg16[%swap3A_432, %swap3A_433], %mul3A_431 {strides = array<i32>} : memref<80x128xf32, #tpu.memory_space<vmem>>, vector<16xf32>,
            %get3A_435 = arith.index_cast %add3A_406 : i32 to index
            %get3A_436 = arith.constant 48 : index
            %get3A_437 = tpu.vector_load %arg16[%get3A_435, %get3A_436] {strides = array<i32>} : memref<80x128xf32, #tpu.memory_space<vmem>>, vector<16xf32>,
            %mul3A_438 = vector.broadcast %squeeze3A_426 : f32 to vector<16xf32>
            %mul3A_439 = arith.mulf %get3A_437, %mul3A_438 : vector<16xf32>
            %swap3A_440 = arith.index_cast %add3A_406 : i32 to index
            %swap3A_441 = arith.constant 48 : index
            %swap3A_442 = tpu.vector_load %arg16[%swap3A_440, %swap3A_441] {strides = array<i32>} : memref<80x128xf32, #tpu.memory_space<vmem>>, vector<16xf32>,
            tpu.vector_store %arg16[%swap3A_440, %swap3A_441], %mul3A_439 {strides = array<i32>} : memref<80x128xf32, #tpu.memory_space<vmem>>, vector<16xf32>,
            %slice3A_443 = vector.extract_strided_slice %get3A_169 {offsets = [3], sizes = [1], strides = [1]} : vector<16xf32> to vector<1xf32>
            %squeeze3A_444 = vector.extract %slice3A_443[0] : f32 from vector<1xf32>
            %get3A_445 = arith.index_cast %add3A_406 : i32 to index
            %get3A_446 = arith.constant 64 : index
            %get3A_447 = tpu.vector_load %arg16[%get3A_445, %get3A_446] {strides = array<i32>} : memref<80x128xf32, #tpu.memory_space<vmem>>, vector<16xf32>,
            %mul3A_448 = vector.broadcast %squeeze3A_444 : f32 to vector<16xf32>
            %mul3A_449 = arith.mulf %get3A_447, %mul3A_448 : vector<16xf32>
            %swap3A_450 = arith.index_cast %add3A_406 : i32 to index
            %swap3A_451 = arith.constant 64 : index
            %swap3A_452 = tpu.vector_load %arg16[%swap3A_450, %swap3A_451] {strides = array<i32>} : memref<80x128xf32, #tpu.memory_space<vmem>>, vector<16xf32>,
            tpu.vector_store %arg16[%swap3A_450, %swap3A_451], %mul3A_449 {strides = array<i32>} : memref<80x128xf32, #tpu.memory_space<vmem>>, vector<16xf32>,
            %get3A_453 = arith.index_cast %add3A_406 : i32 to index
            %get3A_454 = arith.constant 80 : index
            %get3A_455 = tpu.vector_load %arg16[%get3A_453, %get3A_454] {strides = array<i32>} : memref<80x128xf32, #tpu.memory_space<vmem>>, vector<16xf32>,
            %mul3A_456 = vector.broadcast %squeeze3A_444 : f32 to vector<16xf32>
            %mul3A_457 = arith.mulf %get3A_455, %mul3A_456 : vector<16xf32>
            %swap3A_458 = arith.index_cast %add3A_406 : i32 to index
            %swap3A_459 = arith.constant 80 : index
            %swap3A_460 = tpu.vector_load %arg16[%swap3A_458, %swap3A_459] {strides = array<i32>} : memref<80x128xf32, #tpu.memory_space<vmem>>, vector<16xf32>,
            tpu.vector_store %arg16[%swap3A_458, %swap3A_459], %mul3A_457 {strides = array<i32>} : memref<80x128xf32, #tpu.memory_space<vmem>>, vector<16xf32>,
            %slice3A_461 = vector.extract_strided_slice %get3A_176 {offsets = [3], sizes = [1], strides = [1]} : vector<16xf32> to vector<1xf32>
            %squeeze3A_462 = vector.extract %slice3A_461[0] : f32 from vector<1xf32>
            %get3A_463 = arith.index_cast %add3A_406 : i32 to index
            %get3A_464 = arith.constant 96 : index
            %get3A_465 = tpu.vector_load %arg16[%get3A_463, %get3A_464] {strides = array<i32>} : memref<80x128xf32, #tpu.memory_space<vmem>>, vector<16xf32>,
            %mul3A_466 = vector.broadcast %squeeze3A_462 : f32 to vector<16xf32>
            %mul3A_467 = arith.mulf %get3A_465, %mul3A_466 : vector<16xf32>
            %swap3A_468 = arith.index_cast %add3A_406 : i32 to index
            %swap3A_469 = arith.constant 96 : index
            %swap3A_470 = tpu.vector_load %arg16[%swap3A_468, %swap3A_469] {strides = array<i32>} : memref<80x128xf32, #tpu.memory_space<vmem>>, vector<16xf32>,
            tpu.vector_store %arg16[%swap3A_468, %swap3A_469], %mul3A_467 {strides = array<i32>} : memref<80x128xf32, #tpu.memory_space<vmem>>, vector<16xf32>,
            %get3A_471 = arith.index_cast %add3A_406 : i32 to index
            %get3A_472 = arith.constant 112 : index
            %get3A_473 = tpu.vector_load %arg16[%get3A_471, %get3A_472] {strides = array<i32>} : memref<80x128xf32, #tpu.memory_space<vmem>>, vector<16xf32>,
            %mul3A_474 = vector.broadcast %squeeze3A_462 : f32 to vector<16xf32>
            %mul3A_475 = arith.mulf %get3A_473, %mul3A_474 : vector<16xf32>
            %swap3A_476 = arith.index_cast %add3A_406 : i32 to index
            %swap3A_477 = arith.constant 112 : index
            %swap3A_478 = tpu.vector_load %arg16[%swap3A_476, %swap3A_477] {strides = array<i32>} : memref<80x128xf32, #tpu.memory_space<vmem>>, vector<16xf32>,
            tpu.vector_store %arg16[%swap3A_476, %swap3A_477], %mul3A_475 {strides = array<i32>} : memref<80x128xf32, #tpu.memory_space<vmem>>, vector<16xf32>,
            %mul3A_479 = arith.constant 16 : i32
            %mul3A_480 = arith.muli %scan3A_149, %mul3A_479 : i32
            %add3A_481 = arith.constant 4 : i32
            %add3A_482 = arith.addi %mul3A_480, %add3A_481 : i32
            %slice3A_483 = vector.extract_strided_slice %get3A_155 {offsets = [4], sizes = [1], strides = [1]} : vector<16xf32> to vector<1xf32>
            %squeeze3A_484 = vector.extract %slice3A_483[0] : f32 from vector<1xf32>
            %get3A_485 = arith.index_cast %add3A_482 : i32 to index
            %get3A_486 = arith.constant 0 : index
            %get3A_487 = tpu.vector_load %arg16[%get3A_485, %get3A_486] {strides = array<i32>} : memref<80x128xf32, #tpu.memory_space<vmem>>, vector<16xf32>,
            %mul3A_488 = vector.broadcast %squeeze3A_484 : f32 to vector<16xf32>
            %mul3A_489 = arith.mulf %get3A_487, %mul3A_488 : vector<16xf32>
            %swap3A_490 = arith.index_cast %add3A_482 : i32 to index
            %swap3A_491 = arith.constant 0 : index
            %swap3A_492 = tpu.vector_load %arg16[%swap3A_490, %swap3A_491] {strides = array<i32>} : memref<80x128xf32, #tpu.memory_space<vmem>>, vector<16xf32>,
            tpu.vector_store %arg16[%swap3A_490, %swap3A_491], %mul3A_489 {strides = array<i32>} : memref<80x128xf32, #tpu.memory_space<vmem>>, vector<16xf32>,
            %get3A_493 = arith.index_cast %add3A_482 : i32 to index
            %get3A_494 = arith.constant 16 : index
            %get3A_495 = tpu.vector_load %arg16[%get3A_493, %get3A_494] {strides = array<i32>} : memref<80x128xf32, #tpu.memory_space<vmem>>, vector<16xf32>,
            %mul3A_496 = vector.broadcast %squeeze3A_484 : f32 to vector<16xf32>
            %mul3A_497 = arith.mulf %get3A_495, %mul3A_496 : vector<16xf32>
            %swap3A_498 = arith.index_cast %add3A_482 : i32 to index
            %swap3A_499 = arith.constant 16 : index
            %swap3A_500 = tpu.vector_load %arg16[%swap3A_498, %swap3A_499] {strides = array<i32>} : memref<80x128xf32, #tpu.memory_space<vmem>>, vector<16xf32>,
            tpu.vector_store %arg16[%swap3A_498, %swap3A_499], %mul3A_497 {strides = array<i32>} : memref<80x128xf32, #tpu.memory_space<vmem>>, vector<16xf32>,
            %slice3A_501 = vector.extract_strided_slice %get3A_162 {offsets = [4], sizes = [1], strides = [1]} : vector<16xf32> to vector<1xf32>
            %squeeze3A_502 = vector.extract %slice3A_501[0] : f32 from vector<1xf32>
            %get3A_503 = arith.index_cast %add3A_482 : i32 to index
            %get3A_504 = arith.constant 32 : index
            %get3A_505 = tpu.vector_load %arg16[%get3A_503, %get3A_504] {strides = array<i32>} : memref<80x128xf32, #tpu.memory_space<vmem>>, vector<16xf32>,
            %mul3A_506 = vector.broadcast %squeeze3A_502 : f32 to vector<16xf32>
            %mul3A_507 = arith.mulf %get3A_505, %mul3A_506 : vector<16xf32>
            %swap3A_508 = arith.index_cast %add3A_482 : i32 to index
            %swap3A_509 = arith.constant 32 : index
            %swap3A_510 = tpu.vector_load %arg16[%swap3A_508, %swap3A_509] {strides = array<i32>} : memref<80x128xf32, #tpu.memory_space<vmem>>, vector<16xf32>,
            tpu.vector_store %arg16[%swap3A_508, %swap3A_509], %mul3A_507 {strides = array<i32>} : memref<80x128xf32, #tpu.memory_space<vmem>>, vector<16xf32>,
            %get3A_511 = arith.index_cast %add3A_482 : i32 to index
            %get3A_512 = arith.constant 48 : index
            %get3A_513 = tpu.vector_load %arg16[%get3A_511, %get3A_512] {strides = array<i32>} : memref<80x128xf32, #tpu.memory_space<vmem>>, vector<16xf32>,
            %mul3A_514 = vector.broadcast %squeeze3A_502 : f32 to vector<16xf32>
            %mul3A_515 = arith.mulf %get3A_513, %mul3A_514 : vector<16xf32>
            %swap3A_516 = arith.index_cast %add3A_482 : i32 to index
            %swap3A_517 = arith.constant 48 : index
            %swap3A_518 = tpu.vector_load %arg16[%swap3A_516, %swap3A_517] {strides = array<i32>} : memref<80x128xf32, #tpu.memory_space<vmem>>, vector<16xf32>,
            tpu.vector_store %arg16[%swap3A_516, %swap3A_517], %mul3A_515 {strides = array<i32>} : memref<80x128xf32, #tpu.memory_space<vmem>>, vector<16xf32>,
            %slice3A_519 = vector.extract_strided_slice %get3A_169 {offsets = [4], sizes = [1], strides = [1]} : vector<16xf32> to vector<1xf32>
            %squeeze3A_520 = vector.extract %slice3A_519[0] : f32 from vector<1xf32>
            %get3A_521 = arith.index_cast %add3A_482 : i32 to index
            %get3A_522 = arith.constant 64 : index
            %get3A_523 = tpu.vector_load %arg16[%get3A_521, %get3A_522] {strides = array<i32>} : memref<80x128xf32, #tpu.memory_space<vmem>>, vector<16xf32>,
            %mul3A_524 = vector.broadcast %squeeze3A_520 : f32 to vector<16xf32>
            %mul3A_525 = arith.mulf %get3A_523, %mul3A_524 : vector<16xf32>
            %swap3A_526 = arith.index_cast %add3A_482 : i32 to index
            %swap3A_527 = arith.constant 64 : index
            %swap3A_528 = tpu.vector_load %arg16[%swap3A_526, %swap3A_527] {strides = array<i32>} : memref<80x128xf32, #tpu.memory_space<vmem>>, vector<16xf32>,
            tpu.vector_store %arg16[%swap3A_526, %swap3A_527], %mul3A_525 {strides = array<i32>} : memref<80x128xf32, #tpu.memory_space<vmem>>, vector<16xf32>,
            %get3A_529 = arith.index_cast %add3A_482 : i32 to index
            %get3A_530 = arith.constant 80 : index
            %get3A_531 = tpu.vector_load %arg16[%get3A_529, %get3A_530] {strides = array<i32>} : memref<80x128xf32, #tpu.memory_space<vmem>>, vector<16xf32>,
            %mul3A_532 = vector.broadcast %squeeze3A_520 : f32 to vector<16xf32>
            %mul3A_533 = arith.mulf %get3A_531, %mul3A_532 : vector<16xf32>
            %swap3A_534 = arith.index_cast %add3A_482 : i32 to index
            %swap3A_535 = arith.constant 80 : index
            %swap3A_536 = tpu.vector_load %arg16[%swap3A_534, %swap3A_535] {strides = array<i32>} : memref<80x128xf32, #tpu.memory_space<vmem>>, vector<16xf32>,
            tpu.vector_store %arg16[%swap3A_534, %swap3A_535], %mul3A_533 {strides = array<i32>} : memref<80x128xf32, #tpu.memory_space<vmem>>, vector<16xf32>,
            %slice3A_537 = vector.extract_strided_slice %get3A_176 {offsets = [4], sizes = [1], strides = [1]} : vector<16xf32> to vector<1xf32>
            %squeeze3A_538 = vector.extract %slice3A_537[0] : f32 from vector<1xf32>
            %get3A_539 = arith.index_cast %add3A_482 : i32 to index
            %get3A_540 = arith.constant 96 : index
            %get3A_541 = tpu.vector_load %arg16[%get3A_539, %get3A_540] {strides = array<i32>} : memref<80x128xf32, #tpu.memory_space<vmem>>, vector<16xf32>,
            %mul3A_542 = vector.broadcast %squeeze3A_538 : f32 to vector<16xf32>
            %mul3A_543 = arith.mulf %get3A_541, %mul3A_542 : vector<16xf32>
            %swap3A_544 = arith.index_cast %add3A_482 : i32 to index
            %swap3A_545 = arith.constant 96 : index
            %swap3A_546 = tpu.vector_load %arg16[%swap3A_544, %swap3A_545] {strides = array<i32>} : memref<80x128xf32, #tpu.memory_space<vmem>>, vector<16xf32>,
            tpu.vector_store %arg16[%swap3A_544, %swap3A_545], %mul3A_543 {strides = array<i32>} : memref<80x128xf32, #tpu.memory_space<vmem>>, vector<16xf32>,
            %get3A_547 = arith.index_cast %add3A_482 : i32 to index
            %get3A_548 = arith.constant 112 : index
            %get3A_549 = tpu.vector_load %arg16[%get3A_547, %get3A_548] {strides = array<i32>} : memref<80x128xf32, #tpu.memory_space<vmem>>, vector<16xf32>,
            %mul3A_550 = vector.broadcast %squeeze3A_538 : f32 to vector<16xf32>
            %mul3A_551 = arith.mulf %get3A_549, %mul3A_550 : vector<16xf32>
            %swap3A_552 = arith.index_cast %add3A_482 : i32 to index
            %swap3A_553 = arith.constant 112 : index
            %swap3A_554 = tpu.vector_load %arg16[%swap3A_552, %swap3A_553] {strides = array<i32>} : memref<80x128xf32, #tpu.memory_space<vmem>>, vector<16xf32>,
            tpu.vector_store %arg16[%swap3A_552, %swap3A_553], %mul3A_551 {strides = array<i32>} : memref<80x128xf32, #tpu.memory_space<vmem>>, vector<16xf32>,
            %mul3A_555 = arith.constant 16 : i32
            %mul3A_556 = arith.muli %scan3A_149, %mul3A_555 : i32
            %add3A_557 = arith.constant 5 : i32
            %add3A_558 = arith.addi %mul3A_556, %add3A_557 : i32
            %slice3A_559 = vector.extract_strided_slice %get3A_155 {offsets = [5], sizes = [1], strides = [1]} : vector<16xf32> to vector<1xf32>
            %squeeze3A_560 = vector.extract %slice3A_559[0] : f32 from vector<1xf32>
            %get3A_561 = arith.index_cast %add3A_558 : i32 to index
            %get3A_562 = arith.constant 0 : index
            %get3A_563 = tpu.vector_load %arg16[%get3A_561, %get3A_562] {strides = array<i32>} : memref<80x128xf32, #tpu.memory_space<vmem>>, vector<16xf32>,
            %mul3A_564 = vector.broadcast %squeeze3A_560 : f32 to vector<16xf32>
            %mul3A_565 = arith.mulf %get3A_563, %mul3A_564 : vector<16xf32>
            %swap3A_566 = arith.index_cast %add3A_558 : i32 to index
            %swap3A_567 = arith.constant 0 : index
            %swap3A_568 = tpu.vector_load %arg16[%swap3A_566, %swap3A_567] {strides = array<i32>} : memref<80x128xf32, #tpu.memory_space<vmem>>, vector<16xf32>,
            tpu.vector_store %arg16[%swap3A_566, %swap3A_567], %mul3A_565 {strides = array<i32>} : memref<80x128xf32, #tpu.memory_space<vmem>>, vector<16xf32>,
            %get3A_569 = arith.index_cast %add3A_558 : i32 to index
            %get3A_570 = arith.constant 16 : index
            %get3A_571 = tpu.vector_load %arg16[%get3A_569, %get3A_570] {strides = array<i32>} : memref<80x128xf32, #tpu.memory_space<vmem>>, vector<16xf32>,
            %mul3A_572 = vector.broadcast %squeeze3A_560 : f32 to vector<16xf32>
            %mul3A_573 = arith.mulf %get3A_571, %mul3A_572 : vector<16xf32>
            %swap3A_574 = arith.index_cast %add3A_558 : i32 to index
            %swap3A_575 = arith.constant 16 : index
            %swap3A_576 = tpu.vector_load %arg16[%swap3A_574, %swap3A_575] {strides = array<i32>} : memref<80x128xf32, #tpu.memory_space<vmem>>, vector<16xf32>,
            tpu.vector_store %arg16[%swap3A_574, %swap3A_575], %mul3A_573 {strides = array<i32>} : memref<80x128xf32, #tpu.memory_space<vmem>>, vector<16xf32>,
            %slice3A_577 = vector.extract_strided_slice %get3A_162 {offsets = [5], sizes = [1], strides = [1]} : vector<16xf32> to vector<1xf32>
            %squeeze3A_578 = vector.extract %slice3A_577[0] : f32 from vector<1xf32>
            %get3A_579 = arith.index_cast %add3A_558 : i32 to index
            %get3A_580 = arith.constant 32 : index
            %get3A_581 = tpu.vector_load %arg16[%get3A_579, %get3A_580] {strides = array<i32>} : memref<80x128xf32, #tpu.memory_space<vmem>>, vector<16xf32>,
            %mul3A_582 = vector.broadcast %squeeze3A_578 : f32 to vector<16xf32>
            %mul3A_583 = arith.mulf %get3A_581, %mul3A_582 : vector<16xf32>
            %swap3A_584 = arith.index_cast %add3A_558 : i32 to index
            %swap3A_585 = arith.constant 32 : index
            %swap3A_586 = tpu.vector_load %arg16[%swap3A_584, %swap3A_585] {strides = array<i32>} : memref<80x128xf32, #tpu.memory_space<vmem>>, vector<16xf32>,
            tpu.vector_store %arg16[%swap3A_584, %swap3A_585], %mul3A_583 {strides = array<i32>} : memref<80x128xf32, #tpu.memory_space<vmem>>, vector<16xf32>,
            %get3A_587 = arith.index_cast %add3A_558 : i32 to index
            %get3A_588 = arith.constant 48 : index
            %get3A_589 = tpu.vector_load %arg16[%get3A_587, %get3A_588] {strides = array<i32>} : memref<80x128xf32, #tpu.memory_space<vmem>>, vector<16xf32>,
            %mul3A_590 = vector.broadcast %squeeze3A_578 : f32 to vector<16xf32>
            %mul3A_591 = arith.mulf %get3A_589, %mul3A_590 : vector<16xf32>
            %swap3A_592 = arith.index_cast %add3A_558 : i32 to index
            %swap3A_593 = arith.constant 48 : index
            %swap3A_594 = tpu.vector_load %arg16[%swap3A_592, %swap3A_593] {strides = array<i32>} : memref<80x128xf32, #tpu.memory_space<vmem>>, vector<16xf32>,
            tpu.vector_store %arg16[%swap3A_592, %swap3A_593], %mul3A_591 {strides = array<i32>} : memref<80x128xf32, #tpu.memory_space<vmem>>, vector<16xf32>,
            %slice3A_595 = vector.extract_strided_slice %get3A_169 {offsets = [5], sizes = [1], strides = [1]} : vector<16xf32> to vector<1xf32>
            %squeeze3A_596 = vector.extract %slice3A_595[0] : f32 from vector<1xf32>
            %get3A_597 = arith.index_cast %add3A_558 : i32 to index
            %get3A_598 = arith.constant 64 : index
            %get3A_599 = tpu.vector_load %arg16[%get3A_597, %get3A_598] {strides = array<i32>} : memref<80x128xf32, #tpu.memory_space<vmem>>, vector<16xf32>,
            %mul3A_600 = vector.broadcast %squeeze3A_596 : f32 to vector<16xf32>
            %mul3A_601 = arith.mulf %get3A_599, %mul3A_600 : vector<16xf32>
            %swap3A_602 = arith.index_cast %add3A_558 : i32 to index
            %swap3A_603 = arith.constant 64 : index
            %swap3A_604 = tpu.vector_load %arg16[%swap3A_602, %swap3A_603] {strides = array<i32>} : memref<80x128xf32, #tpu.memory_space<vmem>>, vector<16xf32>,
            tpu.vector_store %arg16[%swap3A_602, %swap3A_603], %mul3A_601 {strides = array<i32>} : memref<80x128xf32, #tpu.memory_space<vmem>>, vector<16xf32>,
            %get3A_605 = arith.index_cast %add3A_558 : i32 to index
            %get3A_606 = arith.constant 80 : index
            %get3A_607 = tpu.vector_load %arg16[%get3A_605, %get3A_606] {strides = array<i32>} : memref<80x128xf32, #tpu.memory_space<vmem>>, vector<16xf32>,
            %mul3A_608 = vector.broadcast %squeeze3A_596 : f32 to vector<16xf32>
            %mul3A_609 = arith.mulf %get3A_607, %mul3A_608 : vector<16xf32>
            %swap3A_610 = arith.index_cast %add3A_558 : i32 to index
            %swap3A_611 = arith.constant 80 : index
            %swap3A_612 = tpu.vector_load %arg16[%swap3A_610, %swap3A_611] {strides = array<i32>} : memref<80x128xf32, #tpu.memory_space<vmem>>, vector<16xf32>,
            tpu.vector_store %arg16[%swap3A_610, %swap3A_611], %mul3A_609 {strides = array<i32>} : memref<80x128xf32, #tpu.memory_space<vmem>>, vector<16xf32>,
            %slice3A_613 = vector.extract_strided_slice %get3A_176 {offsets = [5], sizes = [1], strides = [1]} : vector<16xf32> to vector<1xf32>
            %squeeze3A_614 = vector.extract %slice3A_613[0] : f32 from vector<1xf32>
            %get3A_615 = arith.index_cast %add3A_558 : i32 to index
            %get3A_616 = arith.constant 96 : index
            %get3A_617 = tpu.vector_load %arg16[%get3A_615, %get3A_616] {strides = array<i32>} : memref<80x128xf32, #tpu.memory_space<vmem>>, vector<16xf32>,
            %mul3A_618 = vector.broadcast %squeeze3A_614 : f32 to vector<16xf32>
            %mul3A_619 = arith.mulf %get3A_617, %mul3A_618 : vector<16xf32>
            %swap3A_620 = arith.index_cast %add3A_558 : i32 to index
            %swap3A_621 = arith.constant 96 : index
            %swap3A_622 = tpu.vector_load %arg16[%swap3A_620, %swap3A_621] {strides = array<i32>} : memref<80x128xf32, #tpu.memory_space<vmem>>, vector<16xf32>,
            tpu.vector_store %arg16[%swap3A_620, %swap3A_621], %mul3A_619 {strides = array<i32>} : memref<80x128xf32, #tpu.memory_space<vmem>>, vector<16xf32>,
            %get3A_623 = arith.index_cast %add3A_558 : i32 to index
            %get3A_624 = arith.constant 112 : index
            %get3A_625 = tpu.vector_load %arg16[%get3A_623, %get3A_624] {strides = array<i32>} : memref<80x128xf32, #tpu.memory_space<vmem>>, vector<16xf32>,
            %mul3A_626 = vector.broadcast %squeeze3A_614 : f32 to vector<16xf32>
            %mul3A_627 = arith.mulf %get3A_625, %mul3A_626 : vector<16xf32>
            %swap3A_628 = arith.index_cast %add3A_558 : i32 to index
            %swap3A_629 = arith.constant 112 : index
            %swap3A_630 = tpu.vector_load %arg16[%swap3A_628, %swap3A_629] {strides = array<i32>} : memref<80x128xf32, #tpu.memory_space<vmem>>, vector<16xf32>,
            tpu.vector_store %arg16[%swap3A_628, %swap3A_629], %mul3A_627 {strides = array<i32>} : memref<80x128xf32, #tpu.memory_space<vmem>>, vector<16xf32>,
            %mul3A_631 = arith.constant 16 : i32
            %mul3A_632 = arith.muli %scan3A_149, %mul3A_631 : i32
            %add3A_633 = arith.constant 6 : i32
            %add3A_634 = arith.addi %mul3A_632, %add3A_633 : i32
            %slice3A_635 = vector.extract_strided_slice %get3A_155 {offsets = [6], sizes = [1], strides = [1]} : vector<16xf32> to vector<1xf32>
            %squeeze3A_636 = vector.extract %slice3A_635[0] : f32 from vector<1xf32>
            %get3A_637 = arith.index_cast %add3A_634 : i32 to index
            %get3A_638 = arith.constant 0 : index
            %get3A_639 = tpu.vector_load %arg16[%get3A_637, %get3A_638] {strides = array<i32>} : memref<80x128xf32, #tpu.memory_space<vmem>>, vector<16xf32>,
            %mul3A_640 = vector.broadcast %squeeze3A_636 : f32 to vector<16xf32>
            %mul3A_641 = arith.mulf %get3A_639, %mul3A_640 : vector<16xf32>
            %swap3A_642 = arith.index_cast %add3A_634 : i32 to index
            %swap3A_643 = arith.constant 0 : index
            %swap3A_644 = tpu.vector_load %arg16[%swap3A_642, %swap3A_643] {strides = array<i32>} : memref<80x128xf32, #tpu.memory_space<vmem>>, vector<16xf32>,
            tpu.vector_store %arg16[%swap3A_642, %swap3A_643], %mul3A_641 {strides = array<i32>} : memref<80x128xf32, #tpu.memory_space<vmem>>, vector<16xf32>,
            %get3A_645 = arith.index_cast %add3A_634 : i32 to index
            %get3A_646 = arith.constant 16 : index
            %get3A_647 = tpu.vector_load %arg16[%get3A_645, %get3A_646] {strides = array<i32>} : memref<80x128xf32, #tpu.memory_space<vmem>>, vector<16xf32>,
            %mul3A_648 = vector.broadcast %squeeze3A_636 : f32 to vector<16xf32>
            %mul3A_649 = arith.mulf %get3A_647, %mul3A_648 : vector<16xf32>
            %swap3A_650 = arith.index_cast %add3A_634 : i32 to index
            %swap3A_651 = arith.constant 16 : index
            %swap3A_652 = tpu.vector_load %arg16[%swap3A_650, %swap3A_651] {strides = array<i32>} : memref<80x128xf32, #tpu.memory_space<vmem>>, vector<16xf32>,
            tpu.vector_store %arg16[%swap3A_650, %swap3A_651], %mul3A_649 {strides = array<i32>} : memref<80x128xf32, #tpu.memory_space<vmem>>, vector<16xf32>,
            %slice3A_653 = vector.extract_strided_slice %get3A_162 {offsets = [6], sizes = [1], strides = [1]} : vector<16xf32> to vector<1xf32>
            %squeeze3A_654 = vector.extract %slice3A_653[0] : f32 from vector<1xf32>
            %get3A_655 = arith.index_cast %add3A_634 : i32 to index
            %get3A_656 = arith.constant 32 : index
            %get3A_657 = tpu.vector_load %arg16[%get3A_655, %get3A_656] {strides = array<i32>} : memref<80x128xf32, #tpu.memory_space<vmem>>, vector<16xf32>,
            %mul3A_658 = vector.broadcast %squeeze3A_654 : f32 to vector<16xf32>
            %mul3A_659 = arith.mulf %get3A_657, %mul3A_658 : vector<16xf32>
            %swap3A_660 = arith.index_cast %add3A_634 : i32 to index
            %swap3A_661 = arith.constant 32 : index
            %swap3A_662 = tpu.vector_load %arg16[%swap3A_660, %swap3A_661] {strides = array<i32>} : memref<80x128xf32, #tpu.memory_space<vmem>>, vector<16xf32>,
            tpu.vector_store %arg16[%swap3A_660, %swap3A_661], %mul3A_659 {strides = array<i32>} : memref<80x128xf32, #tpu.memory_space<vmem>>, vector<16xf32>,
            %get3A_663 = arith.index_cast %add3A_634 : i32 to index
            %get3A_664 = arith.constant 48 : index
            %get3A_665 = tpu.vector_load %arg16[%get3A_663, %get3A_664] {strides = array<i32>} : memref<80x128xf32, #tpu.memory_space<vmem>>, vector<16xf32>,
            %mul3A_666 = vector.broadcast %squeeze3A_654 : f32 to vector<16xf32>
            %mul3A_667 = arith.mulf %get3A_665, %mul3A_666 : vector<16xf32>
            %swap3A_668 = arith.index_cast %add3A_634 : i32 to index
            %swap3A_669 = arith.constant 48 : index
            %swap3A_670 = tpu.vector_load %arg16[%swap3A_668, %swap3A_669] {strides = array<i32>} : memref<80x128xf32, #tpu.memory_space<vmem>>, vector<16xf32>,
            tpu.vector_store %arg16[%swap3A_668, %swap3A_669], %mul3A_667 {strides = array<i32>} : memref<80x128xf32, #tpu.memory_space<vmem>>, vector<16xf32>,
            %slice3A_671 = vector.extract_strided_slice %get3A_169 {offsets = [6], sizes = [1], strides = [1]} : vector<16xf32> to vector<1xf32>
            %squeeze3A_672 = vector.extract %slice3A_671[0] : f32 from vector<1xf32>
            %get3A_673 = arith.index_cast %add3A_634 : i32 to index
            %get3A_674 = arith.constant 64 : index
            %get3A_675 = tpu.vector_load %arg16[%get3A_673, %get3A_674] {strides = array<i32>} : memref<80x128xf32, #tpu.memory_space<vmem>>, vector<16xf32>,
            %mul3A_676 = vector.broadcast %squeeze3A_672 : f32 to vector<16xf32>
            %mul3A_677 = arith.mulf %get3A_675, %mul3A_676 : vector<16xf32>
            %swap3A_678 = arith.index_cast %add3A_634 : i32 to index
            %swap3A_679 = arith.constant 64 : index
            %swap3A_680 = tpu.vector_load %arg16[%swap3A_678, %swap3A_679] {strides = array<i32>} : memref<80x128xf32, #tpu.memory_space<vmem>>, vector<16xf32>,
            tpu.vector_store %arg16[%swap3A_678, %swap3A_679], %mul3A_677 {strides = array<i32>} : memref<80x128xf32, #tpu.memory_space<vmem>>, vector<16xf32>,
            %get3A_681 = arith.index_cast %add3A_634 : i32 to index
            %get3A_682 = arith.constant 80 : index
            %get3A_683 = tpu.vector_load %arg16[%get3A_681, %get3A_682] {strides = array<i32>} : memref<80x128xf32, #tpu.memory_space<vmem>>, vector<16xf32>,
            %mul3A_684 = vector.broadcast %squeeze3A_672 : f32 to vector<16xf32>
            %mul3A_685 = arith.mulf %get3A_683, %mul3A_684 : vector<16xf32>
            %swap3A_686 = arith.index_cast %add3A_634 : i32 to index
            %swap3A_687 = arith.constant 80 : index
            %swap3A_688 = tpu.vector_load %arg16[%swap3A_686, %swap3A_687] {strides = array<i32>} : memref<80x128xf32, #tpu.memory_space<vmem>>, vector<16xf32>,
            tpu.vector_store %arg16[%swap3A_686, %swap3A_687], %mul3A_685 {strides = array<i32>} : memref<80x128xf32, #tpu.memory_space<vmem>>, vector<16xf32>,
            %slice3A_689 = vector.extract_strided_slice %get3A_176 {offsets = [6], sizes = [1], strides = [1]} : vector<16xf32> to vector<1xf32>
            %squeeze3A_690 = vector.extract %slice3A_689[0] : f32 from vector<1xf32>
            %get3A_691 = arith.index_cast %add3A_634 : i32 to index
            %get3A_692 = arith.constant 96 : index
            %get3A_693 = tpu.vector_load %arg16[%get3A_691, %get3A_692] {strides = array<i32>} : memref<80x128xf32, #tpu.memory_space<vmem>>, vector<16xf32>,
            %mul3A_694 = vector.broadcast %squeeze3A_690 : f32 to vector<16xf32>
            %mul3A_695 = arith.mulf %get3A_693, %mul3A_694 : vector<16xf32>
            %swap3A_696 = arith.index_cast %add3A_634 : i32 to index
            %swap3A_697 = arith.constant 96 : index
            %swap3A_698 = tpu.vector_load %arg16[%swap3A_696, %swap3A_697] {strides = array<i32>} : memref<80x128xf32, #tpu.memory_space<vmem>>, vector<16xf32>,
            tpu.vector_store %arg16[%swap3A_696, %swap3A_697], %mul3A_695 {strides = array<i32>} : memref<80x128xf32, #tpu.memory_space<vmem>>, vector<16xf32>,
            %get3A_699 = arith.index_cast %add3A_634 : i32 to index
            %get3A_700 = arith.constant 112 : index
            %get3A_701 = tpu.vector_load %arg16[%get3A_699, %get3A_700] {strides = array<i32>} : memref<80x128xf32, #tpu.memory_space<vmem>>, vector<16xf32>,
            %mul3A_702 = vector.broadcast %squeeze3A_690 : f32 to vector<16xf32>
            %mul3A_703 = arith.mulf %get3A_701, %mul3A_702 : vector<16xf32>
            %swap3A_704 = arith.index_cast %add3A_634 : i32 to index
            %swap3A_705 = arith.constant 112 : index
            %swap3A_706 = tpu.vector_load %arg16[%swap3A_704, %swap3A_705] {strides = array<i32>} : memref<80x128xf32, #tpu.memory_space<vmem>>, vector<16xf32>,
            tpu.vector_store %arg16[%swap3A_704, %swap3A_705], %mul3A_703 {strides = array<i32>} : memref<80x128xf32, #tpu.memory_space<vmem>>, vector<16xf32>,
            %mul3A_707 = arith.constant 16 : i32
            %mul3A_708 = arith.muli %scan3A_149, %mul3A_707 : i32
            %add3A_709 = arith.constant 7 : i32
            %add3A_710 = arith.addi %mul3A_708, %add3A_709 : i32
            %slice3A_711 = vector.extract_strided_slice %get3A_155 {offsets = [7], sizes = [1], strides = [1]} : vector<16xf32> to vector<1xf32>
            %squeeze3A_712 = vector.extract %slice3A_711[0] : f32 from vector<1xf32>
            %get3A_713 = arith.index_cast %add3A_710 : i32 to index
            %get3A_714 = arith.constant 0 : index
            %get3A_715 = tpu.vector_load %arg16[%get3A_713, %get3A_714] {strides = array<i32>} : memref<80x128xf32, #tpu.memory_space<vmem>>, vector<16xf32>,
            %mul3A_716 = vector.broadcast %squeeze3A_712 : f32 to vector<16xf32>
            %mul3A_717 = arith.mulf %get3A_715, %mul3A_716 : vector<16xf32>
            %swap3A_718 = arith.index_cast %add3A_710 : i32 to index
            %swap3A_719 = arith.constant 0 : index
            %swap3A_720 = tpu.vector_load %arg16[%swap3A_718, %swap3A_719] {strides = array<i32>} : memref<80x128xf32, #tpu.memory_space<vmem>>, vector<16xf32>,
            tpu.vector_store %arg16[%swap3A_718, %swap3A_719], %mul3A_717 {strides = array<i32>} : memref<80x128xf32, #tpu.memory_space<vmem>>, vector<16xf32>,
            %get3A_721 = arith.index_cast %add3A_710 : i32 to index
            %get3A_722 = arith.constant 16 : index
            %get3A_723 = tpu.vector_load %arg16[%get3A_721, %get3A_722] {strides = array<i32>} : memref<80x128xf32, #tpu.memory_space<vmem>>, vector<16xf32>,
            %mul3A_724 = vector.broadcast %squeeze3A_712 : f32 to vector<16xf32>
            %mul3A_725 = arith.mulf %get3A_723, %mul3A_724 : vector<16xf32>
            %swap3A_726 = arith.index_cast %add3A_710 : i32 to index
            %swap3A_727 = arith.constant 16 : index
            %swap3A_728 = tpu.vector_load %arg16[%swap3A_726, %swap3A_727] {strides = array<i32>} : memref<80x128xf32, #tpu.memory_space<vmem>>, vector<16xf32>,
            tpu.vector_store %arg16[%swap3A_726, %swap3A_727], %mul3A_725 {strides = array<i32>} : memref<80x128xf32, #tpu.memory_space<vmem>>, vector<16xf32>,
            %slice3A_729 = vector.extract_strided_slice %get3A_162 {offsets = [7], sizes = [1], strides = [1]} : vector<16xf32> to vector<1xf32>
            %squeeze3A_730 = vector.extract %slice3A_729[0] : f32 from vector<1xf32>
            %get3A_731 = arith.index_cast %add3A_710 : i32 to index
            %get3A_732 = arith.constant 32 : index
            %get3A_733 = tpu.vector_load %arg16[%get3A_731, %get3A_732] {strides = array<i32>} : memref<80x128xf32, #tpu.memory_space<vmem>>, vector<16xf32>,
            %mul3A_734 = vector.broadcast %squeeze3A_730 : f32 to vector<16xf32>
            %mul3A_735 = arith.mulf %get3A_733, %mul3A_734 : vector<16xf32>
            %swap3A_736 = arith.index_cast %add3A_710 : i32 to index
            %swap3A_737 = arith.constant 32 : index
            %swap3A_738 = tpu.vector_load %arg16[%swap3A_736, %swap3A_737] {strides = array<i32>} : memref<80x128xf32, #tpu.memory_space<vmem>>, vector<16xf32>,
            tpu.vector_store %arg16[%swap3A_736, %swap3A_737], %mul3A_735 {strides = array<i32>} : memref<80x128xf32, #tpu.memory_space<vmem>>, vector<16xf32>,
            %get3A_739 = arith.index_cast %add3A_710 : i32 to index
            %get3A_740 = arith.constant 48 : index
            %get3A_741 = tpu.vector_load %arg16[%get3A_739, %get3A_740] {strides = array<i32>} : memref<80x128xf32, #tpu.memory_space<vmem>>, vector<16xf32>,
            %mul3A_742 = vector.broadcast %squeeze3A_730 : f32 to vector<16xf32>
            %mul3A_743 = arith.mulf %get3A_741, %mul3A_742 : vector<16xf32>
            %swap3A_744 = arith.index_cast %add3A_710 : i32 to index
            %swap3A_745 = arith.constant 48 : index
            %swap3A_746 = tpu.vector_load %arg16[%swap3A_744, %swap3A_745] {strides = array<i32>} : memref<80x128xf32, #tpu.memory_space<vmem>>, vector<16xf32>,
            tpu.vector_store %arg16[%swap3A_744, %swap3A_745], %mul3A_743 {strides = array<i32>} : memref<80x128xf32, #tpu.memory_space<vmem>>, vector<16xf32>,
            %slice3A_747 = vector.extract_strided_slice %get3A_169 {offsets = [7], sizes = [1], strides = [1]} : vector<16xf32> to vector<1xf32>
            %squeeze3A_748 = vector.extract %slice3A_747[0] : f32 from vector<1xf32>
            %get3A_749 = arith.index_cast %add3A_710 : i32 to index
            %get3A_750 = arith.constant 64 : index
            %get3A_751 = tpu.vector_load %arg16[%get3A_749, %get3A_750] {strides = array<i32>} : memref<80x128xf32, #tpu.memory_space<vmem>>, vector<16xf32>,
            %mul3A_752 = vector.broadcast %squeeze3A_748 : f32 to vector<16xf32>
            %mul3A_753 = arith.mulf %get3A_751, %mul3A_752 : vector<16xf32>
            %swap3A_754 = arith.index_cast %add3A_710 : i32 to index
            %swap3A_755 = arith.constant 64 : index
            %swap3A_756 = tpu.vector_load %arg16[%swap3A_754, %swap3A_755] {strides = array<i32>} : memref<80x128xf32, #tpu.memory_space<vmem>>, vector<16xf32>,
            tpu.vector_store %arg16[%swap3A_754, %swap3A_755], %mul3A_753 {strides = array<i32>} : memref<80x128xf32, #tpu.memory_space<vmem>>, vector<16xf32>,
            %get3A_757 = arith.index_cast %add3A_710 : i32 to index
            %get3A_758 = arith.constant 80 : index
            %get3A_759 = tpu.vector_load %arg16[%get3A_757, %get3A_758] {strides = array<i32>} : memref<80x128xf32, #tpu.memory_space<vmem>>, vector<16xf32>,
            %mul3A_760 = vector.broadcast %squeeze3A_748 : f32 to vector<16xf32>
            %mul3A_761 = arith.mulf %get3A_759, %mul3A_760 : vector<16xf32>
            %swap3A_762 = arith.index_cast %add3A_710 : i32 to index
            %swap3A_763 = arith.constant 80 : index
            %swap3A_764 = tpu.vector_load %arg16[%swap3A_762, %swap3A_763] {strides = array<i32>} : memref<80x128xf32, #tpu.memory_space<vmem>>, vector<16xf32>,
            tpu.vector_store %arg16[%swap3A_762, %swap3A_763], %mul3A_761 {strides = array<i32>} : memref<80x128xf32, #tpu.memory_space<vmem>>, vector<16xf32>,
            %slice3A_765 = vector.extract_strided_slice %get3A_176 {offsets = [7], sizes = [1], strides = [1]} : vector<16xf32> to vector<1xf32>
            %squeeze3A_766 = vector.extract %slice3A_765[0] : f32 from vector<1xf32>
            %get3A_767 = arith.index_cast %add3A_710 : i32 to index
            %get3A_768 = arith.constant 96 : index
            %get3A_769 = tpu.vector_load %arg16[%get3A_767, %get3A_768] {strides = array<i32>} : memref<80x128xf32, #tpu.memory_space<vmem>>, vector<16xf32>,
            %mul3A_770 = vector.broadcast %squeeze3A_766 : f32 to vector<16xf32>
            %mul3A_771 = arith.mulf %get3A_769, %mul3A_770 : vector<16xf32>
            %swap3A_772 = arith.index_cast %add3A_710 : i32 to index
            %swap3A_773 = arith.constant 96 : index
            %swap3A_774 = tpu.vector_load %arg16[%swap3A_772, %swap3A_773] {strides = array<i32>} : memref<80x128xf32, #tpu.memory_space<vmem>>, vector<16xf32>,
            tpu.vector_store %arg16[%swap3A_772, %swap3A_773], %mul3A_771 {strides = array<i32>} : memref<80x128xf32, #tpu.memory_space<vmem>>, vector<16xf32>,
            %get3A_775 = arith.index_cast %add3A_710 : i32 to index
            %get3A_776 = arith.constant 112 : index
            %get3A_777 = tpu.vector_load %arg16[%get3A_775, %get3A_776] {strides = array<i32>} : memref<80x128xf32, #tpu.memory_space<vmem>>, vector<16xf32>,
            %mul3A_778 = vector.broadcast %squeeze3A_766 : f32 to vector<16xf32>
            %mul3A_779 = arith.mulf %get3A_777, %mul3A_778 : vector<16xf32>
            %swap3A_780 = arith.index_cast %add3A_710 : i32 to index
            %swap3A_781 = arith.constant 112 : index
            %swap3A_782 = tpu.vector_load %arg16[%swap3A_780, %swap3A_781] {strides = array<i32>} : memref<80x128xf32, #tpu.memory_space<vmem>>, vector<16xf32>,
            tpu.vector_store %arg16[%swap3A_780, %swap3A_781], %mul3A_779 {strides = array<i32>} : memref<80x128xf32, #tpu.memory_space<vmem>>, vector<16xf32>,
            %mul3A_783 = arith.constant 16 : i32
            %mul3A_784 = arith.muli %scan3A_149, %mul3A_783 : i32
            %add3A_785 = arith.constant 8 : i32
            %add3A_786 = arith.addi %mul3A_784, %add3A_785 : i32
            %slice3A_787 = vector.extract_strided_slice %get3A_155 {offsets = [8], sizes = [1], strides = [1]} : vector<16xf32> to vector<1xf32>
            %squeeze3A_788 = vector.extract %slice3A_787[0] : f32 from vector<1xf32>
            %get3A_789 = arith.index_cast %add3A_786 : i32 to index
            %get3A_790 = arith.constant 0 : index
            %get3A_791 = tpu.vector_load %arg16[%get3A_789, %get3A_790] {strides = array<i32>} : memref<80x128xf32, #tpu.memory_space<vmem>>, vector<16xf32>,
            %mul3A_792 = vector.broadcast %squeeze3A_788 : f32 to vector<16xf32>
            %mul3A_793 = arith.mulf %get3A_791, %mul3A_792 : vector<16xf32>
            %swap3A_794 = arith.index_cast %add3A_786 : i32 to index
            %swap3A_795 = arith.constant 0 : index
            %swap3A_796 = tpu.vector_load %arg16[%swap3A_794, %swap3A_795] {strides = array<i32>} : memref<80x128xf32, #tpu.memory_space<vmem>>, vector<16xf32>,
            tpu.vector_store %arg16[%swap3A_794, %swap3A_795], %mul3A_793 {strides = array<i32>} : memref<80x128xf32, #tpu.memory_space<vmem>>, vector<16xf32>,
            %get3A_797 = arith.index_cast %add3A_786 : i32 to index
            %get3A_798 = arith.constant 16 : index
            %get3A_799 = tpu.vector_load %arg16[%get3A_797, %get3A_798] {strides = array<i32>} : memref<80x128xf32, #tpu.memory_space<vmem>>, vector<16xf32>,
            %mul3A_800 = vector.broadcast %squeeze3A_788 : f32 to vector<16xf32>
            %mul3A_801 = arith.mulf %get3A_799, %mul3A_800 : vector<16xf32>
            %swap3A_802 = arith.index_cast %add3A_786 : i32 to index
            %swap3A_803 = arith.constant 16 : index
            %swap3A_804 = tpu.vector_load %arg16[%swap3A_802, %swap3A_803] {strides = array<i32>} : memref<80x128xf32, #tpu.memory_space<vmem>>, vector<16xf32>,
            tpu.vector_store %arg16[%swap3A_802, %swap3A_803], %mul3A_801 {strides = array<i32>} : memref<80x128xf32, #tpu.memory_space<vmem>>, vector<16xf32>,
            %slice3A_805 = vector.extract_strided_slice %get3A_162 {offsets = [8], sizes = [1], strides = [1]} : vector<16xf32> to vector<1xf32>
            %squeeze3A_806 = vector.extract %slice3A_805[0] : f32 from vector<1xf32>
            %get3A_807 = arith.index_cast %add3A_786 : i32 to index
            %get3A_808 = arith.constant 32 : index
            %get3A_809 = tpu.vector_load %arg16[%get3A_807, %get3A_808] {strides = array<i32>} : memref<80x128xf32, #tpu.memory_space<vmem>>, vector<16xf32>,
            %mul3A_810 = vector.broadcast %squeeze3A_806 : f32 to vector<16xf32>
            %mul3A_811 = arith.mulf %get3A_809, %mul3A_810 : vector<16xf32>
            %swap3A_812 = arith.index_cast %add3A_786 : i32 to index
            %swap3A_813 = arith.constant 32 : index
            %swap3A_814 = tpu.vector_load %arg16[%swap3A_812, %swap3A_813] {strides = array<i32>} : memref<80x128xf32, #tpu.memory_space<vmem>>, vector<16xf32>,
            tpu.vector_store %arg16[%swap3A_812, %swap3A_813], %mul3A_811 {strides = array<i32>} : memref<80x128xf32, #tpu.memory_space<vmem>>, vector<16xf32>,
            %get3A_815 = arith.index_cast %add3A_786 : i32 to index
            %get3A_816 = arith.constant 48 : index
            %get3A_817 = tpu.vector_load %arg16[%get3A_815, %get3A_816] {strides = array<i32>} : memref<80x128xf32, #tpu.memory_space<vmem>>, vector<16xf32>,
            %mul3A_818 = vector.broadcast %squeeze3A_806 : f32 to vector<16xf32>
            %mul3A_819 = arith.mulf %get3A_817, %mul3A_818 : vector<16xf32>
            %swap3A_820 = arith.index_cast %add3A_786 : i32 to index
            %swap3A_821 = arith.constant 48 : index
            %swap3A_822 = tpu.vector_load %arg16[%swap3A_820, %swap3A_821] {strides = array<i32>} : memref<80x128xf32, #tpu.memory_space<vmem>>, vector<16xf32>,
            tpu.vector_store %arg16[%swap3A_820, %swap3A_821], %mul3A_819 {strides = array<i32>} : memref<80x128xf32, #tpu.memory_space<vmem>>, vector<16xf32>,
            %slice3A_823 = vector.extract_strided_slice %get3A_169 {offsets = [8], sizes = [1], strides = [1]} : vector<16xf32> to vector<1xf32>
            %squeeze3A_824 = vector.extract %slice3A_823[0] : f32 from vector<1xf32>
            %get3A_825 = arith.index_cast %add3A_786 : i32 to index
            %get3A_826 = arith.constant 64 : index
            %get3A_827 = tpu.vector_load %arg16[%get3A_825, %get3A_826] {strides = array<i32>} : memref<80x128xf32, #tpu.memory_space<vmem>>, vector<16xf32>,
            %mul3A_828 = vector.broadcast %squeeze3A_824 : f32 to vector<16xf32>
            %mul3A_829 = arith.mulf %get3A_827, %mul3A_828 : vector<16xf32>
            %swap3A_830 = arith.index_cast %add3A_786 : i32 to index
            %swap3A_831 = arith.constant 64 : index
            %swap3A_832 = tpu.vector_load %arg16[%swap3A_830, %swap3A_831] {strides = array<i32>} : memref<80x128xf32, #tpu.memory_space<vmem>>, vector<16xf32>,
            tpu.vector_store %arg16[%swap3A_830, %swap3A_831], %mul3A_829 {strides = array<i32>} : memref<80x128xf32, #tpu.memory_space<vmem>>, vector<16xf32>,
            %get3A_833 = arith.index_cast %add3A_786 : i32 to index
            %get3A_834 = arith.constant 80 : index
            %get3A_835 = tpu.vector_load %arg16[%get3A_833, %get3A_834] {strides = array<i32>} : memref<80x128xf32, #tpu.memory_space<vmem>>, vector<16xf32>,
            %mul3A_836 = vector.broadcast %squeeze3A_824 : f32 to vector<16xf32>
            %mul3A_837 = arith.mulf %get3A_835, %mul3A_836 : vector<16xf32>
            %swap3A_838 = arith.index_cast %add3A_786 : i32 to index
            %swap3A_839 = arith.constant 80 : index
            %swap3A_840 = tpu.vector_load %arg16[%swap3A_838, %swap3A_839] {strides = array<i32>} : memref<80x128xf32, #tpu.memory_space<vmem>>, vector<16xf32>,
            tpu.vector_store %arg16[%swap3A_838, %swap3A_839], %mul3A_837 {strides = array<i32>} : memref<80x128xf32, #tpu.memory_space<vmem>>, vector<16xf32>,
            %slice3A_841 = vector.extract_strided_slice %get3A_176 {offsets = [8], sizes = [1], strides = [1]} : vector<16xf32> to vector<1xf32>
            %squeeze3A_842 = vector.extract %slice3A_841[0] : f32 from vector<1xf32>
            %get3A_843 = arith.index_cast %add3A_786 : i32 to index
            %get3A_844 = arith.constant 96 : index
            %get3A_845 = tpu.vector_load %arg16[%get3A_843, %get3A_844] {strides = array<i32>} : memref<80x128xf32, #tpu.memory_space<vmem>>, vector<16xf32>,
            %mul3A_846 = vector.broadcast %squeeze3A_842 : f32 to vector<16xf32>
            %mul3A_847 = arith.mulf %get3A_845, %mul3A_846 : vector<16xf32>
            %swap3A_848 = arith.index_cast %add3A_786 : i32 to index
            %swap3A_849 = arith.constant 96 : index
            %swap3A_850 = tpu.vector_load %arg16[%swap3A_848, %swap3A_849] {strides = array<i32>} : memref<80x128xf32, #tpu.memory_space<vmem>>, vector<16xf32>,
            tpu.vector_store %arg16[%swap3A_848, %swap3A_849], %mul3A_847 {strides = array<i32>} : memref<80x128xf32, #tpu.memory_space<vmem>>, vector<16xf32>,
            %get3A_851 = arith.index_cast %add3A_786 : i32 to index
            %get3A_852 = arith.constant 112 : index
            %get3A_853 = tpu.vector_load %arg16[%get3A_851, %get3A_852] {strides = array<i32>} : memref<80x128xf32, #tpu.memory_space<vmem>>, vector<16xf32>,
            %mul3A_854 = vector.broadcast %squeeze3A_842 : f32 to vector<16xf32>
            %mul3A_855 = arith.mulf %get3A_853, %mul3A_854 : vector<16xf32>
            %swap3A_856 = arith.index_cast %add3A_786 : i32 to index
            %swap3A_857 = arith.constant 112 : index
            %swap3A_858 = tpu.vector_load %arg16[%swap3A_856, %swap3A_857] {strides = array<i32>} : memref<80x128xf32, #tpu.memory_space<vmem>>, vector<16xf32>,
            tpu.vector_store %arg16[%swap3A_856, %swap3A_857], %mul3A_855 {strides = array<i32>} : memref<80x128xf32, #tpu.memory_space<vmem>>, vector<16xf32>,
            %mul3A_859 = arith.constant 16 : i32
            %mul3A_860 = arith.muli %scan3A_149, %mul3A_859 : i32
            %add3A_861 = arith.constant 9 : i32
            %add3A_862 = arith.addi %mul3A_860, %add3A_861 : i32
            %slice3A_863 = vector.extract_strided_slice %get3A_155 {offsets = [9], sizes = [1], strides = [1]} : vector<16xf32> to vector<1xf32>
            %squeeze3A_864 = vector.extract %slice3A_863[0] : f32 from vector<1xf32>
            %get3A_865 = arith.index_cast %add3A_862 : i32 to index
            %get3A_866 = arith.constant 0 : index
            %get3A_867 = tpu.vector_load %arg16[%get3A_865, %get3A_866] {strides = array<i32>} : memref<80x128xf32, #tpu.memory_space<vmem>>, vector<16xf32>,
            %mul3A_868 = vector.broadcast %squeeze3A_864 : f32 to vector<16xf32>
            %mul3A_869 = arith.mulf %get3A_867, %mul3A_868 : vector<16xf32>
            %swap3A_870 = arith.index_cast %add3A_862 : i32 to index
            %swap3A_871 = arith.constant 0 : index
            %swap3A_872 = tpu.vector_load %arg16[%swap3A_870, %swap3A_871] {strides = array<i32>} : memref<80x128xf32, #tpu.memory_space<vmem>>, vector<16xf32>,
            tpu.vector_store %arg16[%swap3A_870, %swap3A_871], %mul3A_869 {strides = array<i32>} : memref<80x128xf32, #tpu.memory_space<vmem>>, vector<16xf32>,
            %get3A_873 = arith.index_cast %add3A_862 : i32 to index
            %get3A_874 = arith.constant 16 : index
            %get3A_875 = tpu.vector_load %arg16[%get3A_873, %get3A_874] {strides = array<i32>} : memref<80x128xf32, #tpu.memory_space<vmem>>, vector<16xf32>,
            %mul3A_876 = vector.broadcast %squeeze3A_864 : f32 to vector<16xf32>
            %mul3A_877 = arith.mulf %get3A_875, %mul3A_876 : vector<16xf32>
            %swap3A_878 = arith.index_cast %add3A_862 : i32 to index
            %swap3A_879 = arith.constant 16 : index
            %swap3A_880 = tpu.vector_load %arg16[%swap3A_878, %swap3A_879] {strides = array<i32>} : memref<80x128xf32, #tpu.memory_space<vmem>>, vector<16xf32>,
            tpu.vector_store %arg16[%swap3A_878, %swap3A_879], %mul3A_877 {strides = array<i32>} : memref<80x128xf32, #tpu.memory_space<vmem>>, vector<16xf32>,
            %slice3A_881 = vector.extract_strided_slice %get3A_162 {offsets = [9], sizes = [1], strides = [1]} : vector<16xf32> to vector<1xf32>
            %squeeze3A_882 = vector.extract %slice3A_881[0] : f32 from vector<1xf32>
            %get3A_883 = arith.index_cast %add3A_862 : i32 to index
            %get3A_884 = arith.constant 32 : index
            %get3A_885 = tpu.vector_load %arg16[%get3A_883, %get3A_884] {strides = array<i32>} : memref<80x128xf32, #tpu.memory_space<vmem>>, vector<16xf32>,
            %mul3A_886 = vector.broadcast %squeeze3A_882 : f32 to vector<16xf32>
            %mul3A_887 = arith.mulf %get3A_885, %mul3A_886 : vector<16xf32>
            %swap3A_888 = arith.index_cast %add3A_862 : i32 to index
            %swap3A_889 = arith.constant 32 : index
            %swap3A_890 = tpu.vector_load %arg16[%swap3A_888, %swap3A_889] {strides = array<i32>} : memref<80x128xf32, #tpu.memory_space<vmem>>, vector<16xf32>,
            tpu.vector_store %arg16[%swap3A_888, %swap3A_889], %mul3A_887 {strides = array<i32>} : memref<80x128xf32, #tpu.memory_space<vmem>>, vector<16xf32>,
            %get3A_891 = arith.index_cast %add3A_862 : i32 to index
            %get3A_892 = arith.constant 48 : index
            %get3A_893 = tpu.vector_load %arg16[%get3A_891, %get3A_892] {strides = array<i32>} : memref<80x128xf32, #tpu.memory_space<vmem>>, vector<16xf32>,
            %mul3A_894 = vector.broadcast %squeeze3A_882 : f32 to vector<16xf32>
            %mul3A_895 = arith.mulf %get3A_893, %mul3A_894 : vector<16xf32>
            %swap3A_896 = arith.index_cast %add3A_862 : i32 to index
            %swap3A_897 = arith.constant 48 : index
            %swap3A_898 = tpu.vector_load %arg16[%swap3A_896, %swap3A_897] {strides = array<i32>} : memref<80x128xf32, #tpu.memory_space<vmem>>, vector<16xf32>,
            tpu.vector_store %arg16[%swap3A_896, %swap3A_897], %mul3A_895 {strides = array<i32>} : memref<80x128xf32, #tpu.memory_space<vmem>>, vector<16xf32>,
            %slice3A_899 = vector.extract_strided_slice %get3A_169 {offsets = [9], sizes = [1], strides = [1]} : vector<16xf32> to vector<1xf32>
            %squeeze3A_900 = vector.extract %slice3A_899[0] : f32 from vector<1xf32>
            %get3A_901 = arith.index_cast %add3A_862 : i32 to index
            %get3A_902 = arith.constant 64 : index
            %get3A_903 = tpu.vector_load %arg16[%get3A_901, %get3A_902] {strides = array<i32>} : memref<80x128xf32, #tpu.memory_space<vmem>>, vector<16xf32>,
            %mul3A_904 = vector.broadcast %squeeze3A_900 : f32 to vector<16xf32>
            %mul3A_905 = arith.mulf %get3A_903, %mul3A_904 : vector<16xf32>
            %swap3A_906 = arith.index_cast %add3A_862 : i32 to index
            %swap3A_907 = arith.constant 64 : index
            %swap3A_908 = tpu.vector_load %arg16[%swap3A_906, %swap3A_907] {strides = array<i32>} : memref<80x128xf32, #tpu.memory_space<vmem>>, vector<16xf32>,
            tpu.vector_store %arg16[%swap3A_906, %swap3A_907], %mul3A_905 {strides = array<i32>} : memref<80x128xf32, #tpu.memory_space<vmem>>, vector<16xf32>,
            %get3A_909 = arith.index_cast %add3A_862 : i32 to index
            %get3A_910 = arith.constant 80 : index
            %get3A_911 = tpu.vector_load %arg16[%get3A_909, %get3A_910] {strides = array<i32>} : memref<80x128xf32, #tpu.memory_space<vmem>>, vector<16xf32>,
            %mul3A_912 = vector.broadcast %squeeze3A_900 : f32 to vector<16xf32>
            %mul3A_913 = arith.mulf %get3A_911, %mul3A_912 : vector<16xf32>
            %swap3A_914 = arith.index_cast %add3A_862 : i32 to index
            %swap3A_915 = arith.constant 80 : index
            %swap3A_916 = tpu.vector_load %arg16[%swap3A_914, %swap3A_915] {strides = array<i32>} : memref<80x128xf32, #tpu.memory_space<vmem>>, vector<16xf32>,
            tpu.vector_store %arg16[%swap3A_914, %swap3A_915], %mul3A_913 {strides = array<i32>} : memref<80x128xf32, #tpu.memory_space<vmem>>, vector<16xf32>,
            %slice3A_917 = vector.extract_strided_slice %get3A_176 {offsets = [9], sizes = [1], strides = [1]} : vector<16xf32> to vector<1xf32>
            %squeeze3A_918 = vector.extract %slice3A_917[0] : f32 from vector<1xf32>
            %get3A_919 = arith.index_cast %add3A_862 : i32 to index
            %get3A_920 = arith.constant 96 : index
            %get3A_921 = tpu.vector_load %arg16[%get3A_919, %get3A_920] {strides = array<i32>} : memref<80x128xf32, #tpu.memory_space<vmem>>, vector<16xf32>,
            %mul3A_922 = vector.broadcast %squeeze3A_918 : f32 to vector<16xf32>
            %mul3A_923 = arith.mulf %get3A_921, %mul3A_922 : vector<16xf32>
            %swap3A_924 = arith.index_cast %add3A_862 : i32 to index
            %swap3A_925 = arith.constant 96 : index
            %swap3A_926 = tpu.vector_load %arg16[%swap3A_924, %swap3A_925] {strides = array<i32>} : memref<80x128xf32, #tpu.memory_space<vmem>>, vector<16xf32>,
            tpu.vector_store %arg16[%swap3A_924, %swap3A_925], %mul3A_923 {strides = array<i32>} : memref<80x128xf32, #tpu.memory_space<vmem>>, vector<16xf32>,
            %get3A_927 = arith.index_cast %add3A_862 : i32 to index
            %get3A_928 = arith.constant 112 : index
            %get3A_929 = tpu.vector_load %arg16[%get3A_927, %get3A_928] {strides = array<i32>} : memref<80x128xf32, #tpu.memory_space<vmem>>, vector<16xf32>,
            %mul3A_930 = vector.broadcast %squeeze3A_918 : f32 to vector<16xf32>
            %mul3A_931 = arith.mulf %get3A_929, %mul3A_930 : vector<16xf32>
            %swap3A_932 = arith.index_cast %add3A_862 : i32 to index
            %swap3A_933 = arith.constant 112 : index
            %swap3A_934 = tpu.vector_load %arg16[%swap3A_932, %swap3A_933] {strides = array<i32>} : memref<80x128xf32, #tpu.memory_space<vmem>>, vector<16xf32>,
            tpu.vector_store %arg16[%swap3A_932, %swap3A_933], %mul3A_931 {strides = array<i32>} : memref<80x128xf32, #tpu.memory_space<vmem>>, vector<16xf32>,
            %mul3A_935 = arith.constant 16 : i32
            %mul3A_936 = arith.muli %scan3A_149, %mul3A_935 : i32
            %add3A_937 = arith.constant 10 : i32
            %add3A_938 = arith.addi %mul3A_936, %add3A_937 : i32
            %slice3A_939 = vector.extract_strided_slice %get3A_155 {offsets = [10], sizes = [1], strides = [1]} : vector<16xf32> to vector<1xf32>
            %squeeze3A_940 = vector.extract %slice3A_939[0] : f32 from vector<1xf32>
            %get3A_941 = arith.index_cast %add3A_938 : i32 to index
            %get3A_942 = arith.constant 0 : index
            %get3A_943 = tpu.vector_load %arg16[%get3A_941, %get3A_942] {strides = array<i32>} : memref<80x128xf32, #tpu.memory_space<vmem>>, vector<16xf32>,
            %mul3A_944 = vector.broadcast %squeeze3A_940 : f32 to vector<16xf32>
            %mul3A_945 = arith.mulf %get3A_943, %mul3A_944 : vector<16xf32>
            %swap3A_946 = arith.index_cast %add3A_938 : i32 to index
            %swap3A_947 = arith.constant 0 : index
            %swap3A_948 = tpu.vector_load %arg16[%swap3A_946, %swap3A_947] {strides = array<i32>} : memref<80x128xf32, #tpu.memory_space<vmem>>, vector<16xf32>,
            tpu.vector_store %arg16[%swap3A_946, %swap3A_947], %mul3A_945 {strides = array<i32>} : memref<80x128xf32, #tpu.memory_space<vmem>>, vector<16xf32>,
            %get3A_949 = arith.index_cast %add3A_938 : i32 to index
            %get3A_950 = arith.constant 16 : index
            %get3A_951 = tpu.vector_load %arg16[%get3A_949, %get3A_950] {strides = array<i32>} : memref<80x128xf32, #tpu.memory_space<vmem>>, vector<16xf32>,
            %mul3A_952 = vector.broadcast %squeeze3A_940 : f32 to vector<16xf32>
            %mul3A_953 = arith.mulf %get3A_951, %mul3A_952 : vector<16xf32>
            %swap3A_954 = arith.index_cast %add3A_938 : i32 to index
            %swap3A_955 = arith.constant 16 : index
            %swap3A_956 = tpu.vector_load %arg16[%swap3A_954, %swap3A_955] {strides = array<i32>} : memref<80x128xf32, #tpu.memory_space<vmem>>, vector<16xf32>,
            tpu.vector_store %arg16[%swap3A_954, %swap3A_955], %mul3A_953 {strides = array<i32>} : memref<80x128xf32, #tpu.memory_space<vmem>>, vector<16xf32>,
            %slice3A_957 = vector.extract_strided_slice %get3A_162 {offsets = [10], sizes = [1], strides = [1]} : vector<16xf32> to vector<1xf32>
            %squeeze3A_958 = vector.extract %slice3A_957[0] : f32 from vector<1xf32>
            %get3A_959 = arith.index_cast %add3A_938 : i32 to index
            %get3A_960 = arith.constant 32 : index
            %get3A_961 = tpu.vector_load %arg16[%get3A_959, %get3A_960] {strides = array<i32>} : memref<80x128xf32, #tpu.memory_space<vmem>>, vector<16xf32>,
            %mul3A_962 = vector.broadcast %squeeze3A_958 : f32 to vector<16xf32>
            %mul3A_963 = arith.mulf %get3A_961, %mul3A_962 : vector<16xf32>
            %swap3A_964 = arith.index_cast %add3A_938 : i32 to index
            %swap3A_965 = arith.constant 32 : index
            %swap3A_966 = tpu.vector_load %arg16[%swap3A_964, %swap3A_965] {strides = array<i32>} : memref<80x128xf32, #tpu.memory_space<vmem>>, vector<16xf32>,
            tpu.vector_store %arg16[%swap3A_964, %swap3A_965], %mul3A_963 {strides = array<i32>} : memref<80x128xf32, #tpu.memory_space<vmem>>, vector<16xf32>,
            %get3A_967 = arith.index_cast %add3A_938 : i32 to index
            %get3A_968 = arith.constant 48 : index
            %get3A_969 = tpu.vector_load %arg16[%get3A_967, %get3A_968] {strides = array<i32>} : memref<80x128xf32, #tpu.memory_space<vmem>>, vector<16xf32>,
            %mul3A_970 = vector.broadcast %squeeze3A_958 : f32 to vector<16xf32>
            %mul3A_971 = arith.mulf %get3A_969, %mul3A_970 : vector<16xf32>
            %swap3A_972 = arith.index_cast %add3A_938 : i32 to index
            %swap3A_973 = arith.constant 48 : index
            %swap3A_974 = tpu.vector_load %arg16[%swap3A_972, %swap3A_973] {strides = array<i32>} : memref<80x128xf32, #tpu.memory_space<vmem>>, vector<16xf32>,
            tpu.vector_store %arg16[%swap3A_972, %swap3A_973], %mul3A_971 {strides = array<i32>} : memref<80x128xf32, #tpu.memory_space<vmem>>, vector<16xf32>,
            %slice3A_975 = vector.extract_strided_slice %get3A_169 {offsets = [10], sizes = [1], strides = [1]} : vector<16xf32> to vector<1xf32>
            %squeeze3A_976 = vector.extract %slice3A_975[0] : f32 from vector<1xf32>
            %get3A_977 = arith.index_cast %add3A_938 : i32 to index
            %get3A_978 = arith.constant 64 : index
            %get3A_979 = tpu.vector_load %arg16[%get3A_977, %get3A_978] {strides = array<i32>} : memref<80x128xf32, #tpu.memory_space<vmem>>, vector<16xf32>,
            %mul3A_980 = vector.broadcast %squeeze3A_976 : f32 to vector<16xf32>
            %mul3A_981 = arith.mulf %get3A_979, %mul3A_980 : vector<16xf32>
            %swap3A_982 = arith.index_cast %add3A_938 : i32 to index
            %swap3A_983 = arith.constant 64 : index
            %swap3A_984 = tpu.vector_load %arg16[%swap3A_982, %swap3A_983] {strides = array<i32>} : memref<80x128xf32, #tpu.memory_space<vmem>>, vector<16xf32>,
            tpu.vector_store %arg16[%swap3A_982, %swap3A_983], %mul3A_981 {strides = array<i32>} : memref<80x128xf32, #tpu.memory_space<vmem>>, vector<16xf32>,
            %get3A_985 = arith.index_cast %add3A_938 : i32 to index
            %get3A_986 = arith.constant 80 : index
            %get3A_987 = tpu.vector_load %arg16[%get3A_985, %get3A_986] {strides = array<i32>} : memref<80x128xf32, #tpu.memory_space<vmem>>, vector<16xf32>,
            %mul3A_988 = vector.broadcast %squeeze3A_976 : f32 to vector<16xf32>
            %mul3A_989 = arith.mulf %get3A_987, %mul3A_988 : vector<16xf32>
            %swap3A_990 = arith.index_cast %add3A_938 : i32 to index
            %swap3A_991 = arith.constant 80 : index
            %swap3A_992 = tpu.vector_load %arg16[%swap3A_990, %swap3A_991] {strides = array<i32>} : memref<80x128xf32, #tpu.memory_space<vmem>>, vector<16xf32>,
            tpu.vector_store %arg16[%swap3A_990, %swap3A_991], %mul3A_989 {strides = array<i32>} : memref<80x128xf32, #tpu.memory_space<vmem>>, vector<16xf32>,
            %slice3A_993 = vector.extract_strided_slice %get3A_176 {offsets = [10], sizes = [1], strides = [1]} : vector<16xf32> to vector<1xf32>
            %squeeze3A_994 = vector.extract %slice3A_993[0] : f32 from vector<1xf32>
            %get3A_995 = arith.index_cast %add3A_938 : i32 to index
            %get3A_996 = arith.constant 96 : index
            %get3A_997 = tpu.vector_load %arg16[%get3A_995, %get3A_996] {strides = array<i32>} : memref<80x128xf32, #tpu.memory_space<vmem>>, vector<16xf32>,
            %mul3A_998 = vector.broadcast %squeeze3A_994 : f32 to vector<16xf32>
            %mul3A_999 = arith.mulf %get3A_997, %mul3A_998 : vector<16xf32>
            %swap3A_1000 = arith.index_cast %add3A_938 : i32 to index
            %swap3A_1001 = arith.constant 96 : index
            %swap3A_1002 = tpu.vector_load %arg16[%swap3A_1000, %swap3A_1001] {strides = array<i32>} : memref<80x128xf32, #tpu.memory_space<vmem>>, vector<16xf32>,
            tpu.vector_store %arg16[%swap3A_1000, %swap3A_1001], %mul3A_999 {strides = array<i32>} : memref<80x128xf32, #tpu.memory_space<vmem>>, vector<16xf32>,
            %get3A_1003 = arith.index_cast %add3A_938 : i32 to index
            %get3A_1004 = arith.constant 112 : index
            %get3A_1005 = tpu.vector_load %arg16[%get3A_1003, %get3A_1004] {strides = array<i32>} : memref<80x128xf32, #tpu.memory_space<vmem>>, vector<16xf32>,
            %mul3A_1006 = vector.broadcast %squeeze3A_994 : f32 to vector<16xf32>
            %mul3A_1007 = arith.mulf %get3A_1005, %mul3A_1006 : vector<16xf32>
            %swap3A_1008 = arith.index_cast %add3A_938 : i32 to index
            %swap3A_1009 = arith.constant 112 : index
            %swap3A_1010 = tpu.vector_load %arg16[%swap3A_1008, %swap3A_1009] {strides = array<i32>} : memref<80x128xf32, #tpu.memory_space<vmem>>, vector<16xf32>,
            tpu.vector_store %arg16[%swap3A_1008, %swap3A_1009], %mul3A_1007 {strides = array<i32>} : memref<80x128xf32, #tpu.memory_space<vmem>>, vector<16xf32>,
            %mul3A_1011 = arith.constant 16 : i32
            %mul3A_1012 = arith.muli %scan3A_149, %mul3A_1011 : i32
            %add3A_1013 = arith.constant 11 : i32
            %add3A_1014 = arith.addi %mul3A_1012, %add3A_1013 : i32
            %slice3A_1015 = vector.extract_strided_slice %get3A_155 {offsets = [11], sizes = [1], strides = [1]} : vector<16xf32> to vector<1xf32>
            %squeeze3A_1016 = vector.extract %slice3A_1015[0] : f32 from vector<1xf32>
            %get3A_1017 = arith.index_cast %add3A_1014 : i32 to index
            %get3A_1018 = arith.constant 0 : index
            %get3A_1019 = tpu.vector_load %arg16[%get3A_1017, %get3A_1018] {strides = array<i32>} : memref<80x128xf32, #tpu.memory_space<vmem>>, vector<16xf32>,
            %mul3A_1020 = vector.broadcast %squeeze3A_1016 : f32 to vector<16xf32>
            %mul3A_1021 = arith.mulf %get3A_1019, %mul3A_1020 : vector<16xf32>
            %swap3A_1022 = arith.index_cast %add3A_1014 : i32 to index
            %swap3A_1023 = arith.constant 0 : index
            %swap3A_1024 = tpu.vector_load %arg16[%swap3A_1022, %swap3A_1023] {strides = array<i32>} : memref<80x128xf32, #tpu.memory_space<vmem>>, vector<16xf32>,
            tpu.vector_store %arg16[%swap3A_1022, %swap3A_1023], %mul3A_1021 {strides = array<i32>} : memref<80x128xf32, #tpu.memory_space<vmem>>, vector<16xf32>,
            %get3A_1025 = arith.index_cast %add3A_1014 : i32 to index
            %get3A_1026 = arith.constant 16 : index
            %get3A_1027 = tpu.vector_load %arg16[%get3A_1025, %get3A_1026] {strides = array<i32>} : memref<80x128xf32, #tpu.memory_space<vmem>>, vector<16xf32>,
            %mul3A_1028 = vector.broadcast %squeeze3A_1016 : f32 to vector<16xf32>
            %mul3A_1029 = arith.mulf %get3A_1027, %mul3A_1028 : vector<16xf32>
            %swap3A_1030 = arith.index_cast %add3A_1014 : i32 to index
            %swap3A_1031 = arith.constant 16 : index
            %swap3A_1032 = tpu.vector_load %arg16[%swap3A_1030, %swap3A_1031] {strides = array<i32>} : memref<80x128xf32, #tpu.memory_space<vmem>>, vector<16xf32>,
            tpu.vector_store %arg16[%swap3A_1030, %swap3A_1031], %mul3A_1029 {strides = array<i32>} : memref<80x128xf32, #tpu.memory_space<vmem>>, vector<16xf32>,
            %slice3A_1033 = vector.extract_strided_slice %get3A_162 {offsets = [11], sizes = [1], strides = [1]} : vector<16xf32> to vector<1xf32>
            %squeeze3A_1034 = vector.extract %slice3A_1033[0] : f32 from vector<1xf32>
            %get3A_1035 = arith.index_cast %add3A_1014 : i32 to index
            %get3A_1036 = arith.constant 32 : index
            %get3A_1037 = tpu.vector_load %arg16[%get3A_1035, %get3A_1036] {strides = array<i32>} : memref<80x128xf32, #tpu.memory_space<vmem>>, vector<16xf32>,
            %mul3A_1038 = vector.broadcast %squeeze3A_1034 : f32 to vector<16xf32>
            %mul3A_1039 = arith.mulf %get3A_1037, %mul3A_1038 : vector<16xf32>
            %swap3A_1040 = arith.index_cast %add3A_1014 : i32 to index
            %swap3A_1041 = arith.constant 32 : index
            %swap3A_1042 = tpu.vector_load %arg16[%swap3A_1040, %swap3A_1041] {strides = array<i32>} : memref<80x128xf32, #tpu.memory_space<vmem>>, vector<16xf32>,
            tpu.vector_store %arg16[%swap3A_1040, %swap3A_1041], %mul3A_1039 {strides = array<i32>} : memref<80x128xf32, #tpu.memory_space<vmem>>, vector<16xf32>,
            %get3A_1043 = arith.index_cast %add3A_1014 : i32 to index
            %get3A_1044 = arith.constant 48 : index
            %get3A_1045 = tpu.vector_load %arg16[%get3A_1043, %get3A_1044] {strides = array<i32>} : memref<80x128xf32, #tpu.memory_space<vmem>>, vector<16xf32>,
            %mul3A_1046 = vector.broadcast %squeeze3A_1034 : f32 to vector<16xf32>
            %mul3A_1047 = arith.mulf %get3A_1045, %mul3A_1046 : vector<16xf32>
            %swap3A_1048 = arith.index_cast %add3A_1014 : i32 to index
            %swap3A_1049 = arith.constant 48 : index
            %swap3A_1050 = tpu.vector_load %arg16[%swap3A_1048, %swap3A_1049] {strides = array<i32>} : memref<80x128xf32, #tpu.memory_space<vmem>>, vector<16xf32>,
            tpu.vector_store %arg16[%swap3A_1048, %swap3A_1049], %mul3A_1047 {strides = array<i32>} : memref<80x128xf32, #tpu.memory_space<vmem>>, vector<16xf32>,
            %slice3A_1051 = vector.extract_strided_slice %get3A_169 {offsets = [11], sizes = [1], strides = [1]} : vector<16xf32> to vector<1xf32>
            %squeeze3A_1052 = vector.extract %slice3A_1051[0] : f32 from vector<1xf32>
            %get3A_1053 = arith.index_cast %add3A_1014 : i32 to index
            %get3A_1054 = arith.constant 64 : index
            %get3A_1055 = tpu.vector_load %arg16[%get3A_1053, %get3A_1054] {strides = array<i32>} : memref<80x128xf32, #tpu.memory_space<vmem>>, vector<16xf32>,
            %mul3A_1056 = vector.broadcast %squeeze3A_1052 : f32 to vector<16xf32>
            %mul3A_1057 = arith.mulf %get3A_1055, %mul3A_1056 : vector<16xf32>
            %swap3A_1058 = arith.index_cast %add3A_1014 : i32 to index
            %swap3A_1059 = arith.constant 64 : index
            %swap3A_1060 = tpu.vector_load %arg16[%swap3A_1058, %swap3A_1059] {strides = array<i32>} : memref<80x128xf32, #tpu.memory_space<vmem>>, vector<16xf32>,
            tpu.vector_store %arg16[%swap3A_1058, %swap3A_1059], %mul3A_1057 {strides = array<i32>} : memref<80x128xf32, #tpu.memory_space<vmem>>, vector<16xf32>,
            %get3A_1061 = arith.index_cast %add3A_1014 : i32 to index
            %get3A_1062 = arith.constant 80 : index
            %get3A_1063 = tpu.vector_load %arg16[%get3A_1061, %get3A_1062] {strides = array<i32>} : memref<80x128xf32, #tpu.memory_space<vmem>>, vector<16xf32>,
            %mul3A_1064 = vector.broadcast %squeeze3A_1052 : f32 to vector<16xf32>
            %mul3A_1065 = arith.mulf %get3A_1063, %mul3A_1064 : vector<16xf32>
            %swap3A_1066 = arith.index_cast %add3A_1014 : i32 to index
            %swap3A_1067 = arith.constant 80 : index
            %swap3A_1068 = tpu.vector_load %arg16[%swap3A_1066, %swap3A_1067] {strides = array<i32>} : memref<80x128xf32, #tpu.memory_space<vmem>>, vector<16xf32>,
            tpu.vector_store %arg16[%swap3A_1066, %swap3A_1067], %mul3A_1065 {strides = array<i32>} : memref<80x128xf32, #tpu.memory_space<vmem>>, vector<16xf32>,
            %slice3A_1069 = vector.extract_strided_slice %get3A_176 {offsets = [11], sizes = [1], strides = [1]} : vector<16xf32> to vector<1xf32>
            %squeeze3A_1070 = vector.extract %slice3A_1069[0] : f32 from vector<1xf32>
            %get3A_1071 = arith.index_cast %add3A_1014 : i32 to index
            %get3A_1072 = arith.constant 96 : index
            %get3A_1073 = tpu.vector_load %arg16[%get3A_1071, %get3A_1072] {strides = array<i32>} : memref<80x128xf32, #tpu.memory_space<vmem>>, vector<16xf32>,
            %mul3A_1074 = vector.broadcast %squeeze3A_1070 : f32 to vector<16xf32>
            %mul3A_1075 = arith.mulf %get3A_1073, %mul3A_1074 : vector<16xf32>
            %swap3A_1076 = arith.index_cast %add3A_1014 : i32 to index
            %swap3A_1077 = arith.constant 96 : index
            %swap3A_1078 = tpu.vector_load %arg16[%swap3A_1076, %swap3A_1077] {strides = array<i32>} : memref<80x128xf32, #tpu.memory_space<vmem>>, vector<16xf32>,
            tpu.vector_store %arg16[%swap3A_1076, %swap3A_1077], %mul3A_1075 {strides = array<i32>} : memref<80x128xf32, #tpu.memory_space<vmem>>, vector<16xf32>,
            %get3A_1079 = arith.index_cast %add3A_1014 : i32 to index
            %get3A_1080 = arith.constant 112 : index
            %get3A_1081 = tpu.vector_load %arg16[%get3A_1079, %get3A_1080] {strides = array<i32>} : memref<80x128xf32, #tpu.memory_space<vmem>>, vector<16xf32>,
            %mul3A_1082 = vector.broadcast %squeeze3A_1070 : f32 to vector<16xf32>
            %mul3A_1083 = arith.mulf %get3A_1081, %mul3A_1082 : vector<16xf32>
            %swap3A_1084 = arith.index_cast %add3A_1014 : i32 to index
            %swap3A_1085 = arith.constant 112 : index
            %swap3A_1086 = tpu.vector_load %arg16[%swap3A_1084, %swap3A_1085] {strides = array<i32>} : memref<80x128xf32, #tpu.memory_space<vmem>>, vector<16xf32>,
            tpu.vector_store %arg16[%swap3A_1084, %swap3A_1085], %mul3A_1083 {strides = array<i32>} : memref<80x128xf32, #tpu.memory_space<vmem>>, vector<16xf32>,
            %mul3A_1087 = arith.constant 16 : i32
            %mul3A_1088 = arith.muli %scan3A_149, %mul3A_1087 : i32
            %add3A_1089 = arith.constant 12 : i32
            %add3A_1090 = arith.addi %mul3A_1088, %add3A_1089 : i32
            %slice3A_1091 = vector.extract_strided_slice %get3A_155 {offsets = [12], sizes = [1], strides = [1]} : vector<16xf32> to vector<1xf32>
            %squeeze3A_1092 = vector.extract %slice3A_1091[0] : f32 from vector<1xf32>
            %get3A_1093 = arith.index_cast %add3A_1090 : i32 to index
            %get3A_1094 = arith.constant 0 : index
            %get3A_1095 = tpu.vector_load %arg16[%get3A_1093, %get3A_1094] {strides = array<i32>} : memref<80x128xf32, #tpu.memory_space<vmem>>, vector<16xf32>,
            %mul3A_1096 = vector.broadcast %squeeze3A_1092 : f32 to vector<16xf32>
            %mul3A_1097 = arith.mulf %get3A_1095, %mul3A_1096 : vector<16xf32>
            %swap3A_1098 = arith.index_cast %add3A_1090 : i32 to index
            %swap3A_1099 = arith.constant 0 : index
            %swap3A_1100 = tpu.vector_load %arg16[%swap3A_1098, %swap3A_1099] {strides = array<i32>} : memref<80x128xf32, #tpu.memory_space<vmem>>, vector<16xf32>,
            tpu.vector_store %arg16[%swap3A_1098, %swap3A_1099], %mul3A_1097 {strides = array<i32>} : memref<80x128xf32, #tpu.memory_space<vmem>>, vector<16xf32>,
            %get3A_1101 = arith.index_cast %add3A_1090 : i32 to index
            %get3A_1102 = arith.constant 16 : index
            %get3A_1103 = tpu.vector_load %arg16[%get3A_1101, %get3A_1102] {strides = array<i32>} : memref<80x128xf32, #tpu.memory_space<vmem>>, vector<16xf32>,
            %mul3A_1104 = vector.broadcast %squeeze3A_1092 : f32 to vector<16xf32>
            %mul3A_1105 = arith.mulf %get3A_1103, %mul3A_1104 : vector<16xf32>
            %swap3A_1106 = arith.index_cast %add3A_1090 : i32 to index
            %swap3A_1107 = arith.constant 16 : index
            %swap3A_1108 = tpu.vector_load %arg16[%swap3A_1106, %swap3A_1107] {strides = array<i32>} : memref<80x128xf32, #tpu.memory_space<vmem>>, vector<16xf32>,
            tpu.vector_store %arg16[%swap3A_1106, %swap3A_1107], %mul3A_1105 {strides = array<i32>} : memref<80x128xf32, #tpu.memory_space<vmem>>, vector<16xf32>,
            %slice3A_1109 = vector.extract_strided_slice %get3A_162 {offsets = [12], sizes = [1], strides = [1]} : vector<16xf32> to vector<1xf32>
            %squeeze3A_1110 = vector.extract %slice3A_1109[0] : f32 from vector<1xf32>
            %get3A_1111 = arith.index_cast %add3A_1090 : i32 to index
            %get3A_1112 = arith.constant 32 : index
            %get3A_1113 = tpu.vector_load %arg16[%get3A_1111, %get3A_1112] {strides = array<i32>} : memref<80x128xf32, #tpu.memory_space<vmem>>, vector<16xf32>,
            %mul3A_1114 = vector.broadcast %squeeze3A_1110 : f32 to vector<16xf32>
            %mul3A_1115 = arith.mulf %get3A_1113, %mul3A_1114 : vector<16xf32>
            %swap3A_1116 = arith.index_cast %add3A_1090 : i32 to index
            %swap3A_1117 = arith.constant 32 : index
            %swap3A_1118 = tpu.vector_load %arg16[%swap3A_1116, %swap3A_1117] {strides = array<i32>} : memref<80x128xf32, #tpu.memory_space<vmem>>, vector<16xf32>,
            tpu.vector_store %arg16[%swap3A_1116, %swap3A_1117], %mul3A_1115 {strides = array<i32>} : memref<80x128xf32, #tpu.memory_space<vmem>>, vector<16xf32>,
            %get3A_1119 = arith.index_cast %add3A_1090 : i32 to index
            %get3A_1120 = arith.constant 48 : index
            %get3A_1121 = tpu.vector_load %arg16[%get3A_1119, %get3A_1120] {strides = array<i32>} : memref<80x128xf32, #tpu.memory_space<vmem>>, vector<16xf32>,
            %mul3A_1122 = vector.broadcast %squeeze3A_1110 : f32 to vector<16xf32>
            %mul3A_1123 = arith.mulf %get3A_1121, %mul3A_1122 : vector<16xf32>
            %swap3A_1124 = arith.index_cast %add3A_1090 : i32 to index
            %swap3A_1125 = arith.constant 48 : index
            %swap3A_1126 = tpu.vector_load %arg16[%swap3A_1124, %swap3A_1125] {strides = array<i32>} : memref<80x128xf32, #tpu.memory_space<vmem>>, vector<16xf32>,
            tpu.vector_store %arg16[%swap3A_1124, %swap3A_1125], %mul3A_1123 {strides = array<i32>} : memref<80x128xf32, #tpu.memory_space<vmem>>, vector<16xf32>,
            %slice3A_1127 = vector.extract_strided_slice %get3A_169 {offsets = [12], sizes = [1], strides = [1]} : vector<16xf32> to vector<1xf32>
            %squeeze3A_1128 = vector.extract %slice3A_1127[0] : f32 from vector<1xf32>
            %get3A_1129 = arith.index_cast %add3A_1090 : i32 to index
            %get3A_1130 = arith.constant 64 : index
            %get3A_1131 = tpu.vector_load %arg16[%get3A_1129, %get3A_1130] {strides = array<i32>} : memref<80x128xf32, #tpu.memory_space<vmem>>, vector<16xf32>,
            %mul3A_1132 = vector.broadcast %squeeze3A_1128 : f32 to vector<16xf32>
            %mul3A_1133 = arith.mulf %get3A_1131, %mul3A_1132 : vector<16xf32>
            %swap3A_1134 = arith.index_cast %add3A_1090 : i32 to index
            %swap3A_1135 = arith.constant 64 : index
            %swap3A_1136 = tpu.vector_load %arg16[%swap3A_1134, %swap3A_1135] {strides = array<i32>} : memref<80x128xf32, #tpu.memory_space<vmem>>, vector<16xf32>,
            tpu.vector_store %arg16[%swap3A_1134, %swap3A_1135], %mul3A_1133 {strides = array<i32>} : memref<80x128xf32, #tpu.memory_space<vmem>>, vector<16xf32>,
            %get3A_1137 = arith.index_cast %add3A_1090 : i32 to index
            %get3A_1138 = arith.constant 80 : index
            %get3A_1139 = tpu.vector_load %arg16[%get3A_1137, %get3A_1138] {strides = array<i32>} : memref<80x128xf32, #tpu.memory_space<vmem>>, vector<16xf32>,
            %mul3A_1140 = vector.broadcast %squeeze3A_1128 : f32 to vector<16xf32>
            %mul3A_1141 = arith.mulf %get3A_1139, %mul3A_1140 : vector<16xf32>
            %swap3A_1142 = arith.index_cast %add3A_1090 : i32 to index
            %swap3A_1143 = arith.constant 80 : index
            %swap3A_1144 = tpu.vector_load %arg16[%swap3A_1142, %swap3A_1143] {strides = array<i32>} : memref<80x128xf32, #tpu.memory_space<vmem>>, vector<16xf32>,
            tpu.vector_store %arg16[%swap3A_1142, %swap3A_1143], %mul3A_1141 {strides = array<i32>} : memref<80x128xf32, #tpu.memory_space<vmem>>, vector<16xf32>,
            %slice3A_1145 = vector.extract_strided_slice %get3A_176 {offsets = [12], sizes = [1], strides = [1]} : vector<16xf32> to vector<1xf32>
            %squeeze3A_1146 = vector.extract %slice3A_1145[0] : f32 from vector<1xf32>
            %get3A_1147 = arith.index_cast %add3A_1090 : i32 to index
            %get3A_1148 = arith.constant 96 : index
            %get3A_1149 = tpu.vector_load %arg16[%get3A_1147, %get3A_1148] {strides = array<i32>} : memref<80x128xf32, #tpu.memory_space<vmem>>, vector<16xf32>,
            %mul3A_1150 = vector.broadcast %squeeze3A_1146 : f32 to vector<16xf32>
            %mul3A_1151 = arith.mulf %get3A_1149, %mul3A_1150 : vector<16xf32>
            %swap3A_1152 = arith.index_cast %add3A_1090 : i32 to index
            %swap3A_1153 = arith.constant 96 : index
            %swap3A_1154 = tpu.vector_load %arg16[%swap3A_1152, %swap3A_1153] {strides = array<i32>} : memref<80x128xf32, #tpu.memory_space<vmem>>, vector<16xf32>,
            tpu.vector_store %arg16[%swap3A_1152, %swap3A_1153], %mul3A_1151 {strides = array<i32>} : memref<80x128xf32, #tpu.memory_space<vmem>>, vector<16xf32>,
            %get3A_1155 = arith.index_cast %add3A_1090 : i32 to index
            %get3A_1156 = arith.constant 112 : index
            %get3A_1157 = tpu.vector_load %arg16[%get3A_1155, %get3A_1156] {strides = array<i32>} : memref<80x128xf32, #tpu.memory_space<vmem>>, vector<16xf32>,
            %mul3A_1158 = vector.broadcast %squeeze3A_1146 : f32 to vector<16xf32>
            %mul3A_1159 = arith.mulf %get3A_1157, %mul3A_1158 : vector<16xf32>
            %swap3A_1160 = arith.index_cast %add3A_1090 : i32 to index
            %swap3A_1161 = arith.constant 112 : index
            %swap3A_1162 = tpu.vector_load %arg16[%swap3A_1160, %swap3A_1161] {strides = array<i32>} : memref<80x128xf32, #tpu.memory_space<vmem>>, vector<16xf32>,
            tpu.vector_store %arg16[%swap3A_1160, %swap3A_1161], %mul3A_1159 {strides = array<i32>} : memref<80x128xf32, #tpu.memory_space<vmem>>, vector<16xf32>,
            %mul3A_1163 = arith.constant 16 : i32
            %mul3A_1164 = arith.muli %scan3A_149, %mul3A_1163 : i32
            %add3A_1165 = arith.constant 13 : i32
            %add3A_1166 = arith.addi %mul3A_1164, %add3A_1165 : i32
            %slice3A_1167 = vector.extract_strided_slice %get3A_155 {offsets = [13], sizes = [1], strides = [1]} : vector<16xf32> to vector<1xf32>
            %squeeze3A_1168 = vector.extract %slice3A_1167[0] : f32 from vector<1xf32>
            %get3A_1169 = arith.index_cast %add3A_1166 : i32 to index
            %get3A_1170 = arith.constant 0 : index
            %get3A_1171 = tpu.vector_load %arg16[%get3A_1169, %get3A_1170] {strides = array<i32>} : memref<80x128xf32, #tpu.memory_space<vmem>>, vector<16xf32>,
            %mul3A_1172 = vector.broadcast %squeeze3A_1168 : f32 to vector<16xf32>
            %mul3A_1173 = arith.mulf %get3A_1171, %mul3A_1172 : vector<16xf32>
            %swap3A_1174 = arith.index_cast %add3A_1166 : i32 to index
            %swap3A_1175 = arith.constant 0 : index
            %swap3A_1176 = tpu.vector_load %arg16[%swap3A_1174, %swap3A_1175] {strides = array<i32>} : memref<80x128xf32, #tpu.memory_space<vmem>>, vector<16xf32>,
            tpu.vector_store %arg16[%swap3A_1174, %swap3A_1175], %mul3A_1173 {strides = array<i32>} : memref<80x128xf32, #tpu.memory_space<vmem>>, vector<16xf32>,
            %get3A_1177 = arith.index_cast %add3A_1166 : i32 to index
            %get3A_1178 = arith.constant 16 : index
            %get3A_1179 = tpu.vector_load %arg16[%get3A_1177, %get3A_1178] {strides = array<i32>} : memref<80x128xf32, #tpu.memory_space<vmem>>, vector<16xf32>,
            %mul3A_1180 = vector.broadcast %squeeze3A_1168 : f32 to vector<16xf32>
            %mul3A_1181 = arith.mulf %get3A_1179, %mul3A_1180 : vector<16xf32>
            %swap3A_1182 = arith.index_cast %add3A_1166 : i32 to index
            %swap3A_1183 = arith.constant 16 : index
            %swap3A_1184 = tpu.vector_load %arg16[%swap3A_1182, %swap3A_1183] {strides = array<i32>} : memref<80x128xf32, #tpu.memory_space<vmem>>, vector<16xf32>,
            tpu.vector_store %arg16[%swap3A_1182, %swap3A_1183], %mul3A_1181 {strides = array<i32>} : memref<80x128xf32, #tpu.memory_space<vmem>>, vector<16xf32>,
            %slice3A_1185 = vector.extract_strided_slice %get3A_162 {offsets = [13], sizes = [1], strides = [1]} : vector<16xf32> to vector<1xf32>
            %squeeze3A_1186 = vector.extract %slice3A_1185[0] : f32 from vector<1xf32>
            %get3A_1187 = arith.index_cast %add3A_1166 : i32 to index
            %get3A_1188 = arith.constant 32 : index
            %get3A_1189 = tpu.vector_load %arg16[%get3A_1187, %get3A_1188] {strides = array<i32>} : memref<80x128xf32, #tpu.memory_space<vmem>>, vector<16xf32>,
            %mul3A_1190 = vector.broadcast %squeeze3A_1186 : f32 to vector<16xf32>
            %mul3A_1191 = arith.mulf %get3A_1189, %mul3A_1190 : vector<16xf32>
            %swap3A_1192 = arith.index_cast %add3A_1166 : i32 to index
            %swap3A_1193 = arith.constant 32 : index
            %swap3A_1194 = tpu.vector_load %arg16[%swap3A_1192, %swap3A_1193] {strides = array<i32>} : memref<80x128xf32, #tpu.memory_space<vmem>>, vector<16xf32>,
            tpu.vector_store %arg16[%swap3A_1192, %swap3A_1193], %mul3A_1191 {strides = array<i32>} : memref<80x128xf32, #tpu.memory_space<vmem>>, vector<16xf32>,
            %get3A_1195 = arith.index_cast %add3A_1166 : i32 to index
            %get3A_1196 = arith.constant 48 : index
            %get3A_1197 = tpu.vector_load %arg16[%get3A_1195, %get3A_1196] {strides = array<i32>} : memref<80x128xf32, #tpu.memory_space<vmem>>, vector<16xf32>,
            %mul3A_1198 = vector.broadcast %squeeze3A_1186 : f32 to vector<16xf32>
            %mul3A_1199 = arith.mulf %get3A_1197, %mul3A_1198 : vector<16xf32>
            %swap3A_1200 = arith.index_cast %add3A_1166 : i32 to index
            %swap3A_1201 = arith.constant 48 : index
            %swap3A_1202 = tpu.vector_load %arg16[%swap3A_1200, %swap3A_1201] {strides = array<i32>} : memref<80x128xf32, #tpu.memory_space<vmem>>, vector<16xf32>,
            tpu.vector_store %arg16[%swap3A_1200, %swap3A_1201], %mul3A_1199 {strides = array<i32>} : memref<80x128xf32, #tpu.memory_space<vmem>>, vector<16xf32>,
            %slice3A_1203 = vector.extract_strided_slice %get3A_169 {offsets = [13], sizes = [1], strides = [1]} : vector<16xf32> to vector<1xf32>
            %squeeze3A_1204 = vector.extract %slice3A_1203[0] : f32 from vector<1xf32>
            %get3A_1205 = arith.index_cast %add3A_1166 : i32 to index
            %get3A_1206 = arith.constant 64 : index
            %get3A_1207 = tpu.vector_load %arg16[%get3A_1205, %get3A_1206] {strides = array<i32>} : memref<80x128xf32, #tpu.memory_space<vmem>>, vector<16xf32>,
            %mul3A_1208 = vector.broadcast %squeeze3A_1204 : f32 to vector<16xf32>
            %mul3A_1209 = arith.mulf %get3A_1207, %mul3A_1208 : vector<16xf32>
            %swap3A_1210 = arith.index_cast %add3A_1166 : i32 to index
            %swap3A_1211 = arith.constant 64 : index
            %swap3A_1212 = tpu.vector_load %arg16[%swap3A_1210, %swap3A_1211] {strides = array<i32>} : memref<80x128xf32, #tpu.memory_space<vmem>>, vector<16xf32>,
            tpu.vector_store %arg16[%swap3A_1210, %swap3A_1211], %mul3A_1209 {strides = array<i32>} : memref<80x128xf32, #tpu.memory_space<vmem>>, vector<16xf32>,
            %get3A_1213 = arith.index_cast %add3A_1166 : i32 to index
            %get3A_1214 = arith.constant 80 : index
            %get3A_1215 = tpu.vector_load %arg16[%get3A_1213, %get3A_1214] {strides = array<i32>} : memref<80x128xf32, #tpu.memory_space<vmem>>, vector<16xf32>,
            %mul3A_1216 = vector.broadcast %squeeze3A_1204 : f32 to vector<16xf32>
            %mul3A_1217 = arith.mulf %get3A_1215, %mul3A_1216 : vector<16xf32>
            %swap3A_1218 = arith.index_cast %add3A_1166 : i32 to index
            %swap3A_1219 = arith.constant 80 : index
            %swap3A_1220 = tpu.vector_load %arg16[%swap3A_1218, %swap3A_1219] {strides = array<i32>} : memref<80x128xf32, #tpu.memory_space<vmem>>, vector<16xf32>,
            tpu.vector_store %arg16[%swap3A_1218, %swap3A_1219], %mul3A_1217 {strides = array<i32>} : memref<80x128xf32, #tpu.memory_space<vmem>>, vector<16xf32>,
            %slice3A_1221 = vector.extract_strided_slice %get3A_176 {offsets = [13], sizes = [1], strides = [1]} : vector<16xf32> to vector<1xf32>
            %squeeze3A_1222 = vector.extract %slice3A_1221[0] : f32 from vector<1xf32>
            %get3A_1223 = arith.index_cast %add3A_1166 : i32 to index
            %get3A_1224 = arith.constant 96 : index
            %get3A_1225 = tpu.vector_load %arg16[%get3A_1223, %get3A_1224] {strides = array<i32>} : memref<80x128xf32, #tpu.memory_space<vmem>>, vector<16xf32>,
            %mul3A_1226 = vector.broadcast %squeeze3A_1222 : f32 to vector<16xf32>
            %mul3A_1227 = arith.mulf %get3A_1225, %mul3A_1226 : vector<16xf32>
            %swap3A_1228 = arith.index_cast %add3A_1166 : i32 to index
            %swap3A_1229 = arith.constant 96 : index
            %swap3A_1230 = tpu.vector_load %arg16[%swap3A_1228, %swap3A_1229] {strides = array<i32>} : memref<80x128xf32, #tpu.memory_space<vmem>>, vector<16xf32>,
            tpu.vector_store %arg16[%swap3A_1228, %swap3A_1229], %mul3A_1227 {strides = array<i32>} : memref<80x128xf32, #tpu.memory_space<vmem>>, vector<16xf32>,
            %get3A_1231 = arith.index_cast %add3A_1166 : i32 to index
            %get3A_1232 = arith.constant 112 : index
            %get3A_1233 = tpu.vector_load %arg16[%get3A_1231, %get3A_1232] {strides = array<i32>} : memref<80x128xf32, #tpu.memory_space<vmem>>, vector<16xf32>,
            %mul3A_1234 = vector.broadcast %squeeze3A_1222 : f32 to vector<16xf32>
            %mul3A_1235 = arith.mulf %get3A_1233, %mul3A_1234 : vector<16xf32>
            %swap3A_1236 = arith.index_cast %add3A_1166 : i32 to index
            %swap3A_1237 = arith.constant 112 : index
            %swap3A_1238 = tpu.vector_load %arg16[%swap3A_1236, %swap3A_1237] {strides = array<i32>} : memref<80x128xf32, #tpu.memory_space<vmem>>, vector<16xf32>,
            tpu.vector_store %arg16[%swap3A_1236, %swap3A_1237], %mul3A_1235 {strides = array<i32>} : memref<80x128xf32, #tpu.memory_space<vmem>>, vector<16xf32>,
            %mul3A_1239 = arith.constant 16 : i32
            %mul3A_1240 = arith.muli %scan3A_149, %mul3A_1239 : i32
            %add3A_1241 = arith.constant 14 : i32
            %add3A_1242 = arith.addi %mul3A_1240, %add3A_1241 : i32
            %slice3A_1243 = vector.extract_strided_slice %get3A_155 {offsets = [14], sizes = [1], strides = [1]} : vector<16xf32> to vector<1xf32>
            %squeeze3A_1244 = vector.extract %slice3A_1243[0] : f32 from vector<1xf32>
            %get3A_1245 = arith.index_cast %add3A_1242 : i32 to index
            %get3A_1246 = arith.constant 0 : index
            %get3A_1247 = tpu.vector_load %arg16[%get3A_1245, %get3A_1246] {strides = array<i32>} : memref<80x128xf32, #tpu.memory_space<vmem>>, vector<16xf32>,
            %mul3A_1248 = vector.broadcast %squeeze3A_1244 : f32 to vector<16xf32>
            %mul3A_1249 = arith.mulf %get3A_1247, %mul3A_1248 : vector<16xf32>
            %swap3A_1250 = arith.index_cast %add3A_1242 : i32 to index
            %swap3A_1251 = arith.constant 0 : index
            %swap3A_1252 = tpu.vector_load %arg16[%swap3A_1250, %swap3A_1251] {strides = array<i32>} : memref<80x128xf32, #tpu.memory_space<vmem>>, vector<16xf32>,
            tpu.vector_store %arg16[%swap3A_1250, %swap3A_1251], %mul3A_1249 {strides = array<i32>} : memref<80x128xf32, #tpu.memory_space<vmem>>, vector<16xf32>,
            %get3A_1253 = arith.index_cast %add3A_1242 : i32 to index
            %get3A_1254 = arith.constant 16 : index
            %get3A_1255 = tpu.vector_load %arg16[%get3A_1253, %get3A_1254] {strides = array<i32>} : memref<80x128xf32, #tpu.memory_space<vmem>>, vector<16xf32>,
            %mul3A_1256 = vector.broadcast %squeeze3A_1244 : f32 to vector<16xf32>
            %mul3A_1257 = arith.mulf %get3A_1255, %mul3A_1256 : vector<16xf32>
            %swap3A_1258 = arith.index_cast %add3A_1242 : i32 to index
            %swap3A_1259 = arith.constant 16 : index
            %swap3A_1260 = tpu.vector_load %arg16[%swap3A_1258, %swap3A_1259] {strides = array<i32>} : memref<80x128xf32, #tpu.memory_space<vmem>>, vector<16xf32>,
            tpu.vector_store %arg16[%swap3A_1258, %swap3A_1259], %mul3A_1257 {strides = array<i32>} : memref<80x128xf32, #tpu.memory_space<vmem>>, vector<16xf32>,
            %slice3A_1261 = vector.extract_strided_slice %get3A_162 {offsets = [14], sizes = [1], strides = [1]} : vector<16xf32> to vector<1xf32>
            %squeeze3A_1262 = vector.extract %slice3A_1261[0] : f32 from vector<1xf32>
            %get3A_1263 = arith.index_cast %add3A_1242 : i32 to index
            %get3A_1264 = arith.constant 32 : index
            %get3A_1265 = tpu.vector_load %arg16[%get3A_1263, %get3A_1264] {strides = array<i32>} : memref<80x128xf32, #tpu.memory_space<vmem>>, vector<16xf32>,
            %mul3A_1266 = vector.broadcast %squeeze3A_1262 : f32 to vector<16xf32>
            %mul3A_1267 = arith.mulf %get3A_1265, %mul3A_1266 : vector<16xf32>
            %swap3A_1268 = arith.index_cast %add3A_1242 : i32 to index
            %swap3A_1269 = arith.constant 32 : index
            %swap3A_1270 = tpu.vector_load %arg16[%swap3A_1268, %swap3A_1269] {strides = array<i32>} : memref<80x128xf32, #tpu.memory_space<vmem>>, vector<16xf32>,
            tpu.vector_store %arg16[%swap3A_1268, %swap3A_1269], %mul3A_1267 {strides = array<i32>} : memref<80x128xf32, #tpu.memory_space<vmem>>, vector<16xf32>,
            %get3A_1271 = arith.index_cast %add3A_1242 : i32 to index
            %get3A_1272 = arith.constant 48 : index
            %get3A_1273 = tpu.vector_load %arg16[%get3A_1271, %get3A_1272] {strides = array<i32>} : memref<80x128xf32, #tpu.memory_space<vmem>>, vector<16xf32>,
            %mul3A_1274 = vector.broadcast %squeeze3A_1262 : f32 to vector<16xf32>
            %mul3A_1275 = arith.mulf %get3A_1273, %mul3A_1274 : vector<16xf32>
            %swap3A_1276 = arith.index_cast %add3A_1242 : i32 to index
            %swap3A_1277 = arith.constant 48 : index
            %swap3A_1278 = tpu.vector_load %arg16[%swap3A_1276, %swap3A_1277] {strides = array<i32>} : memref<80x128xf32, #tpu.memory_space<vmem>>, vector<16xf32>,
            tpu.vector_store %arg16[%swap3A_1276, %swap3A_1277], %mul3A_1275 {strides = array<i32>} : memref<80x128xf32, #tpu.memory_space<vmem>>, vector<16xf32>,
            %slice3A_1279 = vector.extract_strided_slice %get3A_169 {offsets = [14], sizes = [1], strides = [1]} : vector<16xf32> to vector<1xf32>
            %squeeze3A_1280 = vector.extract %slice3A_1279[0] : f32 from vector<1xf32>
            %get3A_1281 = arith.index_cast %add3A_1242 : i32 to index
            %get3A_1282 = arith.constant 64 : index
            %get3A_1283 = tpu.vector_load %arg16[%get3A_1281, %get3A_1282] {strides = array<i32>} : memref<80x128xf32, #tpu.memory_space<vmem>>, vector<16xf32>,
            %mul3A_1284 = vector.broadcast %squeeze3A_1280 : f32 to vector<16xf32>
            %mul3A_1285 = arith.mulf %get3A_1283, %mul3A_1284 : vector<16xf32>
            %swap3A_1286 = arith.index_cast %add3A_1242 : i32 to index
            %swap3A_1287 = arith.constant 64 : index
            %swap3A_1288 = tpu.vector_load %arg16[%swap3A_1286, %swap3A_1287] {strides = array<i32>} : memref<80x128xf32, #tpu.memory_space<vmem>>, vector<16xf32>,
            tpu.vector_store %arg16[%swap3A_1286, %swap3A_1287], %mul3A_1285 {strides = array<i32>} : memref<80x128xf32, #tpu.memory_space<vmem>>, vector<16xf32>,
            %get3A_1289 = arith.index_cast %add3A_1242 : i32 to index
            %get3A_1290 = arith.constant 80 : index
            %get3A_1291 = tpu.vector_load %arg16[%get3A_1289, %get3A_1290] {strides = array<i32>} : memref<80x128xf32, #tpu.memory_space<vmem>>, vector<16xf32>,
            %mul3A_1292 = vector.broadcast %squeeze3A_1280 : f32 to vector<16xf32>
            %mul3A_1293 = arith.mulf %get3A_1291, %mul3A_1292 : vector<16xf32>
            %swap3A_1294 = arith.index_cast %add3A_1242 : i32 to index
            %swap3A_1295 = arith.constant 80 : index
            %swap3A_1296 = tpu.vector_load %arg16[%swap3A_1294, %swap3A_1295] {strides = array<i32>} : memref<80x128xf32, #tpu.memory_space<vmem>>, vector<16xf32>,
            tpu.vector_store %arg16[%swap3A_1294, %swap3A_1295], %mul3A_1293 {strides = array<i32>} : memref<80x128xf32, #tpu.memory_space<vmem>>, vector<16xf32>,
            %slice3A_1297 = vector.extract_strided_slice %get3A_176 {offsets = [14], sizes = [1], strides = [1]} : vector<16xf32> to vector<1xf32>
            %squeeze3A_1298 = vector.extract %slice3A_1297[0] : f32 from vector<1xf32>
            %get3A_1299 = arith.index_cast %add3A_1242 : i32 to index
            %get3A_1300 = arith.constant 96 : index
            %get3A_1301 = tpu.vector_load %arg16[%get3A_1299, %get3A_1300] {strides = array<i32>} : memref<80x128xf32, #tpu.memory_space<vmem>>, vector<16xf32>,
            %mul3A_1302 = vector.broadcast %squeeze3A_1298 : f32 to vector<16xf32>
            %mul3A_1303 = arith.mulf %get3A_1301, %mul3A_1302 : vector<16xf32>
            %swap3A_1304 = arith.index_cast %add3A_1242 : i32 to index
            %swap3A_1305 = arith.constant 96 : index
            %swap3A_1306 = tpu.vector_load %arg16[%swap3A_1304, %swap3A_1305] {strides = array<i32>} : memref<80x128xf32, #tpu.memory_space<vmem>>, vector<16xf32>,
            tpu.vector_store %arg16[%swap3A_1304, %swap3A_1305], %mul3A_1303 {strides = array<i32>} : memref<80x128xf32, #tpu.memory_space<vmem>>, vector<16xf32>,
            %get3A_1307 = arith.index_cast %add3A_1242 : i32 to index
            %get3A_1308 = arith.constant 112 : index
            %get3A_1309 = tpu.vector_load %arg16[%get3A_1307, %get3A_1308] {strides = array<i32>} : memref<80x128xf32, #tpu.memory_space<vmem>>, vector<16xf32>,
            %mul3A_1310 = vector.broadcast %squeeze3A_1298 : f32 to vector<16xf32>
            %mul3A_1311 = arith.mulf %get3A_1309, %mul3A_1310 : vector<16xf32>
            %swap3A_1312 = arith.index_cast %add3A_1242 : i32 to index
            %swap3A_1313 = arith.constant 112 : index
            %swap3A_1314 = tpu.vector_load %arg16[%swap3A_1312, %swap3A_1313] {strides = array<i32>} : memref<80x128xf32, #tpu.memory_space<vmem>>, vector<16xf32>,
            tpu.vector_store %arg16[%swap3A_1312, %swap3A_1313], %mul3A_1311 {strides = array<i32>} : memref<80x128xf32, #tpu.memory_space<vmem>>, vector<16xf32>,
            %mul3A_1315 = arith.constant 16 : i32
            %mul3A_1316 = arith.muli %scan3A_149, %mul3A_1315 : i32
            %add3A_1317 = arith.constant 15 : i32
            %add3A_1318 = arith.addi %mul3A_1316, %add3A_1317 : i32
            %slice3A_1319 = vector.extract_strided_slice %get3A_155 {offsets = [15], sizes = [1], strides = [1]} : vector<16xf32> to vector<1xf32>
            %squeeze3A_1320 = vector.extract %slice3A_1319[0] : f32 from vector<1xf32>
            %get3A_1321 = arith.index_cast %add3A_1318 : i32 to index
            %get3A_1322 = arith.constant 0 : index
            %get3A_1323 = tpu.vector_load %arg16[%get3A_1321, %get3A_1322] {strides = array<i32>} : memref<80x128xf32, #tpu.memory_space<vmem>>, vector<16xf32>,
            %mul3A_1324 = vector.broadcast %squeeze3A_1320 : f32 to vector<16xf32>
            %mul3A_1325 = arith.mulf %get3A_1323, %mul3A_1324 : vector<16xf32>
            %swap3A_1326 = arith.index_cast %add3A_1318 : i32 to index
            %swap3A_1327 = arith.constant 0 : index
            %swap3A_1328 = tpu.vector_load %arg16[%swap3A_1326, %swap3A_1327] {strides = array<i32>} : memref<80x128xf32, #tpu.memory_space<vmem>>, vector<16xf32>,
            tpu.vector_store %arg16[%swap3A_1326, %swap3A_1327], %mul3A_1325 {strides = array<i32>} : memref<80x128xf32, #tpu.memory_space<vmem>>, vector<16xf32>,
            %get3A_1329 = arith.index_cast %add3A_1318 : i32 to index
            %get3A_1330 = arith.constant 16 : index
            %get3A_1331 = tpu.vector_load %arg16[%get3A_1329, %get3A_1330] {strides = array<i32>} : memref<80x128xf32, #tpu.memory_space<vmem>>, vector<16xf32>,
            %mul3A_1332 = vector.broadcast %squeeze3A_1320 : f32 to vector<16xf32>
            %mul3A_1333 = arith.mulf %get3A_1331, %mul3A_1332 : vector<16xf32>
            %swap3A_1334 = arith.index_cast %add3A_1318 : i32 to index
            %swap3A_1335 = arith.constant 16 : index
            %swap3A_1336 = tpu.vector_load %arg16[%swap3A_1334, %swap3A_1335] {strides = array<i32>} : memref<80x128xf32, #tpu.memory_space<vmem>>, vector<16xf32>,
            tpu.vector_store %arg16[%swap3A_1334, %swap3A_1335], %mul3A_1333 {strides = array<i32>} : memref<80x128xf32, #tpu.memory_space<vmem>>, vector<16xf32>,
            %slice3A_1337 = vector.extract_strided_slice %get3A_162 {offsets = [15], sizes = [1], strides = [1]} : vector<16xf32> to vector<1xf32>
            %squeeze3A_1338 = vector.extract %slice3A_1337[0] : f32 from vector<1xf32>
            %get3A_1339 = arith.index_cast %add3A_1318 : i32 to index
            %get3A_1340 = arith.constant 32 : index
            %get3A_1341 = tpu.vector_load %arg16[%get3A_1339, %get3A_1340] {strides = array<i32>} : memref<80x128xf32, #tpu.memory_space<vmem>>, vector<16xf32>,
            %mul3A_1342 = vector.broadcast %squeeze3A_1338 : f32 to vector<16xf32>
            %mul3A_1343 = arith.mulf %get3A_1341, %mul3A_1342 : vector<16xf32>
            %swap3A_1344 = arith.index_cast %add3A_1318 : i32 to index
            %swap3A_1345 = arith.constant 32 : index
            %swap3A_1346 = tpu.vector_load %arg16[%swap3A_1344, %swap3A_1345] {strides = array<i32>} : memref<80x128xf32, #tpu.memory_space<vmem>>, vector<16xf32>,
            tpu.vector_store %arg16[%swap3A_1344, %swap3A_1345], %mul3A_1343 {strides = array<i32>} : memref<80x128xf32, #tpu.memory_space<vmem>>, vector<16xf32>,
            %get3A_1347 = arith.index_cast %add3A_1318 : i32 to index
            %get3A_1348 = arith.constant 48 : index
            %get3A_1349 = tpu.vector_load %arg16[%get3A_1347, %get3A_1348] {strides = array<i32>} : memref<80x128xf32, #tpu.memory_space<vmem>>, vector<16xf32>,
            %mul3A_1350 = vector.broadcast %squeeze3A_1338 : f32 to vector<16xf32>
            %mul3A_1351 = arith.mulf %get3A_1349, %mul3A_1350 : vector<16xf32>
            %swap3A_1352 = arith.index_cast %add3A_1318 : i32 to index
            %swap3A_1353 = arith.constant 48 : index
            %swap3A_1354 = tpu.vector_load %arg16[%swap3A_1352, %swap3A_1353] {strides = array<i32>} : memref<80x128xf32, #tpu.memory_space<vmem>>, vector<16xf32>,
            tpu.vector_store %arg16[%swap3A_1352, %swap3A_1353], %mul3A_1351 {strides = array<i32>} : memref<80x128xf32, #tpu.memory_space<vmem>>, vector<16xf32>,
            %slice3A_1355 = vector.extract_strided_slice %get3A_169 {offsets = [15], sizes = [1], strides = [1]} : vector<16xf32> to vector<1xf32>
            %squeeze3A_1356 = vector.extract %slice3A_1355[0] : f32 from vector<1xf32>
            %get3A_1357 = arith.index_cast %add3A_1318 : i32 to index
            %get3A_1358 = arith.constant 64 : index
            %get3A_1359 = tpu.vector_load %arg16[%get3A_1357, %get3A_1358] {strides = array<i32>} : memref<80x128xf32, #tpu.memory_space<vmem>>, vector<16xf32>,
            %mul3A_1360 = vector.broadcast %squeeze3A_1356 : f32 to vector<16xf32>
            %mul3A_1361 = arith.mulf %get3A_1359, %mul3A_1360 : vector<16xf32>
            %swap3A_1362 = arith.index_cast %add3A_1318 : i32 to index
            %swap3A_1363 = arith.constant 64 : index
            %swap3A_1364 = tpu.vector_load %arg16[%swap3A_1362, %swap3A_1363] {strides = array<i32>} : memref<80x128xf32, #tpu.memory_space<vmem>>, vector<16xf32>,
            tpu.vector_store %arg16[%swap3A_1362, %swap3A_1363], %mul3A_1361 {strides = array<i32>} : memref<80x128xf32, #tpu.memory_space<vmem>>, vector<16xf32>,
            %get3A_1365 = arith.index_cast %add3A_1318 : i32 to index
            %get3A_1366 = arith.constant 80 : index
            %get3A_1367 = tpu.vector_load %arg16[%get3A_1365, %get3A_1366] {strides = array<i32>} : memref<80x128xf32, #tpu.memory_space<vmem>>, vector<16xf32>,
            %mul3A_1368 = vector.broadcast %squeeze3A_1356 : f32 to vector<16xf32>
            %mul3A_1369 = arith.mulf %get3A_1367, %mul3A_1368 : vector<16xf32>
            %swap3A_1370 = arith.index_cast %add3A_1318 : i32 to index
            %swap3A_1371 = arith.constant 80 : index
            %swap3A_1372 = tpu.vector_load %arg16[%swap3A_1370, %swap3A_1371] {strides = array<i32>} : memref<80x128xf32, #tpu.memory_space<vmem>>, vector<16xf32>,
            tpu.vector_store %arg16[%swap3A_1370, %swap3A_1371], %mul3A_1369 {strides = array<i32>} : memref<80x128xf32, #tpu.memory_space<vmem>>, vector<16xf32>,
            %slice3A_1373 = vector.extract_strided_slice %get3A_176 {offsets = [15], sizes = [1], strides = [1]} : vector<16xf32> to vector<1xf32>
            %squeeze3A_1374 = vector.extract %slice3A_1373[0] : f32 from vector<1xf32>
            %get3A_1375 = arith.index_cast %add3A_1318 : i32 to index
            %get3A_1376 = arith.constant 96 : index
            %get3A_1377 = tpu.vector_load %arg16[%get3A_1375, %get3A_1376] {strides = array<i32>} : memref<80x128xf32, #tpu.memory_space<vmem>>, vector<16xf32>,
            %mul3A_1378 = vector.broadcast %squeeze3A_1374 : f32 to vector<16xf32>
            %mul3A_1379 = arith.mulf %get3A_1377, %mul3A_1378 : vector<16xf32>
            %swap3A_1380 = arith.index_cast %add3A_1318 : i32 to index
            %swap3A_1381 = arith.constant 96 : index
            %swap3A_1382 = tpu.vector_load %arg16[%swap3A_1380, %swap3A_1381] {strides = array<i32>} : memref<80x128xf32, #tpu.memory_space<vmem>>, vector<16xf32>,
            tpu.vector_store %arg16[%swap3A_1380, %swap3A_1381], %mul3A_1379 {strides = array<i32>} : memref<80x128xf32, #tpu.memory_space<vmem>>, vector<16xf32>,
            %get3A_1383 = arith.index_cast %add3A_1318 : i32 to index
            %get3A_1384 = arith.constant 112 : index
            %get3A_1385 = tpu.vector_load %arg16[%get3A_1383, %get3A_1384] {strides = array<i32>} : memref<80x128xf32, #tpu.memory_space<vmem>>, vector<16xf32>,
            %mul3A_1386 = vector.broadcast %squeeze3A_1374 : f32 to vector<16xf32>
            %mul3A_1387 = arith.mulf %get3A_1385, %mul3A_1386 : vector<16xf32>
            %swap3A_1388 = arith.index_cast %add3A_1318 : i32 to index
            %swap3A_1389 = arith.constant 112 : index
            %swap3A_1390 = tpu.vector_load %arg16[%swap3A_1388, %swap3A_1389] {strides = array<i32>} : memref<80x128xf32, #tpu.memory_space<vmem>>, vector<16xf32>,
            tpu.vector_store %arg16[%swap3A_1388, %swap3A_1389], %mul3A_1387 {strides = array<i32>} : memref<80x128xf32, #tpu.memory_space<vmem>>, vector<16xf32>,
          }
          %scan3A_142 = arith.constant 5 : i32
          %dma_start3A_143 = arith.constant 0 : i32
          %dma_start3A_144 = tpu.memref_slice %arg14[%add3A_134, %dma_start3A_143] : memref<5x80xi32, #tpu.memory_space<vmem>> -> memref<1x80xi32, #tpu.memory_space<vmem>>
          %dma_start3A_145 = tpu.memref_squeeze %dma_start3A_144 : memref<1x80xi32, #tpu.memory_space<vmem>> -> memref<80xi32, #tpu.memory_space<vmem>>
          %dma_start3A_146 = arith.constant 0 : i32
          %dma_start3A_147 = arith.constant 0 : i32
          %dma_start3A_148 = tpu.memref_slice %arg10[%dma_start3A_146, %dma_start3A_147] : memref<10000x128xf32, #tpu.memory_space<vmem_shared>> -> memref<10000x128xf32, #tpu.memory_space<vmem_shared>>
          tpu.enqueue_indirect_dma source(%arg16 : memref<80x128xf32, #tpu.memory_space<vmem>>) target(%dma_start3A_148 : memref<10000x128xf32, #tpu.memory_space<vmem_shared>>) offsets(%dma_start3A_145 : memref<80xi32, #tpu.memory_space<vmem>>) semaphore(%arg25 : memref<!tpu.dma_semaphore, #tpu.memory_space<semaphore_mem>>) {add = true}
        } else {
        }
      }
      %scan3A_68 = arith.constant 3 : i32
      %dma_wait3A_69 = arith.constant 0 : i32
      %dma_wait3A_70 = arith.constant 0 : i32
      %dma_wait3A_71 = tpu.memref_slice %arg10[%dma_wait3A_69, %dma_wait3A_70] : memref<10000x128xf32, #tpu.memory_space<vmem_shared>> -> memref<80x128xf32, #tpu.memory_space<vmem_shared>>
      %dma_wait3A_72 = arith.constant 0 : i32
      %dma_wait3A_73 = arith.constant 0 : i32
      %dma_wait3A_74 = tpu.memref_slice %arg10[%dma_wait3A_72, %dma_wait3A_73] : memref<10000x128xf32, #tpu.memory_space<vmem_shared>> -> memref<80x128xf32, #tpu.memory_space<vmem_shared>>
      tpu.wait_dma2 semaphore(%arg24 : memref<!tpu.dma_semaphore, #tpu.memory_space<semaphore_mem>>) src(%arg15 : memref<80x128xf32, #tpu.memory_space<vmem>>) dst(%dma_wait3A_74 : memref<80x128xf32, #tpu.memory_space<vmem_shared>>)
      scf.yield %scan3A_62#0, %scan3A_62#1, %scan3A_62#2, %scan3A_62#3 : vector<16xf32>, vector<16xf32>, vector<16xf32>, vector<16xf32>
    }
    %scan3A_10 = arith.constant 25 : i32
    %swap3A = arith.constant 0 : i32
    %swap3A_11 = arith.index_cast %swap3A : i32 to index
    %swap3A_12 = arith.constant 0 : index
    %swap3A_13 = tpu.vector_load %arg20[%swap3A_11, %swap3A_12] {strides = array<i32>} : memref<4x16xf32, #tpu.memory_space<vmem>>, vector<16xf32>,
    tpu.vector_store %arg20[%swap3A_11, %swap3A_12], %scan3A_9#0 {strides = array<i32>} : memref<4x16xf32, #tpu.memory_space<vmem>>, vector<16xf32>,
    %swap3A_14 = arith.constant 1 : i32
    %swap3A_15 = arith.index_cast %swap3A_14 : i32 to index
    %swap3A_16 = arith.constant 0 : index
    %swap3A_17 = tpu.vector_load %arg20[%swap3A_15, %swap3A_16] {strides = array<i32>} : memref<4x16xf32, #tpu.memory_space<vmem>>, vector<16xf32>,
    tpu.vector_store %arg20[%swap3A_15, %swap3A_16], %scan3A_9#1 {strides = array<i32>} : memref<4x16xf32, #tpu.memory_space<vmem>>, vector<16xf32>,
    %swap3A_18 = arith.constant 2 : i32
    %swap3A_19 = arith.index_cast %swap3A_18 : i32 to index
    %swap3A_20 = arith.constant 0 : index
    %swap3A_21 = tpu.vector_load %arg20[%swap3A_19, %swap3A_20] {strides = array<i32>} : memref<4x16xf32, #tpu.memory_space<vmem>>, vector<16xf32>,
    tpu.vector_store %arg20[%swap3A_19, %swap3A_20], %scan3A_9#2 {strides = array<i32>} : memref<4x16xf32, #tpu.memory_space<vmem>>, vector<16xf32>,
    %swap3A_22 = arith.constant 3 : i32
    %swap3A_23 = arith.index_cast %swap3A_22 : i32 to index
    %swap3A_24 = arith.constant 0 : index
    %swap3A_25 = tpu.vector_load %arg20[%swap3A_23, %swap3A_24] {strides = array<i32>} : memref<4x16xf32, #tpu.memory_space<vmem>>, vector<16xf32>,
    tpu.vector_store %arg20[%swap3A_23, %swap3A_24], %scan3A_9#3 {strides = array<i32>} : memref<4x16xf32, #tpu.memory_space<vmem>>, vector<16xf32>,
    "tpu.region"() ({
      %run_scoped3A = tpu.sem_alloc : memref<!tpu.dma_semaphore, #tpu.memory_space<semaphore_mem>>
      %dma_start3A = arith.constant 0 : i32
      %dma_start3A_29 = arith.constant 0 : i32
      %dma_start3A_30 = tpu.memref_slice %arg9[%add3A, %dma_start3A, %dma_start3A_29] : memref<32x4x16xf32, #tpu.memory_space<hbm>> -> memref<1x4x16xf32, #tpu.memory_space<hbm>>
      %dma_start3A_31 = tpu.memref_squeeze %dma_start3A_30 : memref<1x4x16xf32, #tpu.memory_space<hbm>> -> memref<4x16xf32, #tpu.memory_space<hbm>>
      %dma_start3A_32 = arith.constant 0 : i32
      %dma_start3A_33 = arith.constant 0 : i32
      %dma_start3A_34 = tpu.memref_slice %arg9[%add3A, %dma_start3A_32, %dma_start3A_33] : memref<32x4x16xf32, #tpu.memory_space<hbm>> -> memref<1x4x16xf32, #tpu.memory_space<hbm>>
      %dma_start3A_35 = tpu.memref_squeeze %dma_start3A_34 : memref<1x4x16xf32, #tpu.memory_space<hbm>> -> memref<4x16xf32, #tpu.memory_space<hbm>>
      tpu.enqueue_dma source(%arg20 : memref<4x16xf32, #tpu.memory_space<vmem>>) target(%dma_start3A_35 : memref<4x16xf32, #tpu.memory_space<hbm>>) target_semaphore(%run_scoped3A : memref<!tpu.dma_semaphore, #tpu.memory_space<semaphore_mem>>)
      %dma_wait3A = arith.constant 0 : i32
      %dma_wait3A_36 = arith.constant 0 : i32
      %dma_wait3A_37 = tpu.memref_slice %arg9[%add3A, %dma_wait3A, %dma_wait3A_36] : memref<32x4x16xf32, #tpu.memory_space<hbm>> -> memref<1x4x16xf32, #tpu.memory_space<hbm>>
      %dma_wait3A_38 = tpu.memref_squeeze %dma_wait3A_37 : memref<1x4x16xf32, #tpu.memory_space<hbm>> -> memref<4x16xf32, #tpu.memory_space<hbm>>
      %dma_wait3A_39 = arith.constant 0 : i32
      %dma_wait3A_40 = arith.constant 0 : i32
      %dma_wait3A_41 = tpu.memref_slice %arg9[%add3A, %dma_wait3A_39, %dma_wait3A_40] : memref<32x4x16xf32, #tpu.memory_space<hbm>> -> memref<1x4x16xf32, #tpu.memory_space<hbm>>
      %dma_wait3A_42 = tpu.memref_squeeze %dma_wait3A_41 : memref<1x4x16xf32, #tpu.memory_space<hbm>> -> memref<4x16xf32, #tpu.memory_space<hbm>>
      tpu.wait_dma2 semaphore(%run_scoped3A : memref<!tpu.dma_semaphore, #tpu.memory_space<semaphore_mem>>) src(%arg20 : memref<4x16xf32, #tpu.memory_space<vmem>>) dst(%dma_wait3A_42 : memref<4x16xf32, #tpu.memory_space<hbm>>)
      tpu.yield
    }) : () -> ()
    %barrier3A_26 = arith.constant 0 : index
    tpu.barrier barrier_id(%barrier3A_26)
    %mul3A_27 = arith.constant 625 : i32
    %mul3A_28 = arith.muli %arg1, %mul3A_27 : i32
    "tpu.region"() ({
      %run_scoped3A = tpu.sem_alloc : memref<!tpu.dma_semaphore, #tpu.memory_space<semaphore_mem>>
      %dma_start3A = arith.constant 0 : i32
      %dma_start3A_29 = arith.constant 0 : i32
      %dma_start3A_30 = tpu.memref_slice %arg8[%add3A, %dma_start3A, %dma_start3A_29] : memref<32x625x128xf32, #tpu.memory_space<hbm>> -> memref<1x625x128xf32, #tpu.memory_space<hbm>>
      %dma_start3A_31 = tpu.memref_squeeze %dma_start3A_30 : memref<1x625x128xf32, #tpu.memory_space<hbm>> -> memref<625x128xf32, #tpu.memory_space<hbm>>
      %dma_start3A_32 = arith.constant 0 : i32
      %dma_start3A_33 = tpu.memref_slice %arg10[%mul3A_28, %dma_start3A_32] : memref<10000x128xf32, #tpu.memory_space<vmem_shared>> -> memref<625x128xf32, #tpu.memory_space<vmem_shared>>
      tpu.enqueue_dma source(%dma_start3A_33 : memref<625x128xf32, #tpu.memory_space<vmem_shared>>) target(%dma_start3A_31 : memref<625x128xf32, #tpu.memory_space<hbm>>) target_semaphore(%run_scoped3A : memref<!tpu.dma_semaphore, #tpu.memory_space<semaphore_mem>>)
      %dma_wait3A = arith.constant 0 : i32
      %dma_wait3A_34 = arith.constant 0 : i32
      %dma_wait3A_35 = tpu.memref_slice %arg8[%add3A, %dma_wait3A, %dma_wait3A_34] : memref<32x625x128xf32, #tpu.memory_space<hbm>> -> memref<1x625x128xf32, #tpu.memory_space<hbm>>
      %dma_wait3A_36 = tpu.memref_squeeze %dma_wait3A_35 : memref<1x625x128xf32, #tpu.memory_space<hbm>> -> memref<625x128xf32, #tpu.memory_space<hbm>>
      %dma_wait3A_37 = arith.constant 0 : i32
      %dma_wait3A_38 = tpu.memref_slice %arg10[%mul3A_28, %dma_wait3A_37] : memref<10000x128xf32, #tpu.memory_space<vmem_shared>> -> memref<625x128xf32, #tpu.memory_space<vmem_shared>>
      tpu.wait_dma2 semaphore(%run_scoped3A : memref<!tpu.dma_semaphore, #tpu.memory_space<semaphore_mem>>) src(%dma_wait3A_38 : memref<625x128xf32, #tpu.memory_space<vmem_shared>>) dst(%dma_wait3A_36 : memref<625x128xf32, #tpu.memory_space<hbm>>)
      tpu.yield
    }) : () -> ()
    return
  }
}

module attributes {stable_mosaic.version = 14 : i64} {
  func.func @_proj_body(%arg0: i32, %arg1: i32, %arg2: memref<2000x128xf32, #tpu.memory_space<vmem>>, %arg3: memref<1x128x128xf32, #tpu.memory_space<vmem>>, %arg4: memref<128x8xf32, #tpu.memory_space<vmem>>, %arg5: memref<2000x128xf32, #tpu.memory_space<vmem>>, %arg6: memref<2000x8xf32, #tpu.memory_space<vmem>>) attributes {dimension_semantics = [#tpu.dimension_semantics<arbitrary>, #tpu.dimension_semantics<arbitrary>], iteration_bounds = array<i64: 5, 8>, scalar_prefetch = 0 : i64, scratch_operands = 0 : i64, tpu.core_type = #tpu.core_type<tc>, window_params = [{transform_indices = @transform_0, window_bounds = array<i64: 2000, 128>}, {transform_indices = @transform_1, window_bounds = array<i64: 1, 128, 128>}, {pipeline_mode = #tpu.pipeline_mode<synchronous>, transform_indices = @transform_2, window_bounds = array<i64: 128, 8>}, {transform_indices = @transform_3, window_bounds = array<i64: 2000, 128>}, {transform_indices = @transform_4, window_bounds = array<i64: 2000, 8>}]} {
    %get3A = arith.constant 0 : index
    %get3A_0 = arith.constant 0 : index
    %get3A_1 = vector.load %arg2[%get3A, %get3A_0] : memref<2000x128xf32, #tpu.memory_space<vmem>>, vector<2000x128xf32>
    %get3A_2 = arith.constant 0 : index
    %get3A_3 = arith.constant 0 : index
    %get3A_4 = arith.constant 0 : index
    %get3A_5 = vector.load %arg3[%get3A_2, %get3A_3, %get3A_4] : memref<1x128x128xf32, #tpu.memory_space<vmem>>, vector<1x128x128xf32>
    %get3A_6 = vector.shape_cast %get3A_5 : vector<1x128x128xf32> to vector<128x128xf32>
    %dot_general3A = arith.constant dense<0.000000e+00> : vector<2000x128xf32>
    %dot_general3A_7 = tpu.matmul %get3A_1, %get3A_6, %dot_general3A {dimension_numbers = #tpu.dot_dimension_numbers<[1], [0], [0], [1], [0, 0, 1, 1], [], []>, transpose_lhs_hint = false} : vector<2000x128xf32>, vector<128x128xf32>, vector<2000x128xf32> -> vector<2000x128xf32>
    %swap3A = arith.constant 0 : index
    %swap3A_8 = arith.constant 0 : index
    %swap3A_9 = vector.load %arg5[%swap3A, %swap3A_8] : memref<2000x128xf32, #tpu.memory_space<vmem>>, vector<2000x128xf32>
    tpu.vector_store %arg5[%swap3A, %swap3A_8], %dot_general3A_7 {strides = array<i32>} : memref<2000x128xf32, #tpu.memory_space<vmem>>, vector<2000x128xf32>,
    %get3A_10 = arith.constant 0 : index
    %get3A_11 = arith.constant 0 : index
    %get3A_12 = vector.load %arg4[%get3A_10, %get3A_11] : memref<128x8xf32, #tpu.memory_space<vmem>>, vector<128x8xf32>
    %dot_general3A_13 = arith.constant dense<0.000000e+00> : vector<2000x8xf32>
    %dot_general3A_14 = tpu.matmul %dot_general3A_7, %get3A_12, %dot_general3A_13 {dimension_numbers = #tpu.dot_dimension_numbers<[1], [0], [0], [1], [0, 0, 1, 1], [], []>, transpose_lhs_hint = false} : vector<2000x128xf32>, vector<128x8xf32>, vector<2000x8xf32> -> vector<2000x8xf32>
    %swap3A_15 = arith.constant 0 : index
    %swap3A_16 = arith.constant 0 : index
    %swap3A_17 = vector.load %arg6[%swap3A_15, %swap3A_16] : memref<2000x8xf32, #tpu.memory_space<vmem>>, vector<2000x8xf32>
    tpu.vector_store %arg6[%swap3A_15, %swap3A_16], %dot_general3A_14 {strides = array<i32>} : memref<2000x8xf32, #tpu.memory_space<vmem>>, vector<2000x8xf32>,
    return
  }
  func.func @transform_0(%arg0: i32, %arg1: i32) -> (i32, i32) {
    %c0_i32 = arith.constant 0 : i32
    %c0_i32_0 = arith.constant 0 : i32
    return %arg0, %c0_i32 : i32, i32
  }
  func.func @transform_1(%arg0: i32, %arg1: i32) -> (i32, i32, i32) {
    %c0_i32 = arith.constant 0 : i32
    %c0_i32_0 = arith.constant 0 : i32
    %c0_i32_1 = arith.constant 0 : i32
    return %arg1, %c0_i32, %c0_i32_0 : i32, i32, i32
  }
  func.func @transform_2(%arg0: i32, %arg1: i32) -> (i32, i32) {
    %c0_i32 = arith.constant 0 : i32
    %c0_i32_0 = arith.constant 0 : i32
    %c0_i32_1 = arith.constant 0 : i32
    return %c0_i32, %c0_i32_0 : i32, i32
  }
  func.func @transform_3(%arg0: i32, %arg1: i32) -> (i32, i32) {
    %mul3A = arith.constant 5 : i32
    %mul3A_0 = arith.muli %arg1, %mul3A : i32
    %add3A = arith.addi %mul3A_0, %arg0 : i32
    %c0_i32 = arith.constant 0 : i32
    %c0_i32_1 = arith.constant 0 : i32
    return %add3A, %c0_i32 : i32, i32
  }
  func.func @transform_4(%arg0: i32, %arg1: i32) -> (i32, i32) {
    %mul3A = arith.constant 5 : i32
    %mul3A_0 = arith.muli %arg1, %mul3A : i32
    %add3A = arith.addi %mul3A_0, %arg0 : i32
    %c0_i32 = arith.constant 0 : i32
    %c0_i32_1 = arith.constant 0 : i32
    return %add3A, %c0_i32 : i32, i32
  }
}

module attributes {stable_mosaic.version = 14 : i64} {
  func.func @_combine_body(%arg0: i32, %arg1: memref<1x625x128xf32, #tpu.memory_space<vmem>>, %arg2: memref<1x625x128xf32, #tpu.memory_space<vmem>>, %arg3: memref<32x4x16xf32, #tpu.memory_space<vmem>>, %arg4: memref<1x625x128xf32, #tpu.memory_space<vmem>>) attributes {dimension_semantics = [#tpu.dimension_semantics<arbitrary>], iteration_bounds = array<i64: 16>, scalar_prefetch = 0 : i64, scratch_operands = 0 : i64, tpu.core_type = #tpu.core_type<tc>, window_params = [{transform_indices = @transform_0, window_bounds = array<i64: 1, 625, 128>}, {transform_indices = @transform_1, window_bounds = array<i64: 1, 625, 128>}, {pipeline_mode = #tpu.pipeline_mode<synchronous>, transform_indices = @transform_2, window_bounds = array<i64: 32, 4, 16>}, {transform_indices = @transform_3, window_bounds = array<i64: 1, 625, 128>}]} {
    %get3A = arith.constant 0 : index
    %get3A_0 = arith.constant 0 : index
    %get3A_1 = arith.constant 0 : index
    %get3A_2 = vector.load %arg3[%get3A, %get3A_0, %get3A_1] : memref<32x4x16xf32, #tpu.memory_space<vmem>>, vector<32x4x16xf32>
    %reduce_sum3A = arith.constant dense<0.000000e+00> : vector<4xf32>
    %reduce_sum3A_3 = vector.multi_reduction <add>, %get3A_2, %reduce_sum3A [0, 2] : vector<32x4x16xf32> to vector<4xf32>
    %iota3A = tpu.iota {dimensions = array<i32: 1>} : vector<1x128xi32>
    %jit3A = arith.constant 32 : i32
    %div3A = vector.broadcast %jit3A : i32 to vector<1x128xi32>
    %div3A_4 = arith.divsi %iota3A, %div3A : vector<1x128xi32>
    %sign3A = arith.constant 0 : i32
    %sign3A_5 = vector.broadcast %sign3A : i32 to vector<1x128xi32>
    %sign3A_6 = arith.cmpi sgt, %iota3A, %sign3A_5 : vector<1x128xi32>
    %sign3A_7 = arith.extui %sign3A_6 : vector<1x128xi1> to vector<1x128xi32>
    %sign3A_8 = arith.constant 0 : i32
    %sign3A_9 = vector.broadcast %sign3A_8 : i32 to vector<1x128xi32>
    %sign3A_10 = arith.cmpi slt, %iota3A, %sign3A_9 : vector<1x128xi32>
    %sign3A_11 = arith.extui %sign3A_10 : vector<1x128xi1> to vector<1x128xi32>
    %sign3A_12 = arith.subi %sign3A_7, %sign3A_11 : vector<1x128xi32>
    %sign3A_13 = arith.constant 0 : i32
    %sign3A_14 = arith.cmpi sgt, %jit3A, %sign3A_13 : i32
    %sign3A_15 = arith.extui %sign3A_14 : i1 to i32
    %sign3A_16 = arith.constant 0 : i32
    %sign3A_17 = arith.cmpi slt, %jit3A, %sign3A_16 : i32
    %sign3A_18 = arith.extui %sign3A_17 : i1 to i32
    %sign3A_19 = arith.subi %sign3A_15, %sign3A_18 : i32
    %ne3A = vector.broadcast %sign3A_19 : i32 to vector<1x128xi32>
    %ne3A_20 = arith.cmpi ne, %sign3A_12, %ne3A : vector<1x128xi32>
    %rem3A = vector.broadcast %jit3A : i32 to vector<1x128xi32>
    %rem3A_21 = arith.remsi %iota3A, %rem3A : vector<1x128xi32>
    %ne3A_22 = arith.constant 0 : i32
    %ne3A_23 = vector.broadcast %ne3A_22 : i32 to vector<1x128xi32>
    %ne3A_24 = arith.cmpi ne, %rem3A_21, %ne3A_23 : vector<1x128xi32>
    %and3A = arith.andi %ne3A_20, %ne3A_24 : vector<1x128xi1>
    %sub3A = arith.constant 1 : i32
    %sub3A_25 = vector.broadcast %sub3A : i32 to vector<1x128xi32>
    %sub3A_26 = arith.subi %div3A_4, %sub3A_25 : vector<1x128xi32>
    %select_n3A = arith.select %and3A, %sub3A_26, %div3A_4 : vector<1x128xi1>, vector<1x128xi32>
    %broadcast_in_dim3A = arith.constant 1.000000e+00 : f32
    %broadcast_in_dim3A_27 = vector.broadcast %broadcast_in_dim3A : f32 to vector<1x128xf32>
    %eq3A = arith.constant 0 : i32
    %eq3A_28 = vector.broadcast %eq3A : i32 to vector<1x128xi32>
    %eq3A_29 = arith.cmpi eq, %select_n3A, %eq3A_28 : vector<1x128xi32>
    %slice3A = vector.extract_strided_slice %reduce_sum3A_3 {offsets = [0], sizes = [1], strides = [1]} : vector<4xf32> to vector<1xf32>
    %squeeze3A = vector.extract %slice3A[0] : f32 from vector<1xf32>
    %broadcast_in_dim3A_30 = vector.broadcast %squeeze3A : f32 to vector<1x128xf32>
    %select_n3A_31 = arith.select %eq3A_29, %broadcast_in_dim3A_30, %broadcast_in_dim3A_27 : vector<1x128xi1>, vector<1x128xf32>
    %eq3A_32 = arith.constant 1 : i32
    %eq3A_33 = vector.broadcast %eq3A_32 : i32 to vector<1x128xi32>
    %eq3A_34 = arith.cmpi eq, %select_n3A, %eq3A_33 : vector<1x128xi32>
    %slice3A_35 = vector.extract_strided_slice %reduce_sum3A_3 {offsets = [1], sizes = [1], strides = [1]} : vector<4xf32> to vector<1xf32>
    %squeeze3A_36 = vector.extract %slice3A_35[0] : f32 from vector<1xf32>
    %broadcast_in_dim3A_37 = vector.broadcast %squeeze3A_36 : f32 to vector<1x128xf32>
    %select_n3A_38 = arith.select %eq3A_34, %broadcast_in_dim3A_37, %select_n3A_31 : vector<1x128xi1>, vector<1x128xf32>
    %eq3A_39 = arith.constant 2 : i32
    %eq3A_40 = vector.broadcast %eq3A_39 : i32 to vector<1x128xi32>
    %eq3A_41 = arith.cmpi eq, %select_n3A, %eq3A_40 : vector<1x128xi32>
    %slice3A_42 = vector.extract_strided_slice %reduce_sum3A_3 {offsets = [2], sizes = [1], strides = [1]} : vector<4xf32> to vector<1xf32>
    %squeeze3A_43 = vector.extract %slice3A_42[0] : f32 from vector<1xf32>
    %broadcast_in_dim3A_44 = vector.broadcast %squeeze3A_43 : f32 to vector<1x128xf32>
    %select_n3A_45 = arith.select %eq3A_41, %broadcast_in_dim3A_44, %select_n3A_38 : vector<1x128xi1>, vector<1x128xf32>
    %eq3A_46 = arith.constant 3 : i32
    %eq3A_47 = vector.broadcast %eq3A_46 : i32 to vector<1x128xi32>
    %eq3A_48 = arith.cmpi eq, %select_n3A, %eq3A_47 : vector<1x128xi32>
    %slice3A_49 = vector.extract_strided_slice %reduce_sum3A_3 {offsets = [3], sizes = [1], strides = [1]} : vector<4xf32> to vector<1xf32>
    %squeeze3A_50 = vector.extract %slice3A_49[0] : f32 from vector<1xf32>
    %broadcast_in_dim3A_51 = vector.broadcast %squeeze3A_50 : f32 to vector<1x128xf32>
    %select_n3A_52 = arith.select %eq3A_48, %broadcast_in_dim3A_51, %select_n3A_45 : vector<1x128xi1>, vector<1x128xf32>
    %get3A_53 = arith.constant 0 : index
    %get3A_54 = arith.constant 0 : index
    %get3A_55 = arith.constant 0 : index
    %get3A_56 = vector.load %arg1[%get3A_53, %get3A_54, %get3A_55] : memref<1x625x128xf32, #tpu.memory_space<vmem>>, vector<1x625x128xf32>
    %get3A_57 = vector.shape_cast %get3A_56 : vector<1x625x128xf32> to vector<625x128xf32>
    %get3A_58 = arith.constant 0 : index
    %get3A_59 = arith.constant 0 : index
    %get3A_60 = arith.constant 0 : index
    %get3A_61 = vector.load %arg2[%get3A_58, %get3A_59, %get3A_60] : memref<1x625x128xf32, #tpu.memory_space<vmem>>, vector<1x625x128xf32>
    %get3A_62 = vector.shape_cast %get3A_61 : vector<1x625x128xf32> to vector<625x128xf32>
    %add3A = arith.addf %get3A_57, %get3A_62 : vector<625x128xf32>
    %div3A_63 = arith.constant 1.000000e+00 : f32
    %div3A_64 = vector.broadcast %div3A_63 : f32 to vector<1x128xf32>
    %div3A_65 = arith.divf %div3A_64, %select_n3A_52 : vector<1x128xf32>
    %mul3A = vector.broadcast %div3A_65 : vector<1x128xf32> to vector<625x128xf32>
    %mul3A_66 = arith.mulf %add3A, %mul3A : vector<625x128xf32>
    %swap3A = arith.constant 0 : index
    %swap3A_67 = arith.constant 0 : index
    %swap3A_68 = arith.constant 0 : index
    %swap3A_69 = vector.load %arg4[%swap3A, %swap3A_67, %swap3A_68] : memref<1x625x128xf32, #tpu.memory_space<vmem>>, vector<1x625x128xf32>
    %swap3A_70 = vector.shape_cast %swap3A_69 : vector<1x625x128xf32> to vector<625x128xf32>
    %swap3A_71 = vector.shape_cast %mul3A_66 : vector<625x128xf32> to vector<1x625x128xf32>
    tpu.vector_store %arg4[%swap3A, %swap3A_67, %swap3A_68], %swap3A_71 {strides = array<i32>} : memref<1x625x128xf32, #tpu.memory_space<vmem>>, vector<1x625x128xf32>,
    return
  }
  func.func @transform_0(%arg0: i32) -> (i32, i32, i32) {
    %c0_i32 = arith.constant 0 : i32
    %c0_i32_0 = arith.constant 0 : i32
    %c0_i32_1 = arith.constant 0 : i32
    return %arg0, %c0_i32, %c0_i32_0 : i32, i32, i32
  }
  func.func @transform_1(%arg0: i32) -> (i32, i32, i32) {
    %add3A = arith.constant 16 : i32
    %add3A_0 = arith.addi %arg0, %add3A : i32
    %c0_i32 = arith.constant 0 : i32
    %c0_i32_1 = arith.constant 0 : i32
    %c0_i32_2 = arith.constant 0 : i32
    return %add3A_0, %c0_i32, %c0_i32_1 : i32, i32, i32
  }
  func.func @transform_2(%arg0: i32) -> (i32, i32, i32) {
    %c0_i32 = arith.constant 0 : i32
    %c0_i32_0 = arith.constant 0 : i32
    %c0_i32_1 = arith.constant 0 : i32
    %c0_i32_2 = arith.constant 0 : i32
    return %c0_i32, %c0_i32_0, %c0_i32_1 : i32, i32, i32
  }
  func.func @transform_3(%arg0: i32) -> (i32, i32, i32) {
    %c0_i32 = arith.constant 0 : i32
    %c0_i32_0 = arith.constant 0 : i32
    %c0_i32_1 = arith.constant 0 : i32
    return %arg0, %c0_i32, %c0_i32_0 : i32, i32, i32
  }
}

</mosaic_0001>

<sc_bundles>
// kernel: kernel.5.cloned.1.call-start
scs
__scs_entry_jumppad:
0x0: {  	(pc) =	sbr.rel $0x88, $3  }
0x1: {  	(tag) =	ssettag $0x0;
	lr =	simm.s32 $0x1  }
0x2: {  	[smem:$0x3F9B] =	sst lr;
	_ =	strace $0xD0000000  }
0x3: {  	_ = 	snop  }
0x4: {  	_ = 	snop  }
0x5: {  	_ = 	snop  }
0x6: {  	_ = 	snop  }
0x7: {  	_ = 	snop  }
__scs_overlays_trampoline_lowered:
0x8: {  	[smem:$0x3FAA] =	sst s0  }
0x9: {  	[smem:$0x3FAB] =	sst s1  }
0xa: {  	[smem:$0x3FAC] =	sst s2  }
0xb: {  	[smem:$0x3FAD] =	sst s3  }
0xc: {  	[smem:$0x3FAE] =	sst s4  }
0xd: {  	[smem:$0x3FAF] =	sst s5  }
0xe: {  	[smem:$0x3FB0] =	sst s6  }
0xf: {  	[smem:$0x3FB1] =	sst s7  }
0x10: {  	[smem:$0x3FB2] =	sst s8  }
0x11: {  	[smem:$0x3FB3] =	sst s9;
	s0 =	simm.s32 @!p0 $0x0  }
0x12: {  	s1 =	sld [smem:$0x3F99];
	s0 =	simm.s32 @p0 $0x1  }
0x13: {  	[smem:$0x3FB4] =	sst s0;
	s0 =	simm.s32 @!p1 $0x0  }
0x14: {  	s2 =	sld [smem:$0x3F98];
	s0 =	simm.s32 @p1 $0x1  }
0x15: {  	[smem:$0x3FB5] =	sst s0;
	s0 =	simm.s32 @!p2 $0x0  }
0x16: {  	s3 =	sld [smem:$0x3FDB];
	s0 =	simm.s32 @p2 $0x1  }
0x17: {  	s4 =	simm.s32 $0x1BF5;
	[smem:$0x3FB7] =	sst s0  }
0x18: {  	s0 =	sld [smem:$0x3F9A];
	_ =	swait.ge [sflag:s4], $0x0  }
0x19: {  	s7 =	sld [smem:$0x3F9B]  }
0x1a: {  	s8 =	sadd.s32 $0xFFFFE003, lr  }
0x1b: {  	s9 =	sadd.s32 $0xFFFFFEF7, lr;
	s5 =	simm.s32 $0xFFFFFFFF;
	p2 =	slt.u32 s8, $0xFFFFF086  }
0x1c: {  	p1 =	slt.u32 s9, $0xF7A;
	s5 =	simm.s32 @!p2 $0x0  }
0x1d: {  	s5 =	simm.s32 @p1 $0x1;
	p0 =	seq.s32 s7, s2  }
0x1e: {  	s7 =	smul.u32 @!p0 $0xF7A, s2;
	p2 =	seq.s32 @!p0 s5, $0x0  }
0x1f: {  	s9 =	smul.u32 $0xF7A, s1;
	s8 =	simm.s32 @!p0 $0x1BF5;
	p2 =	por !p2, p0  }
0x20: {  	[sflag:s8] =	ssyncset.s32 @!p0 $0xFFFFF086;
	s6 =	sadd.s32 @!p0 s3, s7;
	s7 =	simm.s32 @!p0 $0x108  }
0x21: {  	s3 =	sadd.s32 s3, s9;
	s6 =	sadd.s32 @!p0 $0x88, s6;
	s7 =	simm.s32 @p2 $0x1082  }
0x22: {  	[simem:s7], [sflag:s8] =	dma.local @!p0 [hbm:s6], $0xF7A  }
0x23: {  	s9 =	sor.u32 $0xD0000000, s2;
	s6 =	simm.s32 $0x108;
	_ =	swait.ge @!p0 [sflag:s8], $0x0  }
0x24: {  	s3 =	sadd.s32 $0x88, s3;
	s6 =	simm.s32 @!p1 $0x1082;
	[sflag:s4] =	ssyncset.s32 $0xFFFFF086  }
0x25: {  	[simem:s6], [sflag:s4] =	dma.local [hbm:s3], $0xF7A  }
0x26: {  	[smem:$0x3F9B] =	sst s1;
	(tag) =	ssettag s2;
	_ =	strace s9  }
0x27: {  	s1 =	sld [smem:$0x3FAB]  }
0x28: {  	s2 =	sld [smem:$0x3FAC]  }
0x29: {  	s4 =	sld [smem:$0x3FAE]  }
0x2a: {  	p0 =	seq.s32 s5, $0x0;
	s5 =	sld [smem:$0x3FAF]  }
0x2b: {  	s6 =	sld [smem:$0x3FB0]  }
0x2c: {  	s7 =	sld [smem:$0x3FB1]  }
0x2d: {  	s3 =	simm.s32 $0x108;
	s8 =	sld [smem:$0x3FB2]  }
0x2e: {  	s3 =	simm.s32 @!p0 $0x1082;
	s9 =	sld [smem:$0x3FB3]  }
0x2f: {  	lr =	sadd.s32 s0, s3;
	s0 =	sld [smem:$0x3FAA]  }
0x30: {  	s3 =	sld [smem:$0x3FAD]  }
0x31: {  	[smem:$0x3FB6] =	sst s10  }
0x32: {  	s10 =	sld [smem:$0x3FB4];
	_ =	sdelay $0x3  }
0x33: {  	p0 =	seq.s32 s10, $0x1;
	s10 =	sld [smem:$0x3FB6];
	_ =	sdelay $0x3  }
0x34: {  	[smem:$0x3FB6] =	sst s10  }
0x35: {  	s10 =	sld [smem:$0x3FB5];
	_ =	sdelay $0x3  }
0x36: {  	p1 =	seq.s32 s10, $0x1;
	s10 =	sld [smem:$0x3FB6];
	_ =	sdelay $0x3  }
0x37: {  	[smem:$0x3FB6] =	sst s10  }
0x38: {  	s10 =	sld [smem:$0x3FB7]  }
0x39: {  	_ = 	snop;
	(pc) =	sbr.ind lr, $3  }
0x3a: {  	_ = 	snop  }
0x3b: {  	_ = 	snop  }
0x3c: {  	p2 =	seq.s32 s10, $0x1;
	s10 =	sld [smem:$0x3FB6]  }
0x3d: {  	_ =	shalt  }
0x3e: {  	_ =	shalt  }
0x3f: {  	_ =	shalt  }
0x40: {  	_ =	shalt  }
0x41: {  	_ =	shalt  }
0x42: {  	_ =	shalt  }
0x43: {  	_ =	shalt  }
0x44: {  	_ =	shalt  }
0x45: {  	_ =	shalt  }
0x46: {  	_ =	shalt  }
0x47: {  	_ =	shalt  }
0x48: {  	_ =	shalt  }
0x49: {  	_ =	shalt  }
0x4a: {  	_ =	shalt  }
0x4b: {  	_ =	shalt  }
0x4c: {  	_ =	shalt  }
0x4d: {  	_ =	shalt  }
0x4e: {  	_ =	shalt  }
0x4f: {  	_ =	shalt  }
0x50: {  	_ =	shalt  }
0x51: {  	_ =	shalt  }
0x52: {  	_ =	shalt  }
0x53: {  	_ =	shalt  }
0x54: {  	_ =	shalt  }
0x55: {  	_ =	shalt  }
0x56: {  	_ =	shalt  }
0x57: {  	_ =	shalt  }
0x58: {  	_ =	shalt  }
0x59: {  	_ =	shalt  }
0x5a: {  	_ =	shalt  }
0x5b: {  	_ =	shalt  }
0x5c: {  	_ =	shalt  }
0x5d: {  	_ =	shalt  }
0x5e: {  	_ =	shalt  }
0x5f: {  	_ =	shalt  }
0x60: {  	_ =	shalt  }
0x61: {  	_ =	shalt  }
0x62: {  	_ =	shalt  }
0x63: {  	_ =	shalt  }
0x64: {  	_ =	shalt  }
0x65: {  	_ =	shalt  }
0x66: {  	_ =	shalt  }
0x67: {  	_ =	shalt  }
0x68: {  	_ =	shalt  }
0x69: {  	_ =	shalt  }
0x6a: {  	_ =	shalt  }
0x6b: {  	_ =	shalt  }
0x6c: {  	_ =	shalt  }
0x6d: {  	_ =	shalt  }
0x6e: {  	_ =	shalt  }
0x6f: {  	_ =	shalt  }
0x70: {  	_ =	shalt  }
0x71: {  	_ =	shalt  }
0x72: {  	_ =	shalt  }
0x73: {  	_ =	shalt  }
0x74: {  	_ =	shalt  }
0x75: {  	_ =	shalt  }
0x76: {  	_ =	shalt  }
0x77: {  	_ =	shalt  }
0x78: {  	_ =	shalt  }
0x79: {  	_ =	shalt  }
0x7a: {  	_ =	shalt  }
0x7b: {  	_ =	shalt  }
0x7c: {  	_ =	shalt  }
0x7d: {  	_ =	shalt  }
0x7e: {  	_ =	shalt  }
0x7f: {  	_ =	shalt  }
0x80: {  	_ =	shalt  }
0x81: {  	_ =	shalt  }
0x82: {  	_ =	shalt  }
0x83: {  	_ =	shalt  }
0x84: {  	_ =	shalt  }
0x85: {  	_ =	shalt  }
0x86: {  	_ =	shalt  }
0x87: {  	_ =	shalt  }
.Lfunc_end0:
.L_simem_size_0:
called_computation_lowered:
.L_overlay_start_0:
0x88: {  	s2 =	sld [smem:$0x3FD9]  }
0x89: {  	s3 =	sld [smem:$0x3FFE];
	_ =	sdelay $0x1  }
0x8a: {  	s1 =	srdreg.scid  }
0x8b: {  	s0 =	sand.u32 $0x1, s1  }
0x8c: {  	s17 =	sshll.u32 s0, $0xA;
	s2 =	sadd.s32 s3, s2  }
0x8d: {  	s2 =	sadd.s32 s2, s17  }
0x8e: {  	[smem:$0x3FC2] =	sst s2  }
0x8f: {  	_ = 	snop  }
0x90: {  	s2 =	sld [smem:$0x3FC7]  }
0x91: {  	s18 =	sld [smem:$0x3FD0];
	(tm) =	ssettm $0x1  }
0x92: {  	s4 =	sld [smem:$0x3FFB];
	_ =	sdelay $0x3  }
0x93: {  	_ =	strace s4  }
0x94: {  	s4 =	sld [smem:$0x3FFC];
	_ =	sdelay $0x3  }
0x95: {  	_ =	strace s4  }
0x96: {  	s4 =	sld [smem:$0x3FFD];
	_ =	sdelay $0x3  }
0x97: {  	_ =	strace s4  }
0x98: {  	_ =	strace $0x8FFFFFFF  }
0x99: {  	s19 =	sld [smem:$0x3FDB];
	_ =	sdelay $0x1  }
0x9a: {  	s5 =	simm.s32 $_scs_section_size  }
0x9b: {  	s6 =	simm.s32 $_size__tile_overlayer_lowered;
	s7 =	simm.s32 $_tile_overlayer_lowered  }
0x9c: {  	s22 =	simm.s32 $0x1BFF;
	s21 =	sshll.u32 s7, $0x1;
	s4 =	sadd.s32 s5, s19  }
0x9d: {  	s8 =	simm.s32 $0x0;
	s20 =	sshll.u32 s6, $0x1;
	s6 =	sadd.s32 s21, s4  }
0x9e: {  	[timem:s8], [sflag:s22] =	dma.local [hbm:s6], s20  }
0x9f: {  	_ =	swait.ge [sflag:s22], s20  }
0xa0: {  	s5 =	ssub.s32 $0x0, s20;
	[sflag:s22] =	ssyncset.done $0x0  }
0xa1: {  	[sflag:s22] =	ssyncadd.s32 s5;
	_ =	sdelay $0x1  }
0xa2: {  	s23 =	simm.s32 $0x1B8B  }
0xa3: {  	_ =	swait.ge [sflag:s23], $0x1  }
0xa4: {  	[sflag:s23] =	ssyncset.done $0x0  }
0xa5: {  	s25 =	simm.s32 $0x1B8E;
	s24 =	sld [smem:$0x3FFE];
	[sflag:s23] =	ssyncadd.s32 $0xFFFFFFFF  }
0xa6: {  	s26 =	simm.s32 $execute0_lowered;
	[smem:$0x3FD2] =	sst s25  }
0xa7: {  	s6 =	sshll.u32 s26, $0x1;
	_ =	strace $0x80000046;
	[dreg:$0x1] =	wrdreg $0xFFFFFFFF  }
0xa8: {  	s28 =	simm.s32 $_size_execute0_lowered;
	s4 =	sadd.s32 s4, s6;
	[dreg:$0x0] =	wrdreg $0x0  }
0xa9: {  	s6 =	sshll.u32 s28, $0x1;
	[dreg:$0x2] =	wrdreg s4  }
0xaa: {  	[dreg:$0x3] =	wrdreg s6  }
0xab: {  	[dreg:$0x4] =	wrdreg $0xC0  }
0xac: {  	_ =	task [dreg:s8], $0x5FFFF  }
0xad: {  	[dreg:$0x1] =	wrdreg $0xFFFFFFFF  }
0xae: {  	[dreg:$0x0] =	wrdreg $0x60  }
0xaf: {  	[dreg:$0x2] =	wrdreg s24  }
0xb0: {  	[dreg:$0x3] =	wrdreg s18  }
0xb1: {  	[dreg:$0x4] =	wrdreg s2  }
0xb2: {  	[dreg:$0x5] =	wrdreg $0x0  }
0xb3: {  	[dreg:$0x6] =	wrdreg $0x9  }
0xb4: {  	_ =	task.clear_ibuf [dreg:s8], $0x7FFFF;
	_ =	strace $0x90000046  }
0xb5: {  	s29 =	simm.s32 $0x9;
	_ =	strace $0x80000048  }
0xb6: {  	_ =	swait.ge [sflag:s29], $0x1  }
0xb7: {  	[sflag:s29] =	ssyncadd.s32 $0xFFFFFFFF  }
0xb8: {  	_ =	strace $0x90000048  }
0xb9: {  	_ =	sfence  }
0xba: {  	s30 =	sld [smem:$0x0];
	_ =	sdelay $0x2  }
0xbb: {  	s31 =	sshll.u32 s1, $0xD;
	s1 =	sshrl.u32 s1, $0x2  }
0xbc: {  	s3 =	sand.u32 $0x4000, s31;
	s1 =	sadd.s32 s1, s30  }
0xbd: {  	s0 =	sor.u32 s3, s0;
	s1 =	sshll.u32 s1, $0x11  }
0xbe: {  	s0 =	sor.u32 s1, s0  }
0xbf: {  	s0 =	sadd.s32 $0x8F2B, s0  }
0xc0: {  	[sflag:s0] =	ssyncadd.remote.s32 $0x1  }
0xc1: {  	_ =	sfence.sel $0xFFFF  }
0xc2: {  	[dreg:$0x0] =	wrdreg $0xFFFFFFFF;
	(pc) =	sbr.abs _section_cstart, $3  }
0xc3: {  	[dreg:$0x1] =	wrdreg $0xFFFFFFFF  }
0xc4: {  	_ =	task.clear_ibuf [dreg:s8], $0x2FFFF;
	_ =	strace $0x9FFFFFFF  }
0xc5: {  	(tm) =	ssettm $0x7FFFFFFF  }
tec
execute0_lowered:
.L_overlay_start_1:
0x0: {  	(tag) =	ssettag $0x1  }
0x1: {  	s0 =	rddreg [dreg:$0x0]  }
0x2: {  	s1 =	rddreg [dreg:$0x1]  }
0x3: {  	s3 =	rddreg [dreg:$0x3]  }
0x4: {  	s2 =	srdreg.scid;
	s4 =	simm.s32 $0x0;
	s11 =	stileid.u32  }
0x5: {  	s16 =	simm.s32 $0x6;
	s18 =	simm.s32 $0x13A10;
	s19 =	simm.s32 $0x13BA0  }
0x6: {  	s20 =	simm.s32 $0x50;
	s21 =	simm.s32 $0x18EC0;
	s12 =	simm.s32 $0x13B50  }
0x7: {  	s13 =	simm.s32 $0x198C0;
	s14 =	simm.s32 $0x13CE0;
	s15 =	simm.s32 $0x13EC0  }
0x8: {  	s17 =	simm.s32 $0x166C0;
	s28 =	simm.s32 $0x0;
	s2 =	sand.u32 $0x1, s2  }
0x9: {  	[smem:$0x7FF] =	sst s4;
	s6 =	sadd.s32 $0x139400, s0;
	s7 =	sadd.s32 $0xAA00, s0  }
0xa: {  	s9 =	sadd.s32 $0xC00, s0;
	s5 =	sadd.s32 $0x14800, s0;
	s23 =	smul.u32 $0x4E200, s11  }
0xb: {  	s29 =	sshll.u32 s11, $0x6;
	s22 =	sshll.u32 s2, $0x4;
	_ =	strace $0x80000047  }
0xc: {  	[dreg:$0x5] =	wrdreg s5;
	s2 =	ssub.s32 $0x2, s2;
	s26 =	sor.u32 $0x1C06, s29  }
0xd: {  	s4 =	sor.u32 s11, s22;
	s24 =	sshrl.u32 s2, $0x1;
	s5 =	sshrl.u32 s23, $0x2  }
0xe: {  	s22 =	simm.s32 $0x19B40;
	s11 =	simm.s32 $0x1A540;
	s23 =	simm.s32 $0x2  }
0xf: {  	[dreg:$0x6] =	wrdreg s26;
	s8 =	smul.u32 $0x2710, s4;
	s4 =	sshll.u32 s4, $0x3  }
0x10: {  	s2 =	ssub.s32 s2, s24;
	s25 =	sadd.s32 s5, s3;
	s5 =	simm.s32 $0x13C90  }
.Ltmp0:
0x11: {  	s31 =	smax.u32 s2, $0x1;
	s10 =	sadd.s32 s8, s0;
	(pc) =	sbr.rel .LBB2_1-.Ltmp0, $4  }
0x12: {  	s0 =	sadd.s32 s4, s0;
	[dreg:$0x9] =	wrdreg s31;
	s4 =	sshrl.u32 s25, $0x3  }
0x13: {  	s24 =	simm.s32 $0x4;
	s0 =	sadd.s32 $0x65200, s0;
	[dreg:$0xa] =	wrdreg s4  }
0x14: {  	v0 =	vlaneseq.u32;
	s2 =	simm.s32 $0x1;
	s30 =	sadd.s32 $0x17000, s10;
	[dreg:$0x7] =	wrdreg s0  }
0x15: {  	v0 =	vmul.u32 $0x8, v0;
	s25 =	simm.s32 $0x3;
	s10 =	simm.s32 $0x1A2C0;
	[dreg:$0x8] =	wrdreg s30  }
.LBB2_16:
0x16: {  	[tilespmem:$0x1AE00] =	vst v4  }
0x17: {  	[tilespmem:$0x1AE10] =	vst v3  }
0x18: {  	[tilespmem:$0x1AE20] =	vst v2  }
0x19: {  	[tilespmem:$0x1AE30] =	vst v1;
	s0 =	simm.s32 $0x0;
	s4 =	rddreg [dreg:$0x7];
	s26 =	simm.s32 $0x1AE00  }
0x1a: {  	[hbm4b:s4+s0] =	stream.linear.scatter [tilespmem:s26], [sflag:$0x6], $0x40, $0x38;
	[tilespmem:$0x1AE40] =	vst v63  }
0x1b: {  	_ =	swait.ge [sflag:s16], $0x40  }
0x1c: {  	[sflag:s16] =	ssyncset.done $0x0  }
0x1d: {  	[sflag:s16] =	ssyncadd.s32 $0xFFFFFFC0  }
0x1e: {  	[bflag:$0x0] =	sbarrier.arrive $0xFFFF  }
0x1f: {  	s26 =	rddreg [dreg:$0x6]  }
0x20: {  	s30 =	rddreg [dreg:$0x8]  }
0x21: {  	s4 =	rddreg [dreg:$0xa]  }
0x22: {  	[hbm:s30], [sflag:s26] =	dma.local [spmem:s4], $0x2710  }
0x23: {  	_ =	swait.ge [sflag:s16], $0x2710  }
0x24: {  	s28 =	rddreg [dreg:$0xb]  }
0x25: {  	s31 =	rddreg [dreg:$0x9];
	s28 =	sadd.s32 $0x1, s28  }
0x26: {  	p0 =	sne.s32 s28, s31  }
.Ltmp1:
0x27: {  	_ = 	snop;
	(pc) =	sbr.rel @!p0 .LBB2_17-.Ltmp1, $3  }
0x28: {  	_ =	sdelay $0x1  }
0x29: {  	[sflag:s16] =	ssyncset.done $0x0  }
0x2a: {  	[sflag:s16] =	ssyncadd.s32 $0xFFFFD8F0  }
.LBB2_1:
0x2b: {  	[dreg:$0xb] =	wrdreg s28  }
0x2c: {  	s0 =	rddreg [dreg:$0x5]  }
0x2d: {  	[spmem:s4], [sflag:s26] =	dma.local [hbm:s0], $0x2710  }
.Ltmp2:
0x2e: {  	_ =	swait.ge [sflag:s16], $0x2710;
	(pc) =	sbr.rel .LBB2_2-.Ltmp2, $4  }
0x2f: {  	[sflag:s16] =	ssyncset.done $0x0  }
0x30: {  	[sflag:s16] =	ssyncadd.s32 $0xFFFFD8F0  }
0x31: {  	v1 =	vimm.f32 $0.0e+00;
	[bflag:$0x0] =	sbarrier.arrive $0xFFFF  }
0x32: {  	v2 =	vimm.f32 $0.0e+00;
	v3 =	vimm.f32 $0.0e+00;
	v4 =	vimm.f32 $0.0e+00;
	s26 =	simm.s32 $0x0  }
.LBB2_15:
0x33: {  	s26 =	sadd.s32 $0x1, s26  }
0x34: {  	p0 =	sne.s32 s26, $0x19  }
.Ltmp3:
0x35: {  	_ = 	snop;
	(pc) =	sbr.rel @!p0 .LBB2_16-.Ltmp3, $4  }
0x36: {  	_ = 	snop  }
0x37: {  	_ =	swait.ge [sflag:s24], $0x2800  }
0x38: {  	[sflag:s24] =	ssyncset.done $0x0  }
0x39: {  	[sflag:s24] =	ssyncadd.s32 $0xFFFFD800  }
.LBB2_2:
0x3a: {  	s0 =	smul.u32 $0x190, s26;
	_ =	sdelay $0x1  }
0x3b: {  	s0 =	sadd.s32 s8, s0  }
0x3c: {  	s4 =	rddreg [dreg:$0x2];
	s0 =	sshrl.u32 s0, $0x3  }
0x3d: {  	s28 =	simm.s32 $0x0;
	s31 =	simm.s32 $0x13880;
	s29 =	sadd.s32 s4, s0  }
0x3e: {  	[tilespmem:s31], [sflag:$0x6] =	stream.linear.gather [hbm4b:s29+s28], $0x190, $0x38;
	[tilespmem:$0x1AE40] =	vst v63  }
0x3f: {  	_ =	swait.ge [sflag:s16], $0x190  }
0x40: {  	[sflag:s16] =	ssyncset.done $0x0  }
0x41: {  	s29 =	sadd.s32 s7, s0;
	[sflag:s16] =	ssyncadd.s32 $0xFFFFFE70  }
0x42: {  	[tilespmem:s18], [sflag:$0x6] =	stream.linear.gather [hbm4b:s29+s28], $0x190, $0x38;
	[tilespmem:$0x1AE40] =	vst v63  }
0x43: {  	_ =	swait.ge [sflag:s16], $0x190  }
0x44: {  	[sflag:s16] =	ssyncset.done $0x0  }
0x45: {  	s0 =	sadd.s32 s9, s0;
	[sflag:s16] =	ssyncadd.s32 $0xFFFFFE70  }
0x46: {  	[tilespmem:s19], [sflag:$0x6] =	stream.linear.gather [hbm4b:s0+s28], $0x190, $0x38;
	[tilespmem:$0x1AE40] =	vst v63  }
0x47: {  	_ =	swait.ge [sflag:s16], $0x190  }
0x48: {  	[sflag:s16] =	ssyncset.done $0x0  }
0x49: {  	[sflag:s16] =	ssyncadd.s32 $0xFFFFFE70  }
0x4a: {  	v5 =	vld [tilespmem:$0x13880]  }
0x4b: {  	v6 =	vld [tilespmem:$0x13A10]  }
0x4c: {  	v7 =	vld [tilespmem:$0x13890]  }
0x4d: {  	v8 =	vld [tilespmem:$0x13BA0]  }
0x4e: {  	v9 =	vld [tilespmem:$0x13A20]  }
0x4f: {  	v10 =	vld [tilespmem:$0x138A0];
	v5 =	vmul.u32 $0x2710, v5  }
0x50: {  	v11 =	vld [tilespmem:$0x13BB0]  }
0x51: {  	v16 =	vld [tilespmem:$0x13BC0];
	v6 =	vadd.s32 v6, v5  }
0x52: {  	[tilespmem:$0x13A10] =	vst v6;
	v6 =	vmul.u32 $0x2710, v7;
	v7 =	vld [tilespmem:$0x13A30]  }
0x53: {  	v17 =	vld [tilespmem:$0x138B0];
	[tilespmem:$0x13D30] =	vst v8;
	v5 =	vadd.s32 v5, v8  }
0x54: {  	v18 =	vld [tilespmem:$0x13A40];
	[tilespmem:$0x13BA0] =	vst v5;
	v5 =	vadd.s32 v9, v6  }
0x55: {  	v19 =	vld [tilespmem:$0x13BD0];
	[tilespmem:$0x13A20] =	vst v5;
	v5 =	vmul.u32 $0x2710, v10  }
0x56: {  	v21 =	vld [tilespmem:$0x13BE0];
	[tilespmem:$0x13D40] =	vst v11;
	v6 =	vadd.s32 v6, v11  }
0x57: {  	[tilespmem:$0x13BB0] =	vst v6;
	v6 =	vadd.s32 v7, v5;
	v7 =	vld [tilespmem:$0x138C0]  }
0x58: {  	[tilespmem:$0x13D50] =	vst v16  }
0x59: {  	[tilespmem:$0x13A30] =	vst v6;
	v6 =	vld [tilespmem:$0x13A50]  }
0x5a: {  	v20 =	vmul.u32 $0x2710, v17;
	[tilespmem:$0x13D60] =	vst v19  }
0x5b: {  	[tilespmem:$0x13D70] =	vst v21;
	v5 =	vadd.s32 v5, v16  }
0x5c: {  	[tilespmem:$0x13BC0] =	vst v5;
	v5 =	vadd.s32 v18, v20;
	v7 =	vmul.u32 $0x2710, v7  }
0x5d: {  	[tilespmem:$0x13A40] =	vst v5;
	v5 =	vadd.s32 v20, v19  }
0x5e: {  	[tilespmem:$0x13BD0] =	vst v5;
	v5 =	vadd.s32 v6, v7  }
0x5f: {  	[tilespmem:$0x13A50] =	vst v5;
	v5 =	vadd.s32 v7, v21  }
0x60: {  	[tilespmem:$0x13BE0] =	vst v5  }
0x61: {  	[tilespmem:s21], [sflag:$0x1] =	stream.indirect.gather [hbm4b:s1+s20], $0x8, s18, s20, $0xb8;
	[tilespmem:$0x1AE40] =	vst v63  }
0x62: {  	_ = 	snop  }
0x63: {  	[tilespmem:s22], [sflag:$0x1] =	stream.indirect.gather [hbm4b:s1+s20], $0x8, s19, s20, $0xb8;
	[tilespmem:$0x1AE40] =	vst v63  }
0x64: {  	v5 =	vld [tilespmem:$0x138D0]  }
0x65: {  	v6 =	vld [tilespmem:$0x13A60]  }
0x66: {  	v7 =	vld [tilespmem:$0x138E0]  }
0x67: {  	v22 =	vld [tilespmem:$0x13BF0]  }
0x68: {  	v23 =	vld [tilespmem:$0x13A70]  }
0x69: {  	v24 =	vld [tilespmem:$0x138F0];
	v5 =	vmul.u32 $0x2710, v5  }
0x6a: {  	v25 =	vld [tilespmem:$0x13C00]  }
0x6b: {  	v26 =	vld [tilespmem:$0x13C10];
	v6 =	vadd.s32 v6, v5  }
0x6c: {  	[tilespmem:$0x13A60] =	vst v6;
	v6 =	vmul.u32 $0x2710, v7;
	v7 =	vld [tilespmem:$0x13A80]  }
0x6d: {  	v27 =	vld [tilespmem:$0x13900];
	[tilespmem:$0x13D80] =	vst v22;
	v5 =	vadd.s32 v5, v22  }
0x6e: {  	v28 =	vld [tilespmem:$0x13A90];
	[tilespmem:$0x13BF0] =	vst v5;
	v5 =	vadd.s32 v23, v6  }
0x6f: {  	v29 =	vld [tilespmem:$0x13C20];
	[tilespmem:$0x13A70] =	vst v5;
	v5 =	vmul.u32 $0x2710, v24  }
0x70: {  	v31 =	vld [tilespmem:$0x13C30];
	[tilespmem:$0x13D90] =	vst v25;
	v6 =	vadd.s32 v6, v25  }
0x71: {  	[tilespmem:$0x13C00] =	vst v6;
	v6 =	vadd.s32 v7, v5;
	v7 =	vld [tilespmem:$0x13910]  }
0x72: {  	[tilespmem:$0x13DA0] =	vst v26  }
0x73: {  	[tilespmem:$0x13A80] =	vst v6;
	v6 =	vld [tilespmem:$0x13AA0]  }
0x74: {  	v30 =	vmul.u32 $0x2710, v27;
	[tilespmem:$0x13DB0] =	vst v29  }
0x75: {  	[tilespmem:$0x13DC0] =	vst v31;
	v5 =	vadd.s32 v5, v26  }
0x76: {  	[tilespmem:$0x13C10] =	vst v5;
	v5 =	vadd.s32 v28, v30;
	v7 =	vmul.u32 $0x2710, v7  }
0x77: {  	[tilespmem:$0x13A90] =	vst v5;
	v5 =	vadd.s32 v30, v29  }
0x78: {  	[tilespmem:$0x13C20] =	vst v5;
	v5 =	vadd.s32 v6, v7  }
0x79: {  	[tilespmem:$0x13AA0] =	vst v5;
	v5 =	vadd.s32 v7, v31  }
0x7a: {  	s4 =	simm.s32 $0x13A60;
	s31 =	simm.s32 $0x19140;
	[tilespmem:$0x13C30] =	vst v5  }
0x7b: {  	[tilespmem:s31], [sflag:$0x1] =	stream.indirect.gather [hbm4b:s1+s20], $0x8, s4, s20, $0xb8;
	[tilespmem:$0x1AE40] =	vst v63  }
0x7c: {  	s4 =	simm.s32 $0x13BF0;
	s31 =	simm.s32 $0x19DC0  }
0x7d: {  	[tilespmem:s31], [sflag:$0x1] =	stream.indirect.gather [hbm4b:s1+s20], $0x8, s4, s20, $0xb8;
	[tilespmem:$0x1AE40] =	vst v63  }
0x7e: {  	v5 =	vld [tilespmem:$0x13920]  }
0x7f: {  	v6 =	vld [tilespmem:$0x13AB0]  }
0x80: {  	v7 =	vld [tilespmem:$0x13930]  }
0x81: {  	v32 =	vld [tilespmem:$0x13C40]  }
0x82: {  	v33 =	vld [tilespmem:$0x13AC0]  }
0x83: {  	v34 =	vld [tilespmem:$0x13940];
	v5 =	vmul.u32 $0x2710, v5  }
0x84: {  	v35 =	vld [tilespmem:$0x13C50]  }
0x85: {  	v36 =	vld [tilespmem:$0x13C60];
	v6 =	vadd.s32 v6, v5  }
0x86: {  	[tilespmem:$0x13AB0] =	vst v6;
	v6 =	vmul.u32 $0x2710, v7;
	v7 =	vld [tilespmem:$0x13AD0]  }
0x87: {  	v37 =	vld [tilespmem:$0x13950];
	[tilespmem:$0x13DD0] =	vst v32;
	v5 =	vadd.s32 v5, v32  }
0x88: {  	v38 =	vld [tilespmem:$0x13AE0];
	[tilespmem:$0x13C40] =	vst v5;
	v5 =	vadd.s32 v33, v6  }
0x89: {  	v39 =	vld [tilespmem:$0x13C70];
	[tilespmem:$0x13AC0] =	vst v5;
	v5 =	vmul.u32 $0x2710, v34  }
0x8a: {  	v41 =	vld [tilespmem:$0x13C80];
	[tilespmem:$0x13DE0] =	vst v35;
	v6 =	vadd.s32 v6, v35  }
0x8b: {  	[tilespmem:$0x13C50] =	vst v6;
	v6 =	vadd.s32 v7, v5;
	v7 =	vld [tilespmem:$0x13960]  }
0x8c: {  	[tilespmem:$0x13DF0] =	vst v36  }
0x8d: {  	[tilespmem:$0x13AD0] =	vst v6;
	v6 =	vld [tilespmem:$0x13AF0]  }
0x8e: {  	v40 =	vmul.u32 $0x2710, v37;
	[tilespmem:$0x13E00] =	vst v39  }
0x8f: {  	[tilespmem:$0x13E10] =	vst v41;
	v5 =	vadd.s32 v5, v36  }
0x90: {  	[tilespmem:$0x13C60] =	vst v5;
	v5 =	vadd.s32 v38, v40;
	v7 =	vmul.u32 $0x2710, v7  }
0x91: {  	[tilespmem:$0x13AE0] =	vst v5;
	v5 =	vadd.s32 v40, v39  }
0x92: {  	[tilespmem:$0x13C70] =	vst v5;
	v5 =	vadd.s32 v6, v7  }
0x93: {  	[tilespmem:$0x13AF0] =	vst v5;
	v5 =	vadd.s32 v7, v41  }
0x94: {  	s4 =	simm.s32 $0x13AB0;
	s31 =	simm.s32 $0x193C0;
	[tilespmem:$0x13C80] =	vst v5  }
0x95: {  	[tilespmem:s31], [sflag:$0x1] =	stream.indirect.gather [hbm4b:s1+s20], $0x8, s4, s20, $0xb8;
	[tilespmem:$0x1AE40] =	vst v63  }
0x96: {  	s4 =	simm.s32 $0x13C40;
	s31 =	simm.s32 $0x1A040  }
0x97: {  	[tilespmem:s31], [sflag:$0x1] =	stream.indirect.gather [hbm4b:s1+s20], $0x8, s4, s20, $0xb8;
	[tilespmem:$0x1AE40] =	vst v63  }
0x98: {  	v5 =	vld [tilespmem:$0x13970]  }
0x99: {  	v6 =	vld [tilespmem:$0x13B00]  }
0x9a: {  	v7 =	vld [tilespmem:$0x13980]  }
0x9b: {  	v42 =	vld [tilespmem:$0x13C90]  }
0x9c: {  	v43 =	vld [tilespmem:$0x13B10]  }
0x9d: {  	v44 =	vld [tilespmem:$0x13990];
	v5 =	vmul.u32 $0x2710, v5  }
0x9e: {  	v45 =	vld [tilespmem:$0x13CA0]  }
0x9f: {  	v46 =	vld [tilespmem:$0x13CB0];
	v6 =	vadd.s32 v6, v5  }
0xa0: {  	[tilespmem:$0x13B00] =	vst v6;
	v6 =	vmul.u32 $0x2710, v7;
	v7 =	vld [tilespmem:$0x13B20]  }
0xa1: {  	v47 =	vld [tilespmem:$0x139A0];
	[tilespmem:$0x13E20] =	vst v42;
	v5 =	vadd.s32 v5, v42  }
0xa2: {  	v48 =	vld [tilespmem:$0x13B30];
	[tilespmem:$0x13C90] =	vst v5;
	v5 =	vadd.s32 v43, v6  }
0xa3: {  	v49 =	vld [tilespmem:$0x13CC0];
	[tilespmem:$0x13B10] =	vst v5;
	v5 =	vmul.u32 $0x2710, v44  }
0xa4: {  	v51 =	vld [tilespmem:$0x13CD0];
	[tilespmem:$0x13E30] =	vst v45;
	v6 =	vadd.s32 v6, v45  }
0xa5: {  	[tilespmem:$0x13CA0] =	vst v6;
	v6 =	vadd.s32 v7, v5;
	v7 =	vld [tilespmem:$0x139B0]  }
0xa6: {  	[tilespmem:$0x13E40] =	vst v46  }
0xa7: {  	[tilespmem:$0x13B20] =	vst v6;
	v6 =	vld [tilespmem:$0x13B40]  }
0xa8: {  	v50 =	vmul.u32 $0x2710, v47;
	[tilespmem:$0x13E50] =	vst v49  }
0xa9: {  	[tilespmem:$0x13E60] =	vst v51;
	v5 =	vadd.s32 v5, v46  }
0xaa: {  	[tilespmem:$0x13CB0] =	vst v5;
	v5 =	vadd.s32 v48, v50;
	v7 =	vmul.u32 $0x2710, v7  }
0xab: {  	[tilespmem:$0x13B30] =	vst v5;
	v5 =	vadd.s32 v50, v49  }
0xac: {  	[tilespmem:$0x13CC0] =	vst v5;
	v5 =	vadd.s32 v6, v7  }
0xad: {  	[tilespmem:$0x13B40] =	vst v5;
	v5 =	vadd.s32 v7, v51  }
0xae: {  	s4 =	simm.s32 $0x13B00;
	s31 =	simm.s32 $0x19640;
	[tilespmem:$0x13CD0] =	vst v5  }
0xaf: {  	[tilespmem:s31], [sflag:$0x1] =	stream.indirect.gather [hbm4b:s1+s20], $0x8, s4, s20, $0xb8;
	[tilespmem:$0x1AE40] =	vst v63  }
0xb0: {  	_ = 	snop  }
0xb1: {  	[tilespmem:s10], [sflag:$0x1] =	stream.indirect.gather [hbm4b:s1+s20], $0x8, s5, s20, $0xb8;
	[tilespmem:$0x1AE40] =	vst v63  }
0xb2: {  	v5 =	vld [tilespmem:$0x139C0];
	_ =	sdelay $0x1  }
0xb3: {  	v6 =	vld [tilespmem:$0x13B50]  }
0xb4: {  	v7 =	vld [tilespmem:$0x139D0]  }
0xb5: {  	v52 =	vld [tilespmem:$0x13CE0]  }
0xb6: {  	v53 =	vld [tilespmem:$0x13B60];
	v5 =	vmul.u32 $0x2710, v5  }
0xb7: {  	v54 =	vld [tilespmem:$0x139E0]  }
0xb8: {  	v55 =	vld [tilespmem:$0x13CF0];
	v6 =	vadd.s32 v6, v5  }
0xb9: {  	[tilespmem:$0x13B50] =	vst v6;
	v6 =	vmul.u32 $0x2710, v7;
	v7 =	vld [tilespmem:$0x13B70]  }
0xba: {  	v57 =	vld [tilespmem:$0x13D00];
	[tilespmem:$0x13E70] =	vst v52;
	v5 =	vadd.s32 v5, v52  }
0xbb: {  	v56 =	vld [tilespmem:$0x139F0];
	[tilespmem:$0x13CE0] =	vst v5;
	v5 =	vadd.s32 v53, v6  }
0xbc: {  	v59 =	vld [tilespmem:$0x13D10];
	[tilespmem:$0x13B60] =	vst v5;
	v5 =	vmul.u32 $0x2710, v54  }
0xbd: {  	v58 =	vld [tilespmem:$0x13B80];
	[tilespmem:$0x13E80] =	vst v55;
	v6 =	vadd.s32 v6, v55  }
0xbe: {  	[tilespmem:$0x13CF0] =	vst v6;
	v6 =	vadd.s32 v7, v5;
	v7 =	vld [tilespmem:$0x13A00]  }
0xbf: {  	v61 =	vld [tilespmem:$0x13D20];
	[tilespmem:$0x13E90] =	vst v57  }
0xc0: {  	v60 =	vld [tilespmem:$0x13B90];
	[tilespmem:$0x13B70] =	vst v6;
	v6 =	vmul.u32 $0x2710, v56  }
0xc1: {  	[tilespmem:$0x13EA0] =	vst v59;
	v5 =	vadd.s32 v5, v57  }
0xc2: {  	[tilespmem:$0x13D00] =	vst v5;
	v5 =	vadd.s32 v58, v6  }
0xc3: {  	[tilespmem:$0x13B80] =	vst v5;
	v5 =	vadd.s32 v6, v59;
	v6 =	vmul.u32 $0x2710, v7  }
0xc4: {  	[tilespmem:$0x13EB0] =	vst v61  }
0xc5: {  	[tilespmem:$0x13D10] =	vst v5;
	v5 =	vadd.s32 v60, v6  }
0xc6: {  	[tilespmem:$0x13B90] =	vst v5;
	v5 =	vadd.s32 v6, v61  }
0xc7: {  	[tilespmem:$0x13D20] =	vst v5  }
0xc8: {  	[tilespmem:s13], [sflag:$0x1] =	stream.indirect.gather [hbm4b:s1+s20], $0x8, s12, s20, $0xb8;
	[tilespmem:$0x1AE40] =	vst v63  }
0xc9: {  	_ = 	snop  }
0xca: {  	[tilespmem:s11], [sflag:$0x1] =	stream.indirect.gather [hbm4b:s1+s20], $0x8, s14, s20, $0xb8;
	[tilespmem:$0x1AE40] =	vst v63  }
0xcb: {  	_ = 	snop  }
0xcc: {  	v5 =	vmov s28;
	[tilespmem:s15], [sflag:$0x2] =	stream.indirect.gather [hbm4b:s6+s20], $0x80, s18, s20, $0xb8;
	[tilespmem:$0x1AE40] =	vst v63  }
0xcd: {  	v5 =	vshll.u32 v5, $0x3;
	_ =	swait.ge [sflag:s2], $0xC80  }
0xce: {  	v5 =	vor.u32 v0, v5;
	[sflag:s2] =	ssyncset.done $0x0  }
0xcf: {  	v6 =	vor.u32 $0x4, v5;
	[sflag:s2] =	ssyncadd.s32 $0xFFFFF380  }
0xd0: {  	_ =	swait.ge [sflag:s2], $0xC80  }
0xd1: {  	[sflag:s2] =	ssyncset.done $0x0  }
0xd2: {  	[sflag:s2] =	ssyncadd.s32 $0xFFFFF380  }
0xd3: {  	v7 =	vld.idx.msk [tilespmem:v5+s21+$0x0], $0xffff  }
0xd4: {  	v6 =	vld.idx.msk [tilespmem:v6+s22+$0x0], $0xffff;
	_ =	sdelay $0x4  }
0xd5: {  	v6 =	vadd.f32 v6, v7;
	_ =	sdelay $0x1  }
0xd6: {  	v7 =	vmul.f32 $2.000000030e-01, v6;
	_ =	sdelay $0x1  }
0xd7: {  	v6 =	vmax.f32 v6, v7  }
0xd8: {  	v6 =	vmul.f32 $1.442695020e+00, v6;
	_ =	sdelay $0x1  }
0xd9: {  	(erf) = vpow2.f32 v6;
	_ =	sdelay $0x5  }
0xda: {  	v6 =	vor.u32 $0x1, v5  }
0xdb: {  	v7 =	vor.u32 $0x5, v5;
	_ =	sdelay $0x1  }
0xdc: {  	s0 =	simm.s32 $0x1AAE0;
	v62 =	vpop (erf)  }
0xdd: {  	[tilespmem:s0+$0xFFFFFCE0] =	vst v62  }
0xde: {  	v6 =	vld.idx.msk [tilespmem:v6+s21+$0x0], $0xffff  }
0xdf: {  	v7 =	vld.idx.msk [tilespmem:v7+s22+$0x0], $0xffff;
	_ =	sdelay $0x4  }
0xe0: {  	v6 =	vadd.f32 v7, v6;
	_ =	sdelay $0x1  }
0xe1: {  	v7 =	vmul.f32 $2.000000030e-01, v6;
	_ =	sdelay $0x1  }
0xe2: {  	v6 =	vmax.f32 v6, v7  }
0xe3: {  	v6 =	vmul.f32 $1.442695020e+00, v6;
	_ =	sdelay $0x1  }
0xe4: {  	(erf) = vpow2.f32 v6;
	_ =	sdelay $0x5  }
0xe5: {  	v6 =	vor.u32 $0x2, v5  }
0xe6: {  	v7 =	vor.u32 $0x6, v5;
	_ =	sdelay $0x1  }
0xe7: {  	v63 =	vpop (erf)  }
0xe8: {  	[tilespmem:s0+$0xFFFFFE70] =	vst v63  }
0xe9: {  	v6 =	vld.idx.msk [tilespmem:v6+s21+$0x0], $0xffff  }
0xea: {  	v7 =	vld.idx.msk [tilespmem:v7+s22+$0x0], $0xffff;
	_ =	sdelay $0x4  }
0xeb: {  	v6 =	vadd.f32 v7, v6;
	_ =	sdelay $0x1  }
0xec: {  	v7 =	vmul.f32 $2.000000030e-01, v6;
	_ =	sdelay $0x1  }
0xed: {  	v6 =	vmax.f32 v6, v7  }
0xee: {  	v6 =	vmul.f32 $1.442695020e+00, v6;
	_ =	sdelay $0x1  }
0xef: {  	(erf) = vpow2.f32 v6;
	_ =	sdelay $0x5  }
0xf0: {  	v6 =	vor.u32 $0x3, v5  }
0xf1: {  	v5 =	vor.u32 $0x7, v5;
	_ =	sdelay $0x1  }
0xf2: {  	v7 =	vpop (erf)  }
0xf3: {  	[tilespmem:s0+$0x0] =	vst v7  }
0xf4: {  	v6 =	vld.idx.msk [tilespmem:v6+s21+$0x0], $0xffff  }
0xf5: {  	v5 =	vld.idx.msk [tilespmem:v5+s22+$0x0], $0xffff;
	_ =	sdelay $0x4  }
0xf6: {  	v5 =	vadd.f32 v5, v6;
	_ =	sdelay $0x1  }
0xf7: {  	v6 =	vmul.f32 $2.000000030e-01, v5;
	_ =	sdelay $0x1  }
0xf8: {  	v5 =	vmax.f32 v5, v6  }
0xf9: {  	v5 =	vmul.f32 $1.442695020e+00, v5;
	_ =	sdelay $0x1  }
0xfa: {  	(erf) = vpow2.f32 v5;
	_ =	sdelay $0x1  }
0xfb: {  	s29 =	simm.s32 $0x10  }
0xfc: {  	v6 =	vmov s29  }
0xfd: {  	v4 =	vadd.f32 v62, v4;
	v6 =	vshll.u32 v6, $0x3  }
0xfe: {  	s30 =	simm.s32 $0x1AAE0;
	v3 =	vadd.f32 v63, v3;
	v2 =	vadd.f32 v7, v2;
	s29 =	simm.s32 $0x20;
	v5 =	vor.u32 v0, v6  }
.LBB2_3:
0xff: {  	p0 =	sne.s32 s29, $0x180  }
0x100: {  	v6 =	vor.u32 $0x4, v5;
	s0 =	sadd.s32 $0x10, s0;
	s31 =	smov.u32 s29;
	s29 =	sadd.s32 $0x10, s29  }
0x101: {  	_ = 	snop  }
0x102: {  	v7 =	vpop (erf)  }
0x103: {  	[tilespmem:s30+$0x190] =	vst v7;
	v1 =	vadd.f32 v7, v1;
	s30 =	smov.u32 s0  }
0x104: {  	v7 =	vld.idx.msk [tilespmem:v5+s21+$0x0], $0xffff  }
0x105: {  	v6 =	vld.idx.msk [tilespmem:v6+s22+$0x0], $0xffff;
	_ =	sdelay $0x5  }
0x106: {  	v6 =	vadd.f32 v6, v7;
	_ =	sdelay $0x1  }
0x107: {  	v7 =	vmul.f32 $2.000000030e-01, v6;
	_ =	sdelay $0x1  }
0x108: {  	v6 =	vmax.f32 v6, v7  }
0x109: {  	v6 =	vmul.f32 $1.442695020e+00, v6;
	_ =	sdelay $0x1  }
0x10a: {  	(erf) = vpow2.f32 v6;
	_ =	sdelay $0x5  }
0x10b: {  	v7 =	vor.u32 $0x5, v5;
	v6 =	vor.u32 $0x1, v5;
	_ =	sdelay $0x2  }
0x10c: {  	v8 =	vpop (erf)  }
0x10d: {  	[tilespmem:s0+$0xFFFFFCE0] =	vst v8;
	v4 =	vadd.f32 v8, v4  }
0x10e: {  	v6 =	vld.idx.msk [tilespmem:v6+s21+$0x0], $0xffff  }
0x10f: {  	v7 =	vld.idx.msk [tilespmem:v7+s22+$0x0], $0xffff;
	_ =	sdelay $0x5  }
0x110: {  	v6 =	vadd.f32 v7, v6;
	_ =	sdelay $0x1  }
0x111: {  	v7 =	vmul.f32 $2.000000030e-01, v6;
	_ =	sdelay $0x1  }
0x112: {  	v6 =	vmax.f32 v6, v7  }
0x113: {  	v6 =	vmul.f32 $1.442695020e+00, v6;
	_ =	sdelay $0x1  }
0x114: {  	(erf) = vpow2.f32 v6;
	_ =	sdelay $0x5  }
0x115: {  	v7 =	vor.u32 $0x6, v5;
	v6 =	vor.u32 $0x2, v5;
	_ =	sdelay $0x2  }
0x116: {  	v8 =	vpop (erf)  }
0x117: {  	[tilespmem:s0+$0xFFFFFE70] =	vst v8;
	v3 =	vadd.f32 v8, v3  }
0x118: {  	v6 =	vld.idx.msk [tilespmem:v6+s21+$0x0], $0xffff  }
0x119: {  	v7 =	vld.idx.msk [tilespmem:v7+s22+$0x0], $0xffff;
	_ =	sdelay $0x5  }
0x11a: {  	v6 =	vadd.f32 v7, v6;
	_ =	sdelay $0x1  }
0x11b: {  	v7 =	vmul.f32 $2.000000030e-01, v6;
	_ =	sdelay $0x1  }
0x11c: {  	v6 =	vmax.f32 v6, v7  }
0x11d: {  	v6 =	vmul.f32 $1.442695020e+00, v6;
	_ =	sdelay $0x1  }
0x11e: {  	(erf) = vpow2.f32 v6;
	_ =	sdelay $0x5  }
0x11f: {  	v6 =	vor.u32 $0x3, v5;
	v5 =	vor.u32 $0x7, v5;
	_ =	sdelay $0x2  }
0x120: {  	v7 =	vpop (erf)  }
0x121: {  	[tilespmem:s0+$0x0] =	vst v7;
	v2 =	vadd.f32 v7, v2  }
0x122: {  	v6 =	vld.idx.msk [tilespmem:v6+s21+$0x0], $0xffff  }
0x123: {  	v5 =	vld.idx.msk [tilespmem:v5+s22+$0x0], $0xffff;
	_ =	sdelay $0x5  }
0x124: {  	v5 =	vadd.f32 v5, v6;
	_ =	sdelay $0x1  }
0x125: {  	v6 =	vmul.f32 $2.000000030e-01, v5;
	_ =	sdelay $0x1  }
0x126: {  	v5 =	vmax.f32 v5, v6  }
0x127: {  	v5 =	vmul.f32 $1.442695020e+00, v5;
	_ =	sdelay $0x1  }
0x128: {  	(erf) = vpow2.f32 v5;
	_ =	sdelay $0x1  }
.Ltmp4:
0x129: {  	(pc) =	sbr.rel @p0 .LBB2_3-.Ltmp4, $4  }
0x12a: {  	_ = 	snop  }
0x12b: {  	v5 =	vmov s31  }
0x12c: {  	v5 =	vshll.u32 v5, $0x3  }
0x12d: {  	v5 =	vor.u32 v0, v5  }
0x12e: {  	v6 =	vor.u32 $0x4, v5;
	_ =	sdelay $0x1  }
0x12f: {  	v7 =	vpop (erf)  }
0x130: {  	[tilespmem:s30+$0x190] =	vst v7  }
0x131: {  	v8 =	vld.idx.msk [tilespmem:v5+s21+$0x0], $0xffff  }
0x132: {  	v6 =	vld.idx.msk [tilespmem:v6+s22+$0x0], $0xffff;
	_ =	sdelay $0x4  }
0x133: {  	v6 =	vadd.f32 v6, v8;
	_ =	sdelay $0x1  }
0x134: {  	v8 =	vmul.f32 $2.000000030e-01, v6;
	_ =	sdelay $0x1  }
0x135: {  	v6 =	vmax.f32 v6, v8  }
0x136: {  	v6 =	vmul.f32 $1.442695020e+00, v6;
	_ =	sdelay $0x1  }
0x137: {  	(erf) = vpow2.f32 v6;
	_ =	sdelay $0x5  }
0x138: {  	v6 =	vor.u32 $0x1, v5  }
0x139: {  	v61 =	vor.u32 $0x5, v5;
	_ =	sdelay $0x1  }
0x13a: {  	s0 =	sadd.s32 $0x10, s0;
	v9 =	vpop (erf)  }
0x13b: {  	[tilespmem:s0+$0xFFFFFCE0] =	vst v9  }
0x13c: {  	v6 =	vld.idx.msk [tilespmem:v6+s21+$0x0], $0xffff  }
0x13d: {  	v8 =	vld.idx.msk [tilespmem:v61+s22+$0x0], $0xffff;
	_ =	sdelay $0x4  }
0x13e: {  	v6 =	vadd.f32 v8, v6;
	_ =	sdelay $0x1  }
0x13f: {  	v8 =	vmul.f32 $2.000000030e-01, v6;
	_ =	sdelay $0x1  }
0x140: {  	v6 =	vmax.f32 v6, v8  }
0x141: {  	v6 =	vmul.f32 $1.442695020e+00, v6;
	_ =	sdelay $0x1  }
0x142: {  	(erf) = vpow2.f32 v6;
	_ =	sdelay $0x5  }
0x143: {  	v6 =	vor.u32 $0x2, v5  }
0x144: {  	v62 =	vor.u32 $0x6, v5;
	_ =	sdelay $0x1  }
0x145: {  	v10 =	vpop (erf)  }
0x146: {  	[tilespmem:s0+$0xFFFFFE70] =	vst v10  }
0x147: {  	v6 =	vld.idx.msk [tilespmem:v6+s21+$0x0], $0xffff  }
0x148: {  	v8 =	vld.idx.msk [tilespmem:v62+s22+$0x0], $0xffff;
	_ =	sdelay $0x4  }
0x149: {  	v6 =	vadd.f32 v8, v6;
	_ =	sdelay $0x1  }
0x14a: {  	v8 =	vmul.f32 $2.000000030e-01, v6;
	_ =	sdelay $0x1  }
0x14b: {  	v6 =	vmax.f32 v6, v8  }
0x14c: {  	v6 =	vmul.f32 $1.442695020e+00, v6;
	_ =	sdelay $0x1  }
0x14d: {  	(erf) = vpow2.f32 v6;
	_ =	sdelay $0x5  }
0x14e: {  	v6 =	vor.u32 $0x3, v5  }
0x14f: {  	v5 =	vor.u32 $0x7, v5;
	_ =	sdelay $0x1  }
0x150: {  	v63 =	vpop (erf)  }
0x151: {  	[tilespmem:s0+$0x0] =	vst v63  }
0x152: {  	v6 =	vld.idx.msk [tilespmem:v6+s21+$0x0], $0xffff  }
0x153: {  	v5 =	vld.idx.msk [tilespmem:v5+s22+$0x0], $0xffff;
	_ =	sdelay $0x4  }
0x154: {  	v5 =	vadd.f32 v5, v6;
	_ =	sdelay $0x1  }
0x155: {  	v6 =	vmul.f32 $2.000000030e-01, v5;
	_ =	sdelay $0x1  }
0x156: {  	v5 =	vmax.f32 v5, v6  }
0x157: {  	v5 =	vmul.f32 $1.442695020e+00, v5;
	_ =	sdelay $0x1  }
0x158: {  	(erf) = vpow2.f32 v5;
	_ =	sdelay $0x5  }
.Ltmp5:
0x159: {  	_ = 	snop;
	(pc) =	sbr.rel .LBB2_5-.Ltmp5, $4  }
0x15a: {  	_ = 	snop  }
0x15b: {  	v1 =	vadd.f32 v7, v1  }
0x15c: {  	v4 =	vadd.f32 v9, v4;
	v3 =	vadd.f32 v10, v3;
	v5 =	vpop (erf)  }
0x15d: {  	v2 =	vadd.f32 v63, v2;
	[tilespmem:s0+$0x190] =	vst v5;
	v1 =	vadd.f32 v5, v1  }
.LBB2_14:
0x15e: {  	s28 =	sadd.s32 $0x1, s28  }
0x15f: {  	p0 =	sne.s32 s28, $0x3  }
.Ltmp6:
0x160: {  	_ = 	snop;
	(pc) =	sbr.rel @!p0 .LBB2_15-.Ltmp6, $1  }
0x161: {  	_ =	sdelay $0x3  }
.LBB2_5:
0x162: {  	p0 =	seq.s32 s28, $0x0  }
0x163: {  	s0 =	sshllo.u32 @!p0 s28, $0x1  }
0x164: {  	p1 =	sgt.u32 @!p0 s0, $0x4  }
0x165: {  	p1 =	por p0, !p1  }
.Ltmp7:
0x166: {  	_ = 	snop;
	(pc) =	sbr.rel @!p1 .LBB2_6-.Ltmp7, $4  }
0x167: {  	s29 =	simm.s32 @!p0 $0x5  }
0x168: {  	_ =	swait.ge @!p0 [sflag:s29], $0x2800  }
0x169: {  	[sflag:s29] =	ssyncset.done @!p0 $0x0  }
0x16a: {  	[sflag:s29] =	ssyncadd.s32 @!p0 $0xFFFFD800  }
0x16b: {  	s0 =	simm.s32 @p0 $0x1  }
0x16c: {  	s29 =	smul.u32 $0x140, s0  }
.Ltmp8:
0x16d: {  	_ = 	snop;
	(pc) =	sbr.rel .LBB2_8-.Ltmp8, $4  }
0x16e: {  	s29 =	sshra.s32 s29, $0x2  }
0x16f: {  	s29 =	sadd.s32 $0x13A10, s29  }
0x170: {  	[tilespmem:s17], [sflag:$0x3] =	stream.indirect.gather [hbm4b:s6+s20], $0x80, s29, s20, $0xb8;
	[tilespmem:$0x1AE40] =	vst v63  }
0x171: {  	p0 =	por $0x1, $0x1;
	s29 =	smul.u32 $0x50, s0  }
.LBB2_6:
0x172: {  	s29 =	simm.s32 @!p0 $0x190;
	p0 =	por @!p0 $0x0, $0x0  }
.LBB2_8:
0x173: {  	s0 =	smul.u32 $0x280, s28;
	_ =	sdelay $0x1  }
0x174: {  	s30 =	sshra.s32 s0, $0x2  }
0x175: {  	s0 =	sadd.s32 $0x1A7C0, s30  }
0x176: {  	_ =	swait.ge [sflag:s23], $0x2800;
	v5 =	vmov s0  }
0x177: {  	[sflag:s23] =	ssyncset.done $0x0  }
0x178: {  	s31 =	simm.s32 $0x0;
	[sflag:s23] =	ssyncadd.s32 $0xFFFFD800  }
.LBB2_9:
0x179: {  	s0 =	sshll.u32 s31, $0x4  }
0x17a: {  	s0 =	sand.u32 $0x3FFFFFF0, s0  }
0x17b: {  	v9 =	vld.idx.msk [tilespmem:v5+s0+$0x0 ss:$0x1], $0xffff  }
0x17c: {  	v8 =	vld.idx.msk [tilespmem:v5+s0+$0x190 ss:$0x1], $0xffff  }
0x17d: {  	s4 =	sshll.u32 s31, $0xB;
	v7 =	vld.idx.msk [tilespmem:v5+s0+$0x320 ss:$0x1], $0xffff  }
0x17e: {  	s4 =	sand.u32 $0x3FFFF800, s4;
	v6 =	vld.idx.msk [tilespmem:v5+s0+$0x4B0 ss:$0x1], $0xffff  }
0x17f: {  	v10 =	vld [tilespmem:s4+$0x13EC0]  }
0x180: {  	v11 =	vld [tilespmem:s4+$0x13ED0]  }
0x181: {  	v12 =	vld [tilespmem:s4+$0x13EE0]  }
0x182: {  	v14 =	vld [tilespmem:s4+$0x13EF0];
	v13 =	vbroadcast v9, $0x0  }
0x183: {  	v15 =	vld [tilespmem:s4+$0x13F00]  }
0x184: {  	v17 =	vld [tilespmem:s4+$0x13F10];
	v16 =	vbroadcast v8, $0x0;
	v10 =	vmul.f32 v10, v13  }
0x185: {  	v24 =	vld [tilespmem:s4+$0x13F20];
	v11 =	vmul.f32 v11, v13  }
0x186: {  	v18 =	vld [tilespmem:s4+$0x13F30];
	v26 =	vbroadcast v7, $0x0;
	v25 =	vmul.f32 v12, v16;
	[tilespmem:s4+$0x13EC0] =	vst v10  }
0x187: {  	v28 =	vld [tilespmem:s4+$0x13F40];
	v27 =	vmul.f32 v14, v16;
	[tilespmem:s4+$0x13ED0] =	vst v11  }
0x188: {  	v31 =	vld [tilespmem:s4+$0x13F50];
	v30 =	vbroadcast v6, $0x0;
	v29 =	vmul.f32 v15, v26;
	[tilespmem:s4+$0x13EE0] =	vst v25  }
0x189: {  	v33 =	vld [tilespmem:s4+$0x13F60];
	v32 =	vmul.f32 v17, v26;
	[tilespmem:s4+$0x13EF0] =	vst v27  }
0x18a: {  	v36 =	vld [tilespmem:s4+$0x13F70];
	v35 =	vbroadcast v9, $0x1;
	v34 =	vmul.f32 v24, v30;
	[tilespmem:s4+$0x13F00] =	vst v29  }
0x18b: {  	v38 =	vld [tilespmem:s4+$0x13F80];
	v37 =	vmul.f32 v18, v30;
	[tilespmem:s4+$0x13F10] =	vst v32  }
0x18c: {  	v41 =	vld [tilespmem:s4+$0x13F90];
	v40 =	vbroadcast v8, $0x1;
	v39 =	vmul.f32 v28, v35;
	[tilespmem:s4+$0x13F20] =	vst v34  }
0x18d: {  	v43 =	vld [tilespmem:s4+$0x13FA0];
	v42 =	vmul.f32 v31, v35;
	[tilespmem:s4+$0x13F30] =	vst v37  }
0x18e: {  	v46 =	vld [tilespmem:s4+$0x13FB0];
	v45 =	vbroadcast v7, $0x1;
	v44 =	vmul.f32 v33, v40;
	[tilespmem:s4+$0x13F40] =	vst v39  }
0x18f: {  	v48 =	vld [tilespmem:s4+$0x13FC0];
	v47 =	vmul.f32 v36, v40;
	[tilespmem:s4+$0x13F50] =	vst v42  }
0x190: {  	v51 =	vld [tilespmem:s4+$0x13FD0];
	v50 =	vbroadcast v6, $0x1;
	v49 =	vmul.f32 v38, v45;
	[tilespmem:s4+$0x13F60] =	vst v44  }
0x191: {  	v53 =	vld [tilespmem:s4+$0x13FE0];
	v52 =	vmul.f32 v41, v45;
	[tilespmem:s4+$0x13F70] =	vst v47  }
0x192: {  	v56 =	vld [tilespmem:s4+$0x13FF0];
	v55 =	vbroadcast v9, $0x2;
	v54 =	vmul.f32 v43, v50;
	[tilespmem:s4+$0x13F80] =	vst v49  }
0x193: {  	v58 =	vld [tilespmem:s4+$0x14000];
	v57 =	vmul.f32 v46, v50;
	[tilespmem:s4+$0x13F90] =	vst v52  }
0x194: {  	v61 =	vld [tilespmem:s4+$0x14010];
	v60 =	vbroadcast v8, $0x2;
	v59 =	vmul.f32 v48, v55;
	[tilespmem:s4+$0x13FA0] =	vst v54  }
0x195: {  	v63 =	vld [tilespmem:s4+$0x14020];
	v62 =	vmul.f32 v51, v55;
	[tilespmem:s4+$0x13FB0] =	vst v57  }
0x196: {  	v23 =	vld [tilespmem:s4+$0x14030];
	v22 =	vbroadcast v7, $0x2;
	v21 =	vmul.f32 v53, v60;
	[tilespmem:s4+$0x13FC0] =	vst v59  }
0x197: {  	v24 =	vmul.f32 v56, v60;
	v28 =	vld [tilespmem:s4+$0x14050];
	[tilespmem:s4+$0x13FD0] =	vst v62  }
0x198: {  	v26 =	vmul.f32 v58, v22;
	v30 =	vld [tilespmem:s4+$0x14060];
	[tilespmem:s4+$0x13FE0] =	vst v21;
	v27 =	vbroadcast v6, $0x2  }
0x199: {  	v33 =	vld [tilespmem:s4+$0x14070];
	[tilespmem:s4+$0x13FF0] =	vst v24;
	v29 =	vmul.f32 v61, v22  }
0x19a: {  	v35 =	vld [tilespmem:s4+$0x14080];
	[tilespmem:s4+$0x14000] =	vst v26;
	v32 =	vbroadcast v9, $0x3;
	v31 =	vmul.f32 v63, v27  }
0x19b: {  	v38 =	vld [tilespmem:s4+$0x14090];
	v37 =	vbroadcast v8, $0x3;
	[tilespmem:s4+$0x14010] =	vst v29;
	v34 =	vmul.f32 v23, v27  }
0x19c: {  	v40 =	vld [tilespmem:s4+$0x140A0];
	v39 =	vmul.f32 v28, v32;
	[tilespmem:s4+$0x14020] =	vst v31  }
0x19d: {  	v43 =	vld [tilespmem:s4+$0x140B0];
	v42 =	vbroadcast v7, $0x3;
	v41 =	vmul.f32 v30, v37;
	[tilespmem:s4+$0x14030] =	vst v34  }
0x19e: {  	v45 =	vld [tilespmem:s4+$0x140C0];
	v44 =	vmul.f32 v33, v37;
	[tilespmem:s4+$0x14050] =	vst v39  }
0x19f: {  	v48 =	vld [tilespmem:s4+$0x140D0];
	v47 =	vbroadcast v6, $0x3;
	v46 =	vmul.f32 v35, v42;
	[tilespmem:s4+$0x14060] =	vst v41  }
0x1a0: {  	v50 =	vld [tilespmem:s4+$0x140E0];
	v49 =	vmul.f32 v38, v42;
	[tilespmem:s4+$0x14070] =	vst v44  }
0x1a1: {  	v53 =	vld [tilespmem:s4+$0x140F0];
	v52 =	vbroadcast v9, $0x4;
	v51 =	vmul.f32 v40, v47;
	[tilespmem:s4+$0x14080] =	vst v46  }
0x1a2: {  	v55 =	vld [tilespmem:s4+$0x14100];
	v54 =	vmul.f32 v43, v47;
	[tilespmem:s4+$0x14090] =	vst v49  }
0x1a3: {  	v58 =	vld [tilespmem:s4+$0x14110];
	v57 =	vbroadcast v8, $0x4;
	v56 =	vmul.f32 v45, v52;
	[tilespmem:s4+$0x140A0] =	vst v51  }
0x1a4: {  	v60 =	vld [tilespmem:s4+$0x14120];
	v59 =	vmul.f32 v48, v52;
	[tilespmem:s4+$0x140B0] =	vst v54  }
0x1a5: {  	v25 =	vld [tilespmem:s4+$0x14040];
	v62 =	vbroadcast v7, $0x4;
	v61 =	vmul.f32 v50, v57;
	[tilespmem:s4+$0x140C0] =	vst v56  }
0x1a6: {  	v22 =	vld [tilespmem:s4+$0x14140];
	v21 =	vmul.f32 v53, v57;
	[tilespmem:s4+$0x140D0] =	vst v59  }
0x1a7: {  	v24 =	vbroadcast v6, $0x4;
	v63 =	vld [tilespmem:s4+$0x14130];
	v23 =	vmul.f32 v55, v62;
	[tilespmem:s4+$0x140E0] =	vst v61  }
0x1a8: {  	v27 =	vld [tilespmem:s4+$0x14160];
	v26 =	vmul.f32 v58, v62;
	[tilespmem:s4+$0x140F0] =	vst v21  }
0x1a9: {  	v29 =	vbroadcast v9, $0x5;
	v28 =	vmul.f32 v60, v24;
	v30 =	vld [tilespmem:s4+$0x14170];
	[tilespmem:s4+$0x14100] =	vst v23  }
0x1aa: {  	v35 =	vld [tilespmem:s4+$0x14190];
	v36 =	vmul.f32 v25, v32;
	[tilespmem:s4+$0x14110] =	vst v26  }
0x1ab: {  	v37 =	vld [tilespmem:s4+$0x141A0];
	v34 =	vbroadcast v8, $0x5;
	[tilespmem:s4+$0x14120] =	vst v28;
	v33 =	vmul.f32 v22, v29  }
0x1ac: {  	v40 =	vld [tilespmem:s4+$0x141B0];
	[tilespmem:s4+$0x14040] =	vst v36;
	v31 =	vmul.f32 v63, v24  }
0x1ad: {  	v42 =	vld [tilespmem:s4+$0x141C0];
	v39 =	vbroadcast v7, $0x5;
	[tilespmem:s4+$0x14140] =	vst v33;
	v38 =	vmul.f32 v27, v34  }
0x1ae: {  	v45 =	vld [tilespmem:s4+$0x141D0];
	v44 =	vbroadcast v6, $0x5;
	v41 =	vmul.f32 v30, v34;
	[tilespmem:s4+$0x14130] =	vst v31  }
0x1af: {  	v47 =	vld [tilespmem:s4+$0x141E0];
	v46 =	vmul.f32 v35, v39;
	[tilespmem:s4+$0x14160] =	vst v38  }
0x1b0: {  	v50 =	vld [tilespmem:s4+$0x141F0];
	v49 =	vbroadcast v9, $0x6;
	v48 =	vmul.f32 v37, v44;
	[tilespmem:s4+$0x14170] =	vst v41  }
0x1b1: {  	v52 =	vld [tilespmem:s4+$0x14200];
	v51 =	vmul.f32 v40, v44;
	[tilespmem:s4+$0x14190] =	vst v46  }
0x1b2: {  	v55 =	vld [tilespmem:s4+$0x14210];
	v54 =	vbroadcast v8, $0x6;
	v53 =	vmul.f32 v42, v49;
	[tilespmem:s4+$0x141A0] =	vst v48  }
0x1b3: {  	v57 =	vld [tilespmem:s4+$0x14220];
	v56 =	vmul.f32 v45, v49;
	[tilespmem:s4+$0x141B0] =	vst v51  }
0x1b4: {  	v60 =	vld [tilespmem:s4+$0x14230];
	v59 =	vbroadcast v7, $0x6;
	v58 =	vmul.f32 v47, v54;
	[tilespmem:s4+$0x141C0] =	vst v53  }
0x1b5: {  	v25 =	vld [tilespmem:s4+$0x14150];
	v61 =	vmul.f32 v50, v54;
	[tilespmem:s4+$0x141D0] =	vst v56  }
0x1b6: {  	v20 =	vbroadcast v6, $0x6;
	v32 =	vld [tilespmem:s4+$0x14180];
	v63 =	vmul.f32 v52, v59;
	[tilespmem:s4+$0x141E0] =	vst v58  }
0x1b7: {  	v23 =	vld [tilespmem:s4+$0x14260];
	v22 =	vmul.f32 v55, v59;
	[tilespmem:s4+$0x141F0] =	vst v61  }
0x1b8: {  	v26 =	vld [tilespmem:s4+$0x14270];
	v24 =	vmul.f32 v57, v20;
	[tilespmem:s4+$0x14200] =	vst v63  }
0x1b9: {  	v28 =	vld [tilespmem:s4+$0x14280];
	v27 =	vmul.f32 v60, v20;
	[tilespmem:s4+$0x14210] =	vst v22  }
0x1ba: {  	v62 =	vld [tilespmem:s4+$0x14240];
	v30 =	vbroadcast v8, $0x7;
	v36 =	vmul.f32 v25, v29;
	[tilespmem:s4+$0x14220] =	vst v24  }
0x1bb: {  	v21 =	vld [tilespmem:s4+$0x14250];
	v43 =	vmul.f32 v32, v39;
	[tilespmem:s4+$0x14230] =	vst v27  }
0x1bc: {  	v33 =	vld [tilespmem:s4+$0x142A0];
	v35 =	vbroadcast v7, $0x7;
	v34 =	vmul.f32 v23, v30;
	[tilespmem:s4+$0x14150] =	vst v36  }
0x1bd: {  	v31 =	vld [tilespmem:s4+$0x14290];
	v25 =	vbroadcast v9, $0x7;
	v37 =	vmul.f32 v26, v30;
	[tilespmem:s4+$0x14180] =	vst v43  }
0x1be: {  	v38 =	vld [tilespmem:s4+$0x142C0];
	v39 =	vmul.f32 v28, v35;
	[tilespmem:s4+$0x14260] =	vst v34  }
0x1bf: {  	v40 =	vbroadcast v6, $0x7;
	v41 =	vld [tilespmem:s4+$0x142D0];
	v29 =	vmul.f32 v62, v25;
	[tilespmem:s4+$0x14270] =	vst v37  }
0x1c0: {  	v46 =	vld [tilespmem:s4+$0x142F0];
	v32 =	vmul.f32 v21, v25;
	[tilespmem:s4+$0x14280] =	vst v39  }
0x1c1: {  	v45 =	vbroadcast v9, $0x8;
	v48 =	vld [tilespmem:s4+$0x14300];
	v44 =	vmul.f32 v33, v40;
	[tilespmem:s4+$0x14240] =	vst v29  }
0x1c2: {  	v51 =	vld [tilespmem:s4+$0x14310];
	[tilespmem:s4+$0x14250] =	vst v32;
	v42 =	vmul.f32 v31, v35  }
0x1c3: {  	v50 =	vbroadcast v8, $0x8;
	v53 =	vld [tilespmem:s4+$0x14320];
	[tilespmem:s4+$0x142A0] =	vst v44;
	v49 =	vmul.f32 v38, v45  }
0x1c4: {  	v55 =	vbroadcast v7, $0x8;
	v56 =	vld [tilespmem:s4+$0x14330];
	v52 =	vmul.f32 v41, v45;
	[tilespmem:s4+$0x14290] =	vst v42  }
0x1c5: {  	v58 =	vld [tilespmem:s4+$0x14340];
	v57 =	vmul.f32 v46, v50;
	[tilespmem:s4+$0x142C0] =	vst v49  }
0x1c6: {  	v60 =	vbroadcast v6, $0x8;
	v61 =	vld [tilespmem:s4+$0x14350];
	v59 =	vmul.f32 v48, v55;
	[tilespmem:s4+$0x142D0] =	vst v52  }
0x1c7: {  	v63 =	vld [tilespmem:s4+$0x14360];
	v62 =	vmul.f32 v51, v55;
	[tilespmem:s4+$0x142F0] =	vst v57  }
0x1c8: {  	v22 =	vld [tilespmem:s4+$0x14370];
	v21 =	vbroadcast v9, $0x9;
	v20 =	vmul.f32 v53, v60;
	[tilespmem:s4+$0x14300] =	vst v59  }
0x1c9: {  	v24 =	vld [tilespmem:s4+$0x14380];
	v23 =	vmul.f32 v56, v60;
	[tilespmem:s4+$0x14310] =	vst v62  }
0x1ca: {  	v26 =	vbroadcast v8, $0x9;
	v27 =	vld [tilespmem:s4+$0x14390];
	v25 =	vmul.f32 v58, v21;
	[tilespmem:s4+$0x14320] =	vst v20  }
0x1cb: {  	v36 =	vld [tilespmem:s4+$0x142B0];
	v28 =	vmul.f32 v61, v21;
	[tilespmem:s4+$0x14330] =	vst v23  }
0x1cc: {  	v43 =	vld [tilespmem:s4+$0x142E0];
	v31 =	vbroadcast v7, $0x9;
	v30 =	vmul.f32 v63, v26;
	[tilespmem:s4+$0x14340] =	vst v25  }
0x1cd: {  	v34 =	vld [tilespmem:s4+$0x143C0];
	v33 =	vmul.f32 v22, v26;
	[tilespmem:s4+$0x14350] =	vst v28  }
0x1ce: {  	v37 =	vld [tilespmem:s4+$0x143D0];
	v35 =	vmul.f32 v24, v31;
	[tilespmem:s4+$0x14360] =	vst v30  }
0x1cf: {  	v39 =	vld [tilespmem:s4+$0x143E0];
	v38 =	vmul.f32 v27, v31;
	[tilespmem:s4+$0x14370] =	vst v33  }
0x1d0: {  	v29 =	vld [tilespmem:s4+$0x143A0];
	v41 =	vbroadcast v9, $0xA;
	v47 =	vmul.f32 v36, v40;
	[tilespmem:s4+$0x14380] =	vst v35  }
0x1d1: {  	v32 =	vld [tilespmem:s4+$0x143B0];
	v54 =	vmul.f32 v43, v50;
	[tilespmem:s4+$0x14390] =	vst v38  }
0x1d2: {  	v44 =	vld [tilespmem:s4+$0x14400];
	v46 =	vbroadcast v8, $0xA;
	v45 =	vmul.f32 v34, v41;
	[tilespmem:s4+$0x142B0] =	vst v47  }
0x1d3: {  	v42 =	vld [tilespmem:s4+$0x143F0];
	v36 =	vbroadcast v6, $0x9;
	v48 =	vmul.f32 v37, v41;
	[tilespmem:s4+$0x142E0] =	vst v54  }
0x1d4: {  	v49 =	vld [tilespmem:s4+$0x14420];
	v50 =	vmul.f32 v39, v46;
	[tilespmem:s4+$0x143C0] =	vst v45  }
0x1d5: {  	v51 =	vbroadcast v7, $0xA;
	v52 =	vld [tilespmem:s4+$0x14430];
	v40 =	vmul.f32 v29, v36;
	[tilespmem:s4+$0x143D0] =	vst v48  }
0x1d6: {  	v57 =	vld [tilespmem:s4+$0x14450];
	v43 =	vmul.f32 v32, v36;
	[tilespmem:s4+$0x143E0] =	vst v50  }
0x1d7: {  	v56 =	vbroadcast v6, $0xA;
	v59 =	vld [tilespmem:s4+$0x14460];
	v55 =	vmul.f32 v44, v51;
	[tilespmem:s4+$0x143A0] =	vst v40  }
0x1d8: {  	v62 =	vld [tilespmem:s4+$0x14470];
	[tilespmem:s4+$0x143B0] =	vst v43;
	v53 =	vmul.f32 v42, v46  }
0x1d9: {  	v61 =	vbroadcast v9, $0xB;
	v20 =	vld [tilespmem:s4+$0x14480];
	[tilespmem:s4+$0x14400] =	vst v55;
	v60 =	vmul.f32 v49, v56  }
0x1da: {  	v22 =	vbroadcast v8, $0xB;
	v23 =	vld [tilespmem:s4+$0x14490];
	v63 =	vmul.f32 v52, v56;
	[tilespmem:s4+$0x143F0] =	vst v53  }
0x1db: {  	v25 =	vld [tilespmem:s4+$0x144A0];
	v24 =	vmul.f32 v57, v61;
	[tilespmem:s4+$0x14420] =	vst v60  }
0x1dc: {  	v27 =	vbroadcast v7, $0xB;
	v28 =	vld [tilespmem:s4+$0x144B0];
	v26 =	vmul.f32 v59, v22;
	[tilespmem:s4+$0x14430] =	vst v63  }
0x1dd: {  	v30 =	vld [tilespmem:s4+$0x144C0];
	v29 =	vmul.f32 v62, v22;
	[tilespmem:s4+$0x14450] =	vst v24  }
0x1de: {  	v33 =	vld [tilespmem:s4+$0x144D0];
	v32 =	vbroadcast v6, $0xB;
	v31 =	vmul.f32 v20, v27;
	[tilespmem:s4+$0x14460] =	vst v26  }
0x1df: {  	v35 =	vld [tilespmem:s4+$0x144E0];
	v34 =	vmul.f32 v23, v27;
	[tilespmem:s4+$0x14470] =	vst v29  }
0x1e0: {  	v37 =	vbroadcast v9, $0xC;
	v38 =	vld [tilespmem:s4+$0x144F0];
	v36 =	vmul.f32 v25, v32;
	[tilespmem:s4+$0x14480] =	vst v31  }
0x1e1: {  	v47 =	vld [tilespmem:s4+$0x14410];
	v39 =	vmul.f32 v28, v32;
	[tilespmem:s4+$0x14490] =	vst v34  }
0x1e2: {  	v54 =	vld [tilespmem:s4+$0x14440];
	v42 =	vbroadcast v8, $0xC;
	v41 =	vmul.f32 v30, v37;
	[tilespmem:s4+$0x144A0] =	vst v36  }
0x1e3: {  	v45 =	vld [tilespmem:s4+$0x14520];
	v44 =	vmul.f32 v33, v37;
	[tilespmem:s4+$0x144B0] =	vst v39  }
0x1e4: {  	v48 =	vld [tilespmem:s4+$0x14530];
	v46 =	vmul.f32 v35, v42;
	[tilespmem:s4+$0x144C0] =	vst v41  }
0x1e5: {  	v50 =	vld [tilespmem:s4+$0x14540];
	v49 =	vmul.f32 v38, v42;
	[tilespmem:s4+$0x144D0] =	vst v44  }
0x1e6: {  	v40 =	vld [tilespmem:s4+$0x14500];
	v52 =	vbroadcast v6, $0xC;
	v58 =	vmul.f32 v47, v51;
	[tilespmem:s4+$0x144E0] =	vst v46  }
0x1e7: {  	v43 =	vld [tilespmem:s4+$0x14510];
	v21 =	vmul.f32 v54, v61;
	[tilespmem:s4+$0x144F0] =	vst v49  }
0x1e8: {  	v55 =	vld [tilespmem:s4+$0x14560];
	v57 =	vbroadcast v9, $0xD;
	v56 =	vmul.f32 v45, v52;
	[tilespmem:s4+$0x14410] =	vst v58  }
0x1e9: {  	v22 =	vld [tilespmem:s4+$0x145A0];
	v47 =	vbroadcast v7, $0xC;
	v59 =	vmul.f32 v48, v52;
	[tilespmem:s4+$0x14440] =	vst v21  }
0x1ea: {  	v25 =	vld [tilespmem:s4+$0x145B0];
	v61 =	vmul.f32 v50, v57;
	[tilespmem:s4+$0x14520] =	vst v56  }
0x1eb: {  	v62 =	vbroadcast v8, $0xD;
	v27 =	vld [tilespmem:s4+$0x145C0];
	v51 =	vmul.f32 v40, v47;
	[tilespmem:s4+$0x14530] =	vst v59  }
0x1ec: {  	v30 =	vld [tilespmem:s4+$0x145D0];
	v29 =	vbroadcast v6, $0xD;
	v54 =	vmul.f32 v43, v47;
	[tilespmem:s4+$0x14540] =	vst v61  }
0x1ed: {  	v32 =	vld [tilespmem:s4+$0x145E0];
	v23 =	vmul.f32 v55, v62;
	[tilespmem:s4+$0x14500] =	vst v51  }
0x1ee: {  	v37 =	vld [tilespmem:s4+$0x14600];
	v34 =	vbroadcast v9, $0xE;
	v33 =	vmul.f32 v22, v29;
	[tilespmem:s4+$0x14510] =	vst v54  }
0x1ef: {  	v53 =	vld [tilespmem:s4+$0x14550];
	v36 =	vmul.f32 v25, v29;
	[tilespmem:s4+$0x14560] =	vst v23  }
0x1f0: {  	v60 =	vld [tilespmem:s4+$0x14580];
	v39 =	vbroadcast v8, $0xE;
	v38 =	vmul.f32 v27, v34;
	[tilespmem:s4+$0x145A0] =	vst v33  }
0x1f1: {  	v35 =	vld [tilespmem:s4+$0x145F0];
	v44 =	vbroadcast v7, $0xE;
	v41 =	vmul.f32 v30, v34;
	[tilespmem:s4+$0x145B0] =	vst v36  }
0x1f2: {  	v42 =	vld [tilespmem:s4+$0x14620];
	v43 =	vmul.f32 v32, v39;
	[tilespmem:s4+$0x145C0] =	vst v38  }
0x1f3: {  	v63 =	vld [tilespmem:s4+$0x14590];
	v24 =	vbroadcast v7, $0xD;
	v48 =	vmul.f32 v37, v44;
	[tilespmem:s4+$0x145D0] =	vst v41  }
0x1f4: {  	v45 =	vld [tilespmem:s4+$0x14630];
	v21 =	vmul.f32 v53, v57;
	[tilespmem:s4+$0x145E0] =	vst v43  }
0x1f5: {  	v52 =	vld [tilespmem:s4+$0x14660];
	v49 =	vbroadcast v6, $0xE;
	v28 =	vmul.f32 v60, v24;
	[tilespmem:s4+$0x14600] =	vst v48  }
0x1f6: {  	v58 =	vld [tilespmem:s4+$0x14570];
	v46 =	vmul.f32 v35, v39;
	[tilespmem:s4+$0x14550] =	vst v21  }
0x1f7: {  	v40 =	vld [tilespmem:s4+$0x14610];
	v53 =	vmul.f32 v42, v49;
	[tilespmem:s4+$0x14580] =	vst v28  }
0x1f8: {  	v8 =	vbroadcast v8, $0xF;
	v47 =	vld [tilespmem:s4+$0x14640];
	v31 =	vmul.f32 v63, v24;
	[tilespmem:s4+$0x145F0] =	vst v46  }
0x1f9: {  	v50 =	vld [tilespmem:s4+$0x14650];
	v55 =	vmul.f32 v45, v49;
	[tilespmem:s4+$0x14620] =	vst v53  }
0x1fa: {  	v56 =	vld [tilespmem:s4+$0x14680];
	v60 =	vmul.f32 v52, v8;
	[tilespmem:s4+$0x14590] =	vst v31  }
0x1fb: {  	v9 =	vbroadcast v9, $0xF;
	v59 =	vld [tilespmem:s4+$0x146A0];
	v26 =	vmul.f32 v58, v62;
	[tilespmem:s4+$0x14630] =	vst v55  }
0x1fc: {  	v61 =	vld [tilespmem:s4+$0x146B0];
	v51 =	vmul.f32 v40, v44;
	[tilespmem:s4+$0x14660] =	vst v60  }
0x1fd: {  	v7 =	vbroadcast v7, $0xF;
	v54 =	vld [tilespmem:s4+$0x14670];
	v57 =	vmul.f32 v47, v9;
	[tilespmem:s4+$0x14570] =	vst v26  }
0x1fe: {  	v6 =	vbroadcast v6, $0xF;
	v58 =	vld [tilespmem:s4+$0x14690];
	v9 =	vmul.f32 v50, v9;
	[tilespmem:s4+$0x14610] =	vst v51  }
0x1ff: {  	v62 =	vmul.f32 v56, v7;
	[tilespmem:s4+$0x14640] =	vst v57  }
0x200: {  	p1 =	sne.s32 s31, $0x4;
	v63 =	vmul.f32 v59, v6;
	[tilespmem:s4+$0x14650] =	vst v9  }
.Ltmp9:
0x201: {  	v6 =	vmul.f32 v61, v6;
	[tilespmem:s4+$0x14680] =	vst v62;
	(pc) =	sbr.rel @p1 .LBB2_9-.Ltmp9, $4  }
0x202: {  	v8 =	vmul.f32 v54, v8;
	[tilespmem:s4+$0x146A0] =	vst v63  }
0x203: {  	[tilespmem:s4+$0x146B0] =	vst v6;
	v7 =	vmul.f32 v58, v7  }
0x204: {  	[tilespmem:s4+$0x14670] =	vst v8  }
0x205: {  	s31 =	sadd.s32 $0x1, s31;
	[tilespmem:s4+$0x14690] =	vst v7  }
.Ltmp10:
0x206: {  	(pc) =	sbr.rel @!p0 .LBB2_14-.Ltmp10, $3  }
0x207: {  	_ =	sdelay $0x1  }
0x208: {  	s0 =	sadd.s32 $0x13D30, s30  }
0x209: {  	[spmem:s3] =	stream.indirect.scatter.add.f32 [tilespmem:s15], [sflag:$0x4], $0x80, s0, s20, $0xb8;
	[tilespmem:$0x1AE40] =	vst v63  }
0x20a: {  	_ =	swait.ge [sflag:s24], $0x2800  }
0x20b: {  	[sflag:s24] =	ssyncset.done $0x0  }
0x20c: {  	s0 =	sadd.s32 $0x13AB0, s30;
	s31 =	sadd.s32 $0x1A7C0, s29;
	[sflag:s24] =	ssyncadd.s32 $0xFFFFD800  }
0x20d: {  	[tilespmem:s15], [sflag:$0x2] =	stream.indirect.gather [hbm4b:s6+s20], $0x80, s0, s20, $0xb8;
	[tilespmem:$0x1AE40] =	vst v63  }
0x20e: {  	v5 =	vmov s31;
	_ =	swait.ge [sflag:s25], $0x2800  }
0x20f: {  	[sflag:s25] =	ssyncset.done $0x0  }
0x210: {  	s30 =	simm.s32 $0x0;
	[sflag:s25] =	ssyncadd.s32 $0xFFFFD800  }
.LBB2_12:
0x211: {  	s0 =	sshll.u32 s30, $0x4  }
0x212: {  	s0 =	sand.u32 $0x3FFFFFF0, s0  }
0x213: {  	v9 =	vld.idx.msk [tilespmem:v5+s0+$0x0 ss:$0x1], $0xffff  }
0x214: {  	v8 =	vld.idx.msk [tilespmem:v5+s0+$0x190 ss:$0x1], $0xffff  }
0x215: {  	s4 =	sshll.u32 s30, $0xB;
	v7 =	vld.idx.msk [tilespmem:v5+s0+$0x320 ss:$0x1], $0xffff  }
0x216: {  	s31 =	sand.u32 $0x3FFFF800, s4;
	v6 =	vld.idx.msk [tilespmem:v5+s0+$0x4B0 ss:$0x1], $0xffff  }
0x217: {  	v10 =	vld [tilespmem:s31+$0x166C0]  }
0x218: {  	v11 =	vld [tilespmem:s31+$0x166D0]  }
0x219: {  	v12 =	vld [tilespmem:s31+$0x166E0]  }
0x21a: {  	v14 =	vld [tilespmem:s31+$0x166F0];
	v13 =	vbroadcast v9, $0x0  }
0x21b: {  	v15 =	vld [tilespmem:s31+$0x16700]  }
0x21c: {  	v17 =	vld [tilespmem:s31+$0x16710];
	v16 =	vbroadcast v8, $0x0;
	v10 =	vmul.f32 v10, v13  }
0x21d: {  	v24 =	vld [tilespmem:s31+$0x16720];
	v11 =	vmul.f32 v11, v13  }
0x21e: {  	v18 =	vld [tilespmem:s31+$0x16730];
	v26 =	vbroadcast v7, $0x0;
	v25 =	vmul.f32 v12, v16;
	[tilespmem:s31+$0x166C0] =	vst v10  }
0x21f: {  	v28 =	vld [tilespmem:s31+$0x16740];
	v27 =	vmul.f32 v14, v16;
	[tilespmem:s31+$0x166D0] =	vst v11  }
0x220: {  	v31 =	vld [tilespmem:s31+$0x16750];
	v30 =	vbroadcast v6, $0x0;
	v29 =	vmul.f32 v15, v26;
	[tilespmem:s31+$0x166E0] =	vst v25  }
0x221: {  	v33 =	vld [tilespmem:s31+$0x16760];
	v32 =	vmul.f32 v17, v26;
	[tilespmem:s31+$0x166F0] =	vst v27  }
0x222: {  	v36 =	vld [tilespmem:s31+$0x16770];
	v35 =	vbroadcast v9, $0x1;
	v34 =	vmul.f32 v24, v30;
	[tilespmem:s31+$0x16700] =	vst v29  }
0x223: {  	v38 =	vld [tilespmem:s31+$0x16780];
	v37 =	vmul.f32 v18, v30;
	[tilespmem:s31+$0x16710] =	vst v32  }
0x224: {  	v41 =	vld [tilespmem:s31+$0x16790];
	v40 =	vbroadcast v8, $0x1;
	v39 =	vmul.f32 v28, v35;
	[tilespmem:s31+$0x16720] =	vst v34  }
0x225: {  	v43 =	vld [tilespmem:s31+$0x167A0];
	v42 =	vmul.f32 v31, v35;
	[tilespmem:s31+$0x16730] =	vst v37  }
0x226: {  	v46 =	vld [tilespmem:s31+$0x167B0];
	v45 =	vbroadcast v7, $0x1;
	v44 =	vmul.f32 v33, v40;
	[tilespmem:s31+$0x16740] =	vst v39  }
0x227: {  	v48 =	vld [tilespmem:s31+$0x167C0];
	v47 =	vmul.f32 v36, v40;
	[tilespmem:s31+$0x16750] =	vst v42  }
0x228: {  	v51 =	vld [tilespmem:s31+$0x167D0];
	v50 =	vbroadcast v6, $0x1;
	v49 =	vmul.f32 v38, v45;
	[tilespmem:s31+$0x16760] =	vst v44  }
0x229: {  	v53 =	vld [tilespmem:s31+$0x167E0];
	v52 =	vmul.f32 v41, v45;
	[tilespmem:s31+$0x16770] =	vst v47  }
0x22a: {  	v56 =	vld [tilespmem:s31+$0x167F0];
	v55 =	vbroadcast v9, $0x2;
	v54 =	vmul.f32 v43, v50;
	[tilespmem:s31+$0x16780] =	vst v49  }
0x22b: {  	v58 =	vld [tilespmem:s31+$0x16800];
	v57 =	vmul.f32 v46, v50;
	[tilespmem:s31+$0x16790] =	vst v52  }
0x22c: {  	v61 =	vld [tilespmem:s31+$0x16810];
	v60 =	vbroadcast v8, $0x2;
	v59 =	vmul.f32 v48, v55;
	[tilespmem:s31+$0x167A0] =	vst v54  }
0x22d: {  	v63 =	vld [tilespmem:s31+$0x16820];
	v62 =	vmul.f32 v51, v55;
	[tilespmem:s31+$0x167B0] =	vst v57  }
0x22e: {  	v23 =	vld [tilespmem:s31+$0x16830];
	v22 =	vbroadcast v7, $0x2;
	v21 =	vmul.f32 v53, v60;
	[tilespmem:s31+$0x167C0] =	vst v59  }
0x22f: {  	v24 =	vmul.f32 v56, v60;
	v28 =	vld [tilespmem:s31+$0x16850];
	[tilespmem:s31+$0x167D0] =	vst v62  }
0x230: {  	v26 =	vmul.f32 v58, v22;
	v30 =	vld [tilespmem:s31+$0x16860];
	[tilespmem:s31+$0x167E0] =	vst v21;
	v27 =	vbroadcast v6, $0x2  }
0x231: {  	v33 =	vld [tilespmem:s31+$0x16870];
	[tilespmem:s31+$0x167F0] =	vst v24;
	v29 =	vmul.f32 v61, v22  }
0x232: {  	v35 =	vld [tilespmem:s31+$0x16880];
	[tilespmem:s31+$0x16800] =	vst v26;
	v32 =	vbroadcast v9, $0x3;
	v31 =	vmul.f32 v63, v27  }
0x233: {  	v38 =	vld [tilespmem:s31+$0x16890];
	v37 =	vbroadcast v8, $0x3;
	[tilespmem:s31+$0x16810] =	vst v29;
	v34 =	vmul.f32 v23, v27  }
0x234: {  	v40 =	vld [tilespmem:s31+$0x168A0];
	v39 =	vmul.f32 v28, v32;
	[tilespmem:s31+$0x16820] =	vst v31  }
0x235: {  	v43 =	vld [tilespmem:s31+$0x168B0];
	v42 =	vbroadcast v7, $0x3;
	v41 =	vmul.f32 v30, v37;
	[tilespmem:s31+$0x16830] =	vst v34  }
0x236: {  	v45 =	vld [tilespmem:s31+$0x168C0];
	v44 =	vmul.f32 v33, v37;
	[tilespmem:s31+$0x16850] =	vst v39  }
0x237: {  	v48 =	vld [tilespmem:s31+$0x168D0];
	v47 =	vbroadcast v6, $0x3;
	v46 =	vmul.f32 v35, v42;
	[tilespmem:s31+$0x16860] =	vst v41  }
0x238: {  	v50 =	vld [tilespmem:s31+$0x168E0];
	v49 =	vmul.f32 v38, v42;
	[tilespmem:s31+$0x16870] =	vst v44  }
0x239: {  	v53 =	vld [tilespmem:s31+$0x168F0];
	v52 =	vbroadcast v9, $0x4;
	v51 =	vmul.f32 v40, v47;
	[tilespmem:s31+$0x16880] =	vst v46  }
0x23a: {  	v55 =	vld [tilespmem:s31+$0x16900];
	v54 =	vmul.f32 v43, v47;
	[tilespmem:s31+$0x16890] =	vst v49  }
0x23b: {  	v58 =	vld [tilespmem:s31+$0x16910];
	v57 =	vbroadcast v8, $0x4;
	v56 =	vmul.f32 v45, v52;
	[tilespmem:s31+$0x168A0] =	vst v51  }
0x23c: {  	v60 =	vld [tilespmem:s31+$0x16920];
	v59 =	vmul.f32 v48, v52;
	[tilespmem:s31+$0x168B0] =	vst v54  }
0x23d: {  	v25 =	vld [tilespmem:s31+$0x16840];
	v62 =	vbroadcast v7, $0x4;
	v61 =	vmul.f32 v50, v57;
	[tilespmem:s31+$0x168C0] =	vst v56  }
0x23e: {  	v22 =	vld [tilespmem:s31+$0x16940];
	v21 =	vmul.f32 v53, v57;
	[tilespmem:s31+$0x168D0] =	vst v59  }
0x23f: {  	v24 =	vbroadcast v6, $0x4;
	v63 =	vld [tilespmem:s31+$0x16930];
	v23 =	vmul.f32 v55, v62;
	[tilespmem:s31+$0x168E0] =	vst v61  }
0x240: {  	v27 =	vld [tilespmem:s31+$0x16960];
	v26 =	vmul.f32 v58, v62;
	[tilespmem:s31+$0x168F0] =	vst v21  }
0x241: {  	v29 =	vbroadcast v9, $0x5;
	v28 =	vmul.f32 v60, v24;
	v30 =	vld [tilespmem:s31+$0x16970];
	[tilespmem:s31+$0x16900] =	vst v23  }
0x242: {  	v35 =	vld [tilespmem:s31+$0x16990];
	v36 =	vmul.f32 v25, v32;
	[tilespmem:s31+$0x16910] =	vst v26  }
0x243: {  	v37 =	vld [tilespmem:s31+$0x169A0];
	v34 =	vbroadcast v8, $0x5;
	[tilespmem:s31+$0x16920] =	vst v28;
	v33 =	vmul.f32 v22, v29  }
0x244: {  	v40 =	vld [tilespmem:s31+$0x169B0];
	[tilespmem:s31+$0x16840] =	vst v36;
	v31 =	vmul.f32 v63, v24  }
0x245: {  	v42 =	vld [tilespmem:s31+$0x169C0];
	v39 =	vbroadcast v7, $0x5;
	[tilespmem:s31+$0x16940] =	vst v33;
	v38 =	vmul.f32 v27, v34  }
0x246: {  	v45 =	vld [tilespmem:s31+$0x169D0];
	v44 =	vbroadcast v6, $0x5;
	v41 =	vmul.f32 v30, v34;
	[tilespmem:s31+$0x16930] =	vst v31  }
0x247: {  	v47 =	vld [tilespmem:s31+$0x169E0];
	v46 =	vmul.f32 v35, v39;
	[tilespmem:s31+$0x16960] =	vst v38  }
0x248: {  	v50 =	vld [tilespmem:s31+$0x169F0];
	v49 =	vbroadcast v9, $0x6;
	v48 =	vmul.f32 v37, v44;
	[tilespmem:s31+$0x16970] =	vst v41  }
0x249: {  	v52 =	vld [tilespmem:s31+$0x16A00];
	v51 =	vmul.f32 v40, v44;
	[tilespmem:s31+$0x16990] =	vst v46  }
0x24a: {  	v55 =	vld [tilespmem:s31+$0x16A10];
	v54 =	vbroadcast v8, $0x6;
	v53 =	vmul.f32 v42, v49;
	[tilespmem:s31+$0x169A0] =	vst v48  }
0x24b: {  	v57 =	vld [tilespmem:s31+$0x16A20];
	v56 =	vmul.f32 v45, v49;
	[tilespmem:s31+$0x169B0] =	vst v51  }
0x24c: {  	v60 =	vld [tilespmem:s31+$0x16A30];
	v59 =	vbroadcast v7, $0x6;
	v58 =	vmul.f32 v47, v54;
	[tilespmem:s31+$0x169C0] =	vst v53  }
0x24d: {  	v25 =	vld [tilespmem:s31+$0x16950];
	v61 =	vmul.f32 v50, v54;
	[tilespmem:s31+$0x169D0] =	vst v56  }
0x24e: {  	v20 =	vbroadcast v6, $0x6;
	v32 =	vld [tilespmem:s31+$0x16980];
	v63 =	vmul.f32 v52, v59;
	[tilespmem:s31+$0x169E0] =	vst v58  }
0x24f: {  	v23 =	vld [tilespmem:s31+$0x16A60];
	v22 =	vmul.f32 v55, v59;
	[tilespmem:s31+$0x169F0] =	vst v61  }
0x250: {  	v26 =	vld [tilespmem:s31+$0x16A70];
	v24 =	vmul.f32 v57, v20;
	[tilespmem:s31+$0x16A00] =	vst v63  }
0x251: {  	v28 =	vld [tilespmem:s31+$0x16A80];
	v27 =	vmul.f32 v60, v20;
	[tilespmem:s31+$0x16A10] =	vst v22  }
0x252: {  	v62 =	vld [tilespmem:s31+$0x16A40];
	v30 =	vbroadcast v8, $0x7;
	v36 =	vmul.f32 v25, v29;
	[tilespmem:s31+$0x16A20] =	vst v24  }
0x253: {  	v21 =	vld [tilespmem:s31+$0x16A50];
	v43 =	vmul.f32 v32, v39;
	[tilespmem:s31+$0x16A30] =	vst v27  }
0x254: {  	v33 =	vld [tilespmem:s31+$0x16AA0];
	v35 =	vbroadcast v7, $0x7;
	v34 =	vmul.f32 v23, v30;
	[tilespmem:s31+$0x16950] =	vst v36  }
0x255: {  	v31 =	vld [tilespmem:s31+$0x16A90];
	v25 =	vbroadcast v9, $0x7;
	v37 =	vmul.f32 v26, v30;
	[tilespmem:s31+$0x16980] =	vst v43  }
0x256: {  	v38 =	vld [tilespmem:s31+$0x16AC0];
	v39 =	vmul.f32 v28, v35;
	[tilespmem:s31+$0x16A60] =	vst v34  }
0x257: {  	v40 =	vbroadcast v6, $0x7;
	v41 =	vld [tilespmem:s31+$0x16AD0];
	v29 =	vmul.f32 v62, v25;
	[tilespmem:s31+$0x16A70] =	vst v37  }
0x258: {  	v46 =	vld [tilespmem:s31+$0x16AF0];
	v32 =	vmul.f32 v21, v25;
	[tilespmem:s31+$0x16A80] =	vst v39  }
0x259: {  	v45 =	vbroadcast v9, $0x8;
	v48 =	vld [tilespmem:s31+$0x16B00];
	v44 =	vmul.f32 v33, v40;
	[tilespmem:s31+$0x16A40] =	vst v29  }
0x25a: {  	v51 =	vld [tilespmem:s31+$0x16B10];
	[tilespmem:s31+$0x16A50] =	vst v32;
	v42 =	vmul.f32 v31, v35  }
0x25b: {  	v50 =	vbroadcast v8, $0x8;
	v53 =	vld [tilespmem:s31+$0x16B20];
	[tilespmem:s31+$0x16AA0] =	vst v44;
	v49 =	vmul.f32 v38, v45  }
0x25c: {  	v55 =	vbroadcast v7, $0x8;
	v56 =	vld [tilespmem:s31+$0x16B30];
	v52 =	vmul.f32 v41, v45;
	[tilespmem:s31+$0x16A90] =	vst v42  }
0x25d: {  	v58 =	vld [tilespmem:s31+$0x16B40];
	v57 =	vmul.f32 v46, v50;
	[tilespmem:s31+$0x16AC0] =	vst v49  }
0x25e: {  	v60 =	vbroadcast v6, $0x8;
	v61 =	vld [tilespmem:s31+$0x16B50];
	v59 =	vmul.f32 v48, v55;
	[tilespmem:s31+$0x16AD0] =	vst v52  }
0x25f: {  	v63 =	vld [tilespmem:s31+$0x16B60];
	v62 =	vmul.f32 v51, v55;
	[tilespmem:s31+$0x16AF0] =	vst v57  }
0x260: {  	v22 =	vld [tilespmem:s31+$0x16B70];
	v21 =	vbroadcast v9, $0x9;
	v20 =	vmul.f32 v53, v60;
	[tilespmem:s31+$0x16B00] =	vst v59  }
0x261: {  	v24 =	vld [tilespmem:s31+$0x16B80];
	v23 =	vmul.f32 v56, v60;
	[tilespmem:s31+$0x16B10] =	vst v62  }
0x262: {  	v26 =	vbroadcast v8, $0x9;
	v27 =	vld [tilespmem:s31+$0x16B90];
	v25 =	vmul.f32 v58, v21;
	[tilespmem:s31+$0x16B20] =	vst v20  }
0x263: {  	v36 =	vld [tilespmem:s31+$0x16AB0];
	v28 =	vmul.f32 v61, v21;
	[tilespmem:s31+$0x16B30] =	vst v23  }
0x264: {  	v43 =	vld [tilespmem:s31+$0x16AE0];
	v31 =	vbroadcast v7, $0x9;
	v30 =	vmul.f32 v63, v26;
	[tilespmem:s31+$0x16B40] =	vst v25  }
0x265: {  	v34 =	vld [tilespmem:s31+$0x16BC0];
	v33 =	vmul.f32 v22, v26;
	[tilespmem:s31+$0x16B50] =	vst v28  }
0x266: {  	v37 =	vld [tilespmem:s31+$0x16BD0];
	v35 =	vmul.f32 v24, v31;
	[tilespmem:s31+$0x16B60] =	vst v30  }
0x267: {  	v39 =	vld [tilespmem:s31+$0x16BE0];
	v38 =	vmul.f32 v27, v31;
	[tilespmem:s31+$0x16B70] =	vst v33  }
0x268: {  	v29 =	vld [tilespmem:s31+$0x16BA0];
	v41 =	vbroadcast v9, $0xA;
	v47 =	vmul.f32 v36, v40;
	[tilespmem:s31+$0x16B80] =	vst v35  }
0x269: {  	v32 =	vld [tilespmem:s31+$0x16BB0];
	v54 =	vmul.f32 v43, v50;
	[tilespmem:s31+$0x16B90] =	vst v38  }
0x26a: {  	v44 =	vld [tilespmem:s31+$0x16C00];
	v46 =	vbroadcast v8, $0xA;
	v45 =	vmul.f32 v34, v41;
	[tilespmem:s31+$0x16AB0] =	vst v47  }
0x26b: {  	v42 =	vld [tilespmem:s31+$0x16BF0];
	v36 =	vbroadcast v6, $0x9;
	v48 =	vmul.f32 v37, v41;
	[tilespmem:s31+$0x16AE0] =	vst v54  }
0x26c: {  	v49 =	vld [tilespmem:s31+$0x16C20];
	v50 =	vmul.f32 v39, v46;
	[tilespmem:s31+$0x16BC0] =	vst v45  }
0x26d: {  	v51 =	vbroadcast v7, $0xA;
	v52 =	vld [tilespmem:s31+$0x16C30];
	v40 =	vmul.f32 v29, v36;
	[tilespmem:s31+$0x16BD0] =	vst v48  }
0x26e: {  	v57 =	vld [tilespmem:s31+$0x16C50];
	v43 =	vmul.f32 v32, v36;
	[tilespmem:s31+$0x16BE0] =	vst v50  }
0x26f: {  	v56 =	vbroadcast v6, $0xA;
	v59 =	vld [tilespmem:s31+$0x16C60];
	v55 =	vmul.f32 v44, v51;
	[tilespmem:s31+$0x16BA0] =	vst v40  }
0x270: {  	v62 =	vld [tilespmem:s31+$0x16C70];
	[tilespmem:s31+$0x16BB0] =	vst v43;
	v53 =	vmul.f32 v42, v46  }
0x271: {  	v61 =	vbroadcast v9, $0xB;
	v20 =	vld [tilespmem:s31+$0x16C80];
	[tilespmem:s31+$0x16C00] =	vst v55;
	v60 =	vmul.f32 v49, v56  }
0x272: {  	v22 =	vbroadcast v8, $0xB;
	v23 =	vld [tilespmem:s31+$0x16C90];
	v63 =	vmul.f32 v52, v56;
	[tilespmem:s31+$0x16BF0] =	vst v53  }
0x273: {  	v25 =	vld [tilespmem:s31+$0x16CA0];
	v24 =	vmul.f32 v57, v61;
	[tilespmem:s31+$0x16C20] =	vst v60  }
0x274: {  	v27 =	vbroadcast v7, $0xB;
	v28 =	vld [tilespmem:s31+$0x16CB0];
	v26 =	vmul.f32 v59, v22;
	[tilespmem:s31+$0x16C30] =	vst v63  }
0x275: {  	v30 =	vld [tilespmem:s31+$0x16CC0];
	v29 =	vmul.f32 v62, v22;
	[tilespmem:s31+$0x16C50] =	vst v24  }
0x276: {  	v33 =	vld [tilespmem:s31+$0x16CD0];
	v32 =	vbroadcast v6, $0xB;
	v31 =	vmul.f32 v20, v27;
	[tilespmem:s31+$0x16C60] =	vst v26  }
0x277: {  	v35 =	vld [tilespmem:s31+$0x16CE0];
	v34 =	vmul.f32 v23, v27;
	[tilespmem:s31+$0x16C70] =	vst v29  }
0x278: {  	v37 =	vbroadcast v9, $0xC;
	v38 =	vld [tilespmem:s31+$0x16CF0];
	v36 =	vmul.f32 v25, v32;
	[tilespmem:s31+$0x16C80] =	vst v31  }
0x279: {  	v47 =	vld [tilespmem:s31+$0x16C10];
	v39 =	vmul.f32 v28, v32;
	[tilespmem:s31+$0x16C90] =	vst v34  }
0x27a: {  	v54 =	vld [tilespmem:s31+$0x16C40];
	v42 =	vbroadcast v8, $0xC;
	v41 =	vmul.f32 v30, v37;
	[tilespmem:s31+$0x16CA0] =	vst v36  }
0x27b: {  	v45 =	vld [tilespmem:s31+$0x16D20];
	v44 =	vmul.f32 v33, v37;
	[tilespmem:s31+$0x16CB0] =	vst v39  }
0x27c: {  	v48 =	vld [tilespmem:s31+$0x16D30];
	v46 =	vmul.f32 v35, v42;
	[tilespmem:s31+$0x16CC0] =	vst v41  }
0x27d: {  	v50 =	vld [tilespmem:s31+$0x16D40];
	v49 =	vmul.f32 v38, v42;
	[tilespmem:s31+$0x16CD0] =	vst v44  }
0x27e: {  	v40 =	vld [tilespmem:s31+$0x16D00];
	v52 =	vbroadcast v6, $0xC;
	v58 =	vmul.f32 v47, v51;
	[tilespmem:s31+$0x16CE0] =	vst v46  }
0x27f: {  	v43 =	vld [tilespmem:s31+$0x16D10];
	v21 =	vmul.f32 v54, v61;
	[tilespmem:s31+$0x16CF0] =	vst v49  }
0x280: {  	v55 =	vld [tilespmem:s31+$0x16D60];
	v57 =	vbroadcast v9, $0xD;
	v56 =	vmul.f32 v45, v52;
	[tilespmem:s31+$0x16C10] =	vst v58  }
0x281: {  	v22 =	vld [tilespmem:s31+$0x16DA0];
	v47 =	vbroadcast v7, $0xC;
	v59 =	vmul.f32 v48, v52;
	[tilespmem:s31+$0x16C40] =	vst v21  }
0x282: {  	v25 =	vld [tilespmem:s31+$0x16DB0];
	v61 =	vmul.f32 v50, v57;
	[tilespmem:s31+$0x16D20] =	vst v56  }
0x283: {  	v62 =	vbroadcast v8, $0xD;
	v27 =	vld [tilespmem:s31+$0x16DC0];
	v51 =	vmul.f32 v40, v47;
	[tilespmem:s31+$0x16D30] =	vst v59  }
0x284: {  	v30 =	vld [tilespmem:s31+$0x16DD0];
	v29 =	vbroadcast v6, $0xD;
	v54 =	vmul.f32 v43, v47;
	[tilespmem:s31+$0x16D40] =	vst v61  }
0x285: {  	v32 =	vld [tilespmem:s31+$0x16DE0];
	v23 =	vmul.f32 v55, v62;
	[tilespmem:s31+$0x16D00] =	vst v51  }
0x286: {  	v37 =	vld [tilespmem:s31+$0x16E00];
	v34 =	vbroadcast v9, $0xE;
	v33 =	vmul.f32 v22, v29;
	[tilespmem:s31+$0x16D10] =	vst v54  }
0x287: {  	v53 =	vld [tilespmem:s31+$0x16D50];
	v36 =	vmul.f32 v25, v29;
	[tilespmem:s31+$0x16D60] =	vst v23  }
0x288: {  	v60 =	vld [tilespmem:s31+$0x16D80];
	v39 =	vbroadcast v8, $0xE;
	v38 =	vmul.f32 v27, v34;
	[tilespmem:s31+$0x16DA0] =	vst v33  }
0x289: {  	v35 =	vld [tilespmem:s31+$0x16DF0];
	v44 =	vbroadcast v7, $0xE;
	v41 =	vmul.f32 v30, v34;
	[tilespmem:s31+$0x16DB0] =	vst v36  }
0x28a: {  	v42 =	vld [tilespmem:s31+$0x16E20];
	v43 =	vmul.f32 v32, v39;
	[tilespmem:s31+$0x16DC0] =	vst v38  }
0x28b: {  	v63 =	vld [tilespmem:s31+$0x16D90];
	v24 =	vbroadcast v7, $0xD;
	v48 =	vmul.f32 v37, v44;
	[tilespmem:s31+$0x16DD0] =	vst v41  }
0x28c: {  	v45 =	vld [tilespmem:s31+$0x16E30];
	v21 =	vmul.f32 v53, v57;
	[tilespmem:s31+$0x16DE0] =	vst v43  }
0x28d: {  	v52 =	vld [tilespmem:s31+$0x16E60];
	v49 =	vbroadcast v6, $0xE;
	v28 =	vmul.f32 v60, v24;
	[tilespmem:s31+$0x16E00] =	vst v48  }
0x28e: {  	v58 =	vld [tilespmem:s31+$0x16D70];
	v46 =	vmul.f32 v35, v39;
	[tilespmem:s31+$0x16D50] =	vst v21  }
0x28f: {  	v40 =	vld [tilespmem:s31+$0x16E10];
	v53 =	vmul.f32 v42, v49;
	[tilespmem:s31+$0x16D80] =	vst v28  }
0x290: {  	v8 =	vbroadcast v8, $0xF;
	v47 =	vld [tilespmem:s31+$0x16E40];
	v31 =	vmul.f32 v63, v24;
	[tilespmem:s31+$0x16DF0] =	vst v46  }
0x291: {  	v50 =	vld [tilespmem:s31+$0x16E50];
	v55 =	vmul.f32 v45, v49;
	[tilespmem:s31+$0x16E20] =	vst v53  }
0x292: {  	v56 =	vld [tilespmem:s31+$0x16E80];
	v60 =	vmul.f32 v52, v8;
	[tilespmem:s31+$0x16D90] =	vst v31  }
0x293: {  	v9 =	vbroadcast v9, $0xF;
	v59 =	vld [tilespmem:s31+$0x16EA0];
	v26 =	vmul.f32 v58, v62;
	[tilespmem:s31+$0x16E30] =	vst v55  }
0x294: {  	v61 =	vld [tilespmem:s31+$0x16EB0];
	v51 =	vmul.f32 v40, v44;
	[tilespmem:s31+$0x16E60] =	vst v60  }
0x295: {  	v7 =	vbroadcast v7, $0xF;
	v54 =	vld [tilespmem:s31+$0x16E70];
	v57 =	vmul.f32 v47, v9;
	[tilespmem:s31+$0x16D70] =	vst v26  }
0x296: {  	v6 =	vbroadcast v6, $0xF;
	v58 =	vld [tilespmem:s31+$0x16E90];
	v9 =	vmul.f32 v50, v9;
	[tilespmem:s31+$0x16E10] =	vst v51  }
0x297: {  	v62 =	vmul.f32 v56, v7;
	[tilespmem:s31+$0x16E40] =	vst v57  }
0x298: {  	p0 =	sne.s32 s30, $0x4;
	v63 =	vmul.f32 v59, v6;
	[tilespmem:s31+$0x16E50] =	vst v9  }
.Ltmp11:
0x299: {  	v6 =	vmul.f32 v61, v6;
	[tilespmem:s31+$0x16E80] =	vst v62;
	(pc) =	sbr.rel @p0 .LBB2_12-.Ltmp11, $4  }
0x29a: {  	v8 =	vmul.f32 v54, v8;
	[tilespmem:s31+$0x16EA0] =	vst v63  }
0x29b: {  	[tilespmem:s31+$0x16EB0] =	vst v6;
	v7 =	vmul.f32 v58, v7  }
0x29c: {  	[tilespmem:s31+$0x16E70] =	vst v8  }
0x29d: {  	s30 =	sadd.s32 $0x1, s30;
	[tilespmem:s31+$0x16E90] =	vst v7  }
.Ltmp12:
0x29e: {  	(pc) =	sbr.rel .LBB2_14-.Ltmp12, $3  }
0x29f: {  	_ =	sdelay $0x1  }
0x2a0: {  	s0 =	sadd.s32 $0x13D30, s29  }
0x2a1: {  	[spmem:s3] =	stream.indirect.scatter.add.f32 [tilespmem:s17], [sflag:$0x5], $0x80, s0, s20, $0xb8;
	[tilespmem:$0x1AE40] =	vst v63  }
.LBB2_17:
0x2a2: {  	_ =	sfence.sel $0x180000  }
0x2a3: {  	[bflag:$0x0] =	sbarrier.arrive $0xFFFF  }
0x2a4: {  	_ =	strace $0x90000047  }
0x2a5: {  	s0 =	stileid.u32;
	[bflag:$0x2] =	sbarrier.arrive $0xFFFF  }
0x2a6: {  	p0 =	sne.s32 s0, $0x0;
	s0 =	rddreg [dreg:$0x4]  }
0x2a7: {  	s0 =	sadd.s32 @!p0 $0x100000, s0  }
0x2a8: {  	[sflag:s0] =	ssyncadd.tile.s32 @!p0 $0x1;
	_ =	shalt  }
.Lfunc_end2:
_tile_overlayer_lowered:
.L_overlay_start_2:
0x2a9: {  	(tag) =	ssettag $0x2  }
0x2aa: {  	s0 =	rddreg [dreg:$0x0];
	s2 =	stileid.u32  }
0x2ab: {  	s1 =	rddreg [dreg:$0x1];
	p0 =	sne.s32 s2, $0x0  }
0x2ac: {  	s3 =	rddreg [dreg:$0x2];
	[bflag:$0x3] =	sbarrier.arrive $0xFFFF;
	s2 =	simm.s32 @!p0 $0x1C06  }
0x2ad: {  	[timem:s3], [sflag:s2] =	dma.local @!p0 [hbm:s0], s1  }
0x2ae: {  	s0 =	simm.s32 @!p0 $0x6  }
0x2af: {  	_ =	swait.ge @!p0 [sflag:s0], s1  }
0x2b0: {  	s1 =	ssub.s32 @!p0 $0x0, s1;
	[sflag:s0] =	ssyncset.done @!p0 $0x0  }
0x2b1: {  	[sflag:s0] =	ssyncadd.s32 @!p0 s1  }
0x2b2: {  	[bflag:$0x3] =	sbarrier.arrive $0xFFFF  }
0x2b3: {  	_ =	shalt  }

</sc_bundles>
